<compile_context>
chip_gen: v7x
topology: tpu7x:2x2x1
jax: 0.10.2.dev20260603
libtpu: 0.0.44.dev20260713+nightly
codegen_flags: <defaults>
</compile_context>

<pallas_src>
import functools

import jax
import jax.numpy as jnp
from jax import lax
from jax.experimental import pallas as pl
from jax.experimental.pallas import tpu as pltpu
from jax.experimental.pallas import tpu_sc as plsc

B, N, C_PTS = 8, 4096, 128
S, K = 512, 32
R2 = 0.2 * 0.2
M = B * S * K
EPS = 1e-5

NC, NS = 2, 16
NW = NC * NS
ROWS_PER_W = (B * S) // NW
CH = 4



def _fps_body(p24_ref, nout_ref):
    p24 = p24_ref[...]
    x = p24[0:8]
    y = p24[8:16]
    z = p24[16:24]
    lane = lax.broadcasted_iota(jnp.int32, (8, N), 1)
    lane24 = lax.broadcasted_iota(jnp.int32, (24, N), 1)

    def body(i, carry):
        dist, f = carry
        f24 = jnp.concatenate([f, f, f], axis=0)
        c24 = jnp.sum(jnp.where(lane24 == f24, p24, 0.0),
                      axis=-1, keepdims=True)
        nout_ref[pl.ds(i, 1), :] = jnp.transpose(c24)
        cx = c24[0:8]
        cy = c24[8:16]
        cz = c24[16:24]
        d = (x - cx) ** 2 + (y - cy) ** 2 + (z - cz) ** 2
        dist = jnp.minimum(dist, d)
        m = jnp.max(dist, axis=-1, keepdims=True)
        f_next = jnp.min(jnp.where(dist == m, lane, N),
                         axis=-1, keepdims=True)
        return (dist, f_next)

    init = (jnp.full((8, N), 1e10, jnp.float32),
            jnp.zeros((8, 1), jnp.int32))
    lax.fori_loop(0, S, body, init)


def _run_fps(p24):
    return pl.pallas_call(
        _fps_body,
        grid=(1,),
        in_specs=[pl.BlockSpec((24, N), lambda i: (0, 0))],
        out_specs=pl.BlockSpec((S, 24), lambda i: (0, 0)),
        out_shape=jax.ShapeDtypeStruct((S, 24), jnp.float32),
    )(p24)



def _z_body(xyz_ref, pts_ref, w1x_ref, w1p_ref, b1_ref, z_ref):
    xz = xyz_ref[0]
    pts = pts_ref[0]
    zz = lax.dot_general(pts, w1p_ref[...], (((1,), (1,)), ((), ())),
                         preferred_element_type=jnp.float32)
    zz = zz + lax.dot_general(xz, w1x_ref[...], (((1,), (1,)), ((), ())),
                              preferred_element_type=jnp.float32)
    z_ref[0] = zz + b1_ref[...]


def _run_z(xyz, points, w1x, w1p, b1):
    return pl.pallas_call(
        _z_body,
        grid=(B, N // 512),
        in_specs=[
            pl.BlockSpec((1, 512, 3), lambda b, j: (b, j, 0)),
            pl.BlockSpec((1, 512, C_PTS), lambda b, j: (b, j, 0)),
            pl.BlockSpec((128, 3), lambda b, j: (0, 0)),
            pl.BlockSpec((128, 128), lambda b, j: (0, 0)),
            pl.BlockSpec((1, 128), lambda b, j: (0, 0)),
        ],
        out_specs=pl.BlockSpec((1, 512, 128), lambda b, j: (b, j, 0)),
        out_shape=jax.ShapeDtypeStruct((B, N, 128), jnp.float32),
    )(xyz, points, w1x, w1p, b1)



def _dist_body(nxyz_ref, xyz_ref, xyzt_ref, w1x_ref, dist_ref, q_ref):
    nx = nxyz_ref[0]
    xz = xyz_ref[0]
    mm = lax.dot_general(nx.astype(jnp.bfloat16), xz.astype(jnp.bfloat16),
                         (((1,), (1,)), ((), ())),
                         preferred_element_type=jnp.float32)
    q2 = (nx[:, 0:1] * nx[:, 0:1] + nx[:, 1:2] * nx[:, 1:2]) \
        + nx[:, 2:3] * nx[:, 2:3]
    xp = xyzt_ref[0, 0:1, :]
    yp = xyzt_ref[0, 1:2, :]
    zp = xyzt_ref[0, 2:3, :]
    x2row = (xp * xp + yp * yp) + zp * zp
    d = (-2.0) * mm
    d = d + q2
    d = d + x2row
    dist_ref[0] = d
    q_ref[0] = lax.dot_general(nx, w1x_ref[...], (((1,), (1,)), ((), ())),
                               preferred_element_type=jnp.float32)


def _run_dist(new_xyz, xyz, xyzt3, w1x):
    return pl.pallas_call(
        _dist_body,
        grid=(B,),
        in_specs=[
            pl.BlockSpec((1, S, 3), lambda b: (b, 0, 0)),
            pl.BlockSpec((1, N, 3), lambda b: (b, 0, 0)),
            pl.BlockSpec((1, 3, N), lambda b: (b, 0, 0)),
            pl.BlockSpec((128, 3), lambda b: (0, 0)),
        ],
        out_specs=[
            pl.BlockSpec((1, S, N), lambda b: (b, 0, 0)),
            pl.BlockSpec((1, S, 128), lambda b: (b, 0, 0)),
        ],
        out_shape=[
            jax.ShapeDtypeStruct((B, S, N), jnp.float32),
            jax.ShapeDtypeStruct((B, S, 128), jnp.float32),
        ],
    )(new_xyz, xyz, xyzt3, w1x)



def _sc_body(dist_hbm, z_hbm, out_hbm, drow, idxbuf, is0, is1, is2, is3,
             gbuf, sem):
    wid = lax.axis_index("s") * NC + lax.axis_index("c")
    base_s = wid * ROWS_PER_W
    zbase = (base_s // S) * N
    iota16 = lax.iota(jnp.int32, 16)
    isel = [is0, is1, is2, is3]

    def chunk(cidx, _):
        srow0 = base_s + cidx * CH
        pltpu.sync_copy(dist_hbm.at[pl.ds(srow0, CH)], drow)
        copies = []
        for ci in range(CH):
            big = jnp.full((16,), 1 << 30, jnp.int32)

            def scan_body(j, carry):
                cnt, first = carry
                d = drow[ci, pl.ds(j * 16, 16)]
                m = jnp.logical_and(d <= R2, cnt < K)
                iv = iota16 + (j * 16 + zbase)
                key = jnp.where(m, iv, big)
                sk, _ = plsc.sort_key_val(key, key)
                pc = plsc.all_reduce_population_count(m)
                ffs = plsc.all_reduce_ffs(m)
                cand = jnp.where(pc > 0, (j * 16 + zbase) + ffs, big)
                plsc.store_scatter(idxbuf, [cnt + iota16], sk)
                return (cnt + jnp.where(cnt < K, pc, 0),
                        jnp.minimum(first, cand))

            def superchunk(sj, carry):
                cnt_s = jnp.max(carry[0], axis=0)

                def live(c):
                    for jj in range(16):
                        c = scan_body(sj * 16 + jj, c)
                    return c

                return lax.cond(cnt_s < K, live, lambda c: c, carry)

            cntv, firstv = lax.fori_loop(
                0, N // 256, superchunk,
                (jnp.zeros((16,), jnp.int32), big))
            for h in range(2):
                v = idxbuf[pl.ds(h * 16, 16)]
                pos = iota16 + (h * 16)
                isel[ci][pl.ds(h * 16, 16)] = jnp.where(pos < cntv, v, firstv)
            copies.append(pltpu.async_copy(
                z_hbm.at[isel[ci]], gbuf.at[pl.ds(ci * K, K)], sem))
        for cp in copies:
            cp.wait()
        pltpu.sync_copy(gbuf, out_hbm.at[pl.ds(srow0 * K, CH * K)])
        return _

    lax.fori_loop(0, ROWS_PER_W // CH, chunk, 0)


def _sc_gather(dist2d, z2d):
    mesh = plsc.VectorSubcoreMesh(core_axis_name="c", subcore_axis_name="s")
    fn = functools.partial(
        pl.kernel,
        mesh=mesh,
        compiler_params=pltpu.CompilerParams(needs_layout_passes=False),
        out_type=jax.ShapeDtypeStruct((M, 128), jnp.float32),
        scratch_types=[
            pltpu.VMEM((CH, N), jnp.float32),
            pltpu.VMEM((48,), jnp.int32),
            pltpu.VMEM((K,), jnp.int32),
            pltpu.VMEM((K,), jnp.int32),
            pltpu.VMEM((K,), jnp.int32),
            pltpu.VMEM((K,), jnp.int32),
            pltpu.VMEM((CH * K, 128), jnp.float32),
            pltpu.SemaphoreType.DMA,
        ],
    )(_sc_body)
    return fn(dist2d, z2d)



def _p1_body(g_ref, q_ref, sums_ref):
    i = pl.program_id(0)
    x1 = g_ref[...].reshape(16, K, 128) - q_ref[...].reshape(16, 1, 128)
    x1 = x1.reshape(512, 128)
    s = jnp.sum(x1, axis=0, keepdims=True)
    sq = jnp.sum(x1 * x1, axis=0, keepdims=True)

    @pl.when(i == 0)
    def _():
        sums_ref[...] = jnp.zeros_like(sums_ref)

    sums_ref[0:1, :] += s
    sums_ref[1:2, :] += sq


def _run_p1(g, q):
    return pl.pallas_call(
        _p1_body,
        grid=(M // 512,),
        in_specs=[
            pl.BlockSpec((512, 128), lambda i: (i, 0)),
            pl.BlockSpec((16, 128), lambda i: (i, 0)),
        ],
        out_specs=pl.BlockSpec((8, 128), lambda i: (0, 0)),
        out_shape=jax.ShapeDtypeStruct((8, 128), jnp.float32),
    )(g, q)


def _bn_scale_shift(sums_ref, g_ref, be_ref, m_count):
    mean = sums_ref[0:1, :] * (1.0 / m_count)
    var = sums_ref[1:2, :] * (1.0 / m_count) - mean * mean
    rstd = lax.rsqrt(var + EPS)
    scale = g_ref[...] * rstd
    shift = be_ref[...] - mean * scale
    return scale, shift


def _p2_body(g_ref, q_ref, sums_ref, g1_ref, be1_ref, w2_ref, b2_ref,
             x2_ref, sums2_ref):
    i = pl.program_id(0)
    scale, shift = _bn_scale_shift(sums_ref, g1_ref, be1_ref, float(M))
    x1 = g_ref[...].reshape(16, K, 128) - q_ref[...].reshape(16, 1, 128)
    x1 = x1.reshape(512, 128)
    x1 = jnp.maximum(x1 * scale + shift, 0.0)
    y = lax.dot_general(x1.astype(jnp.bfloat16),
                        w2_ref[...].astype(jnp.bfloat16),
                        (((1,), (1,)), ((), ())),
                        preferred_element_type=jnp.float32) + b2_ref[...]
    x2_ref[...] = y.astype(jnp.bfloat16)
    s = jnp.sum(y, axis=0, keepdims=True)
    sq = jnp.sum(y * y, axis=0, keepdims=True)

    @pl.when(i == 0)
    def _():
        sums2_ref[...] = jnp.zeros_like(sums2_ref)

    sums2_ref[0:1, :] += s
    sums2_ref[1:2, :] += sq


def _run_p2(g, q, sums1, g1, be1, w2, b2):
    return pl.pallas_call(
        _p2_body,
        grid=(M // 512,),
        in_specs=[
            pl.BlockSpec((512, 128), lambda i: (i, 0)),
            pl.BlockSpec((16, 128), lambda i: (i, 0)),
            pl.BlockSpec((8, 128), lambda i: (0, 0)),
            pl.BlockSpec((1, 128), lambda i: (0, 0)),
            pl.BlockSpec((1, 128), lambda i: (0, 0)),
            pl.BlockSpec((128, 128), lambda i: (0, 0)),
            pl.BlockSpec((1, 128), lambda i: (0, 0)),
        ],
        out_specs=[
            pl.BlockSpec((512, 128), lambda i: (i, 0)),
            pl.BlockSpec((8, 128), lambda i: (0, 0)),
        ],
        out_shape=[
            jax.ShapeDtypeStruct((M, 128), jnp.bfloat16),
            jax.ShapeDtypeStruct((8, 128), jnp.float32),
        ],
    )(g, q, sums1, g1, be1, w2, b2)


def _p3_body(x2_ref, sums_ref, g2_ref, be2_ref, w3_ref, b3_ref,
             x3_ref, sums3_ref):
    i = pl.program_id(0)
    scale, shift = _bn_scale_shift(sums_ref, g2_ref, be2_ref, float(M))
    x2 = jnp.maximum(x2_ref[...].astype(jnp.float32) * scale + shift, 0.0)
    y = lax.dot_general(x2.astype(jnp.bfloat16),
                        w3_ref[...].astype(jnp.bfloat16),
                        (((1,), (1,)), ((), ())),
                        preferred_element_type=jnp.float32) + b3_ref[...]
    x3_ref[...] = y.astype(jnp.bfloat16)
    s = jnp.sum(y, axis=0, keepdims=True)
    sq = jnp.sum(y * y, axis=0, keepdims=True)

    @pl.when(i == 0)
    def _():
        sums3_ref[...] = jnp.zeros_like(sums3_ref)

    sums3_ref[0:1, :] += s
    sums3_ref[1:2, :] += sq


def _run_p3(x2, sums2, g2, be2, w3, b3):
    return pl.pallas_call(
        _p3_body,
        grid=(M // 512,),
        in_specs=[
            pl.BlockSpec((512, 128), lambda i: (i, 0)),
            pl.BlockSpec((8, 128), lambda i: (0, 0)),
            pl.BlockSpec((1, 128), lambda i: (0, 0)),
            pl.BlockSpec((1, 128), lambda i: (0, 0)),
            pl.BlockSpec((256, 128), lambda i: (0, 0)),
            pl.BlockSpec((1, 256), lambda i: (0, 0)),
        ],
        out_specs=[
            pl.BlockSpec((512, 256), lambda i: (i, 0)),
            pl.BlockSpec((8, 256), lambda i: (0, 0)),
        ],
        out_shape=[
            jax.ShapeDtypeStruct((M, 256), jnp.bfloat16),
            jax.ShapeDtypeStruct((8, 256), jnp.float32),
        ],
    )(x2, sums2, g2, be2, w3, b3)


def _p4_body(x3_ref, sums_ref, g3_ref, be3_ref, out_ref):
    scale, shift = _bn_scale_shift(sums_ref, g3_ref, be3_ref, float(M))
    x3 = jnp.maximum(x3_ref[...].astype(jnp.float32) * scale + shift, 0.0)
    out_ref[...] = jnp.max(x3.reshape(16, K, 256), axis=1)


def _run_p4(x3, sums3, g3, be3):
    return pl.pallas_call(
        _p4_body,
        grid=(M // 512,),
        in_specs=[
            pl.BlockSpec((512, 256), lambda i: (i, 0)),
            pl.BlockSpec((8, 256), lambda i: (0, 0)),
            pl.BlockSpec((1, 256), lambda i: (0, 0)),
            pl.BlockSpec((1, 256), lambda i: (0, 0)),
        ],
        out_specs=pl.BlockSpec((16, 256), lambda i: (i, 0)),
        out_shape=jax.ShapeDtypeStruct((B * S, 256), jnp.float32),
    )(x3, sums3, g3, be3)



def kernel(xyz, points, W1, b1, g1, be1, W2, b2, g2, be2, W3, b3, g3, be3):
    w1x = W1[:, :3]
    w1p = W1[:, 3:]
    xyzt3 = jnp.transpose(xyz, (0, 2, 1))
    p24 = jnp.transpose(xyzt3, (1, 0, 2)).reshape(24, N)

    nout = _run_fps(p24)
    new_xyz = jnp.transpose(nout.reshape(S, 3, B), (2, 0, 1))
    z = _run_z(xyz, points, w1x, w1p, b1.reshape(1, 128))
    dist, q = _run_dist(new_xyz, xyz, xyzt3, w1x)

    g = _sc_gather(dist.reshape(B * S, N), z.reshape(B * N, 128))

    q2d = q.reshape(B * S, 128)
    sums1 = _run_p1(g, q2d)
    x2, sums2 = _run_p2(g, q2d, sums1, g1.reshape(1, 128), be1.reshape(1, 128),
                        W2, b2.reshape(1, 128))
    x3, sums3 = _run_p3(x2, sums2, g2.reshape(1, 128), be2.reshape(1, 128),
                        W3, b3.reshape(1, 256))
    out = _run_p4(x3, sums3, g3.reshape(1, 256), be3.reshape(1, 256))
    return (new_xyz, out.reshape(B, S, 256))

# --- scband reference (transcript-rebuilt; emitter-appended) ---
"""Pipeline reference for scband-point-net-set-abstraction-62646392980106 (READ-ONLY COPY).

The authoritative reference and input builder live on the scoring server;
editing this copy changes nothing except your own understanding.
"""

import jax, jax.numpy as jnp
import numpy as np

B, N, C_PTS = 8, 4096, 128
NPOINT, RADIUS, NSAMPLE = 512, 0.2, 32
MLP = [128, 128, 256]
IN_CHANNEL = C_PTS + 3

def square_distance(src, dst):
    dist = -2.0 * jnp.matmul(src, jnp.swapaxes(dst, 1, 2))
    dist = dist + jnp.sum(src ** 2, axis=-1, keepdims=True)
    dist = dist + jnp.sum(dst ** 2, axis=-1)[:, None, :]
    return dist

def farthest_point_sampling(xyz, npoint):
    Bb, Nn, _ = xyz.shape
    def body(i, state):
        centroids, distance, farthest = state
        centroids = centroids.at[:, i].set(farthest)
        centroid = xyz[jnp.arange(Bb), farthest][:, None, :]
        dist = jnp.sum((xyz - centroid) ** 2, axis=-1)
        distance = jnp.minimum(distance, dist)
        farthest = jnp.argmax(distance, axis=-1).astype(jnp.int32)
        return (centroids, distance, farthest)
    init = (jnp.zeros((Bb, npoint), jnp.int32), jnp.full((Bb, Nn), 1e10, jnp.float32), jnp.zeros((Bb,), jnp.int32))
    centroids, _, _ = jax.lax.fori_loop(0, npoint, body, init)
    return centroids

def index_points(points, idx):
    Bb = points.shape[0]
    if idx.ndim == 2:
        return points[jnp.arange(Bb)[:, None], idx]
    return points[jnp.arange(Bb)[:, None, None], idx]

def query_ball_point(radius, nsample, xyz, new_xyz):
    Bb, Nn, _ = xyz.shape
    S = new_xyz.shape[1]
    sqrdists = square_distance(new_xyz, xyz)
    group_idx = jnp.broadcast_to(jnp.arange(Nn, dtype=jnp.int32)[None, None, :], (Bb, S, Nn))
    group_idx = jnp.where(sqrdists > radius ** 2, Nn, group_idx)
    group_idx = jnp.sort(group_idx, axis=-1)[..., :nsample]
    group_first = group_idx[:, :, 0:1]
    group_idx = jnp.where(group_idx == Nn, group_first, group_idx)
    return group_idx

def setup_inputs(seed: int = 0):
    key = jax.random.key(seed)
    ks = jax.random.split(key, 8)
    inp = {}
    inp['xyz'] = jax.random.uniform(ks[0], (B, N, 3), dtype=jnp.float32)
    inp['points'] = jax.random.normal(ks[1], (B, N, C_PTS), dtype=jnp.float32)
    last = IN_CHANNEL
    for i, out_ch in enumerate(MLP):
        inp['W%d' % (i + 1)] = jax.random.normal(ks[2 + i], (out_ch, last), dtype=jnp.float32) / np.sqrt(last).astype(np.float32)
        inp['b%d' % (i + 1)] = jnp.zeros((out_ch,), jnp.float32)
        inp['g%d' % (i + 1)] = jnp.ones((out_ch,), jnp.float32)
        inp['be%d' % (i + 1)] = jnp.zeros((out_ch,), jnp.float32)
        last = out_ch
    return inp

def reference(xyz, points, W1, b1, g1, be1, W2, b2, g2, be2, W3, b3, g3, be3):
    idx_fps = farthest_point_sampling(xyz, NPOINT)
    new_xyz = index_points(xyz, idx_fps)
    idx_ball = query_ball_point(RADIUS, NSAMPLE, xyz, new_xyz)
    grouped_xyz = index_points(xyz, idx_ball) - new_xyz[:, :, None, :]
    grouped_points = index_points(points, idx_ball)
    new_points = jnp.concatenate([grouped_xyz, grouped_points], axis=-1)
    x = jnp.transpose(new_points, (0, 3, 2, 1))
    for W, b, g, be in ((W1, b1, g1, be1), (W2, b2, g2, be2), (W3, b3, g3, be3)):
        x = jnp.einsum('oc,bcks->boks', W, x) + b[None, :, None, None]
        mean = jnp.mean(x, axis=(0, 2, 3), keepdims=True)
        var = jnp.var(x, axis=(0, 2, 3), keepdims=True)
        x = (x - mean) / jnp.sqrt(var + 1e-5) * g[None, :, None, None] + be[None, :, None, None]
        x = jax.nn.relu(x)
    x = jnp.max(x, axis=2)
    return (new_xyz, jnp.transpose(x, (0, 2, 1)))

if __name__ == "__main__":
    import jax
    _d = setup_inputs()
    print(jax.jit(kernel)(*tuple(_d.values())))

</pallas_src>

<mosaic_0001>
#map = affine_map<(d0, d1) -> (0, 0)>
module attributes {stable_mosaic.version = 14 : i64} {
  func.func @_sc_body(%arg0: i32, %arg1: i32, %arg2: memref<4096x4096xf32, #tpu.memory_space<hbm>>, %arg3: memref<32768x128xf32, #tpu.memory_space<hbm>>, %arg4: memref<131072x128xf32, #tpu.memory_space<hbm>>, %arg5: memref<4x4096xf32, #tpu.memory_space<vmem>>, %arg6: memref<48xi32, #tpu.memory_space<vmem>>, %arg7: memref<32xi32, #tpu.memory_space<vmem>>, %arg8: memref<32xi32, #tpu.memory_space<vmem>>, %arg9: memref<32xi32, #tpu.memory_space<vmem>>, %arg10: memref<32xi32, #tpu.memory_space<vmem>>, %arg11: memref<128x128xf32, #tpu.memory_space<vmem>>, %arg12: memref<!tpu.dma_semaphore, #tpu.memory_space<semaphore_mem>>) attributes {dimension_semantics = [#tpu.dimension_semantics<core_parallel>, #tpu.dimension_semantics<subcore_parallel>], iteration_bounds = array<i64: 2, 16>, scalar_prefetch = 0 : i64, scratch_operands = 8 : i64, tpu.core_type = #tpu.core_type<sc_vector_subcore>, window_params = [{transform_indices = #map}, {transform_indices = #map}, {transform_indices = #map}]} {
    %mul3A = arith.constant 2 : i32
    %mul3A_0 = arith.muli %arg1, %mul3A : i32
    %add3A = arith.addi %mul3A_0, %arg0 : i32
    %mul3A_1 = arith.constant 128 : i32
    %mul3A_2 = arith.muli %add3A, %mul3A_1 : i32
    %jit3A = arith.constant 512 : i32
    %div3A = arith.divsi %mul3A_2, %jit3A : i32
    %sign3A = arith.constant 0 : i32
    %sign3A_3 = arith.cmpi sgt, %mul3A_2, %sign3A : i32
    %sign3A_4 = arith.extui %sign3A_3 : i1 to i32
    %sign3A_5 = arith.constant 0 : i32
    %sign3A_6 = arith.cmpi slt, %mul3A_2, %sign3A_5 : i32
    %sign3A_7 = arith.extui %sign3A_6 : i1 to i32
    %sign3A_8 = arith.subi %sign3A_4, %sign3A_7 : i32
    %sign3A_9 = arith.constant 0 : i32
    %sign3A_10 = arith.cmpi sgt, %jit3A, %sign3A_9 : i32
    %sign3A_11 = arith.extui %sign3A_10 : i1 to i32
    %sign3A_12 = arith.constant 0 : i32
    %sign3A_13 = arith.cmpi slt, %jit3A, %sign3A_12 : i32
    %sign3A_14 = arith.extui %sign3A_13 : i1 to i32
    %sign3A_15 = arith.subi %sign3A_11, %sign3A_14 : i32
    %ne3A = arith.cmpi ne, %sign3A_8, %sign3A_15 : i32
    %rem3A = arith.remsi %mul3A_2, %jit3A : i32
    %ne3A_16 = arith.constant 0 : i32
    %ne3A_17 = arith.cmpi ne, %rem3A, %ne3A_16 : i32
    %and3A = arith.andi %ne3A, %ne3A_17 : i1
    %sub3A = arith.constant 1 : i32
    %sub3A_18 = arith.subi %div3A, %sub3A : i32
    %select_n3A = arith.select %and3A, %sub3A_18, %div3A : i32
    %mul3A_19 = arith.constant 4096 : i32
    %mul3A_20 = arith.muli %select_n3A, %mul3A_19 : i32
    %iota3A = tpu.iota {dimensions = array<i32: 0>} : vector<16xi32>
    %scan3A = arith.constant 0 : i32
    %scan3A_21 = arith.constant 0 : i32
    %scan3A_22 = arith.constant 32 : i32
    %scan3A_23 = arith.addi %scan3A_21, %scan3A_22 : i32
    %scan3A_24 = arith.constant 1 : i32
    scf.for %scan3A_26 = %scan3A_21 to %scan3A_23 step %scan3A_24  : i32 {
      %mul3A_27 = arith.constant 4 : i32
      %mul3A_28 = arith.muli %scan3A_26, %mul3A_27 : i32
      %add3A_29 = arith.addi %mul3A_2, %mul3A_28 : i32
      "tpu.region"() ({
        %run_scoped3A = tpu.sem_alloc : memref<!tpu.dma_semaphore, #tpu.memory_space<semaphore_mem>>
        %dma_start3A_186 = arith.constant 0 : i32
        %dma_start3A_187 = tpu.memref_slice %arg2[%add3A_29, %dma_start3A_186] : memref<4096x4096xf32, #tpu.memory_space<hbm>> -> memref<4x4096xf32, #tpu.memory_space<hbm>>
        %dma_start3A_188 = arith.constant 0 : i32
        %dma_start3A_189 = tpu.memref_slice %arg2[%add3A_29, %dma_start3A_188] : memref<4096x4096xf32, #tpu.memory_space<hbm>> -> memref<4x4096xf32, #tpu.memory_space<hbm>>
        tpu.enqueue_dma source(%dma_start3A_189 : memref<4x4096xf32, #tpu.memory_space<hbm>>) target(%arg5 : memref<4x4096xf32, #tpu.memory_space<vmem>>) target_semaphore(%run_scoped3A : memref<!tpu.dma_semaphore, #tpu.memory_space<semaphore_mem>>)
        %dma_wait3A_190 = arith.constant 0 : i32
        %dma_wait3A_191 = tpu.memref_slice %arg2[%add3A_29, %dma_wait3A_190] : memref<4096x4096xf32, #tpu.memory_space<hbm>> -> memref<4x4096xf32, #tpu.memory_space<hbm>>
        %dma_wait3A_192 = arith.constant 0 : i32
        %dma_wait3A_193 = tpu.memref_slice %arg2[%add3A_29, %dma_wait3A_192] : memref<4096x4096xf32, #tpu.memory_space<hbm>> -> memref<4x4096xf32, #tpu.memory_space<hbm>>
        tpu.wait_dma2 semaphore(%run_scoped3A : memref<!tpu.dma_semaphore, #tpu.memory_space<semaphore_mem>>) src(%dma_wait3A_193 : memref<4x4096xf32, #tpu.memory_space<hbm>>) dst(%arg5 : memref<4x4096xf32, #tpu.memory_space<vmem>>)
        tpu.yield
      }) : () -> ()
      %broadcast_in_dim3A = arith.constant 1073741824 : i32
      %broadcast_in_dim3A_30 = vector.broadcast %broadcast_in_dim3A : i32 to vector<16xi32>
      %broadcast_in_dim3A_31 = arith.constant 0 : i32
      %broadcast_in_dim3A_32 = vector.broadcast %broadcast_in_dim3A_31 : i32 to vector<16xi32>
      %scan3A_33 = arith.constant 0 : i32
      %scan3A_34 = arith.constant 16 : i32
      %scan3A_35 = arith.addi %scan3A_33, %scan3A_34 : i32
      %scan3A_36 = arith.constant 1 : i32
      %scan3A_37:2 = scf.for %scan3A_186 = %scan3A_33 to %scan3A_35 step %scan3A_36 iter_args(%scan3A_187 = %broadcast_in_dim3A_32, %scan3A_188 = %broadcast_in_dim3A_30) -> (vector<16xi32>, vector<16xi32>)  : i32 {
        %reduce_max3A = arith.constant true
        %reduce_max3A_189 = vector.broadcast %reduce_max3A : i1 to vector<16xi1>
        %reduce_max3A_190 = arith.constant -2147483648 : i32
        %reduce_max3A_191 = vector.broadcast %reduce_max3A_190 : i32 to vector<16xi32>
        %reduce_max3A_192 = arith.xori %scan3A_187, %reduce_max3A_191 : vector<16xi32>
        %reduce_max3A_193 = tpu.scan <max>, %reduce_max3A_192 masked %reduce_max3A_189 : vector<16xi32>, vector<16xi1> -> vector<16xi32>
        %reduce_max3A_194 = arith.xori %reduce_max3A_193, %reduce_max3A_191 : vector<16xi32>
        %reduce_max3A_195 = vector.extract %reduce_max3A_194[15] : i32 from vector<16xi32>
        %lt3A_196 = arith.constant 32 : i32
        %lt3A_197 = arith.cmpi slt, %reduce_max3A_195, %lt3A_196 : i32
        %convert_element_type3A = arith.extui %lt3A_197 : i1 to i32
        %cond3A = arith.constant 0 : i32
        %cond3A_198 = arith.cmpi ne, %convert_element_type3A, %cond3A : i32
        %cond3A_199:2 = scf.if %cond3A_198 -> (vector<16xi32>, vector<16xi32>) {
          %mul3A_200 = arith.constant 16 : i32
          %mul3A_201 = arith.muli %scan3A_186, %mul3A_200 : i32
          %add3A_202 = arith.constant 0 : i32
          %add3A_203 = arith.addi %mul3A_201, %add3A_202 : i32
          %mul3A_204 = arith.constant 16 : i32
          %mul3A_205 = arith.muli %add3A_203, %mul3A_204 : i32
          %get3A_206 = arith.constant 0 : i32
          %get3A_207 = arith.index_cast %get3A_206 : i32 to index
          %get3A_208 = arith.index_cast %mul3A_205 : i32 to index
          %get3A_209 = tpu.vector_load %arg5[%get3A_207, %get3A_208] {strides = array<i32>} : memref<4x4096xf32, #tpu.memory_space<vmem>>, vector<16xf32>,
          %le3A = arith.constant 4.000000e-02 : f32
          %le3A_210 = vector.broadcast %le3A : f32 to vector<16xf32>
          %le3A_211 = arith.cmpf ole, %get3A_209, %le3A_210 : vector<16xf32>
          %lt3A_212 = arith.constant 32 : i32
          %lt3A_213 = vector.broadcast %lt3A_212 : i32 to vector<16xi32>
          %lt3A_214 = arith.cmpi slt, %scan3A_187, %lt3A_213 : vector<16xi32>
          %and3A_215 = arith.andi %le3A_211, %lt3A_214 : vector<16xi1>
          %mul3A_216 = arith.constant 16 : i32
          %mul3A_217 = arith.muli %add3A_203, %mul3A_216 : i32
          %add3A_218 = arith.addi %mul3A_217, %mul3A_20 : i32
          %add3A_219 = vector.broadcast %add3A_218 : i32 to vector<16xi32>
          %add3A_220 = arith.addi %iota3A, %add3A_219 : vector<16xi32>
          %select_n3A_221 = arith.select %and3A_215, %add3A_220, %broadcast_in_dim3A_30 : vector<16xi1>, vector<16xi32>
          %masked_sort3A = arith.constant dense<true> : vector<16xi1>
          %masked_sort3A_222 = arith.constant -2147483648 : i32
          %masked_sort3A_223 = vector.broadcast %masked_sort3A_222 : i32 to vector<16xi32>
          %masked_sort3A_224 = arith.xori %select_n3A_221, %masked_sort3A_223 : vector<16xi32>
          %masked_sort3A_225, %masked_sort3A_226, %masked_sort3A_227 = tpu.sort %masked_sort3A_224, %select_n3A_221 masked %masked_sort3A : (vector<16xi32>, vector<16xi32>, vector<16xi1>) -> (vector<16xi1>, vector<16xi32>, vector<16xi32>)
          %masked_sort3A_228 = arith.xori %masked_sort3A_226, %masked_sort3A_223 : vector<16xi32>
          %all_reduce_population_count3A = tpu.all_reduce %and3A_215 {dim = 0 : i64, kind = #tpu.reduction_kind<sum>} : vector<16xi1> -> vector<16xi32>
          %all_reduce_ffs3A = tpu.all_reduce %and3A_215 {dim = 0 : i64, kind = #tpu.reduction_kind<find_first_set>} : vector<16xi1> -> vector<16xi32>
          %gt3A = arith.constant 0 : i32
          %gt3A_229 = vector.broadcast %gt3A : i32 to vector<16xi32>
          %gt3A_230 = arith.cmpi sgt, %all_reduce_population_count3A, %gt3A_229 : vector<16xi32>
          %mul3A_231 = arith.constant 16 : i32
          %mul3A_232 = arith.muli %add3A_203, %mul3A_231 : i32
          %add3A_233 = arith.addi %mul3A_232, %mul3A_20 : i32
          %add3A_234 = vector.broadcast %add3A_233 : i32 to vector<16xi32>
          %add3A_235 = arith.addi %add3A_234, %all_reduce_ffs3A : vector<16xi32>
          %select_n3A_236 = arith.select %gt3A_230, %add3A_235, %broadcast_in_dim3A_30 : vector<16xi1>, vector<16xi32>
          %add3A_237 = arith.addi %scan3A_187, %iota3A : vector<16xi32>
          tpu.vector_store_idx %arg6[%add3A_237], %masked_sort3A_228 : memref<48xi32, #tpu.memory_space<vmem>>[vector<16xi32>], vector<16xi32>,
          %lt3A_238 = arith.constant 32 : i32
          %lt3A_239 = vector.broadcast %lt3A_238 : i32 to vector<16xi32>
          %lt3A_240 = arith.cmpi slt, %scan3A_187, %lt3A_239 : vector<16xi32>
          %jit3A_241 = arith.constant 0 : i32
          %broadcast_in_dim3A_242 = vector.broadcast %jit3A_241 : i32 to vector<16xi32>
          %select_n3A_243 = arith.select %lt3A_240, %all_reduce_population_count3A, %broadcast_in_dim3A_242 : vector<16xi1>, vector<16xi32>
          %add3A_244 = arith.addi %scan3A_187, %select_n3A_243 : vector<16xi32>
          %min3A = arith.minsi %scan3A_188, %select_n3A_236 : vector<16xi32>
          %mul3A_245 = arith.constant 16 : i32
          %mul3A_246 = arith.muli %scan3A_186, %mul3A_245 : i32
          %add3A_247 = arith.constant 1 : i32
          %add3A_248 = arith.addi %mul3A_246, %add3A_247 : i32
          %mul3A_249 = arith.constant 16 : i32
          %mul3A_250 = arith.muli %add3A_248, %mul3A_249 : i32
          %get3A_251 = arith.constant 0 : i32
          %get3A_252 = arith.index_cast %get3A_251 : i32 to index
          %get3A_253 = arith.index_cast %mul3A_250 : i32 to index
          %get3A_254 = tpu.vector_load %arg5[%get3A_252, %get3A_253] {strides = array<i32>} : memref<4x4096xf32, #tpu.memory_space<vmem>>, vector<16xf32>,
          %le3A_255 = arith.constant 4.000000e-02 : f32
          %le3A_256 = vector.broadcast %le3A_255 : f32 to vector<16xf32>
          %le3A_257 = arith.cmpf ole, %get3A_254, %le3A_256 : vector<16xf32>
          %lt3A_258 = arith.constant 32 : i32
          %lt3A_259 = vector.broadcast %lt3A_258 : i32 to vector<16xi32>
          %lt3A_260 = arith.cmpi slt, %add3A_244, %lt3A_259 : vector<16xi32>
          %and3A_261 = arith.andi %le3A_257, %lt3A_260 : vector<16xi1>
          %mul3A_262 = arith.constant 16 : i32
          %mul3A_263 = arith.muli %add3A_248, %mul3A_262 : i32
          %add3A_264 = arith.addi %mul3A_263, %mul3A_20 : i32
          %add3A_265 = vector.broadcast %add3A_264 : i32 to vector<16xi32>
          %add3A_266 = arith.addi %iota3A, %add3A_265 : vector<16xi32>
          %select_n3A_267 = arith.select %and3A_261, %add3A_266, %broadcast_in_dim3A_30 : vector<16xi1>, vector<16xi32>
          %masked_sort3A_268 = arith.constant dense<true> : vector<16xi1>
          %masked_sort3A_269 = arith.constant -2147483648 : i32
          %masked_sort3A_270 = vector.broadcast %masked_sort3A_269 : i32 to vector<16xi32>
          %masked_sort3A_271 = arith.xori %select_n3A_267, %masked_sort3A_270 : vector<16xi32>
          %masked_sort3A_272, %masked_sort3A_273, %masked_sort3A_274 = tpu.sort %masked_sort3A_271, %select_n3A_267 masked %masked_sort3A_268 : (vector<16xi32>, vector<16xi32>, vector<16xi1>) -> (vector<16xi1>, vector<16xi32>, vector<16xi32>)
          %masked_sort3A_275 = arith.xori %masked_sort3A_273, %masked_sort3A_270 : vector<16xi32>
          %all_reduce_population_count3A_276 = tpu.all_reduce %and3A_261 {dim = 0 : i64, kind = #tpu.reduction_kind<sum>} : vector<16xi1> -> vector<16xi32>
          %all_reduce_ffs3A_277 = tpu.all_reduce %and3A_261 {dim = 0 : i64, kind = #tpu.reduction_kind<find_first_set>} : vector<16xi1> -> vector<16xi32>
          %gt3A_278 = arith.constant 0 : i32
          %gt3A_279 = vector.broadcast %gt3A_278 : i32 to vector<16xi32>
          %gt3A_280 = arith.cmpi sgt, %all_reduce_population_count3A_276, %gt3A_279 : vector<16xi32>
          %mul3A_281 = arith.constant 16 : i32
          %mul3A_282 = arith.muli %add3A_248, %mul3A_281 : i32
          %add3A_283 = arith.addi %mul3A_282, %mul3A_20 : i32
          %add3A_284 = vector.broadcast %add3A_283 : i32 to vector<16xi32>
          %add3A_285 = arith.addi %add3A_284, %all_reduce_ffs3A_277 : vector<16xi32>
          %select_n3A_286 = arith.select %gt3A_280, %add3A_285, %broadcast_in_dim3A_30 : vector<16xi1>, vector<16xi32>
          %add3A_287 = arith.addi %add3A_244, %iota3A : vector<16xi32>
          tpu.vector_store_idx %arg6[%add3A_287], %masked_sort3A_275 : memref<48xi32, #tpu.memory_space<vmem>>[vector<16xi32>], vector<16xi32>,
          %lt3A_288 = arith.constant 32 : i32
          %lt3A_289 = vector.broadcast %lt3A_288 : i32 to vector<16xi32>
          %lt3A_290 = arith.cmpi slt, %add3A_244, %lt3A_289 : vector<16xi32>
          %jit3A_291 = arith.constant 0 : i32
          %broadcast_in_dim3A_292 = vector.broadcast %jit3A_291 : i32 to vector<16xi32>
          %select_n3A_293 = arith.select %lt3A_290, %all_reduce_population_count3A_276, %broadcast_in_dim3A_292 : vector<16xi1>, vector<16xi32>
          %add3A_294 = arith.addi %add3A_244, %select_n3A_293 : vector<16xi32>
          %min3A_295 = arith.minsi %min3A, %select_n3A_286 : vector<16xi32>
          %mul3A_296 = arith.constant 16 : i32
          %mul3A_297 = arith.muli %scan3A_186, %mul3A_296 : i32
          %add3A_298 = arith.constant 2 : i32
          %add3A_299 = arith.addi %mul3A_297, %add3A_298 : i32
          %mul3A_300 = arith.constant 16 : i32
          %mul3A_301 = arith.muli %add3A_299, %mul3A_300 : i32
          %get3A_302 = arith.constant 0 : i32
          %get3A_303 = arith.index_cast %get3A_302 : i32 to index
          %get3A_304 = arith.index_cast %mul3A_301 : i32 to index
          %get3A_305 = tpu.vector_load %arg5[%get3A_303, %get3A_304] {strides = array<i32>} : memref<4x4096xf32, #tpu.memory_space<vmem>>, vector<16xf32>,
          %le3A_306 = arith.constant 4.000000e-02 : f32
          %le3A_307 = vector.broadcast %le3A_306 : f32 to vector<16xf32>
          %le3A_308 = arith.cmpf ole, %get3A_305, %le3A_307 : vector<16xf32>
          %lt3A_309 = arith.constant 32 : i32
          %lt3A_310 = vector.broadcast %lt3A_309 : i32 to vector<16xi32>
          %lt3A_311 = arith.cmpi slt, %add3A_294, %lt3A_310 : vector<16xi32>
          %and3A_312 = arith.andi %le3A_308, %lt3A_311 : vector<16xi1>
          %mul3A_313 = arith.constant 16 : i32
          %mul3A_314 = arith.muli %add3A_299, %mul3A_313 : i32
          %add3A_315 = arith.addi %mul3A_314, %mul3A_20 : i32
          %add3A_316 = vector.broadcast %add3A_315 : i32 to vector<16xi32>
          %add3A_317 = arith.addi %iota3A, %add3A_316 : vector<16xi32>
          %select_n3A_318 = arith.select %and3A_312, %add3A_317, %broadcast_in_dim3A_30 : vector<16xi1>, vector<16xi32>
          %masked_sort3A_319 = arith.constant dense<true> : vector<16xi1>
          %masked_sort3A_320 = arith.constant -2147483648 : i32
          %masked_sort3A_321 = vector.broadcast %masked_sort3A_320 : i32 to vector<16xi32>
          %masked_sort3A_322 = arith.xori %select_n3A_318, %masked_sort3A_321 : vector<16xi32>
          %masked_sort3A_323, %masked_sort3A_324, %masked_sort3A_325 = tpu.sort %masked_sort3A_322, %select_n3A_318 masked %masked_sort3A_319 : (vector<16xi32>, vector<16xi32>, vector<16xi1>) -> (vector<16xi1>, vector<16xi32>, vector<16xi32>)
          %masked_sort3A_326 = arith.xori %masked_sort3A_324, %masked_sort3A_321 : vector<16xi32>
          %all_reduce_population_count3A_327 = tpu.all_reduce %and3A_312 {dim = 0 : i64, kind = #tpu.reduction_kind<sum>} : vector<16xi1> -> vector<16xi32>
          %all_reduce_ffs3A_328 = tpu.all_reduce %and3A_312 {dim = 0 : i64, kind = #tpu.reduction_kind<find_first_set>} : vector<16xi1> -> vector<16xi32>
          %gt3A_329 = arith.constant 0 : i32
          %gt3A_330 = vector.broadcast %gt3A_329 : i32 to vector<16xi32>
          %gt3A_331 = arith.cmpi sgt, %all_reduce_population_count3A_327, %gt3A_330 : vector<16xi32>
          %mul3A_332 = arith.constant 16 : i32
          %mul3A_333 = arith.muli %add3A_299, %mul3A_332 : i32
          %add3A_334 = arith.addi %mul3A_333, %mul3A_20 : i32
          %add3A_335 = vector.broadcast %add3A_334 : i32 to vector<16xi32>
          %add3A_336 = arith.addi %add3A_335, %all_reduce_ffs3A_328 : vector<16xi32>
          %select_n3A_337 = arith.select %gt3A_331, %add3A_336, %broadcast_in_dim3A_30 : vector<16xi1>, vector<16xi32>
          %add3A_338 = arith.addi %add3A_294, %iota3A : vector<16xi32>
          tpu.vector_store_idx %arg6[%add3A_338], %masked_sort3A_326 : memref<48xi32, #tpu.memory_space<vmem>>[vector<16xi32>], vector<16xi32>,
          %lt3A_339 = arith.constant 32 : i32
          %lt3A_340 = vector.broadcast %lt3A_339 : i32 to vector<16xi32>
          %lt3A_341 = arith.cmpi slt, %add3A_294, %lt3A_340 : vector<16xi32>
          %jit3A_342 = arith.constant 0 : i32
          %broadcast_in_dim3A_343 = vector.broadcast %jit3A_342 : i32 to vector<16xi32>
          %select_n3A_344 = arith.select %lt3A_341, %all_reduce_population_count3A_327, %broadcast_in_dim3A_343 : vector<16xi1>, vector<16xi32>
          %add3A_345 = arith.addi %add3A_294, %select_n3A_344 : vector<16xi32>
          %min3A_346 = arith.minsi %min3A_295, %select_n3A_337 : vector<16xi32>
          %mul3A_347 = arith.constant 16 : i32
          %mul3A_348 = arith.muli %scan3A_186, %mul3A_347 : i32
          %add3A_349 = arith.constant 3 : i32
          %add3A_350 = arith.addi %mul3A_348, %add3A_349 : i32
          %mul3A_351 = arith.constant 16 : i32
          %mul3A_352 = arith.muli %add3A_350, %mul3A_351 : i32
          %get3A_353 = arith.constant 0 : i32
          %get3A_354 = arith.index_cast %get3A_353 : i32 to index
          %get3A_355 = arith.index_cast %mul3A_352 : i32 to index
          %get3A_356 = tpu.vector_load %arg5[%get3A_354, %get3A_355] {strides = array<i32>} : memref<4x4096xf32, #tpu.memory_space<vmem>>, vector<16xf32>,
          %le3A_357 = arith.constant 4.000000e-02 : f32
          %le3A_358 = vector.broadcast %le3A_357 : f32 to vector<16xf32>
          %le3A_359 = arith.cmpf ole, %get3A_356, %le3A_358 : vector<16xf32>
          %lt3A_360 = arith.constant 32 : i32
          %lt3A_361 = vector.broadcast %lt3A_360 : i32 to vector<16xi32>
          %lt3A_362 = arith.cmpi slt, %add3A_345, %lt3A_361 : vector<16xi32>
          %and3A_363 = arith.andi %le3A_359, %lt3A_362 : vector<16xi1>
          %mul3A_364 = arith.constant 16 : i32
          %mul3A_365 = arith.muli %add3A_350, %mul3A_364 : i32
          %add3A_366 = arith.addi %mul3A_365, %mul3A_20 : i32
          %add3A_367 = vector.broadcast %add3A_366 : i32 to vector<16xi32>
          %add3A_368 = arith.addi %iota3A, %add3A_367 : vector<16xi32>
          %select_n3A_369 = arith.select %and3A_363, %add3A_368, %broadcast_in_dim3A_30 : vector<16xi1>, vector<16xi32>
          %masked_sort3A_370 = arith.constant dense<true> : vector<16xi1>
          %masked_sort3A_371 = arith.constant -2147483648 : i32
          %masked_sort3A_372 = vector.broadcast %masked_sort3A_371 : i32 to vector<16xi32>
          %masked_sort3A_373 = arith.xori %select_n3A_369, %masked_sort3A_372 : vector<16xi32>
          %masked_sort3A_374, %masked_sort3A_375, %masked_sort3A_376 = tpu.sort %masked_sort3A_373, %select_n3A_369 masked %masked_sort3A_370 : (vector<16xi32>, vector<16xi32>, vector<16xi1>) -> (vector<16xi1>, vector<16xi32>, vector<16xi32>)
          %masked_sort3A_377 = arith.xori %masked_sort3A_375, %masked_sort3A_372 : vector<16xi32>
          %all_reduce_population_count3A_378 = tpu.all_reduce %and3A_363 {dim = 0 : i64, kind = #tpu.reduction_kind<sum>} : vector<16xi1> -> vector<16xi32>
          %all_reduce_ffs3A_379 = tpu.all_reduce %and3A_363 {dim = 0 : i64, kind = #tpu.reduction_kind<find_first_set>} : vector<16xi1> -> vector<16xi32>
          %gt3A_380 = arith.constant 0 : i32
          %gt3A_381 = vector.broadcast %gt3A_380 : i32 to vector<16xi32>
          %gt3A_382 = arith.cmpi sgt, %all_reduce_population_count3A_378, %gt3A_381 : vector<16xi32>
          %mul3A_383 = arith.constant 16 : i32
          %mul3A_384 = arith.muli %add3A_350, %mul3A_383 : i32
          %add3A_385 = arith.addi %mul3A_384, %mul3A_20 : i32
          %add3A_386 = vector.broadcast %add3A_385 : i32 to vector<16xi32>
          %add3A_387 = arith.addi %add3A_386, %all_reduce_ffs3A_379 : vector<16xi32>
          %select_n3A_388 = arith.select %gt3A_382, %add3A_387, %broadcast_in_dim3A_30 : vector<16xi1>, vector<16xi32>
          %add3A_389 = arith.addi %add3A_345, %iota3A : vector<16xi32>
          tpu.vector_store_idx %arg6[%add3A_389], %masked_sort3A_377 : memref<48xi32, #tpu.memory_space<vmem>>[vector<16xi32>], vector<16xi32>,
          %lt3A_390 = arith.constant 32 : i32
          %lt3A_391 = vector.broadcast %lt3A_390 : i32 to vector<16xi32>
          %lt3A_392 = arith.cmpi slt, %add3A_345, %lt3A_391 : vector<16xi32>
          %jit3A_393 = arith.constant 0 : i32
          %broadcast_in_dim3A_394 = vector.broadcast %jit3A_393 : i32 to vector<16xi32>
          %select_n3A_395 = arith.select %lt3A_392, %all_reduce_population_count3A_378, %broadcast_in_dim3A_394 : vector<16xi1>, vector<16xi32>
          %add3A_396 = arith.addi %add3A_345, %select_n3A_395 : vector<16xi32>
          %min3A_397 = arith.minsi %min3A_346, %select_n3A_388 : vector<16xi32>
          %mul3A_398 = arith.constant 16 : i32
          %mul3A_399 = arith.muli %scan3A_186, %mul3A_398 : i32
          %add3A_400 = arith.constant 4 : i32
          %add3A_401 = arith.addi %mul3A_399, %add3A_400 : i32
          %mul3A_402 = arith.constant 16 : i32
          %mul3A_403 = arith.muli %add3A_401, %mul3A_402 : i32
          %get3A_404 = arith.constant 0 : i32
          %get3A_405 = arith.index_cast %get3A_404 : i32 to index
          %get3A_406 = arith.index_cast %mul3A_403 : i32 to index
          %get3A_407 = tpu.vector_load %arg5[%get3A_405, %get3A_406] {strides = array<i32>} : memref<4x4096xf32, #tpu.memory_space<vmem>>, vector<16xf32>,
          %le3A_408 = arith.constant 4.000000e-02 : f32
          %le3A_409 = vector.broadcast %le3A_408 : f32 to vector<16xf32>
          %le3A_410 = arith.cmpf ole, %get3A_407, %le3A_409 : vector<16xf32>
          %lt3A_411 = arith.constant 32 : i32
          %lt3A_412 = vector.broadcast %lt3A_411 : i32 to vector<16xi32>
          %lt3A_413 = arith.cmpi slt, %add3A_396, %lt3A_412 : vector<16xi32>
          %and3A_414 = arith.andi %le3A_410, %lt3A_413 : vector<16xi1>
          %mul3A_415 = arith.constant 16 : i32
          %mul3A_416 = arith.muli %add3A_401, %mul3A_415 : i32
          %add3A_417 = arith.addi %mul3A_416, %mul3A_20 : i32
          %add3A_418 = vector.broadcast %add3A_417 : i32 to vector<16xi32>
          %add3A_419 = arith.addi %iota3A, %add3A_418 : vector<16xi32>
          %select_n3A_420 = arith.select %and3A_414, %add3A_419, %broadcast_in_dim3A_30 : vector<16xi1>, vector<16xi32>
          %masked_sort3A_421 = arith.constant dense<true> : vector<16xi1>
          %masked_sort3A_422 = arith.constant -2147483648 : i32
          %masked_sort3A_423 = vector.broadcast %masked_sort3A_422 : i32 to vector<16xi32>
          %masked_sort3A_424 = arith.xori %select_n3A_420, %masked_sort3A_423 : vector<16xi32>
          %masked_sort3A_425, %masked_sort3A_426, %masked_sort3A_427 = tpu.sort %masked_sort3A_424, %select_n3A_420 masked %masked_sort3A_421 : (vector<16xi32>, vector<16xi32>, vector<16xi1>) -> (vector<16xi1>, vector<16xi32>, vector<16xi32>)
          %masked_sort3A_428 = arith.xori %masked_sort3A_426, %masked_sort3A_423 : vector<16xi32>
          %all_reduce_population_count3A_429 = tpu.all_reduce %and3A_414 {dim = 0 : i64, kind = #tpu.reduction_kind<sum>} : vector<16xi1> -> vector<16xi32>
          %all_reduce_ffs3A_430 = tpu.all_reduce %and3A_414 {dim = 0 : i64, kind = #tpu.reduction_kind<find_first_set>} : vector<16xi1> -> vector<16xi32>
          %gt3A_431 = arith.constant 0 : i32
          %gt3A_432 = vector.broadcast %gt3A_431 : i32 to vector<16xi32>
          %gt3A_433 = arith.cmpi sgt, %all_reduce_population_count3A_429, %gt3A_432 : vector<16xi32>
          %mul3A_434 = arith.constant 16 : i32
          %mul3A_435 = arith.muli %add3A_401, %mul3A_434 : i32
          %add3A_436 = arith.addi %mul3A_435, %mul3A_20 : i32
          %add3A_437 = vector.broadcast %add3A_436 : i32 to vector<16xi32>
          %add3A_438 = arith.addi %add3A_437, %all_reduce_ffs3A_430 : vector<16xi32>
          %select_n3A_439 = arith.select %gt3A_433, %add3A_438, %broadcast_in_dim3A_30 : vector<16xi1>, vector<16xi32>
          %add3A_440 = arith.addi %add3A_396, %iota3A : vector<16xi32>
          tpu.vector_store_idx %arg6[%add3A_440], %masked_sort3A_428 : memref<48xi32, #tpu.memory_space<vmem>>[vector<16xi32>], vector<16xi32>,
          %lt3A_441 = arith.constant 32 : i32
          %lt3A_442 = vector.broadcast %lt3A_441 : i32 to vector<16xi32>
          %lt3A_443 = arith.cmpi slt, %add3A_396, %lt3A_442 : vector<16xi32>
          %jit3A_444 = arith.constant 0 : i32
          %broadcast_in_dim3A_445 = vector.broadcast %jit3A_444 : i32 to vector<16xi32>
          %select_n3A_446 = arith.select %lt3A_443, %all_reduce_population_count3A_429, %broadcast_in_dim3A_445 : vector<16xi1>, vector<16xi32>
          %add3A_447 = arith.addi %add3A_396, %select_n3A_446 : vector<16xi32>
          %min3A_448 = arith.minsi %min3A_397, %select_n3A_439 : vector<16xi32>
          %mul3A_449 = arith.constant 16 : i32
          %mul3A_450 = arith.muli %scan3A_186, %mul3A_449 : i32
          %add3A_451 = arith.constant 5 : i32
          %add3A_452 = arith.addi %mul3A_450, %add3A_451 : i32
          %mul3A_453 = arith.constant 16 : i32
          %mul3A_454 = arith.muli %add3A_452, %mul3A_453 : i32
          %get3A_455 = arith.constant 0 : i32
          %get3A_456 = arith.index_cast %get3A_455 : i32 to index
          %get3A_457 = arith.index_cast %mul3A_454 : i32 to index
          %get3A_458 = tpu.vector_load %arg5[%get3A_456, %get3A_457] {strides = array<i32>} : memref<4x4096xf32, #tpu.memory_space<vmem>>, vector<16xf32>,
          %le3A_459 = arith.constant 4.000000e-02 : f32
          %le3A_460 = vector.broadcast %le3A_459 : f32 to vector<16xf32>
          %le3A_461 = arith.cmpf ole, %get3A_458, %le3A_460 : vector<16xf32>
          %lt3A_462 = arith.constant 32 : i32
          %lt3A_463 = vector.broadcast %lt3A_462 : i32 to vector<16xi32>
          %lt3A_464 = arith.cmpi slt, %add3A_447, %lt3A_463 : vector<16xi32>
          %and3A_465 = arith.andi %le3A_461, %lt3A_464 : vector<16xi1>
          %mul3A_466 = arith.constant 16 : i32
          %mul3A_467 = arith.muli %add3A_452, %mul3A_466 : i32
          %add3A_468 = arith.addi %mul3A_467, %mul3A_20 : i32
          %add3A_469 = vector.broadcast %add3A_468 : i32 to vector<16xi32>
          %add3A_470 = arith.addi %iota3A, %add3A_469 : vector<16xi32>
          %select_n3A_471 = arith.select %and3A_465, %add3A_470, %broadcast_in_dim3A_30 : vector<16xi1>, vector<16xi32>
          %masked_sort3A_472 = arith.constant dense<true> : vector<16xi1>
          %masked_sort3A_473 = arith.constant -2147483648 : i32
          %masked_sort3A_474 = vector.broadcast %masked_sort3A_473 : i32 to vector<16xi32>
          %masked_sort3A_475 = arith.xori %select_n3A_471, %masked_sort3A_474 : vector<16xi32>
          %masked_sort3A_476, %masked_sort3A_477, %masked_sort3A_478 = tpu.sort %masked_sort3A_475, %select_n3A_471 masked %masked_sort3A_472 : (vector<16xi32>, vector<16xi32>, vector<16xi1>) -> (vector<16xi1>, vector<16xi32>, vector<16xi32>)
          %masked_sort3A_479 = arith.xori %masked_sort3A_477, %masked_sort3A_474 : vector<16xi32>
          %all_reduce_population_count3A_480 = tpu.all_reduce %and3A_465 {dim = 0 : i64, kind = #tpu.reduction_kind<sum>} : vector<16xi1> -> vector<16xi32>
          %all_reduce_ffs3A_481 = tpu.all_reduce %and3A_465 {dim = 0 : i64, kind = #tpu.reduction_kind<find_first_set>} : vector<16xi1> -> vector<16xi32>
          %gt3A_482 = arith.constant 0 : i32
          %gt3A_483 = vector.broadcast %gt3A_482 : i32 to vector<16xi32>
          %gt3A_484 = arith.cmpi sgt, %all_reduce_population_count3A_480, %gt3A_483 : vector<16xi32>
          %mul3A_485 = arith.constant 16 : i32
          %mul3A_486 = arith.muli %add3A_452, %mul3A_485 : i32
          %add3A_487 = arith.addi %mul3A_486, %mul3A_20 : i32
          %add3A_488 = vector.broadcast %add3A_487 : i32 to vector<16xi32>
          %add3A_489 = arith.addi %add3A_488, %all_reduce_ffs3A_481 : vector<16xi32>
          %select_n3A_490 = arith.select %gt3A_484, %add3A_489, %broadcast_in_dim3A_30 : vector<16xi1>, vector<16xi32>
          %add3A_491 = arith.addi %add3A_447, %iota3A : vector<16xi32>
          tpu.vector_store_idx %arg6[%add3A_491], %masked_sort3A_479 : memref<48xi32, #tpu.memory_space<vmem>>[vector<16xi32>], vector<16xi32>,
          %lt3A_492 = arith.constant 32 : i32
          %lt3A_493 = vector.broadcast %lt3A_492 : i32 to vector<16xi32>
          %lt3A_494 = arith.cmpi slt, %add3A_447, %lt3A_493 : vector<16xi32>
          %jit3A_495 = arith.constant 0 : i32
          %broadcast_in_dim3A_496 = vector.broadcast %jit3A_495 : i32 to vector<16xi32>
          %select_n3A_497 = arith.select %lt3A_494, %all_reduce_population_count3A_480, %broadcast_in_dim3A_496 : vector<16xi1>, vector<16xi32>
          %add3A_498 = arith.addi %add3A_447, %select_n3A_497 : vector<16xi32>
          %min3A_499 = arith.minsi %min3A_448, %select_n3A_490 : vector<16xi32>
          %mul3A_500 = arith.constant 16 : i32
          %mul3A_501 = arith.muli %scan3A_186, %mul3A_500 : i32
          %add3A_502 = arith.constant 6 : i32
          %add3A_503 = arith.addi %mul3A_501, %add3A_502 : i32
          %mul3A_504 = arith.constant 16 : i32
          %mul3A_505 = arith.muli %add3A_503, %mul3A_504 : i32
          %get3A_506 = arith.constant 0 : i32
          %get3A_507 = arith.index_cast %get3A_506 : i32 to index
          %get3A_508 = arith.index_cast %mul3A_505 : i32 to index
          %get3A_509 = tpu.vector_load %arg5[%get3A_507, %get3A_508] {strides = array<i32>} : memref<4x4096xf32, #tpu.memory_space<vmem>>, vector<16xf32>,
          %le3A_510 = arith.constant 4.000000e-02 : f32
          %le3A_511 = vector.broadcast %le3A_510 : f32 to vector<16xf32>
          %le3A_512 = arith.cmpf ole, %get3A_509, %le3A_511 : vector<16xf32>
          %lt3A_513 = arith.constant 32 : i32
          %lt3A_514 = vector.broadcast %lt3A_513 : i32 to vector<16xi32>
          %lt3A_515 = arith.cmpi slt, %add3A_498, %lt3A_514 : vector<16xi32>
          %and3A_516 = arith.andi %le3A_512, %lt3A_515 : vector<16xi1>
          %mul3A_517 = arith.constant 16 : i32
          %mul3A_518 = arith.muli %add3A_503, %mul3A_517 : i32
          %add3A_519 = arith.addi %mul3A_518, %mul3A_20 : i32
          %add3A_520 = vector.broadcast %add3A_519 : i32 to vector<16xi32>
          %add3A_521 = arith.addi %iota3A, %add3A_520 : vector<16xi32>
          %select_n3A_522 = arith.select %and3A_516, %add3A_521, %broadcast_in_dim3A_30 : vector<16xi1>, vector<16xi32>
          %masked_sort3A_523 = arith.constant dense<true> : vector<16xi1>
          %masked_sort3A_524 = arith.constant -2147483648 : i32
          %masked_sort3A_525 = vector.broadcast %masked_sort3A_524 : i32 to vector<16xi32>
          %masked_sort3A_526 = arith.xori %select_n3A_522, %masked_sort3A_525 : vector<16xi32>
          %masked_sort3A_527, %masked_sort3A_528, %masked_sort3A_529 = tpu.sort %masked_sort3A_526, %select_n3A_522 masked %masked_sort3A_523 : (vector<16xi32>, vector<16xi32>, vector<16xi1>) -> (vector<16xi1>, vector<16xi32>, vector<16xi32>)
          %masked_sort3A_530 = arith.xori %masked_sort3A_528, %masked_sort3A_525 : vector<16xi32>
          %all_reduce_population_count3A_531 = tpu.all_reduce %and3A_516 {dim = 0 : i64, kind = #tpu.reduction_kind<sum>} : vector<16xi1> -> vector<16xi32>
          %all_reduce_ffs3A_532 = tpu.all_reduce %and3A_516 {dim = 0 : i64, kind = #tpu.reduction_kind<find_first_set>} : vector<16xi1> -> vector<16xi32>
          %gt3A_533 = arith.constant 0 : i32
          %gt3A_534 = vector.broadcast %gt3A_533 : i32 to vector<16xi32>
          %gt3A_535 = arith.cmpi sgt, %all_reduce_population_count3A_531, %gt3A_534 : vector<16xi32>
          %mul3A_536 = arith.constant 16 : i32
          %mul3A_537 = arith.muli %add3A_503, %mul3A_536 : i32
          %add3A_538 = arith.addi %mul3A_537, %mul3A_20 : i32
          %add3A_539 = vector.broadcast %add3A_538 : i32 to vector<16xi32>
          %add3A_540 = arith.addi %add3A_539, %all_reduce_ffs3A_532 : vector<16xi32>
          %select_n3A_541 = arith.select %gt3A_535, %add3A_540, %broadcast_in_dim3A_30 : vector<16xi1>, vector<16xi32>
          %add3A_542 = arith.addi %add3A_498, %iota3A : vector<16xi32>
          tpu.vector_store_idx %arg6[%add3A_542], %masked_sort3A_530 : memref<48xi32, #tpu.memory_space<vmem>>[vector<16xi32>], vector<16xi32>,
          %lt3A_543 = arith.constant 32 : i32
          %lt3A_544 = vector.broadcast %lt3A_543 : i32 to vector<16xi32>
          %lt3A_545 = arith.cmpi slt, %add3A_498, %lt3A_544 : vector<16xi32>
          %jit3A_546 = arith.constant 0 : i32
          %broadcast_in_dim3A_547 = vector.broadcast %jit3A_546 : i32 to vector<16xi32>
          %select_n3A_548 = arith.select %lt3A_545, %all_reduce_population_count3A_531, %broadcast_in_dim3A_547 : vector<16xi1>, vector<16xi32>
          %add3A_549 = arith.addi %add3A_498, %select_n3A_548 : vector<16xi32>
          %min3A_550 = arith.minsi %min3A_499, %select_n3A_541 : vector<16xi32>
          %mul3A_551 = arith.constant 16 : i32
          %mul3A_552 = arith.muli %scan3A_186, %mul3A_551 : i32
          %add3A_553 = arith.constant 7 : i32
          %add3A_554 = arith.addi %mul3A_552, %add3A_553 : i32
          %mul3A_555 = arith.constant 16 : i32
          %mul3A_556 = arith.muli %add3A_554, %mul3A_555 : i32
          %get3A_557 = arith.constant 0 : i32
          %get3A_558 = arith.index_cast %get3A_557 : i32 to index
          %get3A_559 = arith.index_cast %mul3A_556 : i32 to index
          %get3A_560 = tpu.vector_load %arg5[%get3A_558, %get3A_559] {strides = array<i32>} : memref<4x4096xf32, #tpu.memory_space<vmem>>, vector<16xf32>,
          %le3A_561 = arith.constant 4.000000e-02 : f32
          %le3A_562 = vector.broadcast %le3A_561 : f32 to vector<16xf32>
          %le3A_563 = arith.cmpf ole, %get3A_560, %le3A_562 : vector<16xf32>
          %lt3A_564 = arith.constant 32 : i32
          %lt3A_565 = vector.broadcast %lt3A_564 : i32 to vector<16xi32>
          %lt3A_566 = arith.cmpi slt, %add3A_549, %lt3A_565 : vector<16xi32>
          %and3A_567 = arith.andi %le3A_563, %lt3A_566 : vector<16xi1>
          %mul3A_568 = arith.constant 16 : i32
          %mul3A_569 = arith.muli %add3A_554, %mul3A_568 : i32
          %add3A_570 = arith.addi %mul3A_569, %mul3A_20 : i32
          %add3A_571 = vector.broadcast %add3A_570 : i32 to vector<16xi32>
          %add3A_572 = arith.addi %iota3A, %add3A_571 : vector<16xi32>
          %select_n3A_573 = arith.select %and3A_567, %add3A_572, %broadcast_in_dim3A_30 : vector<16xi1>, vector<16xi32>
          %masked_sort3A_574 = arith.constant dense<true> : vector<16xi1>
          %masked_sort3A_575 = arith.constant -2147483648 : i32
          %masked_sort3A_576 = vector.broadcast %masked_sort3A_575 : i32 to vector<16xi32>
          %masked_sort3A_577 = arith.xori %select_n3A_573, %masked_sort3A_576 : vector<16xi32>
          %masked_sort3A_578, %masked_sort3A_579, %masked_sort3A_580 = tpu.sort %masked_sort3A_577, %select_n3A_573 masked %masked_sort3A_574 : (vector<16xi32>, vector<16xi32>, vector<16xi1>) -> (vector<16xi1>, vector<16xi32>, vector<16xi32>)
          %masked_sort3A_581 = arith.xori %masked_sort3A_579, %masked_sort3A_576 : vector<16xi32>
          %all_reduce_population_count3A_582 = tpu.all_reduce %and3A_567 {dim = 0 : i64, kind = #tpu.reduction_kind<sum>} : vector<16xi1> -> vector<16xi32>
          %all_reduce_ffs3A_583 = tpu.all_reduce %and3A_567 {dim = 0 : i64, kind = #tpu.reduction_kind<find_first_set>} : vector<16xi1> -> vector<16xi32>
          %gt3A_584 = arith.constant 0 : i32
          %gt3A_585 = vector.broadcast %gt3A_584 : i32 to vector<16xi32>
          %gt3A_586 = arith.cmpi sgt, %all_reduce_population_count3A_582, %gt3A_585 : vector<16xi32>
          %mul3A_587 = arith.constant 16 : i32
          %mul3A_588 = arith.muli %add3A_554, %mul3A_587 : i32
          %add3A_589 = arith.addi %mul3A_588, %mul3A_20 : i32
          %add3A_590 = vector.broadcast %add3A_589 : i32 to vector<16xi32>
          %add3A_591 = arith.addi %add3A_590, %all_reduce_ffs3A_583 : vector<16xi32>
          %select_n3A_592 = arith.select %gt3A_586, %add3A_591, %broadcast_in_dim3A_30 : vector<16xi1>, vector<16xi32>
          %add3A_593 = arith.addi %add3A_549, %iota3A : vector<16xi32>
          tpu.vector_store_idx %arg6[%add3A_593], %masked_sort3A_581 : memref<48xi32, #tpu.memory_space<vmem>>[vector<16xi32>], vector<16xi32>,
          %lt3A_594 = arith.constant 32 : i32
          %lt3A_595 = vector.broadcast %lt3A_594 : i32 to vector<16xi32>
          %lt3A_596 = arith.cmpi slt, %add3A_549, %lt3A_595 : vector<16xi32>
          %jit3A_597 = arith.constant 0 : i32
          %broadcast_in_dim3A_598 = vector.broadcast %jit3A_597 : i32 to vector<16xi32>
          %select_n3A_599 = arith.select %lt3A_596, %all_reduce_population_count3A_582, %broadcast_in_dim3A_598 : vector<16xi1>, vector<16xi32>
          %add3A_600 = arith.addi %add3A_549, %select_n3A_599 : vector<16xi32>
          %min3A_601 = arith.minsi %min3A_550, %select_n3A_592 : vector<16xi32>
          %mul3A_602 = arith.constant 16 : i32
          %mul3A_603 = arith.muli %scan3A_186, %mul3A_602 : i32
          %add3A_604 = arith.constant 8 : i32
          %add3A_605 = arith.addi %mul3A_603, %add3A_604 : i32
          %mul3A_606 = arith.constant 16 : i32
          %mul3A_607 = arith.muli %add3A_605, %mul3A_606 : i32
          %get3A_608 = arith.constant 0 : i32
          %get3A_609 = arith.index_cast %get3A_608 : i32 to index
          %get3A_610 = arith.index_cast %mul3A_607 : i32 to index
          %get3A_611 = tpu.vector_load %arg5[%get3A_609, %get3A_610] {strides = array<i32>} : memref<4x4096xf32, #tpu.memory_space<vmem>>, vector<16xf32>,
          %le3A_612 = arith.constant 4.000000e-02 : f32
          %le3A_613 = vector.broadcast %le3A_612 : f32 to vector<16xf32>
          %le3A_614 = arith.cmpf ole, %get3A_611, %le3A_613 : vector<16xf32>
          %lt3A_615 = arith.constant 32 : i32
          %lt3A_616 = vector.broadcast %lt3A_615 : i32 to vector<16xi32>
          %lt3A_617 = arith.cmpi slt, %add3A_600, %lt3A_616 : vector<16xi32>
          %and3A_618 = arith.andi %le3A_614, %lt3A_617 : vector<16xi1>
          %mul3A_619 = arith.constant 16 : i32
          %mul3A_620 = arith.muli %add3A_605, %mul3A_619 : i32
          %add3A_621 = arith.addi %mul3A_620, %mul3A_20 : i32
          %add3A_622 = vector.broadcast %add3A_621 : i32 to vector<16xi32>
          %add3A_623 = arith.addi %iota3A, %add3A_622 : vector<16xi32>
          %select_n3A_624 = arith.select %and3A_618, %add3A_623, %broadcast_in_dim3A_30 : vector<16xi1>, vector<16xi32>
          %masked_sort3A_625 = arith.constant dense<true> : vector<16xi1>
          %masked_sort3A_626 = arith.constant -2147483648 : i32
          %masked_sort3A_627 = vector.broadcast %masked_sort3A_626 : i32 to vector<16xi32>
          %masked_sort3A_628 = arith.xori %select_n3A_624, %masked_sort3A_627 : vector<16xi32>
          %masked_sort3A_629, %masked_sort3A_630, %masked_sort3A_631 = tpu.sort %masked_sort3A_628, %select_n3A_624 masked %masked_sort3A_625 : (vector<16xi32>, vector<16xi32>, vector<16xi1>) -> (vector<16xi1>, vector<16xi32>, vector<16xi32>)
          %masked_sort3A_632 = arith.xori %masked_sort3A_630, %masked_sort3A_627 : vector<16xi32>
          %all_reduce_population_count3A_633 = tpu.all_reduce %and3A_618 {dim = 0 : i64, kind = #tpu.reduction_kind<sum>} : vector<16xi1> -> vector<16xi32>
          %all_reduce_ffs3A_634 = tpu.all_reduce %and3A_618 {dim = 0 : i64, kind = #tpu.reduction_kind<find_first_set>} : vector<16xi1> -> vector<16xi32>
          %gt3A_635 = arith.constant 0 : i32
          %gt3A_636 = vector.broadcast %gt3A_635 : i32 to vector<16xi32>
          %gt3A_637 = arith.cmpi sgt, %all_reduce_population_count3A_633, %gt3A_636 : vector<16xi32>
          %mul3A_638 = arith.constant 16 : i32
          %mul3A_639 = arith.muli %add3A_605, %mul3A_638 : i32
          %add3A_640 = arith.addi %mul3A_639, %mul3A_20 : i32
          %add3A_641 = vector.broadcast %add3A_640 : i32 to vector<16xi32>
          %add3A_642 = arith.addi %add3A_641, %all_reduce_ffs3A_634 : vector<16xi32>
          %select_n3A_643 = arith.select %gt3A_637, %add3A_642, %broadcast_in_dim3A_30 : vector<16xi1>, vector<16xi32>
          %add3A_644 = arith.addi %add3A_600, %iota3A : vector<16xi32>
          tpu.vector_store_idx %arg6[%add3A_644], %masked_sort3A_632 : memref<48xi32, #tpu.memory_space<vmem>>[vector<16xi32>], vector<16xi32>,
          %lt3A_645 = arith.constant 32 : i32
          %lt3A_646 = vector.broadcast %lt3A_645 : i32 to vector<16xi32>
          %lt3A_647 = arith.cmpi slt, %add3A_600, %lt3A_646 : vector<16xi32>
          %jit3A_648 = arith.constant 0 : i32
          %broadcast_in_dim3A_649 = vector.broadcast %jit3A_648 : i32 to vector<16xi32>
          %select_n3A_650 = arith.select %lt3A_647, %all_reduce_population_count3A_633, %broadcast_in_dim3A_649 : vector<16xi1>, vector<16xi32>
          %add3A_651 = arith.addi %add3A_600, %select_n3A_650 : vector<16xi32>
          %min3A_652 = arith.minsi %min3A_601, %select_n3A_643 : vector<16xi32>
          %mul3A_653 = arith.constant 16 : i32
          %mul3A_654 = arith.muli %scan3A_186, %mul3A_653 : i32
          %add3A_655 = arith.constant 9 : i32
          %add3A_656 = arith.addi %mul3A_654, %add3A_655 : i32
          %mul3A_657 = arith.constant 16 : i32
          %mul3A_658 = arith.muli %add3A_656, %mul3A_657 : i32
          %get3A_659 = arith.constant 0 : i32
          %get3A_660 = arith.index_cast %get3A_659 : i32 to index
          %get3A_661 = arith.index_cast %mul3A_658 : i32 to index
          %get3A_662 = tpu.vector_load %arg5[%get3A_660, %get3A_661] {strides = array<i32>} : memref<4x4096xf32, #tpu.memory_space<vmem>>, vector<16xf32>,
          %le3A_663 = arith.constant 4.000000e-02 : f32
          %le3A_664 = vector.broadcast %le3A_663 : f32 to vector<16xf32>
          %le3A_665 = arith.cmpf ole, %get3A_662, %le3A_664 : vector<16xf32>
          %lt3A_666 = arith.constant 32 : i32
          %lt3A_667 = vector.broadcast %lt3A_666 : i32 to vector<16xi32>
          %lt3A_668 = arith.cmpi slt, %add3A_651, %lt3A_667 : vector<16xi32>
          %and3A_669 = arith.andi %le3A_665, %lt3A_668 : vector<16xi1>
          %mul3A_670 = arith.constant 16 : i32
          %mul3A_671 = arith.muli %add3A_656, %mul3A_670 : i32
          %add3A_672 = arith.addi %mul3A_671, %mul3A_20 : i32
          %add3A_673 = vector.broadcast %add3A_672 : i32 to vector<16xi32>
          %add3A_674 = arith.addi %iota3A, %add3A_673 : vector<16xi32>
          %select_n3A_675 = arith.select %and3A_669, %add3A_674, %broadcast_in_dim3A_30 : vector<16xi1>, vector<16xi32>
          %masked_sort3A_676 = arith.constant dense<true> : vector<16xi1>
          %masked_sort3A_677 = arith.constant -2147483648 : i32
          %masked_sort3A_678 = vector.broadcast %masked_sort3A_677 : i32 to vector<16xi32>
          %masked_sort3A_679 = arith.xori %select_n3A_675, %masked_sort3A_678 : vector<16xi32>
          %masked_sort3A_680, %masked_sort3A_681, %masked_sort3A_682 = tpu.sort %masked_sort3A_679, %select_n3A_675 masked %masked_sort3A_676 : (vector<16xi32>, vector<16xi32>, vector<16xi1>) -> (vector<16xi1>, vector<16xi32>, vector<16xi32>)
          %masked_sort3A_683 = arith.xori %masked_sort3A_681, %masked_sort3A_678 : vector<16xi32>
          %all_reduce_population_count3A_684 = tpu.all_reduce %and3A_669 {dim = 0 : i64, kind = #tpu.reduction_kind<sum>} : vector<16xi1> -> vector<16xi32>
          %all_reduce_ffs3A_685 = tpu.all_reduce %and3A_669 {dim = 0 : i64, kind = #tpu.reduction_kind<find_first_set>} : vector<16xi1> -> vector<16xi32>
          %gt3A_686 = arith.constant 0 : i32
          %gt3A_687 = vector.broadcast %gt3A_686 : i32 to vector<16xi32>
          %gt3A_688 = arith.cmpi sgt, %all_reduce_population_count3A_684, %gt3A_687 : vector<16xi32>
          %mul3A_689 = arith.constant 16 : i32
          %mul3A_690 = arith.muli %add3A_656, %mul3A_689 : i32
          %add3A_691 = arith.addi %mul3A_690, %mul3A_20 : i32
          %add3A_692 = vector.broadcast %add3A_691 : i32 to vector<16xi32>
          %add3A_693 = arith.addi %add3A_692, %all_reduce_ffs3A_685 : vector<16xi32>
          %select_n3A_694 = arith.select %gt3A_688, %add3A_693, %broadcast_in_dim3A_30 : vector<16xi1>, vector<16xi32>
          %add3A_695 = arith.addi %add3A_651, %iota3A : vector<16xi32>
          tpu.vector_store_idx %arg6[%add3A_695], %masked_sort3A_683 : memref<48xi32, #tpu.memory_space<vmem>>[vector<16xi32>], vector<16xi32>,
          %lt3A_696 = arith.constant 32 : i32
          %lt3A_697 = vector.broadcast %lt3A_696 : i32 to vector<16xi32>
          %lt3A_698 = arith.cmpi slt, %add3A_651, %lt3A_697 : vector<16xi32>
          %jit3A_699 = arith.constant 0 : i32
          %broadcast_in_dim3A_700 = vector.broadcast %jit3A_699 : i32 to vector<16xi32>
          %select_n3A_701 = arith.select %lt3A_698, %all_reduce_population_count3A_684, %broadcast_in_dim3A_700 : vector<16xi1>, vector<16xi32>
          %add3A_702 = arith.addi %add3A_651, %select_n3A_701 : vector<16xi32>
          %min3A_703 = arith.minsi %min3A_652, %select_n3A_694 : vector<16xi32>
          %mul3A_704 = arith.constant 16 : i32
          %mul3A_705 = arith.muli %scan3A_186, %mul3A_704 : i32
          %add3A_706 = arith.constant 10 : i32
          %add3A_707 = arith.addi %mul3A_705, %add3A_706 : i32
          %mul3A_708 = arith.constant 16 : i32
          %mul3A_709 = arith.muli %add3A_707, %mul3A_708 : i32
          %get3A_710 = arith.constant 0 : i32
          %get3A_711 = arith.index_cast %get3A_710 : i32 to index
          %get3A_712 = arith.index_cast %mul3A_709 : i32 to index
          %get3A_713 = tpu.vector_load %arg5[%get3A_711, %get3A_712] {strides = array<i32>} : memref<4x4096xf32, #tpu.memory_space<vmem>>, vector<16xf32>,
          %le3A_714 = arith.constant 4.000000e-02 : f32
          %le3A_715 = vector.broadcast %le3A_714 : f32 to vector<16xf32>
          %le3A_716 = arith.cmpf ole, %get3A_713, %le3A_715 : vector<16xf32>
          %lt3A_717 = arith.constant 32 : i32
          %lt3A_718 = vector.broadcast %lt3A_717 : i32 to vector<16xi32>
          %lt3A_719 = arith.cmpi slt, %add3A_702, %lt3A_718 : vector<16xi32>
          %and3A_720 = arith.andi %le3A_716, %lt3A_719 : vector<16xi1>
          %mul3A_721 = arith.constant 16 : i32
          %mul3A_722 = arith.muli %add3A_707, %mul3A_721 : i32
          %add3A_723 = arith.addi %mul3A_722, %mul3A_20 : i32
          %add3A_724 = vector.broadcast %add3A_723 : i32 to vector<16xi32>
          %add3A_725 = arith.addi %iota3A, %add3A_724 : vector<16xi32>
          %select_n3A_726 = arith.select %and3A_720, %add3A_725, %broadcast_in_dim3A_30 : vector<16xi1>, vector<16xi32>
          %masked_sort3A_727 = arith.constant dense<true> : vector<16xi1>
          %masked_sort3A_728 = arith.constant -2147483648 : i32
          %masked_sort3A_729 = vector.broadcast %masked_sort3A_728 : i32 to vector<16xi32>
          %masked_sort3A_730 = arith.xori %select_n3A_726, %masked_sort3A_729 : vector<16xi32>
          %masked_sort3A_731, %masked_sort3A_732, %masked_sort3A_733 = tpu.sort %masked_sort3A_730, %select_n3A_726 masked %masked_sort3A_727 : (vector<16xi32>, vector<16xi32>, vector<16xi1>) -> (vector<16xi1>, vector<16xi32>, vector<16xi32>)
          %masked_sort3A_734 = arith.xori %masked_sort3A_732, %masked_sort3A_729 : vector<16xi32>
          %all_reduce_population_count3A_735 = tpu.all_reduce %and3A_720 {dim = 0 : i64, kind = #tpu.reduction_kind<sum>} : vector<16xi1> -> vector<16xi32>
          %all_reduce_ffs3A_736 = tpu.all_reduce %and3A_720 {dim = 0 : i64, kind = #tpu.reduction_kind<find_first_set>} : vector<16xi1> -> vector<16xi32>
          %gt3A_737 = arith.constant 0 : i32
          %gt3A_738 = vector.broadcast %gt3A_737 : i32 to vector<16xi32>
          %gt3A_739 = arith.cmpi sgt, %all_reduce_population_count3A_735, %gt3A_738 : vector<16xi32>
          %mul3A_740 = arith.constant 16 : i32
          %mul3A_741 = arith.muli %add3A_707, %mul3A_740 : i32
          %add3A_742 = arith.addi %mul3A_741, %mul3A_20 : i32
          %add3A_743 = vector.broadcast %add3A_742 : i32 to vector<16xi32>
          %add3A_744 = arith.addi %add3A_743, %all_reduce_ffs3A_736 : vector<16xi32>
          %select_n3A_745 = arith.select %gt3A_739, %add3A_744, %broadcast_in_dim3A_30 : vector<16xi1>, vector<16xi32>
          %add3A_746 = arith.addi %add3A_702, %iota3A : vector<16xi32>
          tpu.vector_store_idx %arg6[%add3A_746], %masked_sort3A_734 : memref<48xi32, #tpu.memory_space<vmem>>[vector<16xi32>], vector<16xi32>,
          %lt3A_747 = arith.constant 32 : i32
          %lt3A_748 = vector.broadcast %lt3A_747 : i32 to vector<16xi32>
          %lt3A_749 = arith.cmpi slt, %add3A_702, %lt3A_748 : vector<16xi32>
          %jit3A_750 = arith.constant 0 : i32
          %broadcast_in_dim3A_751 = vector.broadcast %jit3A_750 : i32 to vector<16xi32>
          %select_n3A_752 = arith.select %lt3A_749, %all_reduce_population_count3A_735, %broadcast_in_dim3A_751 : vector<16xi1>, vector<16xi32>
          %add3A_753 = arith.addi %add3A_702, %select_n3A_752 : vector<16xi32>
          %min3A_754 = arith.minsi %min3A_703, %select_n3A_745 : vector<16xi32>
          %mul3A_755 = arith.constant 16 : i32
          %mul3A_756 = arith.muli %scan3A_186, %mul3A_755 : i32
          %add3A_757 = arith.constant 11 : i32
          %add3A_758 = arith.addi %mul3A_756, %add3A_757 : i32
          %mul3A_759 = arith.constant 16 : i32
          %mul3A_760 = arith.muli %add3A_758, %mul3A_759 : i32
          %get3A_761 = arith.constant 0 : i32
          %get3A_762 = arith.index_cast %get3A_761 : i32 to index
          %get3A_763 = arith.index_cast %mul3A_760 : i32 to index
          %get3A_764 = tpu.vector_load %arg5[%get3A_762, %get3A_763] {strides = array<i32>} : memref<4x4096xf32, #tpu.memory_space<vmem>>, vector<16xf32>,
          %le3A_765 = arith.constant 4.000000e-02 : f32
          %le3A_766 = vector.broadcast %le3A_765 : f32 to vector<16xf32>
          %le3A_767 = arith.cmpf ole, %get3A_764, %le3A_766 : vector<16xf32>
          %lt3A_768 = arith.constant 32 : i32
          %lt3A_769 = vector.broadcast %lt3A_768 : i32 to vector<16xi32>
          %lt3A_770 = arith.cmpi slt, %add3A_753, %lt3A_769 : vector<16xi32>
          %and3A_771 = arith.andi %le3A_767, %lt3A_770 : vector<16xi1>
          %mul3A_772 = arith.constant 16 : i32
          %mul3A_773 = arith.muli %add3A_758, %mul3A_772 : i32
          %add3A_774 = arith.addi %mul3A_773, %mul3A_20 : i32
          %add3A_775 = vector.broadcast %add3A_774 : i32 to vector<16xi32>
          %add3A_776 = arith.addi %iota3A, %add3A_775 : vector<16xi32>
          %select_n3A_777 = arith.select %and3A_771, %add3A_776, %broadcast_in_dim3A_30 : vector<16xi1>, vector<16xi32>
          %masked_sort3A_778 = arith.constant dense<true> : vector<16xi1>
          %masked_sort3A_779 = arith.constant -2147483648 : i32
          %masked_sort3A_780 = vector.broadcast %masked_sort3A_779 : i32 to vector<16xi32>
          %masked_sort3A_781 = arith.xori %select_n3A_777, %masked_sort3A_780 : vector<16xi32>
          %masked_sort3A_782, %masked_sort3A_783, %masked_sort3A_784 = tpu.sort %masked_sort3A_781, %select_n3A_777 masked %masked_sort3A_778 : (vector<16xi32>, vector<16xi32>, vector<16xi1>) -> (vector<16xi1>, vector<16xi32>, vector<16xi32>)
          %masked_sort3A_785 = arith.xori %masked_sort3A_783, %masked_sort3A_780 : vector<16xi32>
          %all_reduce_population_count3A_786 = tpu.all_reduce %and3A_771 {dim = 0 : i64, kind = #tpu.reduction_kind<sum>} : vector<16xi1> -> vector<16xi32>
          %all_reduce_ffs3A_787 = tpu.all_reduce %and3A_771 {dim = 0 : i64, kind = #tpu.reduction_kind<find_first_set>} : vector<16xi1> -> vector<16xi32>
          %gt3A_788 = arith.constant 0 : i32
          %gt3A_789 = vector.broadcast %gt3A_788 : i32 to vector<16xi32>
          %gt3A_790 = arith.cmpi sgt, %all_reduce_population_count3A_786, %gt3A_789 : vector<16xi32>
          %mul3A_791 = arith.constant 16 : i32
          %mul3A_792 = arith.muli %add3A_758, %mul3A_791 : i32
          %add3A_793 = arith.addi %mul3A_792, %mul3A_20 : i32
          %add3A_794 = vector.broadcast %add3A_793 : i32 to vector<16xi32>
          %add3A_795 = arith.addi %add3A_794, %all_reduce_ffs3A_787 : vector<16xi32>
          %select_n3A_796 = arith.select %gt3A_790, %add3A_795, %broadcast_in_dim3A_30 : vector<16xi1>, vector<16xi32>
          %add3A_797 = arith.addi %add3A_753, %iota3A : vector<16xi32>
          tpu.vector_store_idx %arg6[%add3A_797], %masked_sort3A_785 : memref<48xi32, #tpu.memory_space<vmem>>[vector<16xi32>], vector<16xi32>,
          %lt3A_798 = arith.constant 32 : i32
          %lt3A_799 = vector.broadcast %lt3A_798 : i32 to vector<16xi32>
          %lt3A_800 = arith.cmpi slt, %add3A_753, %lt3A_799 : vector<16xi32>
          %jit3A_801 = arith.constant 0 : i32
          %broadcast_in_dim3A_802 = vector.broadcast %jit3A_801 : i32 to vector<16xi32>
          %select_n3A_803 = arith.select %lt3A_800, %all_reduce_population_count3A_786, %broadcast_in_dim3A_802 : vector<16xi1>, vector<16xi32>
          %add3A_804 = arith.addi %add3A_753, %select_n3A_803 : vector<16xi32>
          %min3A_805 = arith.minsi %min3A_754, %select_n3A_796 : vector<16xi32>
          %mul3A_806 = arith.constant 16 : i32
          %mul3A_807 = arith.muli %scan3A_186, %mul3A_806 : i32
          %add3A_808 = arith.constant 12 : i32
          %add3A_809 = arith.addi %mul3A_807, %add3A_808 : i32
          %mul3A_810 = arith.constant 16 : i32
          %mul3A_811 = arith.muli %add3A_809, %mul3A_810 : i32
          %get3A_812 = arith.constant 0 : i32
          %get3A_813 = arith.index_cast %get3A_812 : i32 to index
          %get3A_814 = arith.index_cast %mul3A_811 : i32 to index
          %get3A_815 = tpu.vector_load %arg5[%get3A_813, %get3A_814] {strides = array<i32>} : memref<4x4096xf32, #tpu.memory_space<vmem>>, vector<16xf32>,
          %le3A_816 = arith.constant 4.000000e-02 : f32
          %le3A_817 = vector.broadcast %le3A_816 : f32 to vector<16xf32>
          %le3A_818 = arith.cmpf ole, %get3A_815, %le3A_817 : vector<16xf32>
          %lt3A_819 = arith.constant 32 : i32
          %lt3A_820 = vector.broadcast %lt3A_819 : i32 to vector<16xi32>
          %lt3A_821 = arith.cmpi slt, %add3A_804, %lt3A_820 : vector<16xi32>
          %and3A_822 = arith.andi %le3A_818, %lt3A_821 : vector<16xi1>
          %mul3A_823 = arith.constant 16 : i32
          %mul3A_824 = arith.muli %add3A_809, %mul3A_823 : i32
          %add3A_825 = arith.addi %mul3A_824, %mul3A_20 : i32
          %add3A_826 = vector.broadcast %add3A_825 : i32 to vector<16xi32>
          %add3A_827 = arith.addi %iota3A, %add3A_826 : vector<16xi32>
          %select_n3A_828 = arith.select %and3A_822, %add3A_827, %broadcast_in_dim3A_30 : vector<16xi1>, vector<16xi32>
          %masked_sort3A_829 = arith.constant dense<true> : vector<16xi1>
          %masked_sort3A_830 = arith.constant -2147483648 : i32
          %masked_sort3A_831 = vector.broadcast %masked_sort3A_830 : i32 to vector<16xi32>
          %masked_sort3A_832 = arith.xori %select_n3A_828, %masked_sort3A_831 : vector<16xi32>
          %masked_sort3A_833, %masked_sort3A_834, %masked_sort3A_835 = tpu.sort %masked_sort3A_832, %select_n3A_828 masked %masked_sort3A_829 : (vector<16xi32>, vector<16xi32>, vector<16xi1>) -> (vector<16xi1>, vector<16xi32>, vector<16xi32>)
          %masked_sort3A_836 = arith.xori %masked_sort3A_834, %masked_sort3A_831 : vector<16xi32>
          %all_reduce_population_count3A_837 = tpu.all_reduce %and3A_822 {dim = 0 : i64, kind = #tpu.reduction_kind<sum>} : vector<16xi1> -> vector<16xi32>
          %all_reduce_ffs3A_838 = tpu.all_reduce %and3A_822 {dim = 0 : i64, kind = #tpu.reduction_kind<find_first_set>} : vector<16xi1> -> vector<16xi32>
          %gt3A_839 = arith.constant 0 : i32
          %gt3A_840 = vector.broadcast %gt3A_839 : i32 to vector<16xi32>
          %gt3A_841 = arith.cmpi sgt, %all_reduce_population_count3A_837, %gt3A_840 : vector<16xi32>
          %mul3A_842 = arith.constant 16 : i32
          %mul3A_843 = arith.muli %add3A_809, %mul3A_842 : i32
          %add3A_844 = arith.addi %mul3A_843, %mul3A_20 : i32
          %add3A_845 = vector.broadcast %add3A_844 : i32 to vector<16xi32>
          %add3A_846 = arith.addi %add3A_845, %all_reduce_ffs3A_838 : vector<16xi32>
          %select_n3A_847 = arith.select %gt3A_841, %add3A_846, %broadcast_in_dim3A_30 : vector<16xi1>, vector<16xi32>
          %add3A_848 = arith.addi %add3A_804, %iota3A : vector<16xi32>
          tpu.vector_store_idx %arg6[%add3A_848], %masked_sort3A_836 : memref<48xi32, #tpu.memory_space<vmem>>[vector<16xi32>], vector<16xi32>,
          %lt3A_849 = arith.constant 32 : i32
          %lt3A_850 = vector.broadcast %lt3A_849 : i32 to vector<16xi32>
          %lt3A_851 = arith.cmpi slt, %add3A_804, %lt3A_850 : vector<16xi32>
          %jit3A_852 = arith.constant 0 : i32
          %broadcast_in_dim3A_853 = vector.broadcast %jit3A_852 : i32 to vector<16xi32>
          %select_n3A_854 = arith.select %lt3A_851, %all_reduce_population_count3A_837, %broadcast_in_dim3A_853 : vector<16xi1>, vector<16xi32>
          %add3A_855 = arith.addi %add3A_804, %select_n3A_854 : vector<16xi32>
          %min3A_856 = arith.minsi %min3A_805, %select_n3A_847 : vector<16xi32>
          %mul3A_857 = arith.constant 16 : i32
          %mul3A_858 = arith.muli %scan3A_186, %mul3A_857 : i32
          %add3A_859 = arith.constant 13 : i32
          %add3A_860 = arith.addi %mul3A_858, %add3A_859 : i32
          %mul3A_861 = arith.constant 16 : i32
          %mul3A_862 = arith.muli %add3A_860, %mul3A_861 : i32
          %get3A_863 = arith.constant 0 : i32
          %get3A_864 = arith.index_cast %get3A_863 : i32 to index
          %get3A_865 = arith.index_cast %mul3A_862 : i32 to index
          %get3A_866 = tpu.vector_load %arg5[%get3A_864, %get3A_865] {strides = array<i32>} : memref<4x4096xf32, #tpu.memory_space<vmem>>, vector<16xf32>,
          %le3A_867 = arith.constant 4.000000e-02 : f32
          %le3A_868 = vector.broadcast %le3A_867 : f32 to vector<16xf32>
          %le3A_869 = arith.cmpf ole, %get3A_866, %le3A_868 : vector<16xf32>
          %lt3A_870 = arith.constant 32 : i32
          %lt3A_871 = vector.broadcast %lt3A_870 : i32 to vector<16xi32>
          %lt3A_872 = arith.cmpi slt, %add3A_855, %lt3A_871 : vector<16xi32>
          %and3A_873 = arith.andi %le3A_869, %lt3A_872 : vector<16xi1>
          %mul3A_874 = arith.constant 16 : i32
          %mul3A_875 = arith.muli %add3A_860, %mul3A_874 : i32
          %add3A_876 = arith.addi %mul3A_875, %mul3A_20 : i32
          %add3A_877 = vector.broadcast %add3A_876 : i32 to vector<16xi32>
          %add3A_878 = arith.addi %iota3A, %add3A_877 : vector<16xi32>
          %select_n3A_879 = arith.select %and3A_873, %add3A_878, %broadcast_in_dim3A_30 : vector<16xi1>, vector<16xi32>
          %masked_sort3A_880 = arith.constant dense<true> : vector<16xi1>
          %masked_sort3A_881 = arith.constant -2147483648 : i32
          %masked_sort3A_882 = vector.broadcast %masked_sort3A_881 : i32 to vector<16xi32>
          %masked_sort3A_883 = arith.xori %select_n3A_879, %masked_sort3A_882 : vector<16xi32>
          %masked_sort3A_884, %masked_sort3A_885, %masked_sort3A_886 = tpu.sort %masked_sort3A_883, %select_n3A_879 masked %masked_sort3A_880 : (vector<16xi32>, vector<16xi32>, vector<16xi1>) -> (vector<16xi1>, vector<16xi32>, vector<16xi32>)
          %masked_sort3A_887 = arith.xori %masked_sort3A_885, %masked_sort3A_882 : vector<16xi32>
          %all_reduce_population_count3A_888 = tpu.all_reduce %and3A_873 {dim = 0 : i64, kind = #tpu.reduction_kind<sum>} : vector<16xi1> -> vector<16xi32>
          %all_reduce_ffs3A_889 = tpu.all_reduce %and3A_873 {dim = 0 : i64, kind = #tpu.reduction_kind<find_first_set>} : vector<16xi1> -> vector<16xi32>
          %gt3A_890 = arith.constant 0 : i32
          %gt3A_891 = vector.broadcast %gt3A_890 : i32 to vector<16xi32>
          %gt3A_892 = arith.cmpi sgt, %all_reduce_population_count3A_888, %gt3A_891 : vector<16xi32>
          %mul3A_893 = arith.constant 16 : i32
          %mul3A_894 = arith.muli %add3A_860, %mul3A_893 : i32
          %add3A_895 = arith.addi %mul3A_894, %mul3A_20 : i32
          %add3A_896 = vector.broadcast %add3A_895 : i32 to vector<16xi32>
          %add3A_897 = arith.addi %add3A_896, %all_reduce_ffs3A_889 : vector<16xi32>
          %select_n3A_898 = arith.select %gt3A_892, %add3A_897, %broadcast_in_dim3A_30 : vector<16xi1>, vector<16xi32>
          %add3A_899 = arith.addi %add3A_855, %iota3A : vector<16xi32>
          tpu.vector_store_idx %arg6[%add3A_899], %masked_sort3A_887 : memref<48xi32, #tpu.memory_space<vmem>>[vector<16xi32>], vector<16xi32>,
          %lt3A_900 = arith.constant 32 : i32
          %lt3A_901 = vector.broadcast %lt3A_900 : i32 to vector<16xi32>
          %lt3A_902 = arith.cmpi slt, %add3A_855, %lt3A_901 : vector<16xi32>
          %jit3A_903 = arith.constant 0 : i32
          %broadcast_in_dim3A_904 = vector.broadcast %jit3A_903 : i32 to vector<16xi32>
          %select_n3A_905 = arith.select %lt3A_902, %all_reduce_population_count3A_888, %broadcast_in_dim3A_904 : vector<16xi1>, vector<16xi32>
          %add3A_906 = arith.addi %add3A_855, %select_n3A_905 : vector<16xi32>
          %min3A_907 = arith.minsi %min3A_856, %select_n3A_898 : vector<16xi32>
          %mul3A_908 = arith.constant 16 : i32
          %mul3A_909 = arith.muli %scan3A_186, %mul3A_908 : i32
          %add3A_910 = arith.constant 14 : i32
          %add3A_911 = arith.addi %mul3A_909, %add3A_910 : i32
          %mul3A_912 = arith.constant 16 : i32
          %mul3A_913 = arith.muli %add3A_911, %mul3A_912 : i32
          %get3A_914 = arith.constant 0 : i32
          %get3A_915 = arith.index_cast %get3A_914 : i32 to index
          %get3A_916 = arith.index_cast %mul3A_913 : i32 to index
          %get3A_917 = tpu.vector_load %arg5[%get3A_915, %get3A_916] {strides = array<i32>} : memref<4x4096xf32, #tpu.memory_space<vmem>>, vector<16xf32>,
          %le3A_918 = arith.constant 4.000000e-02 : f32
          %le3A_919 = vector.broadcast %le3A_918 : f32 to vector<16xf32>
          %le3A_920 = arith.cmpf ole, %get3A_917, %le3A_919 : vector<16xf32>
          %lt3A_921 = arith.constant 32 : i32
          %lt3A_922 = vector.broadcast %lt3A_921 : i32 to vector<16xi32>
          %lt3A_923 = arith.cmpi slt, %add3A_906, %lt3A_922 : vector<16xi32>
          %and3A_924 = arith.andi %le3A_920, %lt3A_923 : vector<16xi1>
          %mul3A_925 = arith.constant 16 : i32
          %mul3A_926 = arith.muli %add3A_911, %mul3A_925 : i32
          %add3A_927 = arith.addi %mul3A_926, %mul3A_20 : i32
          %add3A_928 = vector.broadcast %add3A_927 : i32 to vector<16xi32>
          %add3A_929 = arith.addi %iota3A, %add3A_928 : vector<16xi32>
          %select_n3A_930 = arith.select %and3A_924, %add3A_929, %broadcast_in_dim3A_30 : vector<16xi1>, vector<16xi32>
          %masked_sort3A_931 = arith.constant dense<true> : vector<16xi1>
          %masked_sort3A_932 = arith.constant -2147483648 : i32
          %masked_sort3A_933 = vector.broadcast %masked_sort3A_932 : i32 to vector<16xi32>
          %masked_sort3A_934 = arith.xori %select_n3A_930, %masked_sort3A_933 : vector<16xi32>
          %masked_sort3A_935, %masked_sort3A_936, %masked_sort3A_937 = tpu.sort %masked_sort3A_934, %select_n3A_930 masked %masked_sort3A_931 : (vector<16xi32>, vector<16xi32>, vector<16xi1>) -> (vector<16xi1>, vector<16xi32>, vector<16xi32>)
          %masked_sort3A_938 = arith.xori %masked_sort3A_936, %masked_sort3A_933 : vector<16xi32>
          %all_reduce_population_count3A_939 = tpu.all_reduce %and3A_924 {dim = 0 : i64, kind = #tpu.reduction_kind<sum>} : vector<16xi1> -> vector<16xi32>
          %all_reduce_ffs3A_940 = tpu.all_reduce %and3A_924 {dim = 0 : i64, kind = #tpu.reduction_kind<find_first_set>} : vector<16xi1> -> vector<16xi32>
          %gt3A_941 = arith.constant 0 : i32
          %gt3A_942 = vector.broadcast %gt3A_941 : i32 to vector<16xi32>
          %gt3A_943 = arith.cmpi sgt, %all_reduce_population_count3A_939, %gt3A_942 : vector<16xi32>
          %mul3A_944 = arith.constant 16 : i32
          %mul3A_945 = arith.muli %add3A_911, %mul3A_944 : i32
          %add3A_946 = arith.addi %mul3A_945, %mul3A_20 : i32
          %add3A_947 = vector.broadcast %add3A_946 : i32 to vector<16xi32>
          %add3A_948 = arith.addi %add3A_947, %all_reduce_ffs3A_940 : vector<16xi32>
          %select_n3A_949 = arith.select %gt3A_943, %add3A_948, %broadcast_in_dim3A_30 : vector<16xi1>, vector<16xi32>
          %add3A_950 = arith.addi %add3A_906, %iota3A : vector<16xi32>
          tpu.vector_store_idx %arg6[%add3A_950], %masked_sort3A_938 : memref<48xi32, #tpu.memory_space<vmem>>[vector<16xi32>], vector<16xi32>,
          %lt3A_951 = arith.constant 32 : i32
          %lt3A_952 = vector.broadcast %lt3A_951 : i32 to vector<16xi32>
          %lt3A_953 = arith.cmpi slt, %add3A_906, %lt3A_952 : vector<16xi32>
          %jit3A_954 = arith.constant 0 : i32
          %broadcast_in_dim3A_955 = vector.broadcast %jit3A_954 : i32 to vector<16xi32>
          %select_n3A_956 = arith.select %lt3A_953, %all_reduce_population_count3A_939, %broadcast_in_dim3A_955 : vector<16xi1>, vector<16xi32>
          %add3A_957 = arith.addi %add3A_906, %select_n3A_956 : vector<16xi32>
          %min3A_958 = arith.minsi %min3A_907, %select_n3A_949 : vector<16xi32>
          %mul3A_959 = arith.constant 16 : i32
          %mul3A_960 = arith.muli %scan3A_186, %mul3A_959 : i32
          %add3A_961 = arith.constant 15 : i32
          %add3A_962 = arith.addi %mul3A_960, %add3A_961 : i32
          %mul3A_963 = arith.constant 16 : i32
          %mul3A_964 = arith.muli %add3A_962, %mul3A_963 : i32
          %get3A_965 = arith.constant 0 : i32
          %get3A_966 = arith.index_cast %get3A_965 : i32 to index
          %get3A_967 = arith.index_cast %mul3A_964 : i32 to index
          %get3A_968 = tpu.vector_load %arg5[%get3A_966, %get3A_967] {strides = array<i32>} : memref<4x4096xf32, #tpu.memory_space<vmem>>, vector<16xf32>,
          %le3A_969 = arith.constant 4.000000e-02 : f32
          %le3A_970 = vector.broadcast %le3A_969 : f32 to vector<16xf32>
          %le3A_971 = arith.cmpf ole, %get3A_968, %le3A_970 : vector<16xf32>
          %lt3A_972 = arith.constant 32 : i32
          %lt3A_973 = vector.broadcast %lt3A_972 : i32 to vector<16xi32>
          %lt3A_974 = arith.cmpi slt, %add3A_957, %lt3A_973 : vector<16xi32>
          %and3A_975 = arith.andi %le3A_971, %lt3A_974 : vector<16xi1>
          %mul3A_976 = arith.constant 16 : i32
          %mul3A_977 = arith.muli %add3A_962, %mul3A_976 : i32
          %add3A_978 = arith.addi %mul3A_977, %mul3A_20 : i32
          %add3A_979 = vector.broadcast %add3A_978 : i32 to vector<16xi32>
          %add3A_980 = arith.addi %iota3A, %add3A_979 : vector<16xi32>
          %select_n3A_981 = arith.select %and3A_975, %add3A_980, %broadcast_in_dim3A_30 : vector<16xi1>, vector<16xi32>
          %masked_sort3A_982 = arith.constant dense<true> : vector<16xi1>
          %masked_sort3A_983 = arith.constant -2147483648 : i32
          %masked_sort3A_984 = vector.broadcast %masked_sort3A_983 : i32 to vector<16xi32>
          %masked_sort3A_985 = arith.xori %select_n3A_981, %masked_sort3A_984 : vector<16xi32>
          %masked_sort3A_986, %masked_sort3A_987, %masked_sort3A_988 = tpu.sort %masked_sort3A_985, %select_n3A_981 masked %masked_sort3A_982 : (vector<16xi32>, vector<16xi32>, vector<16xi1>) -> (vector<16xi1>, vector<16xi32>, vector<16xi32>)
          %masked_sort3A_989 = arith.xori %masked_sort3A_987, %masked_sort3A_984 : vector<16xi32>
          %all_reduce_population_count3A_990 = tpu.all_reduce %and3A_975 {dim = 0 : i64, kind = #tpu.reduction_kind<sum>} : vector<16xi1> -> vector<16xi32>
          %all_reduce_ffs3A_991 = tpu.all_reduce %and3A_975 {dim = 0 : i64, kind = #tpu.reduction_kind<find_first_set>} : vector<16xi1> -> vector<16xi32>
          %gt3A_992 = arith.constant 0 : i32
          %gt3A_993 = vector.broadcast %gt3A_992 : i32 to vector<16xi32>
          %gt3A_994 = arith.cmpi sgt, %all_reduce_population_count3A_990, %gt3A_993 : vector<16xi32>
          %mul3A_995 = arith.constant 16 : i32
          %mul3A_996 = arith.muli %add3A_962, %mul3A_995 : i32
          %add3A_997 = arith.addi %mul3A_996, %mul3A_20 : i32
          %add3A_998 = vector.broadcast %add3A_997 : i32 to vector<16xi32>
          %add3A_999 = arith.addi %add3A_998, %all_reduce_ffs3A_991 : vector<16xi32>
          %select_n3A_1000 = arith.select %gt3A_994, %add3A_999, %broadcast_in_dim3A_30 : vector<16xi1>, vector<16xi32>
          %add3A_1001 = arith.addi %add3A_957, %iota3A : vector<16xi32>
          tpu.vector_store_idx %arg6[%add3A_1001], %masked_sort3A_989 : memref<48xi32, #tpu.memory_space<vmem>>[vector<16xi32>], vector<16xi32>,
          %lt3A_1002 = arith.constant 32 : i32
          %lt3A_1003 = vector.broadcast %lt3A_1002 : i32 to vector<16xi32>
          %lt3A_1004 = arith.cmpi slt, %add3A_957, %lt3A_1003 : vector<16xi32>
          %jit3A_1005 = arith.constant 0 : i32
          %broadcast_in_dim3A_1006 = vector.broadcast %jit3A_1005 : i32 to vector<16xi32>
          %select_n3A_1007 = arith.select %lt3A_1004, %all_reduce_population_count3A_990, %broadcast_in_dim3A_1006 : vector<16xi1>, vector<16xi32>
          %add3A_1008 = arith.addi %add3A_957, %select_n3A_1007 : vector<16xi32>
          %min3A_1009 = arith.minsi %min3A_958, %select_n3A_1000 : vector<16xi32>
          scf.yield %add3A_1008, %min3A_1009 : vector<16xi32>, vector<16xi32>
        } else {
          scf.yield %scan3A_187, %scan3A_188 : vector<16xi32>, vector<16xi32>
        }
        scf.yield %cond3A_199#0, %cond3A_199#1 : vector<16xi32>, vector<16xi32>
      }
      %scan3A_38 = arith.constant 16 : i32
      %get3A = arith.constant 0 : index
      %get3A_39 = tpu.vector_load %arg6[%get3A] {strides = array<i32>} : memref<48xi32, #tpu.memory_space<vmem>>, vector<16xi32>,
      %add3A_40 = arith.constant 0 : i32
      %add3A_41 = vector.broadcast %add3A_40 : i32 to vector<16xi32>
      %add3A_42 = arith.addi %iota3A, %add3A_41 : vector<16xi32>
      %lt3A = arith.cmpi slt, %add3A_42, %scan3A_37#0 : vector<16xi32>
      %select_n3A_43 = arith.select %lt3A, %get3A_39, %scan3A_37#1 : vector<16xi1>, vector<16xi32>
      %swap3A = arith.constant 0 : index
      %swap3A_44 = tpu.vector_load %arg7[%swap3A] {strides = array<i32>} : memref<32xi32, #tpu.memory_space<vmem>>, vector<16xi32>,
      tpu.vector_store %arg7[%swap3A], %select_n3A_43 {strides = array<i32>} : memref<32xi32, #tpu.memory_space<vmem>>, vector<16xi32>,
      %get3A_45 = arith.constant 16 : index
      %get3A_46 = tpu.vector_load %arg6[%get3A_45] {strides = array<i32>} : memref<48xi32, #tpu.memory_space<vmem>>, vector<16xi32>,
      %add3A_47 = arith.constant 16 : i32
      %add3A_48 = vector.broadcast %add3A_47 : i32 to vector<16xi32>
      %add3A_49 = arith.addi %iota3A, %add3A_48 : vector<16xi32>
      %lt3A_50 = arith.cmpi slt, %add3A_49, %scan3A_37#0 : vector<16xi32>
      %select_n3A_51 = arith.select %lt3A_50, %get3A_46, %scan3A_37#1 : vector<16xi1>, vector<16xi32>
      %swap3A_52 = arith.constant 16 : index
      %swap3A_53 = tpu.vector_load %arg7[%swap3A_52] {strides = array<i32>} : memref<32xi32, #tpu.memory_space<vmem>>, vector<16xi32>,
      tpu.vector_store %arg7[%swap3A_52], %select_n3A_51 {strides = array<i32>} : memref<32xi32, #tpu.memory_space<vmem>>, vector<16xi32>,
      %dma_start3A = arith.constant 0 : i32
      %dma_start3A_54 = arith.constant 0 : i32
      %dma_start3A_55 = tpu.memref_slice %arg11[%dma_start3A, %dma_start3A_54] : memref<128x128xf32, #tpu.memory_space<vmem>> -> memref<32x128xf32, #tpu.memory_space<vmem>>
      %dma_start3A_56 = arith.constant 0 : i32
      %dma_start3A_57 = arith.constant 0 : i32
      %dma_start3A_58 = tpu.memref_slice %arg3[%dma_start3A_56, %dma_start3A_57] : memref<32768x128xf32, #tpu.memory_space<hbm>> -> memref<32768x128xf32, #tpu.memory_space<hbm>>
      tpu.enqueue_indirect_dma source(%dma_start3A_58 : memref<32768x128xf32, #tpu.memory_space<hbm>>) target(%dma_start3A_55 : memref<32x128xf32, #tpu.memory_space<vmem>>) offsets(%arg7 : memref<32xi32, #tpu.memory_space<vmem>>) semaphore(%arg12 : memref<!tpu.dma_semaphore, #tpu.memory_space<semaphore_mem>>)
      %broadcast_in_dim3A_59 = arith.constant 1073741824 : i32
      %broadcast_in_dim3A_60 = vector.broadcast %broadcast_in_dim3A_59 : i32 to vector<16xi32>
      %broadcast_in_dim3A_61 = arith.constant 0 : i32
      %broadcast_in_dim3A_62 = vector.broadcast %broadcast_in_dim3A_61 : i32 to vector<16xi32>
      %scan3A_63 = arith.constant 0 : i32
      %scan3A_64 = arith.constant 16 : i32
      %scan3A_65 = arith.addi %scan3A_63, %scan3A_64 : i32
      %scan3A_66 = arith.constant 1 : i32
      %scan3A_67:2 = scf.for %scan3A_186 = %scan3A_63 to %scan3A_65 step %scan3A_66 iter_args(%scan3A_187 = %broadcast_in_dim3A_62, %scan3A_188 = %broadcast_in_dim3A_60) -> (vector<16xi32>, vector<16xi32>)  : i32 {
        %reduce_max3A = arith.constant true
        %reduce_max3A_189 = vector.broadcast %reduce_max3A : i1 to vector<16xi1>
        %reduce_max3A_190 = arith.constant -2147483648 : i32
        %reduce_max3A_191 = vector.broadcast %reduce_max3A_190 : i32 to vector<16xi32>
        %reduce_max3A_192 = arith.xori %scan3A_187, %reduce_max3A_191 : vector<16xi32>
        %reduce_max3A_193 = tpu.scan <max>, %reduce_max3A_192 masked %reduce_max3A_189 : vector<16xi32>, vector<16xi1> -> vector<16xi32>
        %reduce_max3A_194 = arith.xori %reduce_max3A_193, %reduce_max3A_191 : vector<16xi32>
        %reduce_max3A_195 = vector.extract %reduce_max3A_194[15] : i32 from vector<16xi32>
        %lt3A_196 = arith.constant 32 : i32
        %lt3A_197 = arith.cmpi slt, %reduce_max3A_195, %lt3A_196 : i32
        %convert_element_type3A = arith.extui %lt3A_197 : i1 to i32
        %cond3A = arith.constant 0 : i32
        %cond3A_198 = arith.cmpi ne, %convert_element_type3A, %cond3A : i32
        %cond3A_199:2 = scf.if %cond3A_198 -> (vector<16xi32>, vector<16xi32>) {
          %mul3A_200 = arith.constant 16 : i32
          %mul3A_201 = arith.muli %scan3A_186, %mul3A_200 : i32
          %add3A_202 = arith.constant 0 : i32
          %add3A_203 = arith.addi %mul3A_201, %add3A_202 : i32
          %mul3A_204 = arith.constant 16 : i32
          %mul3A_205 = arith.muli %add3A_203, %mul3A_204 : i32
          %get3A_206 = arith.constant 1 : i32
          %get3A_207 = arith.index_cast %get3A_206 : i32 to index
          %get3A_208 = arith.index_cast %mul3A_205 : i32 to index
          %get3A_209 = tpu.vector_load %arg5[%get3A_207, %get3A_208] {strides = array<i32>} : memref<4x4096xf32, #tpu.memory_space<vmem>>, vector<16xf32>,
          %le3A = arith.constant 4.000000e-02 : f32
          %le3A_210 = vector.broadcast %le3A : f32 to vector<16xf32>
          %le3A_211 = arith.cmpf ole, %get3A_209, %le3A_210 : vector<16xf32>
          %lt3A_212 = arith.constant 32 : i32
          %lt3A_213 = vector.broadcast %lt3A_212 : i32 to vector<16xi32>
          %lt3A_214 = arith.cmpi slt, %scan3A_187, %lt3A_213 : vector<16xi32>
          %and3A_215 = arith.andi %le3A_211, %lt3A_214 : vector<16xi1>
          %mul3A_216 = arith.constant 16 : i32
          %mul3A_217 = arith.muli %add3A_203, %mul3A_216 : i32
          %add3A_218 = arith.addi %mul3A_217, %mul3A_20 : i32
          %add3A_219 = vector.broadcast %add3A_218 : i32 to vector<16xi32>
          %add3A_220 = arith.addi %iota3A, %add3A_219 : vector<16xi32>
          %select_n3A_221 = arith.select %and3A_215, %add3A_220, %broadcast_in_dim3A_60 : vector<16xi1>, vector<16xi32>
          %masked_sort3A = arith.constant dense<true> : vector<16xi1>
          %masked_sort3A_222 = arith.constant -2147483648 : i32
          %masked_sort3A_223 = vector.broadcast %masked_sort3A_222 : i32 to vector<16xi32>
          %masked_sort3A_224 = arith.xori %select_n3A_221, %masked_sort3A_223 : vector<16xi32>
          %masked_sort3A_225, %masked_sort3A_226, %masked_sort3A_227 = tpu.sort %masked_sort3A_224, %select_n3A_221 masked %masked_sort3A : (vector<16xi32>, vector<16xi32>, vector<16xi1>) -> (vector<16xi1>, vector<16xi32>, vector<16xi32>)
          %masked_sort3A_228 = arith.xori %masked_sort3A_226, %masked_sort3A_223 : vector<16xi32>
          %all_reduce_population_count3A = tpu.all_reduce %and3A_215 {dim = 0 : i64, kind = #tpu.reduction_kind<sum>} : vector<16xi1> -> vector<16xi32>
          %all_reduce_ffs3A = tpu.all_reduce %and3A_215 {dim = 0 : i64, kind = #tpu.reduction_kind<find_first_set>} : vector<16xi1> -> vector<16xi32>
          %gt3A = arith.constant 0 : i32
          %gt3A_229 = vector.broadcast %gt3A : i32 to vector<16xi32>
          %gt3A_230 = arith.cmpi sgt, %all_reduce_population_count3A, %gt3A_229 : vector<16xi32>
          %mul3A_231 = arith.constant 16 : i32
          %mul3A_232 = arith.muli %add3A_203, %mul3A_231 : i32
          %add3A_233 = arith.addi %mul3A_232, %mul3A_20 : i32
          %add3A_234 = vector.broadcast %add3A_233 : i32 to vector<16xi32>
          %add3A_235 = arith.addi %add3A_234, %all_reduce_ffs3A : vector<16xi32>
          %select_n3A_236 = arith.select %gt3A_230, %add3A_235, %broadcast_in_dim3A_60 : vector<16xi1>, vector<16xi32>
          %add3A_237 = arith.addi %scan3A_187, %iota3A : vector<16xi32>
          tpu.vector_store_idx %arg6[%add3A_237], %masked_sort3A_228 : memref<48xi32, #tpu.memory_space<vmem>>[vector<16xi32>], vector<16xi32>,
          %lt3A_238 = arith.constant 32 : i32
          %lt3A_239 = vector.broadcast %lt3A_238 : i32 to vector<16xi32>
          %lt3A_240 = arith.cmpi slt, %scan3A_187, %lt3A_239 : vector<16xi32>
          %jit3A_241 = arith.constant 0 : i32
          %broadcast_in_dim3A_242 = vector.broadcast %jit3A_241 : i32 to vector<16xi32>
          %select_n3A_243 = arith.select %lt3A_240, %all_reduce_population_count3A, %broadcast_in_dim3A_242 : vector<16xi1>, vector<16xi32>
          %add3A_244 = arith.addi %scan3A_187, %select_n3A_243 : vector<16xi32>
          %min3A = arith.minsi %scan3A_188, %select_n3A_236 : vector<16xi32>
          %mul3A_245 = arith.constant 16 : i32
          %mul3A_246 = arith.muli %scan3A_186, %mul3A_245 : i32
          %add3A_247 = arith.constant 1 : i32
          %add3A_248 = arith.addi %mul3A_246, %add3A_247 : i32
          %mul3A_249 = arith.constant 16 : i32
          %mul3A_250 = arith.muli %add3A_248, %mul3A_249 : i32
          %get3A_251 = arith.constant 1 : i32
          %get3A_252 = arith.index_cast %get3A_251 : i32 to index
          %get3A_253 = arith.index_cast %mul3A_250 : i32 to index
          %get3A_254 = tpu.vector_load %arg5[%get3A_252, %get3A_253] {strides = array<i32>} : memref<4x4096xf32, #tpu.memory_space<vmem>>, vector<16xf32>,
          %le3A_255 = arith.constant 4.000000e-02 : f32
          %le3A_256 = vector.broadcast %le3A_255 : f32 to vector<16xf32>
          %le3A_257 = arith.cmpf ole, %get3A_254, %le3A_256 : vector<16xf32>
          %lt3A_258 = arith.constant 32 : i32
          %lt3A_259 = vector.broadcast %lt3A_258 : i32 to vector<16xi32>
          %lt3A_260 = arith.cmpi slt, %add3A_244, %lt3A_259 : vector<16xi32>
          %and3A_261 = arith.andi %le3A_257, %lt3A_260 : vector<16xi1>
          %mul3A_262 = arith.constant 16 : i32
          %mul3A_263 = arith.muli %add3A_248, %mul3A_262 : i32
          %add3A_264 = arith.addi %mul3A_263, %mul3A_20 : i32
          %add3A_265 = vector.broadcast %add3A_264 : i32 to vector<16xi32>
          %add3A_266 = arith.addi %iota3A, %add3A_265 : vector<16xi32>
          %select_n3A_267 = arith.select %and3A_261, %add3A_266, %broadcast_in_dim3A_60 : vector<16xi1>, vector<16xi32>
          %masked_sort3A_268 = arith.constant dense<true> : vector<16xi1>
          %masked_sort3A_269 = arith.constant -2147483648 : i32
          %masked_sort3A_270 = vector.broadcast %masked_sort3A_269 : i32 to vector<16xi32>
          %masked_sort3A_271 = arith.xori %select_n3A_267, %masked_sort3A_270 : vector<16xi32>
          %masked_sort3A_272, %masked_sort3A_273, %masked_sort3A_274 = tpu.sort %masked_sort3A_271, %select_n3A_267 masked %masked_sort3A_268 : (vector<16xi32>, vector<16xi32>, vector<16xi1>) -> (vector<16xi1>, vector<16xi32>, vector<16xi32>)
          %masked_sort3A_275 = arith.xori %masked_sort3A_273, %masked_sort3A_270 : vector<16xi32>
          %all_reduce_population_count3A_276 = tpu.all_reduce %and3A_261 {dim = 0 : i64, kind = #tpu.reduction_kind<sum>} : vector<16xi1> -> vector<16xi32>
          %all_reduce_ffs3A_277 = tpu.all_reduce %and3A_261 {dim = 0 : i64, kind = #tpu.reduction_kind<find_first_set>} : vector<16xi1> -> vector<16xi32>
          %gt3A_278 = arith.constant 0 : i32
          %gt3A_279 = vector.broadcast %gt3A_278 : i32 to vector<16xi32>
          %gt3A_280 = arith.cmpi sgt, %all_reduce_population_count3A_276, %gt3A_279 : vector<16xi32>
          %mul3A_281 = arith.constant 16 : i32
          %mul3A_282 = arith.muli %add3A_248, %mul3A_281 : i32
          %add3A_283 = arith.addi %mul3A_282, %mul3A_20 : i32
          %add3A_284 = vector.broadcast %add3A_283 : i32 to vector<16xi32>
          %add3A_285 = arith.addi %add3A_284, %all_reduce_ffs3A_277 : vector<16xi32>
          %select_n3A_286 = arith.select %gt3A_280, %add3A_285, %broadcast_in_dim3A_60 : vector<16xi1>, vector<16xi32>
          %add3A_287 = arith.addi %add3A_244, %iota3A : vector<16xi32>
          tpu.vector_store_idx %arg6[%add3A_287], %masked_sort3A_275 : memref<48xi32, #tpu.memory_space<vmem>>[vector<16xi32>], vector<16xi32>,
          %lt3A_288 = arith.constant 32 : i32
          %lt3A_289 = vector.broadcast %lt3A_288 : i32 to vector<16xi32>
          %lt3A_290 = arith.cmpi slt, %add3A_244, %lt3A_289 : vector<16xi32>
          %jit3A_291 = arith.constant 0 : i32
          %broadcast_in_dim3A_292 = vector.broadcast %jit3A_291 : i32 to vector<16xi32>
          %select_n3A_293 = arith.select %lt3A_290, %all_reduce_population_count3A_276, %broadcast_in_dim3A_292 : vector<16xi1>, vector<16xi32>
          %add3A_294 = arith.addi %add3A_244, %select_n3A_293 : vector<16xi32>
          %min3A_295 = arith.minsi %min3A, %select_n3A_286 : vector<16xi32>
          %mul3A_296 = arith.constant 16 : i32
          %mul3A_297 = arith.muli %scan3A_186, %mul3A_296 : i32
          %add3A_298 = arith.constant 2 : i32
          %add3A_299 = arith.addi %mul3A_297, %add3A_298 : i32
          %mul3A_300 = arith.constant 16 : i32
          %mul3A_301 = arith.muli %add3A_299, %mul3A_300 : i32
          %get3A_302 = arith.constant 1 : i32
          %get3A_303 = arith.index_cast %get3A_302 : i32 to index
          %get3A_304 = arith.index_cast %mul3A_301 : i32 to index
          %get3A_305 = tpu.vector_load %arg5[%get3A_303, %get3A_304] {strides = array<i32>} : memref<4x4096xf32, #tpu.memory_space<vmem>>, vector<16xf32>,
          %le3A_306 = arith.constant 4.000000e-02 : f32
          %le3A_307 = vector.broadcast %le3A_306 : f32 to vector<16xf32>
          %le3A_308 = arith.cmpf ole, %get3A_305, %le3A_307 : vector<16xf32>
          %lt3A_309 = arith.constant 32 : i32
          %lt3A_310 = vector.broadcast %lt3A_309 : i32 to vector<16xi32>
          %lt3A_311 = arith.cmpi slt, %add3A_294, %lt3A_310 : vector<16xi32>
          %and3A_312 = arith.andi %le3A_308, %lt3A_311 : vector<16xi1>
          %mul3A_313 = arith.constant 16 : i32
          %mul3A_314 = arith.muli %add3A_299, %mul3A_313 : i32
          %add3A_315 = arith.addi %mul3A_314, %mul3A_20 : i32
          %add3A_316 = vector.broadcast %add3A_315 : i32 to vector<16xi32>
          %add3A_317 = arith.addi %iota3A, %add3A_316 : vector<16xi32>
          %select_n3A_318 = arith.select %and3A_312, %add3A_317, %broadcast_in_dim3A_60 : vector<16xi1>, vector<16xi32>
          %masked_sort3A_319 = arith.constant dense<true> : vector<16xi1>
          %masked_sort3A_320 = arith.constant -2147483648 : i32
          %masked_sort3A_321 = vector.broadcast %masked_sort3A_320 : i32 to vector<16xi32>
          %masked_sort3A_322 = arith.xori %select_n3A_318, %masked_sort3A_321 : vector<16xi32>
          %masked_sort3A_323, %masked_sort3A_324, %masked_sort3A_325 = tpu.sort %masked_sort3A_322, %select_n3A_318 masked %masked_sort3A_319 : (vector<16xi32>, vector<16xi32>, vector<16xi1>) -> (vector<16xi1>, vector<16xi32>, vector<16xi32>)
          %masked_sort3A_326 = arith.xori %masked_sort3A_324, %masked_sort3A_321 : vector<16xi32>
          %all_reduce_population_count3A_327 = tpu.all_reduce %and3A_312 {dim = 0 : i64, kind = #tpu.reduction_kind<sum>} : vector<16xi1> -> vector<16xi32>
          %all_reduce_ffs3A_328 = tpu.all_reduce %and3A_312 {dim = 0 : i64, kind = #tpu.reduction_kind<find_first_set>} : vector<16xi1> -> vector<16xi32>
          %gt3A_329 = arith.constant 0 : i32
          %gt3A_330 = vector.broadcast %gt3A_329 : i32 to vector<16xi32>
          %gt3A_331 = arith.cmpi sgt, %all_reduce_population_count3A_327, %gt3A_330 : vector<16xi32>
          %mul3A_332 = arith.constant 16 : i32
          %mul3A_333 = arith.muli %add3A_299, %mul3A_332 : i32
          %add3A_334 = arith.addi %mul3A_333, %mul3A_20 : i32
          %add3A_335 = vector.broadcast %add3A_334 : i32 to vector<16xi32>
          %add3A_336 = arith.addi %add3A_335, %all_reduce_ffs3A_328 : vector<16xi32>
          %select_n3A_337 = arith.select %gt3A_331, %add3A_336, %broadcast_in_dim3A_60 : vector<16xi1>, vector<16xi32>
          %add3A_338 = arith.addi %add3A_294, %iota3A : vector<16xi32>
          tpu.vector_store_idx %arg6[%add3A_338], %masked_sort3A_326 : memref<48xi32, #tpu.memory_space<vmem>>[vector<16xi32>], vector<16xi32>,
          %lt3A_339 = arith.constant 32 : i32
          %lt3A_340 = vector.broadcast %lt3A_339 : i32 to vector<16xi32>
          %lt3A_341 = arith.cmpi slt, %add3A_294, %lt3A_340 : vector<16xi32>
          %jit3A_342 = arith.constant 0 : i32
          %broadcast_in_dim3A_343 = vector.broadcast %jit3A_342 : i32 to vector<16xi32>
          %select_n3A_344 = arith.select %lt3A_341, %all_reduce_population_count3A_327, %broadcast_in_dim3A_343 : vector<16xi1>, vector<16xi32>
          %add3A_345 = arith.addi %add3A_294, %select_n3A_344 : vector<16xi32>
          %min3A_346 = arith.minsi %min3A_295, %select_n3A_337 : vector<16xi32>
          %mul3A_347 = arith.constant 16 : i32
          %mul3A_348 = arith.muli %scan3A_186, %mul3A_347 : i32
          %add3A_349 = arith.constant 3 : i32
          %add3A_350 = arith.addi %mul3A_348, %add3A_349 : i32
          %mul3A_351 = arith.constant 16 : i32
          %mul3A_352 = arith.muli %add3A_350, %mul3A_351 : i32
          %get3A_353 = arith.constant 1 : i32
          %get3A_354 = arith.index_cast %get3A_353 : i32 to index
          %get3A_355 = arith.index_cast %mul3A_352 : i32 to index
          %get3A_356 = tpu.vector_load %arg5[%get3A_354, %get3A_355] {strides = array<i32>} : memref<4x4096xf32, #tpu.memory_space<vmem>>, vector<16xf32>,
          %le3A_357 = arith.constant 4.000000e-02 : f32
          %le3A_358 = vector.broadcast %le3A_357 : f32 to vector<16xf32>
          %le3A_359 = arith.cmpf ole, %get3A_356, %le3A_358 : vector<16xf32>
          %lt3A_360 = arith.constant 32 : i32
          %lt3A_361 = vector.broadcast %lt3A_360 : i32 to vector<16xi32>
          %lt3A_362 = arith.cmpi slt, %add3A_345, %lt3A_361 : vector<16xi32>
          %and3A_363 = arith.andi %le3A_359, %lt3A_362 : vector<16xi1>
          %mul3A_364 = arith.constant 16 : i32
          %mul3A_365 = arith.muli %add3A_350, %mul3A_364 : i32
          %add3A_366 = arith.addi %mul3A_365, %mul3A_20 : i32
          %add3A_367 = vector.broadcast %add3A_366 : i32 to vector<16xi32>
          %add3A_368 = arith.addi %iota3A, %add3A_367 : vector<16xi32>
          %select_n3A_369 = arith.select %and3A_363, %add3A_368, %broadcast_in_dim3A_60 : vector<16xi1>, vector<16xi32>
          %masked_sort3A_370 = arith.constant dense<true> : vector<16xi1>
          %masked_sort3A_371 = arith.constant -2147483648 : i32
          %masked_sort3A_372 = vector.broadcast %masked_sort3A_371 : i32 to vector<16xi32>
          %masked_sort3A_373 = arith.xori %select_n3A_369, %masked_sort3A_372 : vector<16xi32>
          %masked_sort3A_374, %masked_sort3A_375, %masked_sort3A_376 = tpu.sort %masked_sort3A_373, %select_n3A_369 masked %masked_sort3A_370 : (vector<16xi32>, vector<16xi32>, vector<16xi1>) -> (vector<16xi1>, vector<16xi32>, vector<16xi32>)
          %masked_sort3A_377 = arith.xori %masked_sort3A_375, %masked_sort3A_372 : vector<16xi32>
          %all_reduce_population_count3A_378 = tpu.all_reduce %and3A_363 {dim = 0 : i64, kind = #tpu.reduction_kind<sum>} : vector<16xi1> -> vector<16xi32>
          %all_reduce_ffs3A_379 = tpu.all_reduce %and3A_363 {dim = 0 : i64, kind = #tpu.reduction_kind<find_first_set>} : vector<16xi1> -> vector<16xi32>
          %gt3A_380 = arith.constant 0 : i32
          %gt3A_381 = vector.broadcast %gt3A_380 : i32 to vector<16xi32>
          %gt3A_382 = arith.cmpi sgt, %all_reduce_population_count3A_378, %gt3A_381 : vector<16xi32>
          %mul3A_383 = arith.constant 16 : i32
          %mul3A_384 = arith.muli %add3A_350, %mul3A_383 : i32
          %add3A_385 = arith.addi %mul3A_384, %mul3A_20 : i32
          %add3A_386 = vector.broadcast %add3A_385 : i32 to vector<16xi32>
          %add3A_387 = arith.addi %add3A_386, %all_reduce_ffs3A_379 : vector<16xi32>
          %select_n3A_388 = arith.select %gt3A_382, %add3A_387, %broadcast_in_dim3A_60 : vector<16xi1>, vector<16xi32>
          %add3A_389 = arith.addi %add3A_345, %iota3A : vector<16xi32>
          tpu.vector_store_idx %arg6[%add3A_389], %masked_sort3A_377 : memref<48xi32, #tpu.memory_space<vmem>>[vector<16xi32>], vector<16xi32>,
          %lt3A_390 = arith.constant 32 : i32
          %lt3A_391 = vector.broadcast %lt3A_390 : i32 to vector<16xi32>
          %lt3A_392 = arith.cmpi slt, %add3A_345, %lt3A_391 : vector<16xi32>
          %jit3A_393 = arith.constant 0 : i32
          %broadcast_in_dim3A_394 = vector.broadcast %jit3A_393 : i32 to vector<16xi32>
          %select_n3A_395 = arith.select %lt3A_392, %all_reduce_population_count3A_378, %broadcast_in_dim3A_394 : vector<16xi1>, vector<16xi32>
          %add3A_396 = arith.addi %add3A_345, %select_n3A_395 : vector<16xi32>
          %min3A_397 = arith.minsi %min3A_346, %select_n3A_388 : vector<16xi32>
          %mul3A_398 = arith.constant 16 : i32
          %mul3A_399 = arith.muli %scan3A_186, %mul3A_398 : i32
          %add3A_400 = arith.constant 4 : i32
          %add3A_401 = arith.addi %mul3A_399, %add3A_400 : i32
          %mul3A_402 = arith.constant 16 : i32
          %mul3A_403 = arith.muli %add3A_401, %mul3A_402 : i32
          %get3A_404 = arith.constant 1 : i32
          %get3A_405 = arith.index_cast %get3A_404 : i32 to index
          %get3A_406 = arith.index_cast %mul3A_403 : i32 to index
          %get3A_407 = tpu.vector_load %arg5[%get3A_405, %get3A_406] {strides = array<i32>} : memref<4x4096xf32, #tpu.memory_space<vmem>>, vector<16xf32>,
          %le3A_408 = arith.constant 4.000000e-02 : f32
          %le3A_409 = vector.broadcast %le3A_408 : f32 to vector<16xf32>
          %le3A_410 = arith.cmpf ole, %get3A_407, %le3A_409 : vector<16xf32>
          %lt3A_411 = arith.constant 32 : i32
          %lt3A_412 = vector.broadcast %lt3A_411 : i32 to vector<16xi32>
          %lt3A_413 = arith.cmpi slt, %add3A_396, %lt3A_412 : vector<16xi32>
          %and3A_414 = arith.andi %le3A_410, %lt3A_413 : vector<16xi1>
          %mul3A_415 = arith.constant 16 : i32
          %mul3A_416 = arith.muli %add3A_401, %mul3A_415 : i32
          %add3A_417 = arith.addi %mul3A_416, %mul3A_20 : i32
          %add3A_418 = vector.broadcast %add3A_417 : i32 to vector<16xi32>
          %add3A_419 = arith.addi %iota3A, %add3A_418 : vector<16xi32>
          %select_n3A_420 = arith.select %and3A_414, %add3A_419, %broadcast_in_dim3A_60 : vector<16xi1>, vector<16xi32>
          %masked_sort3A_421 = arith.constant dense<true> : vector<16xi1>
          %masked_sort3A_422 = arith.constant -2147483648 : i32
          %masked_sort3A_423 = vector.broadcast %masked_sort3A_422 : i32 to vector<16xi32>
          %masked_sort3A_424 = arith.xori %select_n3A_420, %masked_sort3A_423 : vector<16xi32>
          %masked_sort3A_425, %masked_sort3A_426, %masked_sort3A_427 = tpu.sort %masked_sort3A_424, %select_n3A_420 masked %masked_sort3A_421 : (vector<16xi32>, vector<16xi32>, vector<16xi1>) -> (vector<16xi1>, vector<16xi32>, vector<16xi32>)
          %masked_sort3A_428 = arith.xori %masked_sort3A_426, %masked_sort3A_423 : vector<16xi32>
          %all_reduce_population_count3A_429 = tpu.all_reduce %and3A_414 {dim = 0 : i64, kind = #tpu.reduction_kind<sum>} : vector<16xi1> -> vector<16xi32>
          %all_reduce_ffs3A_430 = tpu.all_reduce %and3A_414 {dim = 0 : i64, kind = #tpu.reduction_kind<find_first_set>} : vector<16xi1> -> vector<16xi32>
          %gt3A_431 = arith.constant 0 : i32
          %gt3A_432 = vector.broadcast %gt3A_431 : i32 to vector<16xi32>
          %gt3A_433 = arith.cmpi sgt, %all_reduce_population_count3A_429, %gt3A_432 : vector<16xi32>
          %mul3A_434 = arith.constant 16 : i32
          %mul3A_435 = arith.muli %add3A_401, %mul3A_434 : i32
          %add3A_436 = arith.addi %mul3A_435, %mul3A_20 : i32
          %add3A_437 = vector.broadcast %add3A_436 : i32 to vector<16xi32>
          %add3A_438 = arith.addi %add3A_437, %all_reduce_ffs3A_430 : vector<16xi32>
          %select_n3A_439 = arith.select %gt3A_433, %add3A_438, %broadcast_in_dim3A_60 : vector<16xi1>, vector<16xi32>
          %add3A_440 = arith.addi %add3A_396, %iota3A : vector<16xi32>
          tpu.vector_store_idx %arg6[%add3A_440], %masked_sort3A_428 : memref<48xi32, #tpu.memory_space<vmem>>[vector<16xi32>], vector<16xi32>,
          %lt3A_441 = arith.constant 32 : i32
          %lt3A_442 = vector.broadcast %lt3A_441 : i32 to vector<16xi32>
          %lt3A_443 = arith.cmpi slt, %add3A_396, %lt3A_442 : vector<16xi32>
          %jit3A_444 = arith.constant 0 : i32
          %broadcast_in_dim3A_445 = vector.broadcast %jit3A_444 : i32 to vector<16xi32>
          %select_n3A_446 = arith.select %lt3A_443, %all_reduce_population_count3A_429, %broadcast_in_dim3A_445 : vector<16xi1>, vector<16xi32>
          %add3A_447 = arith.addi %add3A_396, %select_n3A_446 : vector<16xi32>
          %min3A_448 = arith.minsi %min3A_397, %select_n3A_439 : vector<16xi32>
          %mul3A_449 = arith.constant 16 : i32
          %mul3A_450 = arith.muli %scan3A_186, %mul3A_449 : i32
          %add3A_451 = arith.constant 5 : i32
          %add3A_452 = arith.addi %mul3A_450, %add3A_451 : i32
          %mul3A_453 = arith.constant 16 : i32
          %mul3A_454 = arith.muli %add3A_452, %mul3A_453 : i32
          %get3A_455 = arith.constant 1 : i32
          %get3A_456 = arith.index_cast %get3A_455 : i32 to index
          %get3A_457 = arith.index_cast %mul3A_454 : i32 to index
          %get3A_458 = tpu.vector_load %arg5[%get3A_456, %get3A_457] {strides = array<i32>} : memref<4x4096xf32, #tpu.memory_space<vmem>>, vector<16xf32>,
          %le3A_459 = arith.constant 4.000000e-02 : f32
          %le3A_460 = vector.broadcast %le3A_459 : f32 to vector<16xf32>
          %le3A_461 = arith.cmpf ole, %get3A_458, %le3A_460 : vector<16xf32>
          %lt3A_462 = arith.constant 32 : i32
          %lt3A_463 = vector.broadcast %lt3A_462 : i32 to vector<16xi32>
          %lt3A_464 = arith.cmpi slt, %add3A_447, %lt3A_463 : vector<16xi32>
          %and3A_465 = arith.andi %le3A_461, %lt3A_464 : vector<16xi1>
          %mul3A_466 = arith.constant 16 : i32
          %mul3A_467 = arith.muli %add3A_452, %mul3A_466 : i32
          %add3A_468 = arith.addi %mul3A_467, %mul3A_20 : i32
          %add3A_469 = vector.broadcast %add3A_468 : i32 to vector<16xi32>
          %add3A_470 = arith.addi %iota3A, %add3A_469 : vector<16xi32>
          %select_n3A_471 = arith.select %and3A_465, %add3A_470, %broadcast_in_dim3A_60 : vector<16xi1>, vector<16xi32>
          %masked_sort3A_472 = arith.constant dense<true> : vector<16xi1>
          %masked_sort3A_473 = arith.constant -2147483648 : i32
          %masked_sort3A_474 = vector.broadcast %masked_sort3A_473 : i32 to vector<16xi32>
          %masked_sort3A_475 = arith.xori %select_n3A_471, %masked_sort3A_474 : vector<16xi32>
          %masked_sort3A_476, %masked_sort3A_477, %masked_sort3A_478 = tpu.sort %masked_sort3A_475, %select_n3A_471 masked %masked_sort3A_472 : (vector<16xi32>, vector<16xi32>, vector<16xi1>) -> (vector<16xi1>, vector<16xi32>, vector<16xi32>)
          %masked_sort3A_479 = arith.xori %masked_sort3A_477, %masked_sort3A_474 : vector<16xi32>
          %all_reduce_population_count3A_480 = tpu.all_reduce %and3A_465 {dim = 0 : i64, kind = #tpu.reduction_kind<sum>} : vector<16xi1> -> vector<16xi32>
          %all_reduce_ffs3A_481 = tpu.all_reduce %and3A_465 {dim = 0 : i64, kind = #tpu.reduction_kind<find_first_set>} : vector<16xi1> -> vector<16xi32>
          %gt3A_482 = arith.constant 0 : i32
          %gt3A_483 = vector.broadcast %gt3A_482 : i32 to vector<16xi32>
          %gt3A_484 = arith.cmpi sgt, %all_reduce_population_count3A_480, %gt3A_483 : vector<16xi32>
          %mul3A_485 = arith.constant 16 : i32
          %mul3A_486 = arith.muli %add3A_452, %mul3A_485 : i32
          %add3A_487 = arith.addi %mul3A_486, %mul3A_20 : i32
          %add3A_488 = vector.broadcast %add3A_487 : i32 to vector<16xi32>
          %add3A_489 = arith.addi %add3A_488, %all_reduce_ffs3A_481 : vector<16xi32>
          %select_n3A_490 = arith.select %gt3A_484, %add3A_489, %broadcast_in_dim3A_60 : vector<16xi1>, vector<16xi32>
          %add3A_491 = arith.addi %add3A_447, %iota3A : vector<16xi32>
          tpu.vector_store_idx %arg6[%add3A_491], %masked_sort3A_479 : memref<48xi32, #tpu.memory_space<vmem>>[vector<16xi32>], vector<16xi32>,
          %lt3A_492 = arith.constant 32 : i32
          %lt3A_493 = vector.broadcast %lt3A_492 : i32 to vector<16xi32>
          %lt3A_494 = arith.cmpi slt, %add3A_447, %lt3A_493 : vector<16xi32>
          %jit3A_495 = arith.constant 0 : i32
          %broadcast_in_dim3A_496 = vector.broadcast %jit3A_495 : i32 to vector<16xi32>
          %select_n3A_497 = arith.select %lt3A_494, %all_reduce_population_count3A_480, %broadcast_in_dim3A_496 : vector<16xi1>, vector<16xi32>
          %add3A_498 = arith.addi %add3A_447, %select_n3A_497 : vector<16xi32>
          %min3A_499 = arith.minsi %min3A_448, %select_n3A_490 : vector<16xi32>
          %mul3A_500 = arith.constant 16 : i32
          %mul3A_501 = arith.muli %scan3A_186, %mul3A_500 : i32
          %add3A_502 = arith.constant 6 : i32
          %add3A_503 = arith.addi %mul3A_501, %add3A_502 : i32
          %mul3A_504 = arith.constant 16 : i32
          %mul3A_505 = arith.muli %add3A_503, %mul3A_504 : i32
          %get3A_506 = arith.constant 1 : i32
          %get3A_507 = arith.index_cast %get3A_506 : i32 to index
          %get3A_508 = arith.index_cast %mul3A_505 : i32 to index
          %get3A_509 = tpu.vector_load %arg5[%get3A_507, %get3A_508] {strides = array<i32>} : memref<4x4096xf32, #tpu.memory_space<vmem>>, vector<16xf32>,
          %le3A_510 = arith.constant 4.000000e-02 : f32
          %le3A_511 = vector.broadcast %le3A_510 : f32 to vector<16xf32>
          %le3A_512 = arith.cmpf ole, %get3A_509, %le3A_511 : vector<16xf32>
          %lt3A_513 = arith.constant 32 : i32
          %lt3A_514 = vector.broadcast %lt3A_513 : i32 to vector<16xi32>
          %lt3A_515 = arith.cmpi slt, %add3A_498, %lt3A_514 : vector<16xi32>
          %and3A_516 = arith.andi %le3A_512, %lt3A_515 : vector<16xi1>
          %mul3A_517 = arith.constant 16 : i32
          %mul3A_518 = arith.muli %add3A_503, %mul3A_517 : i32
          %add3A_519 = arith.addi %mul3A_518, %mul3A_20 : i32
          %add3A_520 = vector.broadcast %add3A_519 : i32 to vector<16xi32>
          %add3A_521 = arith.addi %iota3A, %add3A_520 : vector<16xi32>
          %select_n3A_522 = arith.select %and3A_516, %add3A_521, %broadcast_in_dim3A_60 : vector<16xi1>, vector<16xi32>
          %masked_sort3A_523 = arith.constant dense<true> : vector<16xi1>
          %masked_sort3A_524 = arith.constant -2147483648 : i32
          %masked_sort3A_525 = vector.broadcast %masked_sort3A_524 : i32 to vector<16xi32>
          %masked_sort3A_526 = arith.xori %select_n3A_522, %masked_sort3A_525 : vector<16xi32>
          %masked_sort3A_527, %masked_sort3A_528, %masked_sort3A_529 = tpu.sort %masked_sort3A_526, %select_n3A_522 masked %masked_sort3A_523 : (vector<16xi32>, vector<16xi32>, vector<16xi1>) -> (vector<16xi1>, vector<16xi32>, vector<16xi32>)
          %masked_sort3A_530 = arith.xori %masked_sort3A_528, %masked_sort3A_525 : vector<16xi32>
          %all_reduce_population_count3A_531 = tpu.all_reduce %and3A_516 {dim = 0 : i64, kind = #tpu.reduction_kind<sum>} : vector<16xi1> -> vector<16xi32>
          %all_reduce_ffs3A_532 = tpu.all_reduce %and3A_516 {dim = 0 : i64, kind = #tpu.reduction_kind<find_first_set>} : vector<16xi1> -> vector<16xi32>
          %gt3A_533 = arith.constant 0 : i32
          %gt3A_534 = vector.broadcast %gt3A_533 : i32 to vector<16xi32>
          %gt3A_535 = arith.cmpi sgt, %all_reduce_population_count3A_531, %gt3A_534 : vector<16xi32>
          %mul3A_536 = arith.constant 16 : i32
          %mul3A_537 = arith.muli %add3A_503, %mul3A_536 : i32
          %add3A_538 = arith.addi %mul3A_537, %mul3A_20 : i32
          %add3A_539 = vector.broadcast %add3A_538 : i32 to vector<16xi32>
          %add3A_540 = arith.addi %add3A_539, %all_reduce_ffs3A_532 : vector<16xi32>
          %select_n3A_541 = arith.select %gt3A_535, %add3A_540, %broadcast_in_dim3A_60 : vector<16xi1>, vector<16xi32>
          %add3A_542 = arith.addi %add3A_498, %iota3A : vector<16xi32>
          tpu.vector_store_idx %arg6[%add3A_542], %masked_sort3A_530 : memref<48xi32, #tpu.memory_space<vmem>>[vector<16xi32>], vector<16xi32>,
          %lt3A_543 = arith.constant 32 : i32
          %lt3A_544 = vector.broadcast %lt3A_543 : i32 to vector<16xi32>
          %lt3A_545 = arith.cmpi slt, %add3A_498, %lt3A_544 : vector<16xi32>
          %jit3A_546 = arith.constant 0 : i32
          %broadcast_in_dim3A_547 = vector.broadcast %jit3A_546 : i32 to vector<16xi32>
          %select_n3A_548 = arith.select %lt3A_545, %all_reduce_population_count3A_531, %broadcast_in_dim3A_547 : vector<16xi1>, vector<16xi32>
          %add3A_549 = arith.addi %add3A_498, %select_n3A_548 : vector<16xi32>
          %min3A_550 = arith.minsi %min3A_499, %select_n3A_541 : vector<16xi32>
          %mul3A_551 = arith.constant 16 : i32
          %mul3A_552 = arith.muli %scan3A_186, %mul3A_551 : i32
          %add3A_553 = arith.constant 7 : i32
          %add3A_554 = arith.addi %mul3A_552, %add3A_553 : i32
          %mul3A_555 = arith.constant 16 : i32
          %mul3A_556 = arith.muli %add3A_554, %mul3A_555 : i32
          %get3A_557 = arith.constant 1 : i32
          %get3A_558 = arith.index_cast %get3A_557 : i32 to index
          %get3A_559 = arith.index_cast %mul3A_556 : i32 to index
          %get3A_560 = tpu.vector_load %arg5[%get3A_558, %get3A_559] {strides = array<i32>} : memref<4x4096xf32, #tpu.memory_space<vmem>>, vector<16xf32>,
          %le3A_561 = arith.constant 4.000000e-02 : f32
          %le3A_562 = vector.broadcast %le3A_561 : f32 to vector<16xf32>
          %le3A_563 = arith.cmpf ole, %get3A_560, %le3A_562 : vector<16xf32>
          %lt3A_564 = arith.constant 32 : i32
          %lt3A_565 = vector.broadcast %lt3A_564 : i32 to vector<16xi32>
          %lt3A_566 = arith.cmpi slt, %add3A_549, %lt3A_565 : vector<16xi32>
          %and3A_567 = arith.andi %le3A_563, %lt3A_566 : vector<16xi1>
          %mul3A_568 = arith.constant 16 : i32
          %mul3A_569 = arith.muli %add3A_554, %mul3A_568 : i32
          %add3A_570 = arith.addi %mul3A_569, %mul3A_20 : i32
          %add3A_571 = vector.broadcast %add3A_570 : i32 to vector<16xi32>
          %add3A_572 = arith.addi %iota3A, %add3A_571 : vector<16xi32>
          %select_n3A_573 = arith.select %and3A_567, %add3A_572, %broadcast_in_dim3A_60 : vector<16xi1>, vector<16xi32>
          %masked_sort3A_574 = arith.constant dense<true> : vector<16xi1>
          %masked_sort3A_575 = arith.constant -2147483648 : i32
          %masked_sort3A_576 = vector.broadcast %masked_sort3A_575 : i32 to vector<16xi32>
          %masked_sort3A_577 = arith.xori %select_n3A_573, %masked_sort3A_576 : vector<16xi32>
          %masked_sort3A_578, %masked_sort3A_579, %masked_sort3A_580 = tpu.sort %masked_sort3A_577, %select_n3A_573 masked %masked_sort3A_574 : (vector<16xi32>, vector<16xi32>, vector<16xi1>) -> (vector<16xi1>, vector<16xi32>, vector<16xi32>)
          %masked_sort3A_581 = arith.xori %masked_sort3A_579, %masked_sort3A_576 : vector<16xi32>
          %all_reduce_population_count3A_582 = tpu.all_reduce %and3A_567 {dim = 0 : i64, kind = #tpu.reduction_kind<sum>} : vector<16xi1> -> vector<16xi32>
          %all_reduce_ffs3A_583 = tpu.all_reduce %and3A_567 {dim = 0 : i64, kind = #tpu.reduction_kind<find_first_set>} : vector<16xi1> -> vector<16xi32>
          %gt3A_584 = arith.constant 0 : i32
          %gt3A_585 = vector.broadcast %gt3A_584 : i32 to vector<16xi32>
          %gt3A_586 = arith.cmpi sgt, %all_reduce_population_count3A_582, %gt3A_585 : vector<16xi32>
          %mul3A_587 = arith.constant 16 : i32
          %mul3A_588 = arith.muli %add3A_554, %mul3A_587 : i32
          %add3A_589 = arith.addi %mul3A_588, %mul3A_20 : i32
          %add3A_590 = vector.broadcast %add3A_589 : i32 to vector<16xi32>
          %add3A_591 = arith.addi %add3A_590, %all_reduce_ffs3A_583 : vector<16xi32>
          %select_n3A_592 = arith.select %gt3A_586, %add3A_591, %broadcast_in_dim3A_60 : vector<16xi1>, vector<16xi32>
          %add3A_593 = arith.addi %add3A_549, %iota3A : vector<16xi32>
          tpu.vector_store_idx %arg6[%add3A_593], %masked_sort3A_581 : memref<48xi32, #tpu.memory_space<vmem>>[vector<16xi32>], vector<16xi32>,
          %lt3A_594 = arith.constant 32 : i32
          %lt3A_595 = vector.broadcast %lt3A_594 : i32 to vector<16xi32>
          %lt3A_596 = arith.cmpi slt, %add3A_549, %lt3A_595 : vector<16xi32>
          %jit3A_597 = arith.constant 0 : i32
          %broadcast_in_dim3A_598 = vector.broadcast %jit3A_597 : i32 to vector<16xi32>
          %select_n3A_599 = arith.select %lt3A_596, %all_reduce_population_count3A_582, %broadcast_in_dim3A_598 : vector<16xi1>, vector<16xi32>
          %add3A_600 = arith.addi %add3A_549, %select_n3A_599 : vector<16xi32>
          %min3A_601 = arith.minsi %min3A_550, %select_n3A_592 : vector<16xi32>
          %mul3A_602 = arith.constant 16 : i32
          %mul3A_603 = arith.muli %scan3A_186, %mul3A_602 : i32
          %add3A_604 = arith.constant 8 : i32
          %add3A_605 = arith.addi %mul3A_603, %add3A_604 : i32
          %mul3A_606 = arith.constant 16 : i32
          %mul3A_607 = arith.muli %add3A_605, %mul3A_606 : i32
          %get3A_608 = arith.constant 1 : i32
          %get3A_609 = arith.index_cast %get3A_608 : i32 to index
          %get3A_610 = arith.index_cast %mul3A_607 : i32 to index
          %get3A_611 = tpu.vector_load %arg5[%get3A_609, %get3A_610] {strides = array<i32>} : memref<4x4096xf32, #tpu.memory_space<vmem>>, vector<16xf32>,
          %le3A_612 = arith.constant 4.000000e-02 : f32
          %le3A_613 = vector.broadcast %le3A_612 : f32 to vector<16xf32>
          %le3A_614 = arith.cmpf ole, %get3A_611, %le3A_613 : vector<16xf32>
          %lt3A_615 = arith.constant 32 : i32
          %lt3A_616 = vector.broadcast %lt3A_615 : i32 to vector<16xi32>
          %lt3A_617 = arith.cmpi slt, %add3A_600, %lt3A_616 : vector<16xi32>
          %and3A_618 = arith.andi %le3A_614, %lt3A_617 : vector<16xi1>
          %mul3A_619 = arith.constant 16 : i32
          %mul3A_620 = arith.muli %add3A_605, %mul3A_619 : i32
          %add3A_621 = arith.addi %mul3A_620, %mul3A_20 : i32
          %add3A_622 = vector.broadcast %add3A_621 : i32 to vector<16xi32>
          %add3A_623 = arith.addi %iota3A, %add3A_622 : vector<16xi32>
          %select_n3A_624 = arith.select %and3A_618, %add3A_623, %broadcast_in_dim3A_60 : vector<16xi1>, vector<16xi32>
          %masked_sort3A_625 = arith.constant dense<true> : vector<16xi1>
          %masked_sort3A_626 = arith.constant -2147483648 : i32
          %masked_sort3A_627 = vector.broadcast %masked_sort3A_626 : i32 to vector<16xi32>
          %masked_sort3A_628 = arith.xori %select_n3A_624, %masked_sort3A_627 : vector<16xi32>
          %masked_sort3A_629, %masked_sort3A_630, %masked_sort3A_631 = tpu.sort %masked_sort3A_628, %select_n3A_624 masked %masked_sort3A_625 : (vector<16xi32>, vector<16xi32>, vector<16xi1>) -> (vector<16xi1>, vector<16xi32>, vector<16xi32>)
          %masked_sort3A_632 = arith.xori %masked_sort3A_630, %masked_sort3A_627 : vector<16xi32>
          %all_reduce_population_count3A_633 = tpu.all_reduce %and3A_618 {dim = 0 : i64, kind = #tpu.reduction_kind<sum>} : vector<16xi1> -> vector<16xi32>
          %all_reduce_ffs3A_634 = tpu.all_reduce %and3A_618 {dim = 0 : i64, kind = #tpu.reduction_kind<find_first_set>} : vector<16xi1> -> vector<16xi32>
          %gt3A_635 = arith.constant 0 : i32
          %gt3A_636 = vector.broadcast %gt3A_635 : i32 to vector<16xi32>
          %gt3A_637 = arith.cmpi sgt, %all_reduce_population_count3A_633, %gt3A_636 : vector<16xi32>
          %mul3A_638 = arith.constant 16 : i32
          %mul3A_639 = arith.muli %add3A_605, %mul3A_638 : i32
          %add3A_640 = arith.addi %mul3A_639, %mul3A_20 : i32
          %add3A_641 = vector.broadcast %add3A_640 : i32 to vector<16xi32>
          %add3A_642 = arith.addi %add3A_641, %all_reduce_ffs3A_634 : vector<16xi32>
          %select_n3A_643 = arith.select %gt3A_637, %add3A_642, %broadcast_in_dim3A_60 : vector<16xi1>, vector<16xi32>
          %add3A_644 = arith.addi %add3A_600, %iota3A : vector<16xi32>
          tpu.vector_store_idx %arg6[%add3A_644], %masked_sort3A_632 : memref<48xi32, #tpu.memory_space<vmem>>[vector<16xi32>], vector<16xi32>,
          %lt3A_645 = arith.constant 32 : i32
          %lt3A_646 = vector.broadcast %lt3A_645 : i32 to vector<16xi32>
          %lt3A_647 = arith.cmpi slt, %add3A_600, %lt3A_646 : vector<16xi32>
          %jit3A_648 = arith.constant 0 : i32
          %broadcast_in_dim3A_649 = vector.broadcast %jit3A_648 : i32 to vector<16xi32>
          %select_n3A_650 = arith.select %lt3A_647, %all_reduce_population_count3A_633, %broadcast_in_dim3A_649 : vector<16xi1>, vector<16xi32>
          %add3A_651 = arith.addi %add3A_600, %select_n3A_650 : vector<16xi32>
          %min3A_652 = arith.minsi %min3A_601, %select_n3A_643 : vector<16xi32>
          %mul3A_653 = arith.constant 16 : i32
          %mul3A_654 = arith.muli %scan3A_186, %mul3A_653 : i32
          %add3A_655 = arith.constant 9 : i32
          %add3A_656 = arith.addi %mul3A_654, %add3A_655 : i32
          %mul3A_657 = arith.constant 16 : i32
          %mul3A_658 = arith.muli %add3A_656, %mul3A_657 : i32
          %get3A_659 = arith.constant 1 : i32
          %get3A_660 = arith.index_cast %get3A_659 : i32 to index
          %get3A_661 = arith.index_cast %mul3A_658 : i32 to index
          %get3A_662 = tpu.vector_load %arg5[%get3A_660, %get3A_661] {strides = array<i32>} : memref<4x4096xf32, #tpu.memory_space<vmem>>, vector<16xf32>,
          %le3A_663 = arith.constant 4.000000e-02 : f32
          %le3A_664 = vector.broadcast %le3A_663 : f32 to vector<16xf32>
          %le3A_665 = arith.cmpf ole, %get3A_662, %le3A_664 : vector<16xf32>
          %lt3A_666 = arith.constant 32 : i32
          %lt3A_667 = vector.broadcast %lt3A_666 : i32 to vector<16xi32>
          %lt3A_668 = arith.cmpi slt, %add3A_651, %lt3A_667 : vector<16xi32>
          %and3A_669 = arith.andi %le3A_665, %lt3A_668 : vector<16xi1>
          %mul3A_670 = arith.constant 16 : i32
          %mul3A_671 = arith.muli %add3A_656, %mul3A_670 : i32
          %add3A_672 = arith.addi %mul3A_671, %mul3A_20 : i32
          %add3A_673 = vector.broadcast %add3A_672 : i32 to vector<16xi32>
          %add3A_674 = arith.addi %iota3A, %add3A_673 : vector<16xi32>
          %select_n3A_675 = arith.select %and3A_669, %add3A_674, %broadcast_in_dim3A_60 : vector<16xi1>, vector<16xi32>
          %masked_sort3A_676 = arith.constant dense<true> : vector<16xi1>
          %masked_sort3A_677 = arith.constant -2147483648 : i32
          %masked_sort3A_678 = vector.broadcast %masked_sort3A_677 : i32 to vector<16xi32>
          %masked_sort3A_679 = arith.xori %select_n3A_675, %masked_sort3A_678 : vector<16xi32>
          %masked_sort3A_680, %masked_sort3A_681, %masked_sort3A_682 = tpu.sort %masked_sort3A_679, %select_n3A_675 masked %masked_sort3A_676 : (vector<16xi32>, vector<16xi32>, vector<16xi1>) -> (vector<16xi1>, vector<16xi32>, vector<16xi32>)
          %masked_sort3A_683 = arith.xori %masked_sort3A_681, %masked_sort3A_678 : vector<16xi32>
          %all_reduce_population_count3A_684 = tpu.all_reduce %and3A_669 {dim = 0 : i64, kind = #tpu.reduction_kind<sum>} : vector<16xi1> -> vector<16xi32>
          %all_reduce_ffs3A_685 = tpu.all_reduce %and3A_669 {dim = 0 : i64, kind = #tpu.reduction_kind<find_first_set>} : vector<16xi1> -> vector<16xi32>
          %gt3A_686 = arith.constant 0 : i32
          %gt3A_687 = vector.broadcast %gt3A_686 : i32 to vector<16xi32>
          %gt3A_688 = arith.cmpi sgt, %all_reduce_population_count3A_684, %gt3A_687 : vector<16xi32>
          %mul3A_689 = arith.constant 16 : i32
          %mul3A_690 = arith.muli %add3A_656, %mul3A_689 : i32
          %add3A_691 = arith.addi %mul3A_690, %mul3A_20 : i32
          %add3A_692 = vector.broadcast %add3A_691 : i32 to vector<16xi32>
          %add3A_693 = arith.addi %add3A_692, %all_reduce_ffs3A_685 : vector<16xi32>
          %select_n3A_694 = arith.select %gt3A_688, %add3A_693, %broadcast_in_dim3A_60 : vector<16xi1>, vector<16xi32>
          %add3A_695 = arith.addi %add3A_651, %iota3A : vector<16xi32>
          tpu.vector_store_idx %arg6[%add3A_695], %masked_sort3A_683 : memref<48xi32, #tpu.memory_space<vmem>>[vector<16xi32>], vector<16xi32>,
          %lt3A_696 = arith.constant 32 : i32
          %lt3A_697 = vector.broadcast %lt3A_696 : i32 to vector<16xi32>
          %lt3A_698 = arith.cmpi slt, %add3A_651, %lt3A_697 : vector<16xi32>
          %jit3A_699 = arith.constant 0 : i32
          %broadcast_in_dim3A_700 = vector.broadcast %jit3A_699 : i32 to vector<16xi32>
          %select_n3A_701 = arith.select %lt3A_698, %all_reduce_population_count3A_684, %broadcast_in_dim3A_700 : vector<16xi1>, vector<16xi32>
          %add3A_702 = arith.addi %add3A_651, %select_n3A_701 : vector<16xi32>
          %min3A_703 = arith.minsi %min3A_652, %select_n3A_694 : vector<16xi32>
          %mul3A_704 = arith.constant 16 : i32
          %mul3A_705 = arith.muli %scan3A_186, %mul3A_704 : i32
          %add3A_706 = arith.constant 10 : i32
          %add3A_707 = arith.addi %mul3A_705, %add3A_706 : i32
          %mul3A_708 = arith.constant 16 : i32
          %mul3A_709 = arith.muli %add3A_707, %mul3A_708 : i32
          %get3A_710 = arith.constant 1 : i32
          %get3A_711 = arith.index_cast %get3A_710 : i32 to index
          %get3A_712 = arith.index_cast %mul3A_709 : i32 to index
          %get3A_713 = tpu.vector_load %arg5[%get3A_711, %get3A_712] {strides = array<i32>} : memref<4x4096xf32, #tpu.memory_space<vmem>>, vector<16xf32>,
          %le3A_714 = arith.constant 4.000000e-02 : f32
          %le3A_715 = vector.broadcast %le3A_714 : f32 to vector<16xf32>
          %le3A_716 = arith.cmpf ole, %get3A_713, %le3A_715 : vector<16xf32>
          %lt3A_717 = arith.constant 32 : i32
          %lt3A_718 = vector.broadcast %lt3A_717 : i32 to vector<16xi32>
          %lt3A_719 = arith.cmpi slt, %add3A_702, %lt3A_718 : vector<16xi32>
          %and3A_720 = arith.andi %le3A_716, %lt3A_719 : vector<16xi1>
          %mul3A_721 = arith.constant 16 : i32
          %mul3A_722 = arith.muli %add3A_707, %mul3A_721 : i32
          %add3A_723 = arith.addi %mul3A_722, %mul3A_20 : i32
          %add3A_724 = vector.broadcast %add3A_723 : i32 to vector<16xi32>
          %add3A_725 = arith.addi %iota3A, %add3A_724 : vector<16xi32>
          %select_n3A_726 = arith.select %and3A_720, %add3A_725, %broadcast_in_dim3A_60 : vector<16xi1>, vector<16xi32>
          %masked_sort3A_727 = arith.constant dense<true> : vector<16xi1>
          %masked_sort3A_728 = arith.constant -2147483648 : i32
          %masked_sort3A_729 = vector.broadcast %masked_sort3A_728 : i32 to vector<16xi32>
          %masked_sort3A_730 = arith.xori %select_n3A_726, %masked_sort3A_729 : vector<16xi32>
          %masked_sort3A_731, %masked_sort3A_732, %masked_sort3A_733 = tpu.sort %masked_sort3A_730, %select_n3A_726 masked %masked_sort3A_727 : (vector<16xi32>, vector<16xi32>, vector<16xi1>) -> (vector<16xi1>, vector<16xi32>, vector<16xi32>)
          %masked_sort3A_734 = arith.xori %masked_sort3A_732, %masked_sort3A_729 : vector<16xi32>
          %all_reduce_population_count3A_735 = tpu.all_reduce %and3A_720 {dim = 0 : i64, kind = #tpu.reduction_kind<sum>} : vector<16xi1> -> vector<16xi32>
          %all_reduce_ffs3A_736 = tpu.all_reduce %and3A_720 {dim = 0 : i64, kind = #tpu.reduction_kind<find_first_set>} : vector<16xi1> -> vector<16xi32>
          %gt3A_737 = arith.constant 0 : i32
          %gt3A_738 = vector.broadcast %gt3A_737 : i32 to vector<16xi32>
          %gt3A_739 = arith.cmpi sgt, %all_reduce_population_count3A_735, %gt3A_738 : vector<16xi32>
          %mul3A_740 = arith.constant 16 : i32
          %mul3A_741 = arith.muli %add3A_707, %mul3A_740 : i32
          %add3A_742 = arith.addi %mul3A_741, %mul3A_20 : i32
          %add3A_743 = vector.broadcast %add3A_742 : i32 to vector<16xi32>
          %add3A_744 = arith.addi %add3A_743, %all_reduce_ffs3A_736 : vector<16xi32>
          %select_n3A_745 = arith.select %gt3A_739, %add3A_744, %broadcast_in_dim3A_60 : vector<16xi1>, vector<16xi32>
          %add3A_746 = arith.addi %add3A_702, %iota3A : vector<16xi32>
          tpu.vector_store_idx %arg6[%add3A_746], %masked_sort3A_734 : memref<48xi32, #tpu.memory_space<vmem>>[vector<16xi32>], vector<16xi32>,
          %lt3A_747 = arith.constant 32 : i32
          %lt3A_748 = vector.broadcast %lt3A_747 : i32 to vector<16xi32>
          %lt3A_749 = arith.cmpi slt, %add3A_702, %lt3A_748 : vector<16xi32>
          %jit3A_750 = arith.constant 0 : i32
          %broadcast_in_dim3A_751 = vector.broadcast %jit3A_750 : i32 to vector<16xi32>
          %select_n3A_752 = arith.select %lt3A_749, %all_reduce_population_count3A_735, %broadcast_in_dim3A_751 : vector<16xi1>, vector<16xi32>
          %add3A_753 = arith.addi %add3A_702, %select_n3A_752 : vector<16xi32>
          %min3A_754 = arith.minsi %min3A_703, %select_n3A_745 : vector<16xi32>
          %mul3A_755 = arith.constant 16 : i32
          %mul3A_756 = arith.muli %scan3A_186, %mul3A_755 : i32
          %add3A_757 = arith.constant 11 : i32
          %add3A_758 = arith.addi %mul3A_756, %add3A_757 : i32
          %mul3A_759 = arith.constant 16 : i32
          %mul3A_760 = arith.muli %add3A_758, %mul3A_759 : i32
          %get3A_761 = arith.constant 1 : i32
          %get3A_762 = arith.index_cast %get3A_761 : i32 to index
          %get3A_763 = arith.index_cast %mul3A_760 : i32 to index
          %get3A_764 = tpu.vector_load %arg5[%get3A_762, %get3A_763] {strides = array<i32>} : memref<4x4096xf32, #tpu.memory_space<vmem>>, vector<16xf32>,
          %le3A_765 = arith.constant 4.000000e-02 : f32
          %le3A_766 = vector.broadcast %le3A_765 : f32 to vector<16xf32>
          %le3A_767 = arith.cmpf ole, %get3A_764, %le3A_766 : vector<16xf32>
          %lt3A_768 = arith.constant 32 : i32
          %lt3A_769 = vector.broadcast %lt3A_768 : i32 to vector<16xi32>
          %lt3A_770 = arith.cmpi slt, %add3A_753, %lt3A_769 : vector<16xi32>
          %and3A_771 = arith.andi %le3A_767, %lt3A_770 : vector<16xi1>
          %mul3A_772 = arith.constant 16 : i32
          %mul3A_773 = arith.muli %add3A_758, %mul3A_772 : i32
          %add3A_774 = arith.addi %mul3A_773, %mul3A_20 : i32
          %add3A_775 = vector.broadcast %add3A_774 : i32 to vector<16xi32>
          %add3A_776 = arith.addi %iota3A, %add3A_775 : vector<16xi32>
          %select_n3A_777 = arith.select %and3A_771, %add3A_776, %broadcast_in_dim3A_60 : vector<16xi1>, vector<16xi32>
          %masked_sort3A_778 = arith.constant dense<true> : vector<16xi1>
          %masked_sort3A_779 = arith.constant -2147483648 : i32
          %masked_sort3A_780 = vector.broadcast %masked_sort3A_779 : i32 to vector<16xi32>
          %masked_sort3A_781 = arith.xori %select_n3A_777, %masked_sort3A_780 : vector<16xi32>
          %masked_sort3A_782, %masked_sort3A_783, %masked_sort3A_784 = tpu.sort %masked_sort3A_781, %select_n3A_777 masked %masked_sort3A_778 : (vector<16xi32>, vector<16xi32>, vector<16xi1>) -> (vector<16xi1>, vector<16xi32>, vector<16xi32>)
          %masked_sort3A_785 = arith.xori %masked_sort3A_783, %masked_sort3A_780 : vector<16xi32>
          %all_reduce_population_count3A_786 = tpu.all_reduce %and3A_771 {dim = 0 : i64, kind = #tpu.reduction_kind<sum>} : vector<16xi1> -> vector<16xi32>
          %all_reduce_ffs3A_787 = tpu.all_reduce %and3A_771 {dim = 0 : i64, kind = #tpu.reduction_kind<find_first_set>} : vector<16xi1> -> vector<16xi32>
          %gt3A_788 = arith.constant 0 : i32
          %gt3A_789 = vector.broadcast %gt3A_788 : i32 to vector<16xi32>
          %gt3A_790 = arith.cmpi sgt, %all_reduce_population_count3A_786, %gt3A_789 : vector<16xi32>
          %mul3A_791 = arith.constant 16 : i32
          %mul3A_792 = arith.muli %add3A_758, %mul3A_791 : i32
          %add3A_793 = arith.addi %mul3A_792, %mul3A_20 : i32
          %add3A_794 = vector.broadcast %add3A_793 : i32 to vector<16xi32>
          %add3A_795 = arith.addi %add3A_794, %all_reduce_ffs3A_787 : vector<16xi32>
          %select_n3A_796 = arith.select %gt3A_790, %add3A_795, %broadcast_in_dim3A_60 : vector<16xi1>, vector<16xi32>
          %add3A_797 = arith.addi %add3A_753, %iota3A : vector<16xi32>
          tpu.vector_store_idx %arg6[%add3A_797], %masked_sort3A_785 : memref<48xi32, #tpu.memory_space<vmem>>[vector<16xi32>], vector<16xi32>,
          %lt3A_798 = arith.constant 32 : i32
          %lt3A_799 = vector.broadcast %lt3A_798 : i32 to vector<16xi32>
          %lt3A_800 = arith.cmpi slt, %add3A_753, %lt3A_799 : vector<16xi32>
          %jit3A_801 = arith.constant 0 : i32
          %broadcast_in_dim3A_802 = vector.broadcast %jit3A_801 : i32 to vector<16xi32>
          %select_n3A_803 = arith.select %lt3A_800, %all_reduce_population_count3A_786, %broadcast_in_dim3A_802 : vector<16xi1>, vector<16xi32>
          %add3A_804 = arith.addi %add3A_753, %select_n3A_803 : vector<16xi32>
          %min3A_805 = arith.minsi %min3A_754, %select_n3A_796 : vector<16xi32>
          %mul3A_806 = arith.constant 16 : i32
          %mul3A_807 = arith.muli %scan3A_186, %mul3A_806 : i32
          %add3A_808 = arith.constant 12 : i32
          %add3A_809 = arith.addi %mul3A_807, %add3A_808 : i32
          %mul3A_810 = arith.constant 16 : i32
          %mul3A_811 = arith.muli %add3A_809, %mul3A_810 : i32
          %get3A_812 = arith.constant 1 : i32
          %get3A_813 = arith.index_cast %get3A_812 : i32 to index
          %get3A_814 = arith.index_cast %mul3A_811 : i32 to index
          %get3A_815 = tpu.vector_load %arg5[%get3A_813, %get3A_814] {strides = array<i32>} : memref<4x4096xf32, #tpu.memory_space<vmem>>, vector<16xf32>,
          %le3A_816 = arith.constant 4.000000e-02 : f32
          %le3A_817 = vector.broadcast %le3A_816 : f32 to vector<16xf32>
          %le3A_818 = arith.cmpf ole, %get3A_815, %le3A_817 : vector<16xf32>
          %lt3A_819 = arith.constant 32 : i32
          %lt3A_820 = vector.broadcast %lt3A_819 : i32 to vector<16xi32>
          %lt3A_821 = arith.cmpi slt, %add3A_804, %lt3A_820 : vector<16xi32>
          %and3A_822 = arith.andi %le3A_818, %lt3A_821 : vector<16xi1>
          %mul3A_823 = arith.constant 16 : i32
          %mul3A_824 = arith.muli %add3A_809, %mul3A_823 : i32
          %add3A_825 = arith.addi %mul3A_824, %mul3A_20 : i32
          %add3A_826 = vector.broadcast %add3A_825 : i32 to vector<16xi32>
          %add3A_827 = arith.addi %iota3A, %add3A_826 : vector<16xi32>
          %select_n3A_828 = arith.select %and3A_822, %add3A_827, %broadcast_in_dim3A_60 : vector<16xi1>, vector<16xi32>
          %masked_sort3A_829 = arith.constant dense<true> : vector<16xi1>
          %masked_sort3A_830 = arith.constant -2147483648 : i32
          %masked_sort3A_831 = vector.broadcast %masked_sort3A_830 : i32 to vector<16xi32>
          %masked_sort3A_832 = arith.xori %select_n3A_828, %masked_sort3A_831 : vector<16xi32>
          %masked_sort3A_833, %masked_sort3A_834, %masked_sort3A_835 = tpu.sort %masked_sort3A_832, %select_n3A_828 masked %masked_sort3A_829 : (vector<16xi32>, vector<16xi32>, vector<16xi1>) -> (vector<16xi1>, vector<16xi32>, vector<16xi32>)
          %masked_sort3A_836 = arith.xori %masked_sort3A_834, %masked_sort3A_831 : vector<16xi32>
          %all_reduce_population_count3A_837 = tpu.all_reduce %and3A_822 {dim = 0 : i64, kind = #tpu.reduction_kind<sum>} : vector<16xi1> -> vector<16xi32>
          %all_reduce_ffs3A_838 = tpu.all_reduce %and3A_822 {dim = 0 : i64, kind = #tpu.reduction_kind<find_first_set>} : vector<16xi1> -> vector<16xi32>
          %gt3A_839 = arith.constant 0 : i32
          %gt3A_840 = vector.broadcast %gt3A_839 : i32 to vector<16xi32>
          %gt3A_841 = arith.cmpi sgt, %all_reduce_population_count3A_837, %gt3A_840 : vector<16xi32>
          %mul3A_842 = arith.constant 16 : i32
          %mul3A_843 = arith.muli %add3A_809, %mul3A_842 : i32
          %add3A_844 = arith.addi %mul3A_843, %mul3A_20 : i32
          %add3A_845 = vector.broadcast %add3A_844 : i32 to vector<16xi32>
          %add3A_846 = arith.addi %add3A_845, %all_reduce_ffs3A_838 : vector<16xi32>
          %select_n3A_847 = arith.select %gt3A_841, %add3A_846, %broadcast_in_dim3A_60 : vector<16xi1>, vector<16xi32>
          %add3A_848 = arith.addi %add3A_804, %iota3A : vector<16xi32>
          tpu.vector_store_idx %arg6[%add3A_848], %masked_sort3A_836 : memref<48xi32, #tpu.memory_space<vmem>>[vector<16xi32>], vector<16xi32>,
          %lt3A_849 = arith.constant 32 : i32
          %lt3A_850 = vector.broadcast %lt3A_849 : i32 to vector<16xi32>
          %lt3A_851 = arith.cmpi slt, %add3A_804, %lt3A_850 : vector<16xi32>
          %jit3A_852 = arith.constant 0 : i32
          %broadcast_in_dim3A_853 = vector.broadcast %jit3A_852 : i32 to vector<16xi32>
          %select_n3A_854 = arith.select %lt3A_851, %all_reduce_population_count3A_837, %broadcast_in_dim3A_853 : vector<16xi1>, vector<16xi32>
          %add3A_855 = arith.addi %add3A_804, %select_n3A_854 : vector<16xi32>
          %min3A_856 = arith.minsi %min3A_805, %select_n3A_847 : vector<16xi32>
          %mul3A_857 = arith.constant 16 : i32
          %mul3A_858 = arith.muli %scan3A_186, %mul3A_857 : i32
          %add3A_859 = arith.constant 13 : i32
          %add3A_860 = arith.addi %mul3A_858, %add3A_859 : i32
          %mul3A_861 = arith.constant 16 : i32
          %mul3A_862 = arith.muli %add3A_860, %mul3A_861 : i32
          %get3A_863 = arith.constant 1 : i32
          %get3A_864 = arith.index_cast %get3A_863 : i32 to index
          %get3A_865 = arith.index_cast %mul3A_862 : i32 to index
          %get3A_866 = tpu.vector_load %arg5[%get3A_864, %get3A_865] {strides = array<i32>} : memref<4x4096xf32, #tpu.memory_space<vmem>>, vector<16xf32>,
          %le3A_867 = arith.constant 4.000000e-02 : f32
          %le3A_868 = vector.broadcast %le3A_867 : f32 to vector<16xf32>
          %le3A_869 = arith.cmpf ole, %get3A_866, %le3A_868 : vector<16xf32>
          %lt3A_870 = arith.constant 32 : i32
          %lt3A_871 = vector.broadcast %lt3A_870 : i32 to vector<16xi32>
          %lt3A_872 = arith.cmpi slt, %add3A_855, %lt3A_871 : vector<16xi32>
          %and3A_873 = arith.andi %le3A_869, %lt3A_872 : vector<16xi1>
          %mul3A_874 = arith.constant 16 : i32
          %mul3A_875 = arith.muli %add3A_860, %mul3A_874 : i32
          %add3A_876 = arith.addi %mul3A_875, %mul3A_20 : i32
          %add3A_877 = vector.broadcast %add3A_876 : i32 to vector<16xi32>
          %add3A_878 = arith.addi %iota3A, %add3A_877 : vector<16xi32>
          %select_n3A_879 = arith.select %and3A_873, %add3A_878, %broadcast_in_dim3A_60 : vector<16xi1>, vector<16xi32>
          %masked_sort3A_880 = arith.constant dense<true> : vector<16xi1>
          %masked_sort3A_881 = arith.constant -2147483648 : i32
          %masked_sort3A_882 = vector.broadcast %masked_sort3A_881 : i32 to vector<16xi32>
          %masked_sort3A_883 = arith.xori %select_n3A_879, %masked_sort3A_882 : vector<16xi32>
          %masked_sort3A_884, %masked_sort3A_885, %masked_sort3A_886 = tpu.sort %masked_sort3A_883, %select_n3A_879 masked %masked_sort3A_880 : (vector<16xi32>, vector<16xi32>, vector<16xi1>) -> (vector<16xi1>, vector<16xi32>, vector<16xi32>)
          %masked_sort3A_887 = arith.xori %masked_sort3A_885, %masked_sort3A_882 : vector<16xi32>
          %all_reduce_population_count3A_888 = tpu.all_reduce %and3A_873 {dim = 0 : i64, kind = #tpu.reduction_kind<sum>} : vector<16xi1> -> vector<16xi32>
          %all_reduce_ffs3A_889 = tpu.all_reduce %and3A_873 {dim = 0 : i64, kind = #tpu.reduction_kind<find_first_set>} : vector<16xi1> -> vector<16xi32>
          %gt3A_890 = arith.constant 0 : i32
          %gt3A_891 = vector.broadcast %gt3A_890 : i32 to vector<16xi32>
          %gt3A_892 = arith.cmpi sgt, %all_reduce_population_count3A_888, %gt3A_891 : vector<16xi32>
          %mul3A_893 = arith.constant 16 : i32
          %mul3A_894 = arith.muli %add3A_860, %mul3A_893 : i32
          %add3A_895 = arith.addi %mul3A_894, %mul3A_20 : i32
          %add3A_896 = vector.broadcast %add3A_895 : i32 to vector<16xi32>
          %add3A_897 = arith.addi %add3A_896, %all_reduce_ffs3A_889 : vector<16xi32>
          %select_n3A_898 = arith.select %gt3A_892, %add3A_897, %broadcast_in_dim3A_60 : vector<16xi1>, vector<16xi32>
          %add3A_899 = arith.addi %add3A_855, %iota3A : vector<16xi32>
          tpu.vector_store_idx %arg6[%add3A_899], %masked_sort3A_887 : memref<48xi32, #tpu.memory_space<vmem>>[vector<16xi32>], vector<16xi32>,
          %lt3A_900 = arith.constant 32 : i32
          %lt3A_901 = vector.broadcast %lt3A_900 : i32 to vector<16xi32>
          %lt3A_902 = arith.cmpi slt, %add3A_855, %lt3A_901 : vector<16xi32>
          %jit3A_903 = arith.constant 0 : i32
          %broadcast_in_dim3A_904 = vector.broadcast %jit3A_903 : i32 to vector<16xi32>
          %select_n3A_905 = arith.select %lt3A_902, %all_reduce_population_count3A_888, %broadcast_in_dim3A_904 : vector<16xi1>, vector<16xi32>
          %add3A_906 = arith.addi %add3A_855, %select_n3A_905 : vector<16xi32>
          %min3A_907 = arith.minsi %min3A_856, %select_n3A_898 : vector<16xi32>
          %mul3A_908 = arith.constant 16 : i32
          %mul3A_909 = arith.muli %scan3A_186, %mul3A_908 : i32
          %add3A_910 = arith.constant 14 : i32
          %add3A_911 = arith.addi %mul3A_909, %add3A_910 : i32
          %mul3A_912 = arith.constant 16 : i32
          %mul3A_913 = arith.muli %add3A_911, %mul3A_912 : i32
          %get3A_914 = arith.constant 1 : i32
          %get3A_915 = arith.index_cast %get3A_914 : i32 to index
          %get3A_916 = arith.index_cast %mul3A_913 : i32 to index
          %get3A_917 = tpu.vector_load %arg5[%get3A_915, %get3A_916] {strides = array<i32>} : memref<4x4096xf32, #tpu.memory_space<vmem>>, vector<16xf32>,
          %le3A_918 = arith.constant 4.000000e-02 : f32
          %le3A_919 = vector.broadcast %le3A_918 : f32 to vector<16xf32>
          %le3A_920 = arith.cmpf ole, %get3A_917, %le3A_919 : vector<16xf32>
          %lt3A_921 = arith.constant 32 : i32
          %lt3A_922 = vector.broadcast %lt3A_921 : i32 to vector<16xi32>
          %lt3A_923 = arith.cmpi slt, %add3A_906, %lt3A_922 : vector<16xi32>
          %and3A_924 = arith.andi %le3A_920, %lt3A_923 : vector<16xi1>
          %mul3A_925 = arith.constant 16 : i32
          %mul3A_926 = arith.muli %add3A_911, %mul3A_925 : i32
          %add3A_927 = arith.addi %mul3A_926, %mul3A_20 : i32
          %add3A_928 = vector.broadcast %add3A_927 : i32 to vector<16xi32>
          %add3A_929 = arith.addi %iota3A, %add3A_928 : vector<16xi32>
          %select_n3A_930 = arith.select %and3A_924, %add3A_929, %broadcast_in_dim3A_60 : vector<16xi1>, vector<16xi32>
          %masked_sort3A_931 = arith.constant dense<true> : vector<16xi1>
          %masked_sort3A_932 = arith.constant -2147483648 : i32
          %masked_sort3A_933 = vector.broadcast %masked_sort3A_932 : i32 to vector<16xi32>
          %masked_sort3A_934 = arith.xori %select_n3A_930, %masked_sort3A_933 : vector<16xi32>
          %masked_sort3A_935, %masked_sort3A_936, %masked_sort3A_937 = tpu.sort %masked_sort3A_934, %select_n3A_930 masked %masked_sort3A_931 : (vector<16xi32>, vector<16xi32>, vector<16xi1>) -> (vector<16xi1>, vector<16xi32>, vector<16xi32>)
          %masked_sort3A_938 = arith.xori %masked_sort3A_936, %masked_sort3A_933 : vector<16xi32>
          %all_reduce_population_count3A_939 = tpu.all_reduce %and3A_924 {dim = 0 : i64, kind = #tpu.reduction_kind<sum>} : vector<16xi1> -> vector<16xi32>
          %all_reduce_ffs3A_940 = tpu.all_reduce %and3A_924 {dim = 0 : i64, kind = #tpu.reduction_kind<find_first_set>} : vector<16xi1> -> vector<16xi32>
          %gt3A_941 = arith.constant 0 : i32
          %gt3A_942 = vector.broadcast %gt3A_941 : i32 to vector<16xi32>
          %gt3A_943 = arith.cmpi sgt, %all_reduce_population_count3A_939, %gt3A_942 : vector<16xi32>
          %mul3A_944 = arith.constant 16 : i32
          %mul3A_945 = arith.muli %add3A_911, %mul3A_944 : i32
          %add3A_946 = arith.addi %mul3A_945, %mul3A_20 : i32
          %add3A_947 = vector.broadcast %add3A_946 : i32 to vector<16xi32>
          %add3A_948 = arith.addi %add3A_947, %all_reduce_ffs3A_940 : vector<16xi32>
          %select_n3A_949 = arith.select %gt3A_943, %add3A_948, %broadcast_in_dim3A_60 : vector<16xi1>, vector<16xi32>
          %add3A_950 = arith.addi %add3A_906, %iota3A : vector<16xi32>
          tpu.vector_store_idx %arg6[%add3A_950], %masked_sort3A_938 : memref<48xi32, #tpu.memory_space<vmem>>[vector<16xi32>], vector<16xi32>,
          %lt3A_951 = arith.constant 32 : i32
          %lt3A_952 = vector.broadcast %lt3A_951 : i32 to vector<16xi32>
          %lt3A_953 = arith.cmpi slt, %add3A_906, %lt3A_952 : vector<16xi32>
          %jit3A_954 = arith.constant 0 : i32
          %broadcast_in_dim3A_955 = vector.broadcast %jit3A_954 : i32 to vector<16xi32>
          %select_n3A_956 = arith.select %lt3A_953, %all_reduce_population_count3A_939, %broadcast_in_dim3A_955 : vector<16xi1>, vector<16xi32>
          %add3A_957 = arith.addi %add3A_906, %select_n3A_956 : vector<16xi32>
          %min3A_958 = arith.minsi %min3A_907, %select_n3A_949 : vector<16xi32>
          %mul3A_959 = arith.constant 16 : i32
          %mul3A_960 = arith.muli %scan3A_186, %mul3A_959 : i32
          %add3A_961 = arith.constant 15 : i32
          %add3A_962 = arith.addi %mul3A_960, %add3A_961 : i32
          %mul3A_963 = arith.constant 16 : i32
          %mul3A_964 = arith.muli %add3A_962, %mul3A_963 : i32
          %get3A_965 = arith.constant 1 : i32
          %get3A_966 = arith.index_cast %get3A_965 : i32 to index
          %get3A_967 = arith.index_cast %mul3A_964 : i32 to index
          %get3A_968 = tpu.vector_load %arg5[%get3A_966, %get3A_967] {strides = array<i32>} : memref<4x4096xf32, #tpu.memory_space<vmem>>, vector<16xf32>,
          %le3A_969 = arith.constant 4.000000e-02 : f32
          %le3A_970 = vector.broadcast %le3A_969 : f32 to vector<16xf32>
          %le3A_971 = arith.cmpf ole, %get3A_968, %le3A_970 : vector<16xf32>
          %lt3A_972 = arith.constant 32 : i32
          %lt3A_973 = vector.broadcast %lt3A_972 : i32 to vector<16xi32>
          %lt3A_974 = arith.cmpi slt, %add3A_957, %lt3A_973 : vector<16xi32>
          %and3A_975 = arith.andi %le3A_971, %lt3A_974 : vector<16xi1>
          %mul3A_976 = arith.constant 16 : i32
          %mul3A_977 = arith.muli %add3A_962, %mul3A_976 : i32
          %add3A_978 = arith.addi %mul3A_977, %mul3A_20 : i32
          %add3A_979 = vector.broadcast %add3A_978 : i32 to vector<16xi32>
          %add3A_980 = arith.addi %iota3A, %add3A_979 : vector<16xi32>
          %select_n3A_981 = arith.select %and3A_975, %add3A_980, %broadcast_in_dim3A_60 : vector<16xi1>, vector<16xi32>
          %masked_sort3A_982 = arith.constant dense<true> : vector<16xi1>
          %masked_sort3A_983 = arith.constant -2147483648 : i32
          %masked_sort3A_984 = vector.broadcast %masked_sort3A_983 : i32 to vector<16xi32>
          %masked_sort3A_985 = arith.xori %select_n3A_981, %masked_sort3A_984 : vector<16xi32>
          %masked_sort3A_986, %masked_sort3A_987, %masked_sort3A_988 = tpu.sort %masked_sort3A_985, %select_n3A_981 masked %masked_sort3A_982 : (vector<16xi32>, vector<16xi32>, vector<16xi1>) -> (vector<16xi1>, vector<16xi32>, vector<16xi32>)
          %masked_sort3A_989 = arith.xori %masked_sort3A_987, %masked_sort3A_984 : vector<16xi32>
          %all_reduce_population_count3A_990 = tpu.all_reduce %and3A_975 {dim = 0 : i64, kind = #tpu.reduction_kind<sum>} : vector<16xi1> -> vector<16xi32>
          %all_reduce_ffs3A_991 = tpu.all_reduce %and3A_975 {dim = 0 : i64, kind = #tpu.reduction_kind<find_first_set>} : vector<16xi1> -> vector<16xi32>
          %gt3A_992 = arith.constant 0 : i32
          %gt3A_993 = vector.broadcast %gt3A_992 : i32 to vector<16xi32>
          %gt3A_994 = arith.cmpi sgt, %all_reduce_population_count3A_990, %gt3A_993 : vector<16xi32>
          %mul3A_995 = arith.constant 16 : i32
          %mul3A_996 = arith.muli %add3A_962, %mul3A_995 : i32
          %add3A_997 = arith.addi %mul3A_996, %mul3A_20 : i32
          %add3A_998 = vector.broadcast %add3A_997 : i32 to vector<16xi32>
          %add3A_999 = arith.addi %add3A_998, %all_reduce_ffs3A_991 : vector<16xi32>
          %select_n3A_1000 = arith.select %gt3A_994, %add3A_999, %broadcast_in_dim3A_60 : vector<16xi1>, vector<16xi32>
          %add3A_1001 = arith.addi %add3A_957, %iota3A : vector<16xi32>
          tpu.vector_store_idx %arg6[%add3A_1001], %masked_sort3A_989 : memref<48xi32, #tpu.memory_space<vmem>>[vector<16xi32>], vector<16xi32>,
          %lt3A_1002 = arith.constant 32 : i32
          %lt3A_1003 = vector.broadcast %lt3A_1002 : i32 to vector<16xi32>
          %lt3A_1004 = arith.cmpi slt, %add3A_957, %lt3A_1003 : vector<16xi32>
          %jit3A_1005 = arith.constant 0 : i32
          %broadcast_in_dim3A_1006 = vector.broadcast %jit3A_1005 : i32 to vector<16xi32>
          %select_n3A_1007 = arith.select %lt3A_1004, %all_reduce_population_count3A_990, %broadcast_in_dim3A_1006 : vector<16xi1>, vector<16xi32>
          %add3A_1008 = arith.addi %add3A_957, %select_n3A_1007 : vector<16xi32>
          %min3A_1009 = arith.minsi %min3A_958, %select_n3A_1000 : vector<16xi32>
          scf.yield %add3A_1008, %min3A_1009 : vector<16xi32>, vector<16xi32>
        } else {
          scf.yield %scan3A_187, %scan3A_188 : vector<16xi32>, vector<16xi32>
        }
        scf.yield %cond3A_199#0, %cond3A_199#1 : vector<16xi32>, vector<16xi32>
      }
      %scan3A_68 = arith.constant 16 : i32
      %get3A_69 = arith.constant 0 : index
      %get3A_70 = tpu.vector_load %arg6[%get3A_69] {strides = array<i32>} : memref<48xi32, #tpu.memory_space<vmem>>, vector<16xi32>,
      %add3A_71 = arith.constant 0 : i32
      %add3A_72 = vector.broadcast %add3A_71 : i32 to vector<16xi32>
      %add3A_73 = arith.addi %iota3A, %add3A_72 : vector<16xi32>
      %lt3A_74 = arith.cmpi slt, %add3A_73, %scan3A_67#0 : vector<16xi32>
      %select_n3A_75 = arith.select %lt3A_74, %get3A_70, %scan3A_67#1 : vector<16xi1>, vector<16xi32>
      %swap3A_76 = arith.constant 0 : index
      %swap3A_77 = tpu.vector_load %arg8[%swap3A_76] {strides = array<i32>} : memref<32xi32, #tpu.memory_space<vmem>>, vector<16xi32>,
      tpu.vector_store %arg8[%swap3A_76], %select_n3A_75 {strides = array<i32>} : memref<32xi32, #tpu.memory_space<vmem>>, vector<16xi32>,
      %get3A_78 = arith.constant 16 : index
      %get3A_79 = tpu.vector_load %arg6[%get3A_78] {strides = array<i32>} : memref<48xi32, #tpu.memory_space<vmem>>, vector<16xi32>,
      %add3A_80 = arith.constant 16 : i32
      %add3A_81 = vector.broadcast %add3A_80 : i32 to vector<16xi32>
      %add3A_82 = arith.addi %iota3A, %add3A_81 : vector<16xi32>
      %lt3A_83 = arith.cmpi slt, %add3A_82, %scan3A_67#0 : vector<16xi32>
      %select_n3A_84 = arith.select %lt3A_83, %get3A_79, %scan3A_67#1 : vector<16xi1>, vector<16xi32>
      %swap3A_85 = arith.constant 16 : index
      %swap3A_86 = tpu.vector_load %arg8[%swap3A_85] {strides = array<i32>} : memref<32xi32, #tpu.memory_space<vmem>>, vector<16xi32>,
      tpu.vector_store %arg8[%swap3A_85], %select_n3A_84 {strides = array<i32>} : memref<32xi32, #tpu.memory_space<vmem>>, vector<16xi32>,
      %dma_start3A_87 = arith.constant 32 : i32
      %dma_start3A_88 = arith.constant 0 : i32
      %dma_start3A_89 = tpu.memref_slice %arg11[%dma_start3A_87, %dma_start3A_88] : memref<128x128xf32, #tpu.memory_space<vmem>> -> memref<32x128xf32, #tpu.memory_space<vmem>>
      %dma_start3A_90 = arith.constant 0 : i32
      %dma_start3A_91 = arith.constant 0 : i32
      %dma_start3A_92 = tpu.memref_slice %arg3[%dma_start3A_90, %dma_start3A_91] : memref<32768x128xf32, #tpu.memory_space<hbm>> -> memref<32768x128xf32, #tpu.memory_space<hbm>>
      tpu.enqueue_indirect_dma source(%dma_start3A_92 : memref<32768x128xf32, #tpu.memory_space<hbm>>) target(%dma_start3A_89 : memref<32x128xf32, #tpu.memory_space<vmem>>) offsets(%arg8 : memref<32xi32, #tpu.memory_space<vmem>>) semaphore(%arg12 : memref<!tpu.dma_semaphore, #tpu.memory_space<semaphore_mem>>)
      %broadcast_in_dim3A_93 = arith.constant 1073741824 : i32
      %broadcast_in_dim3A_94 = vector.broadcast %broadcast_in_dim3A_93 : i32 to vector<16xi32>
      %broadcast_in_dim3A_95 = arith.constant 0 : i32
      %broadcast_in_dim3A_96 = vector.broadcast %broadcast_in_dim3A_95 : i32 to vector<16xi32>
      %scan3A_97 = arith.constant 0 : i32
      %scan3A_98 = arith.constant 16 : i32
      %scan3A_99 = arith.addi %scan3A_97, %scan3A_98 : i32
      %scan3A_100 = arith.constant 1 : i32
      %scan3A_101:2 = scf.for %scan3A_186 = %scan3A_97 to %scan3A_99 step %scan3A_100 iter_args(%scan3A_187 = %broadcast_in_dim3A_96, %scan3A_188 = %broadcast_in_dim3A_94) -> (vector<16xi32>, vector<16xi32>)  : i32 {
        %reduce_max3A = arith.constant true
        %reduce_max3A_189 = vector.broadcast %reduce_max3A : i1 to vector<16xi1>
        %reduce_max3A_190 = arith.constant -2147483648 : i32
        %reduce_max3A_191 = vector.broadcast %reduce_max3A_190 : i32 to vector<16xi32>
        %reduce_max3A_192 = arith.xori %scan3A_187, %reduce_max3A_191 : vector<16xi32>
        %reduce_max3A_193 = tpu.scan <max>, %reduce_max3A_192 masked %reduce_max3A_189 : vector<16xi32>, vector<16xi1> -> vector<16xi32>
        %reduce_max3A_194 = arith.xori %reduce_max3A_193, %reduce_max3A_191 : vector<16xi32>
        %reduce_max3A_195 = vector.extract %reduce_max3A_194[15] : i32 from vector<16xi32>
        %lt3A_196 = arith.constant 32 : i32
        %lt3A_197 = arith.cmpi slt, %reduce_max3A_195, %lt3A_196 : i32
        %convert_element_type3A = arith.extui %lt3A_197 : i1 to i32
        %cond3A = arith.constant 0 : i32
        %cond3A_198 = arith.cmpi ne, %convert_element_type3A, %cond3A : i32
        %cond3A_199:2 = scf.if %cond3A_198 -> (vector<16xi32>, vector<16xi32>) {
          %mul3A_200 = arith.constant 16 : i32
          %mul3A_201 = arith.muli %scan3A_186, %mul3A_200 : i32
          %add3A_202 = arith.constant 0 : i32
          %add3A_203 = arith.addi %mul3A_201, %add3A_202 : i32
          %mul3A_204 = arith.constant 16 : i32
          %mul3A_205 = arith.muli %add3A_203, %mul3A_204 : i32
          %get3A_206 = arith.constant 2 : i32
          %get3A_207 = arith.index_cast %get3A_206 : i32 to index
          %get3A_208 = arith.index_cast %mul3A_205 : i32 to index
          %get3A_209 = tpu.vector_load %arg5[%get3A_207, %get3A_208] {strides = array<i32>} : memref<4x4096xf32, #tpu.memory_space<vmem>>, vector<16xf32>,
          %le3A = arith.constant 4.000000e-02 : f32
          %le3A_210 = vector.broadcast %le3A : f32 to vector<16xf32>
          %le3A_211 = arith.cmpf ole, %get3A_209, %le3A_210 : vector<16xf32>
          %lt3A_212 = arith.constant 32 : i32
          %lt3A_213 = vector.broadcast %lt3A_212 : i32 to vector<16xi32>
          %lt3A_214 = arith.cmpi slt, %scan3A_187, %lt3A_213 : vector<16xi32>
          %and3A_215 = arith.andi %le3A_211, %lt3A_214 : vector<16xi1>
          %mul3A_216 = arith.constant 16 : i32
          %mul3A_217 = arith.muli %add3A_203, %mul3A_216 : i32
          %add3A_218 = arith.addi %mul3A_217, %mul3A_20 : i32
          %add3A_219 = vector.broadcast %add3A_218 : i32 to vector<16xi32>
          %add3A_220 = arith.addi %iota3A, %add3A_219 : vector<16xi32>
          %select_n3A_221 = arith.select %and3A_215, %add3A_220, %broadcast_in_dim3A_94 : vector<16xi1>, vector<16xi32>
          %masked_sort3A = arith.constant dense<true> : vector<16xi1>
          %masked_sort3A_222 = arith.constant -2147483648 : i32
          %masked_sort3A_223 = vector.broadcast %masked_sort3A_222 : i32 to vector<16xi32>
          %masked_sort3A_224 = arith.xori %select_n3A_221, %masked_sort3A_223 : vector<16xi32>
          %masked_sort3A_225, %masked_sort3A_226, %masked_sort3A_227 = tpu.sort %masked_sort3A_224, %select_n3A_221 masked %masked_sort3A : (vector<16xi32>, vector<16xi32>, vector<16xi1>) -> (vector<16xi1>, vector<16xi32>, vector<16xi32>)
          %masked_sort3A_228 = arith.xori %masked_sort3A_226, %masked_sort3A_223 : vector<16xi32>
          %all_reduce_population_count3A = tpu.all_reduce %and3A_215 {dim = 0 : i64, kind = #tpu.reduction_kind<sum>} : vector<16xi1> -> vector<16xi32>
          %all_reduce_ffs3A = tpu.all_reduce %and3A_215 {dim = 0 : i64, kind = #tpu.reduction_kind<find_first_set>} : vector<16xi1> -> vector<16xi32>
          %gt3A = arith.constant 0 : i32
          %gt3A_229 = vector.broadcast %gt3A : i32 to vector<16xi32>
          %gt3A_230 = arith.cmpi sgt, %all_reduce_population_count3A, %gt3A_229 : vector<16xi32>
          %mul3A_231 = arith.constant 16 : i32
          %mul3A_232 = arith.muli %add3A_203, %mul3A_231 : i32
          %add3A_233 = arith.addi %mul3A_232, %mul3A_20 : i32
          %add3A_234 = vector.broadcast %add3A_233 : i32 to vector<16xi32>
          %add3A_235 = arith.addi %add3A_234, %all_reduce_ffs3A : vector<16xi32>
          %select_n3A_236 = arith.select %gt3A_230, %add3A_235, %broadcast_in_dim3A_94 : vector<16xi1>, vector<16xi32>
          %add3A_237 = arith.addi %scan3A_187, %iota3A : vector<16xi32>
          tpu.vector_store_idx %arg6[%add3A_237], %masked_sort3A_228 : memref<48xi32, #tpu.memory_space<vmem>>[vector<16xi32>], vector<16xi32>,
          %lt3A_238 = arith.constant 32 : i32
          %lt3A_239 = vector.broadcast %lt3A_238 : i32 to vector<16xi32>
          %lt3A_240 = arith.cmpi slt, %scan3A_187, %lt3A_239 : vector<16xi32>
          %jit3A_241 = arith.constant 0 : i32
          %broadcast_in_dim3A_242 = vector.broadcast %jit3A_241 : i32 to vector<16xi32>
          %select_n3A_243 = arith.select %lt3A_240, %all_reduce_population_count3A, %broadcast_in_dim3A_242 : vector<16xi1>, vector<16xi32>
          %add3A_244 = arith.addi %scan3A_187, %select_n3A_243 : vector<16xi32>
          %min3A = arith.minsi %scan3A_188, %select_n3A_236 : vector<16xi32>
          %mul3A_245 = arith.constant 16 : i32
          %mul3A_246 = arith.muli %scan3A_186, %mul3A_245 : i32
          %add3A_247 = arith.constant 1 : i32
          %add3A_248 = arith.addi %mul3A_246, %add3A_247 : i32
          %mul3A_249 = arith.constant 16 : i32
          %mul3A_250 = arith.muli %add3A_248, %mul3A_249 : i32
          %get3A_251 = arith.constant 2 : i32
          %get3A_252 = arith.index_cast %get3A_251 : i32 to index
          %get3A_253 = arith.index_cast %mul3A_250 : i32 to index
          %get3A_254 = tpu.vector_load %arg5[%get3A_252, %get3A_253] {strides = array<i32>} : memref<4x4096xf32, #tpu.memory_space<vmem>>, vector<16xf32>,
          %le3A_255 = arith.constant 4.000000e-02 : f32
          %le3A_256 = vector.broadcast %le3A_255 : f32 to vector<16xf32>
          %le3A_257 = arith.cmpf ole, %get3A_254, %le3A_256 : vector<16xf32>
          %lt3A_258 = arith.constant 32 : i32
          %lt3A_259 = vector.broadcast %lt3A_258 : i32 to vector<16xi32>
          %lt3A_260 = arith.cmpi slt, %add3A_244, %lt3A_259 : vector<16xi32>
          %and3A_261 = arith.andi %le3A_257, %lt3A_260 : vector<16xi1>
          %mul3A_262 = arith.constant 16 : i32
          %mul3A_263 = arith.muli %add3A_248, %mul3A_262 : i32
          %add3A_264 = arith.addi %mul3A_263, %mul3A_20 : i32
          %add3A_265 = vector.broadcast %add3A_264 : i32 to vector<16xi32>
          %add3A_266 = arith.addi %iota3A, %add3A_265 : vector<16xi32>
          %select_n3A_267 = arith.select %and3A_261, %add3A_266, %broadcast_in_dim3A_94 : vector<16xi1>, vector<16xi32>
          %masked_sort3A_268 = arith.constant dense<true> : vector<16xi1>
          %masked_sort3A_269 = arith.constant -2147483648 : i32
          %masked_sort3A_270 = vector.broadcast %masked_sort3A_269 : i32 to vector<16xi32>
          %masked_sort3A_271 = arith.xori %select_n3A_267, %masked_sort3A_270 : vector<16xi32>
          %masked_sort3A_272, %masked_sort3A_273, %masked_sort3A_274 = tpu.sort %masked_sort3A_271, %select_n3A_267 masked %masked_sort3A_268 : (vector<16xi32>, vector<16xi32>, vector<16xi1>) -> (vector<16xi1>, vector<16xi32>, vector<16xi32>)
          %masked_sort3A_275 = arith.xori %masked_sort3A_273, %masked_sort3A_270 : vector<16xi32>
          %all_reduce_population_count3A_276 = tpu.all_reduce %and3A_261 {dim = 0 : i64, kind = #tpu.reduction_kind<sum>} : vector<16xi1> -> vector<16xi32>
          %all_reduce_ffs3A_277 = tpu.all_reduce %and3A_261 {dim = 0 : i64, kind = #tpu.reduction_kind<find_first_set>} : vector<16xi1> -> vector<16xi32>
          %gt3A_278 = arith.constant 0 : i32
          %gt3A_279 = vector.broadcast %gt3A_278 : i32 to vector<16xi32>
          %gt3A_280 = arith.cmpi sgt, %all_reduce_population_count3A_276, %gt3A_279 : vector<16xi32>
          %mul3A_281 = arith.constant 16 : i32
          %mul3A_282 = arith.muli %add3A_248, %mul3A_281 : i32
          %add3A_283 = arith.addi %mul3A_282, %mul3A_20 : i32
          %add3A_284 = vector.broadcast %add3A_283 : i32 to vector<16xi32>
          %add3A_285 = arith.addi %add3A_284, %all_reduce_ffs3A_277 : vector<16xi32>
          %select_n3A_286 = arith.select %gt3A_280, %add3A_285, %broadcast_in_dim3A_94 : vector<16xi1>, vector<16xi32>
          %add3A_287 = arith.addi %add3A_244, %iota3A : vector<16xi32>
          tpu.vector_store_idx %arg6[%add3A_287], %masked_sort3A_275 : memref<48xi32, #tpu.memory_space<vmem>>[vector<16xi32>], vector<16xi32>,
          %lt3A_288 = arith.constant 32 : i32
          %lt3A_289 = vector.broadcast %lt3A_288 : i32 to vector<16xi32>
          %lt3A_290 = arith.cmpi slt, %add3A_244, %lt3A_289 : vector<16xi32>
          %jit3A_291 = arith.constant 0 : i32
          %broadcast_in_dim3A_292 = vector.broadcast %jit3A_291 : i32 to vector<16xi32>
          %select_n3A_293 = arith.select %lt3A_290, %all_reduce_population_count3A_276, %broadcast_in_dim3A_292 : vector<16xi1>, vector<16xi32>
          %add3A_294 = arith.addi %add3A_244, %select_n3A_293 : vector<16xi32>
          %min3A_295 = arith.minsi %min3A, %select_n3A_286 : vector<16xi32>
          %mul3A_296 = arith.constant 16 : i32
          %mul3A_297 = arith.muli %scan3A_186, %mul3A_296 : i32
          %add3A_298 = arith.constant 2 : i32
          %add3A_299 = arith.addi %mul3A_297, %add3A_298 : i32
          %mul3A_300 = arith.constant 16 : i32
          %mul3A_301 = arith.muli %add3A_299, %mul3A_300 : i32
          %get3A_302 = arith.constant 2 : i32
          %get3A_303 = arith.index_cast %get3A_302 : i32 to index
          %get3A_304 = arith.index_cast %mul3A_301 : i32 to index
          %get3A_305 = tpu.vector_load %arg5[%get3A_303, %get3A_304] {strides = array<i32>} : memref<4x4096xf32, #tpu.memory_space<vmem>>, vector<16xf32>,
          %le3A_306 = arith.constant 4.000000e-02 : f32
          %le3A_307 = vector.broadcast %le3A_306 : f32 to vector<16xf32>
          %le3A_308 = arith.cmpf ole, %get3A_305, %le3A_307 : vector<16xf32>
          %lt3A_309 = arith.constant 32 : i32
          %lt3A_310 = vector.broadcast %lt3A_309 : i32 to vector<16xi32>
          %lt3A_311 = arith.cmpi slt, %add3A_294, %lt3A_310 : vector<16xi32>
          %and3A_312 = arith.andi %le3A_308, %lt3A_311 : vector<16xi1>
          %mul3A_313 = arith.constant 16 : i32
          %mul3A_314 = arith.muli %add3A_299, %mul3A_313 : i32
          %add3A_315 = arith.addi %mul3A_314, %mul3A_20 : i32
          %add3A_316 = vector.broadcast %add3A_315 : i32 to vector<16xi32>
          %add3A_317 = arith.addi %iota3A, %add3A_316 : vector<16xi32>
          %select_n3A_318 = arith.select %and3A_312, %add3A_317, %broadcast_in_dim3A_94 : vector<16xi1>, vector<16xi32>
          %masked_sort3A_319 = arith.constant dense<true> : vector<16xi1>
          %masked_sort3A_320 = arith.constant -2147483648 : i32
          %masked_sort3A_321 = vector.broadcast %masked_sort3A_320 : i32 to vector<16xi32>
          %masked_sort3A_322 = arith.xori %select_n3A_318, %masked_sort3A_321 : vector<16xi32>
          %masked_sort3A_323, %masked_sort3A_324, %masked_sort3A_325 = tpu.sort %masked_sort3A_322, %select_n3A_318 masked %masked_sort3A_319 : (vector<16xi32>, vector<16xi32>, vector<16xi1>) -> (vector<16xi1>, vector<16xi32>, vector<16xi32>)
          %masked_sort3A_326 = arith.xori %masked_sort3A_324, %masked_sort3A_321 : vector<16xi32>
          %all_reduce_population_count3A_327 = tpu.all_reduce %and3A_312 {dim = 0 : i64, kind = #tpu.reduction_kind<sum>} : vector<16xi1> -> vector<16xi32>
          %all_reduce_ffs3A_328 = tpu.all_reduce %and3A_312 {dim = 0 : i64, kind = #tpu.reduction_kind<find_first_set>} : vector<16xi1> -> vector<16xi32>
          %gt3A_329 = arith.constant 0 : i32
          %gt3A_330 = vector.broadcast %gt3A_329 : i32 to vector<16xi32>
          %gt3A_331 = arith.cmpi sgt, %all_reduce_population_count3A_327, %gt3A_330 : vector<16xi32>
          %mul3A_332 = arith.constant 16 : i32
          %mul3A_333 = arith.muli %add3A_299, %mul3A_332 : i32
          %add3A_334 = arith.addi %mul3A_333, %mul3A_20 : i32
          %add3A_335 = vector.broadcast %add3A_334 : i32 to vector<16xi32>
          %add3A_336 = arith.addi %add3A_335, %all_reduce_ffs3A_328 : vector<16xi32>
          %select_n3A_337 = arith.select %gt3A_331, %add3A_336, %broadcast_in_dim3A_94 : vector<16xi1>, vector<16xi32>
          %add3A_338 = arith.addi %add3A_294, %iota3A : vector<16xi32>
          tpu.vector_store_idx %arg6[%add3A_338], %masked_sort3A_326 : memref<48xi32, #tpu.memory_space<vmem>>[vector<16xi32>], vector<16xi32>,
          %lt3A_339 = arith.constant 32 : i32
          %lt3A_340 = vector.broadcast %lt3A_339 : i32 to vector<16xi32>
          %lt3A_341 = arith.cmpi slt, %add3A_294, %lt3A_340 : vector<16xi32>
          %jit3A_342 = arith.constant 0 : i32
          %broadcast_in_dim3A_343 = vector.broadcast %jit3A_342 : i32 to vector<16xi32>
          %select_n3A_344 = arith.select %lt3A_341, %all_reduce_population_count3A_327, %broadcast_in_dim3A_343 : vector<16xi1>, vector<16xi32>
          %add3A_345 = arith.addi %add3A_294, %select_n3A_344 : vector<16xi32>
          %min3A_346 = arith.minsi %min3A_295, %select_n3A_337 : vector<16xi32>
          %mul3A_347 = arith.constant 16 : i32
          %mul3A_348 = arith.muli %scan3A_186, %mul3A_347 : i32
          %add3A_349 = arith.constant 3 : i32
          %add3A_350 = arith.addi %mul3A_348, %add3A_349 : i32
          %mul3A_351 = arith.constant 16 : i32
          %mul3A_352 = arith.muli %add3A_350, %mul3A_351 : i32
          %get3A_353 = arith.constant 2 : i32
          %get3A_354 = arith.index_cast %get3A_353 : i32 to index
          %get3A_355 = arith.index_cast %mul3A_352 : i32 to index
          %get3A_356 = tpu.vector_load %arg5[%get3A_354, %get3A_355] {strides = array<i32>} : memref<4x4096xf32, #tpu.memory_space<vmem>>, vector<16xf32>,
          %le3A_357 = arith.constant 4.000000e-02 : f32
          %le3A_358 = vector.broadcast %le3A_357 : f32 to vector<16xf32>
          %le3A_359 = arith.cmpf ole, %get3A_356, %le3A_358 : vector<16xf32>
          %lt3A_360 = arith.constant 32 : i32
          %lt3A_361 = vector.broadcast %lt3A_360 : i32 to vector<16xi32>
          %lt3A_362 = arith.cmpi slt, %add3A_345, %lt3A_361 : vector<16xi32>
          %and3A_363 = arith.andi %le3A_359, %lt3A_362 : vector<16xi1>
          %mul3A_364 = arith.constant 16 : i32
          %mul3A_365 = arith.muli %add3A_350, %mul3A_364 : i32
          %add3A_366 = arith.addi %mul3A_365, %mul3A_20 : i32
          %add3A_367 = vector.broadcast %add3A_366 : i32 to vector<16xi32>
          %add3A_368 = arith.addi %iota3A, %add3A_367 : vector<16xi32>
          %select_n3A_369 = arith.select %and3A_363, %add3A_368, %broadcast_in_dim3A_94 : vector<16xi1>, vector<16xi32>
          %masked_sort3A_370 = arith.constant dense<true> : vector<16xi1>
          %masked_sort3A_371 = arith.constant -2147483648 : i32
          %masked_sort3A_372 = vector.broadcast %masked_sort3A_371 : i32 to vector<16xi32>
          %masked_sort3A_373 = arith.xori %select_n3A_369, %masked_sort3A_372 : vector<16xi32>
          %masked_sort3A_374, %masked_sort3A_375, %masked_sort3A_376 = tpu.sort %masked_sort3A_373, %select_n3A_369 masked %masked_sort3A_370 : (vector<16xi32>, vector<16xi32>, vector<16xi1>) -> (vector<16xi1>, vector<16xi32>, vector<16xi32>)
          %masked_sort3A_377 = arith.xori %masked_sort3A_375, %masked_sort3A_372 : vector<16xi32>
          %all_reduce_population_count3A_378 = tpu.all_reduce %and3A_363 {dim = 0 : i64, kind = #tpu.reduction_kind<sum>} : vector<16xi1> -> vector<16xi32>
          %all_reduce_ffs3A_379 = tpu.all_reduce %and3A_363 {dim = 0 : i64, kind = #tpu.reduction_kind<find_first_set>} : vector<16xi1> -> vector<16xi32>
          %gt3A_380 = arith.constant 0 : i32
          %gt3A_381 = vector.broadcast %gt3A_380 : i32 to vector<16xi32>
          %gt3A_382 = arith.cmpi sgt, %all_reduce_population_count3A_378, %gt3A_381 : vector<16xi32>
          %mul3A_383 = arith.constant 16 : i32
          %mul3A_384 = arith.muli %add3A_350, %mul3A_383 : i32
          %add3A_385 = arith.addi %mul3A_384, %mul3A_20 : i32
          %add3A_386 = vector.broadcast %add3A_385 : i32 to vector<16xi32>
          %add3A_387 = arith.addi %add3A_386, %all_reduce_ffs3A_379 : vector<16xi32>
          %select_n3A_388 = arith.select %gt3A_382, %add3A_387, %broadcast_in_dim3A_94 : vector<16xi1>, vector<16xi32>
          %add3A_389 = arith.addi %add3A_345, %iota3A : vector<16xi32>
          tpu.vector_store_idx %arg6[%add3A_389], %masked_sort3A_377 : memref<48xi32, #tpu.memory_space<vmem>>[vector<16xi32>], vector<16xi32>,
          %lt3A_390 = arith.constant 32 : i32
          %lt3A_391 = vector.broadcast %lt3A_390 : i32 to vector<16xi32>
          %lt3A_392 = arith.cmpi slt, %add3A_345, %lt3A_391 : vector<16xi32>
          %jit3A_393 = arith.constant 0 : i32
          %broadcast_in_dim3A_394 = vector.broadcast %jit3A_393 : i32 to vector<16xi32>
          %select_n3A_395 = arith.select %lt3A_392, %all_reduce_population_count3A_378, %broadcast_in_dim3A_394 : vector<16xi1>, vector<16xi32>
          %add3A_396 = arith.addi %add3A_345, %select_n3A_395 : vector<16xi32>
          %min3A_397 = arith.minsi %min3A_346, %select_n3A_388 : vector<16xi32>
          %mul3A_398 = arith.constant 16 : i32
          %mul3A_399 = arith.muli %scan3A_186, %mul3A_398 : i32
          %add3A_400 = arith.constant 4 : i32
          %add3A_401 = arith.addi %mul3A_399, %add3A_400 : i32
          %mul3A_402 = arith.constant 16 : i32
          %mul3A_403 = arith.muli %add3A_401, %mul3A_402 : i32
          %get3A_404 = arith.constant 2 : i32
          %get3A_405 = arith.index_cast %get3A_404 : i32 to index
          %get3A_406 = arith.index_cast %mul3A_403 : i32 to index
          %get3A_407 = tpu.vector_load %arg5[%get3A_405, %get3A_406] {strides = array<i32>} : memref<4x4096xf32, #tpu.memory_space<vmem>>, vector<16xf32>,
          %le3A_408 = arith.constant 4.000000e-02 : f32
          %le3A_409 = vector.broadcast %le3A_408 : f32 to vector<16xf32>
          %le3A_410 = arith.cmpf ole, %get3A_407, %le3A_409 : vector<16xf32>
          %lt3A_411 = arith.constant 32 : i32
          %lt3A_412 = vector.broadcast %lt3A_411 : i32 to vector<16xi32>
          %lt3A_413 = arith.cmpi slt, %add3A_396, %lt3A_412 : vector<16xi32>
          %and3A_414 = arith.andi %le3A_410, %lt3A_413 : vector<16xi1>
          %mul3A_415 = arith.constant 16 : i32
          %mul3A_416 = arith.muli %add3A_401, %mul3A_415 : i32
          %add3A_417 = arith.addi %mul3A_416, %mul3A_20 : i32
          %add3A_418 = vector.broadcast %add3A_417 : i32 to vector<16xi32>
          %add3A_419 = arith.addi %iota3A, %add3A_418 : vector<16xi32>
          %select_n3A_420 = arith.select %and3A_414, %add3A_419, %broadcast_in_dim3A_94 : vector<16xi1>, vector<16xi32>
          %masked_sort3A_421 = arith.constant dense<true> : vector<16xi1>
          %masked_sort3A_422 = arith.constant -2147483648 : i32
          %masked_sort3A_423 = vector.broadcast %masked_sort3A_422 : i32 to vector<16xi32>
          %masked_sort3A_424 = arith.xori %select_n3A_420, %masked_sort3A_423 : vector<16xi32>
          %masked_sort3A_425, %masked_sort3A_426, %masked_sort3A_427 = tpu.sort %masked_sort3A_424, %select_n3A_420 masked %masked_sort3A_421 : (vector<16xi32>, vector<16xi32>, vector<16xi1>) -> (vector<16xi1>, vector<16xi32>, vector<16xi32>)
          %masked_sort3A_428 = arith.xori %masked_sort3A_426, %masked_sort3A_423 : vector<16xi32>
          %all_reduce_population_count3A_429 = tpu.all_reduce %and3A_414 {dim = 0 : i64, kind = #tpu.reduction_kind<sum>} : vector<16xi1> -> vector<16xi32>
          %all_reduce_ffs3A_430 = tpu.all_reduce %and3A_414 {dim = 0 : i64, kind = #tpu.reduction_kind<find_first_set>} : vector<16xi1> -> vector<16xi32>
          %gt3A_431 = arith.constant 0 : i32
          %gt3A_432 = vector.broadcast %gt3A_431 : i32 to vector<16xi32>
          %gt3A_433 = arith.cmpi sgt, %all_reduce_population_count3A_429, %gt3A_432 : vector<16xi32>
          %mul3A_434 = arith.constant 16 : i32
          %mul3A_435 = arith.muli %add3A_401, %mul3A_434 : i32
          %add3A_436 = arith.addi %mul3A_435, %mul3A_20 : i32
          %add3A_437 = vector.broadcast %add3A_436 : i32 to vector<16xi32>
          %add3A_438 = arith.addi %add3A_437, %all_reduce_ffs3A_430 : vector<16xi32>
          %select_n3A_439 = arith.select %gt3A_433, %add3A_438, %broadcast_in_dim3A_94 : vector<16xi1>, vector<16xi32>
          %add3A_440 = arith.addi %add3A_396, %iota3A : vector<16xi32>
          tpu.vector_store_idx %arg6[%add3A_440], %masked_sort3A_428 : memref<48xi32, #tpu.memory_space<vmem>>[vector<16xi32>], vector<16xi32>,
          %lt3A_441 = arith.constant 32 : i32
          %lt3A_442 = vector.broadcast %lt3A_441 : i32 to vector<16xi32>
          %lt3A_443 = arith.cmpi slt, %add3A_396, %lt3A_442 : vector<16xi32>
          %jit3A_444 = arith.constant 0 : i32
          %broadcast_in_dim3A_445 = vector.broadcast %jit3A_444 : i32 to vector<16xi32>
          %select_n3A_446 = arith.select %lt3A_443, %all_reduce_population_count3A_429, %broadcast_in_dim3A_445 : vector<16xi1>, vector<16xi32>
          %add3A_447 = arith.addi %add3A_396, %select_n3A_446 : vector<16xi32>
          %min3A_448 = arith.minsi %min3A_397, %select_n3A_439 : vector<16xi32>
          %mul3A_449 = arith.constant 16 : i32
          %mul3A_450 = arith.muli %scan3A_186, %mul3A_449 : i32
          %add3A_451 = arith.constant 5 : i32
          %add3A_452 = arith.addi %mul3A_450, %add3A_451 : i32
          %mul3A_453 = arith.constant 16 : i32
          %mul3A_454 = arith.muli %add3A_452, %mul3A_453 : i32
          %get3A_455 = arith.constant 2 : i32
          %get3A_456 = arith.index_cast %get3A_455 : i32 to index
          %get3A_457 = arith.index_cast %mul3A_454 : i32 to index
          %get3A_458 = tpu.vector_load %arg5[%get3A_456, %get3A_457] {strides = array<i32>} : memref<4x4096xf32, #tpu.memory_space<vmem>>, vector<16xf32>,
          %le3A_459 = arith.constant 4.000000e-02 : f32
          %le3A_460 = vector.broadcast %le3A_459 : f32 to vector<16xf32>
          %le3A_461 = arith.cmpf ole, %get3A_458, %le3A_460 : vector<16xf32>
          %lt3A_462 = arith.constant 32 : i32
          %lt3A_463 = vector.broadcast %lt3A_462 : i32 to vector<16xi32>
          %lt3A_464 = arith.cmpi slt, %add3A_447, %lt3A_463 : vector<16xi32>
          %and3A_465 = arith.andi %le3A_461, %lt3A_464 : vector<16xi1>
          %mul3A_466 = arith.constant 16 : i32
          %mul3A_467 = arith.muli %add3A_452, %mul3A_466 : i32
          %add3A_468 = arith.addi %mul3A_467, %mul3A_20 : i32
          %add3A_469 = vector.broadcast %add3A_468 : i32 to vector<16xi32>
          %add3A_470 = arith.addi %iota3A, %add3A_469 : vector<16xi32>
          %select_n3A_471 = arith.select %and3A_465, %add3A_470, %broadcast_in_dim3A_94 : vector<16xi1>, vector<16xi32>
          %masked_sort3A_472 = arith.constant dense<true> : vector<16xi1>
          %masked_sort3A_473 = arith.constant -2147483648 : i32
          %masked_sort3A_474 = vector.broadcast %masked_sort3A_473 : i32 to vector<16xi32>
          %masked_sort3A_475 = arith.xori %select_n3A_471, %masked_sort3A_474 : vector<16xi32>
          %masked_sort3A_476, %masked_sort3A_477, %masked_sort3A_478 = tpu.sort %masked_sort3A_475, %select_n3A_471 masked %masked_sort3A_472 : (vector<16xi32>, vector<16xi32>, vector<16xi1>) -> (vector<16xi1>, vector<16xi32>, vector<16xi32>)
          %masked_sort3A_479 = arith.xori %masked_sort3A_477, %masked_sort3A_474 : vector<16xi32>
          %all_reduce_population_count3A_480 = tpu.all_reduce %and3A_465 {dim = 0 : i64, kind = #tpu.reduction_kind<sum>} : vector<16xi1> -> vector<16xi32>
          %all_reduce_ffs3A_481 = tpu.all_reduce %and3A_465 {dim = 0 : i64, kind = #tpu.reduction_kind<find_first_set>} : vector<16xi1> -> vector<16xi32>
          %gt3A_482 = arith.constant 0 : i32
          %gt3A_483 = vector.broadcast %gt3A_482 : i32 to vector<16xi32>
          %gt3A_484 = arith.cmpi sgt, %all_reduce_population_count3A_480, %gt3A_483 : vector<16xi32>
          %mul3A_485 = arith.constant 16 : i32
          %mul3A_486 = arith.muli %add3A_452, %mul3A_485 : i32
          %add3A_487 = arith.addi %mul3A_486, %mul3A_20 : i32
          %add3A_488 = vector.broadcast %add3A_487 : i32 to vector<16xi32>
          %add3A_489 = arith.addi %add3A_488, %all_reduce_ffs3A_481 : vector<16xi32>
          %select_n3A_490 = arith.select %gt3A_484, %add3A_489, %broadcast_in_dim3A_94 : vector<16xi1>, vector<16xi32>
          %add3A_491 = arith.addi %add3A_447, %iota3A : vector<16xi32>
          tpu.vector_store_idx %arg6[%add3A_491], %masked_sort3A_479 : memref<48xi32, #tpu.memory_space<vmem>>[vector<16xi32>], vector<16xi32>,
          %lt3A_492 = arith.constant 32 : i32
          %lt3A_493 = vector.broadcast %lt3A_492 : i32 to vector<16xi32>
          %lt3A_494 = arith.cmpi slt, %add3A_447, %lt3A_493 : vector<16xi32>
          %jit3A_495 = arith.constant 0 : i32
          %broadcast_in_dim3A_496 = vector.broadcast %jit3A_495 : i32 to vector<16xi32>
          %select_n3A_497 = arith.select %lt3A_494, %all_reduce_population_count3A_480, %broadcast_in_dim3A_496 : vector<16xi1>, vector<16xi32>
          %add3A_498 = arith.addi %add3A_447, %select_n3A_497 : vector<16xi32>
          %min3A_499 = arith.minsi %min3A_448, %select_n3A_490 : vector<16xi32>
          %mul3A_500 = arith.constant 16 : i32
          %mul3A_501 = arith.muli %scan3A_186, %mul3A_500 : i32
          %add3A_502 = arith.constant 6 : i32
          %add3A_503 = arith.addi %mul3A_501, %add3A_502 : i32
          %mul3A_504 = arith.constant 16 : i32
          %mul3A_505 = arith.muli %add3A_503, %mul3A_504 : i32
          %get3A_506 = arith.constant 2 : i32
          %get3A_507 = arith.index_cast %get3A_506 : i32 to index
          %get3A_508 = arith.index_cast %mul3A_505 : i32 to index
          %get3A_509 = tpu.vector_load %arg5[%get3A_507, %get3A_508] {strides = array<i32>} : memref<4x4096xf32, #tpu.memory_space<vmem>>, vector<16xf32>,
          %le3A_510 = arith.constant 4.000000e-02 : f32
          %le3A_511 = vector.broadcast %le3A_510 : f32 to vector<16xf32>
          %le3A_512 = arith.cmpf ole, %get3A_509, %le3A_511 : vector<16xf32>
          %lt3A_513 = arith.constant 32 : i32
          %lt3A_514 = vector.broadcast %lt3A_513 : i32 to vector<16xi32>
          %lt3A_515 = arith.cmpi slt, %add3A_498, %lt3A_514 : vector<16xi32>
          %and3A_516 = arith.andi %le3A_512, %lt3A_515 : vector<16xi1>
          %mul3A_517 = arith.constant 16 : i32
          %mul3A_518 = arith.muli %add3A_503, %mul3A_517 : i32
          %add3A_519 = arith.addi %mul3A_518, %mul3A_20 : i32
          %add3A_520 = vector.broadcast %add3A_519 : i32 to vector<16xi32>
          %add3A_521 = arith.addi %iota3A, %add3A_520 : vector<16xi32>
          %select_n3A_522 = arith.select %and3A_516, %add3A_521, %broadcast_in_dim3A_94 : vector<16xi1>, vector<16xi32>
          %masked_sort3A_523 = arith.constant dense<true> : vector<16xi1>
          %masked_sort3A_524 = arith.constant -2147483648 : i32
          %masked_sort3A_525 = vector.broadcast %masked_sort3A_524 : i32 to vector<16xi32>
          %masked_sort3A_526 = arith.xori %select_n3A_522, %masked_sort3A_525 : vector<16xi32>
          %masked_sort3A_527, %masked_sort3A_528, %masked_sort3A_529 = tpu.sort %masked_sort3A_526, %select_n3A_522 masked %masked_sort3A_523 : (vector<16xi32>, vector<16xi32>, vector<16xi1>) -> (vector<16xi1>, vector<16xi32>, vector<16xi32>)
          %masked_sort3A_530 = arith.xori %masked_sort3A_528, %masked_sort3A_525 : vector<16xi32>
          %all_reduce_population_count3A_531 = tpu.all_reduce %and3A_516 {dim = 0 : i64, kind = #tpu.reduction_kind<sum>} : vector<16xi1> -> vector<16xi32>
          %all_reduce_ffs3A_532 = tpu.all_reduce %and3A_516 {dim = 0 : i64, kind = #tpu.reduction_kind<find_first_set>} : vector<16xi1> -> vector<16xi32>
          %gt3A_533 = arith.constant 0 : i32
          %gt3A_534 = vector.broadcast %gt3A_533 : i32 to vector<16xi32>
          %gt3A_535 = arith.cmpi sgt, %all_reduce_population_count3A_531, %gt3A_534 : vector<16xi32>
          %mul3A_536 = arith.constant 16 : i32
          %mul3A_537 = arith.muli %add3A_503, %mul3A_536 : i32
          %add3A_538 = arith.addi %mul3A_537, %mul3A_20 : i32
          %add3A_539 = vector.broadcast %add3A_538 : i32 to vector<16xi32>
          %add3A_540 = arith.addi %add3A_539, %all_reduce_ffs3A_532 : vector<16xi32>
          %select_n3A_541 = arith.select %gt3A_535, %add3A_540, %broadcast_in_dim3A_94 : vector<16xi1>, vector<16xi32>
          %add3A_542 = arith.addi %add3A_498, %iota3A : vector<16xi32>
          tpu.vector_store_idx %arg6[%add3A_542], %masked_sort3A_530 : memref<48xi32, #tpu.memory_space<vmem>>[vector<16xi32>], vector<16xi32>,
          %lt3A_543 = arith.constant 32 : i32
          %lt3A_544 = vector.broadcast %lt3A_543 : i32 to vector<16xi32>
          %lt3A_545 = arith.cmpi slt, %add3A_498, %lt3A_544 : vector<16xi32>
          %jit3A_546 = arith.constant 0 : i32
          %broadcast_in_dim3A_547 = vector.broadcast %jit3A_546 : i32 to vector<16xi32>
          %select_n3A_548 = arith.select %lt3A_545, %all_reduce_population_count3A_531, %broadcast_in_dim3A_547 : vector<16xi1>, vector<16xi32>
          %add3A_549 = arith.addi %add3A_498, %select_n3A_548 : vector<16xi32>
          %min3A_550 = arith.minsi %min3A_499, %select_n3A_541 : vector<16xi32>
          %mul3A_551 = arith.constant 16 : i32
          %mul3A_552 = arith.muli %scan3A_186, %mul3A_551 : i32
          %add3A_553 = arith.constant 7 : i32
          %add3A_554 = arith.addi %mul3A_552, %add3A_553 : i32
          %mul3A_555 = arith.constant 16 : i32
          %mul3A_556 = arith.muli %add3A_554, %mul3A_555 : i32
          %get3A_557 = arith.constant 2 : i32
          %get3A_558 = arith.index_cast %get3A_557 : i32 to index
          %get3A_559 = arith.index_cast %mul3A_556 : i32 to index
          %get3A_560 = tpu.vector_load %arg5[%get3A_558, %get3A_559] {strides = array<i32>} : memref<4x4096xf32, #tpu.memory_space<vmem>>, vector<16xf32>,
          %le3A_561 = arith.constant 4.000000e-02 : f32
          %le3A_562 = vector.broadcast %le3A_561 : f32 to vector<16xf32>
          %le3A_563 = arith.cmpf ole, %get3A_560, %le3A_562 : vector<16xf32>
          %lt3A_564 = arith.constant 32 : i32
          %lt3A_565 = vector.broadcast %lt3A_564 : i32 to vector<16xi32>
          %lt3A_566 = arith.cmpi slt, %add3A_549, %lt3A_565 : vector<16xi32>
          %and3A_567 = arith.andi %le3A_563, %lt3A_566 : vector<16xi1>
          %mul3A_568 = arith.constant 16 : i32
          %mul3A_569 = arith.muli %add3A_554, %mul3A_568 : i32
          %add3A_570 = arith.addi %mul3A_569, %mul3A_20 : i32
          %add3A_571 = vector.broadcast %add3A_570 : i32 to vector<16xi32>
          %add3A_572 = arith.addi %iota3A, %add3A_571 : vector<16xi32>
          %select_n3A_573 = arith.select %and3A_567, %add3A_572, %broadcast_in_dim3A_94 : vector<16xi1>, vector<16xi32>
          %masked_sort3A_574 = arith.constant dense<true> : vector<16xi1>
          %masked_sort3A_575 = arith.constant -2147483648 : i32
          %masked_sort3A_576 = vector.broadcast %masked_sort3A_575 : i32 to vector<16xi32>
          %masked_sort3A_577 = arith.xori %select_n3A_573, %masked_sort3A_576 : vector<16xi32>
          %masked_sort3A_578, %masked_sort3A_579, %masked_sort3A_580 = tpu.sort %masked_sort3A_577, %select_n3A_573 masked %masked_sort3A_574 : (vector<16xi32>, vector<16xi32>, vector<16xi1>) -> (vector<16xi1>, vector<16xi32>, vector<16xi32>)
          %masked_sort3A_581 = arith.xori %masked_sort3A_579, %masked_sort3A_576 : vector<16xi32>
          %all_reduce_population_count3A_582 = tpu.all_reduce %and3A_567 {dim = 0 : i64, kind = #tpu.reduction_kind<sum>} : vector<16xi1> -> vector<16xi32>
          %all_reduce_ffs3A_583 = tpu.all_reduce %and3A_567 {dim = 0 : i64, kind = #tpu.reduction_kind<find_first_set>} : vector<16xi1> -> vector<16xi32>
          %gt3A_584 = arith.constant 0 : i32
          %gt3A_585 = vector.broadcast %gt3A_584 : i32 to vector<16xi32>
          %gt3A_586 = arith.cmpi sgt, %all_reduce_population_count3A_582, %gt3A_585 : vector<16xi32>
          %mul3A_587 = arith.constant 16 : i32
          %mul3A_588 = arith.muli %add3A_554, %mul3A_587 : i32
          %add3A_589 = arith.addi %mul3A_588, %mul3A_20 : i32
          %add3A_590 = vector.broadcast %add3A_589 : i32 to vector<16xi32>
          %add3A_591 = arith.addi %add3A_590, %all_reduce_ffs3A_583 : vector<16xi32>
          %select_n3A_592 = arith.select %gt3A_586, %add3A_591, %broadcast_in_dim3A_94 : vector<16xi1>, vector<16xi32>
          %add3A_593 = arith.addi %add3A_549, %iota3A : vector<16xi32>
          tpu.vector_store_idx %arg6[%add3A_593], %masked_sort3A_581 : memref<48xi32, #tpu.memory_space<vmem>>[vector<16xi32>], vector<16xi32>,
          %lt3A_594 = arith.constant 32 : i32
          %lt3A_595 = vector.broadcast %lt3A_594 : i32 to vector<16xi32>
          %lt3A_596 = arith.cmpi slt, %add3A_549, %lt3A_595 : vector<16xi32>
          %jit3A_597 = arith.constant 0 : i32
          %broadcast_in_dim3A_598 = vector.broadcast %jit3A_597 : i32 to vector<16xi32>
          %select_n3A_599 = arith.select %lt3A_596, %all_reduce_population_count3A_582, %broadcast_in_dim3A_598 : vector<16xi1>, vector<16xi32>
          %add3A_600 = arith.addi %add3A_549, %select_n3A_599 : vector<16xi32>
          %min3A_601 = arith.minsi %min3A_550, %select_n3A_592 : vector<16xi32>
          %mul3A_602 = arith.constant 16 : i32
          %mul3A_603 = arith.muli %scan3A_186, %mul3A_602 : i32
          %add3A_604 = arith.constant 8 : i32
          %add3A_605 = arith.addi %mul3A_603, %add3A_604 : i32
          %mul3A_606 = arith.constant 16 : i32
          %mul3A_607 = arith.muli %add3A_605, %mul3A_606 : i32
          %get3A_608 = arith.constant 2 : i32
          %get3A_609 = arith.index_cast %get3A_608 : i32 to index
          %get3A_610 = arith.index_cast %mul3A_607 : i32 to index
          %get3A_611 = tpu.vector_load %arg5[%get3A_609, %get3A_610] {strides = array<i32>} : memref<4x4096xf32, #tpu.memory_space<vmem>>, vector<16xf32>,
          %le3A_612 = arith.constant 4.000000e-02 : f32
          %le3A_613 = vector.broadcast %le3A_612 : f32 to vector<16xf32>
          %le3A_614 = arith.cmpf ole, %get3A_611, %le3A_613 : vector<16xf32>
          %lt3A_615 = arith.constant 32 : i32
          %lt3A_616 = vector.broadcast %lt3A_615 : i32 to vector<16xi32>
          %lt3A_617 = arith.cmpi slt, %add3A_600, %lt3A_616 : vector<16xi32>
          %and3A_618 = arith.andi %le3A_614, %lt3A_617 : vector<16xi1>
          %mul3A_619 = arith.constant 16 : i32
          %mul3A_620 = arith.muli %add3A_605, %mul3A_619 : i32
          %add3A_621 = arith.addi %mul3A_620, %mul3A_20 : i32
          %add3A_622 = vector.broadcast %add3A_621 : i32 to vector<16xi32>
          %add3A_623 = arith.addi %iota3A, %add3A_622 : vector<16xi32>
          %select_n3A_624 = arith.select %and3A_618, %add3A_623, %broadcast_in_dim3A_94 : vector<16xi1>, vector<16xi32>
          %masked_sort3A_625 = arith.constant dense<true> : vector<16xi1>
          %masked_sort3A_626 = arith.constant -2147483648 : i32
          %masked_sort3A_627 = vector.broadcast %masked_sort3A_626 : i32 to vector<16xi32>
          %masked_sort3A_628 = arith.xori %select_n3A_624, %masked_sort3A_627 : vector<16xi32>
          %masked_sort3A_629, %masked_sort3A_630, %masked_sort3A_631 = tpu.sort %masked_sort3A_628, %select_n3A_624 masked %masked_sort3A_625 : (vector<16xi32>, vector<16xi32>, vector<16xi1>) -> (vector<16xi1>, vector<16xi32>, vector<16xi32>)
          %masked_sort3A_632 = arith.xori %masked_sort3A_630, %masked_sort3A_627 : vector<16xi32>
          %all_reduce_population_count3A_633 = tpu.all_reduce %and3A_618 {dim = 0 : i64, kind = #tpu.reduction_kind<sum>} : vector<16xi1> -> vector<16xi32>
          %all_reduce_ffs3A_634 = tpu.all_reduce %and3A_618 {dim = 0 : i64, kind = #tpu.reduction_kind<find_first_set>} : vector<16xi1> -> vector<16xi32>
          %gt3A_635 = arith.constant 0 : i32
          %gt3A_636 = vector.broadcast %gt3A_635 : i32 to vector<16xi32>
          %gt3A_637 = arith.cmpi sgt, %all_reduce_population_count3A_633, %gt3A_636 : vector<16xi32>
          %mul3A_638 = arith.constant 16 : i32
          %mul3A_639 = arith.muli %add3A_605, %mul3A_638 : i32
          %add3A_640 = arith.addi %mul3A_639, %mul3A_20 : i32
          %add3A_641 = vector.broadcast %add3A_640 : i32 to vector<16xi32>
          %add3A_642 = arith.addi %add3A_641, %all_reduce_ffs3A_634 : vector<16xi32>
          %select_n3A_643 = arith.select %gt3A_637, %add3A_642, %broadcast_in_dim3A_94 : vector<16xi1>, vector<16xi32>
          %add3A_644 = arith.addi %add3A_600, %iota3A : vector<16xi32>
          tpu.vector_store_idx %arg6[%add3A_644], %masked_sort3A_632 : memref<48xi32, #tpu.memory_space<vmem>>[vector<16xi32>], vector<16xi32>,
          %lt3A_645 = arith.constant 32 : i32
          %lt3A_646 = vector.broadcast %lt3A_645 : i32 to vector<16xi32>
          %lt3A_647 = arith.cmpi slt, %add3A_600, %lt3A_646 : vector<16xi32>
          %jit3A_648 = arith.constant 0 : i32
          %broadcast_in_dim3A_649 = vector.broadcast %jit3A_648 : i32 to vector<16xi32>
          %select_n3A_650 = arith.select %lt3A_647, %all_reduce_population_count3A_633, %broadcast_in_dim3A_649 : vector<16xi1>, vector<16xi32>
          %add3A_651 = arith.addi %add3A_600, %select_n3A_650 : vector<16xi32>
          %min3A_652 = arith.minsi %min3A_601, %select_n3A_643 : vector<16xi32>
          %mul3A_653 = arith.constant 16 : i32
          %mul3A_654 = arith.muli %scan3A_186, %mul3A_653 : i32
          %add3A_655 = arith.constant 9 : i32
          %add3A_656 = arith.addi %mul3A_654, %add3A_655 : i32
          %mul3A_657 = arith.constant 16 : i32
          %mul3A_658 = arith.muli %add3A_656, %mul3A_657 : i32
          %get3A_659 = arith.constant 2 : i32
          %get3A_660 = arith.index_cast %get3A_659 : i32 to index
          %get3A_661 = arith.index_cast %mul3A_658 : i32 to index
          %get3A_662 = tpu.vector_load %arg5[%get3A_660, %get3A_661] {strides = array<i32>} : memref<4x4096xf32, #tpu.memory_space<vmem>>, vector<16xf32>,
          %le3A_663 = arith.constant 4.000000e-02 : f32
          %le3A_664 = vector.broadcast %le3A_663 : f32 to vector<16xf32>
          %le3A_665 = arith.cmpf ole, %get3A_662, %le3A_664 : vector<16xf32>
          %lt3A_666 = arith.constant 32 : i32
          %lt3A_667 = vector.broadcast %lt3A_666 : i32 to vector<16xi32>
          %lt3A_668 = arith.cmpi slt, %add3A_651, %lt3A_667 : vector<16xi32>
          %and3A_669 = arith.andi %le3A_665, %lt3A_668 : vector<16xi1>
          %mul3A_670 = arith.constant 16 : i32
          %mul3A_671 = arith.muli %add3A_656, %mul3A_670 : i32
          %add3A_672 = arith.addi %mul3A_671, %mul3A_20 : i32
          %add3A_673 = vector.broadcast %add3A_672 : i32 to vector<16xi32>
          %add3A_674 = arith.addi %iota3A, %add3A_673 : vector<16xi32>
          %select_n3A_675 = arith.select %and3A_669, %add3A_674, %broadcast_in_dim3A_94 : vector<16xi1>, vector<16xi32>
          %masked_sort3A_676 = arith.constant dense<true> : vector<16xi1>
          %masked_sort3A_677 = arith.constant -2147483648 : i32
          %masked_sort3A_678 = vector.broadcast %masked_sort3A_677 : i32 to vector<16xi32>
          %masked_sort3A_679 = arith.xori %select_n3A_675, %masked_sort3A_678 : vector<16xi32>
          %masked_sort3A_680, %masked_sort3A_681, %masked_sort3A_682 = tpu.sort %masked_sort3A_679, %select_n3A_675 masked %masked_sort3A_676 : (vector<16xi32>, vector<16xi32>, vector<16xi1>) -> (vector<16xi1>, vector<16xi32>, vector<16xi32>)
          %masked_sort3A_683 = arith.xori %masked_sort3A_681, %masked_sort3A_678 : vector<16xi32>
          %all_reduce_population_count3A_684 = tpu.all_reduce %and3A_669 {dim = 0 : i64, kind = #tpu.reduction_kind<sum>} : vector<16xi1> -> vector<16xi32>
          %all_reduce_ffs3A_685 = tpu.all_reduce %and3A_669 {dim = 0 : i64, kind = #tpu.reduction_kind<find_first_set>} : vector<16xi1> -> vector<16xi32>
          %gt3A_686 = arith.constant 0 : i32
          %gt3A_687 = vector.broadcast %gt3A_686 : i32 to vector<16xi32>
          %gt3A_688 = arith.cmpi sgt, %all_reduce_population_count3A_684, %gt3A_687 : vector<16xi32>
          %mul3A_689 = arith.constant 16 : i32
          %mul3A_690 = arith.muli %add3A_656, %mul3A_689 : i32
          %add3A_691 = arith.addi %mul3A_690, %mul3A_20 : i32
          %add3A_692 = vector.broadcast %add3A_691 : i32 to vector<16xi32>
          %add3A_693 = arith.addi %add3A_692, %all_reduce_ffs3A_685 : vector<16xi32>
          %select_n3A_694 = arith.select %gt3A_688, %add3A_693, %broadcast_in_dim3A_94 : vector<16xi1>, vector<16xi32>
          %add3A_695 = arith.addi %add3A_651, %iota3A : vector<16xi32>
          tpu.vector_store_idx %arg6[%add3A_695], %masked_sort3A_683 : memref<48xi32, #tpu.memory_space<vmem>>[vector<16xi32>], vector<16xi32>,
          %lt3A_696 = arith.constant 32 : i32
          %lt3A_697 = vector.broadcast %lt3A_696 : i32 to vector<16xi32>
          %lt3A_698 = arith.cmpi slt, %add3A_651, %lt3A_697 : vector<16xi32>
          %jit3A_699 = arith.constant 0 : i32
          %broadcast_in_dim3A_700 = vector.broadcast %jit3A_699 : i32 to vector<16xi32>
          %select_n3A_701 = arith.select %lt3A_698, %all_reduce_population_count3A_684, %broadcast_in_dim3A_700 : vector<16xi1>, vector<16xi32>
          %add3A_702 = arith.addi %add3A_651, %select_n3A_701 : vector<16xi32>
          %min3A_703 = arith.minsi %min3A_652, %select_n3A_694 : vector<16xi32>
          %mul3A_704 = arith.constant 16 : i32
          %mul3A_705 = arith.muli %scan3A_186, %mul3A_704 : i32
          %add3A_706 = arith.constant 10 : i32
          %add3A_707 = arith.addi %mul3A_705, %add3A_706 : i32
          %mul3A_708 = arith.constant 16 : i32
          %mul3A_709 = arith.muli %add3A_707, %mul3A_708 : i32
          %get3A_710 = arith.constant 2 : i32
          %get3A_711 = arith.index_cast %get3A_710 : i32 to index
          %get3A_712 = arith.index_cast %mul3A_709 : i32 to index
          %get3A_713 = tpu.vector_load %arg5[%get3A_711, %get3A_712] {strides = array<i32>} : memref<4x4096xf32, #tpu.memory_space<vmem>>, vector<16xf32>,
          %le3A_714 = arith.constant 4.000000e-02 : f32
          %le3A_715 = vector.broadcast %le3A_714 : f32 to vector<16xf32>
          %le3A_716 = arith.cmpf ole, %get3A_713, %le3A_715 : vector<16xf32>
          %lt3A_717 = arith.constant 32 : i32
          %lt3A_718 = vector.broadcast %lt3A_717 : i32 to vector<16xi32>
          %lt3A_719 = arith.cmpi slt, %add3A_702, %lt3A_718 : vector<16xi32>
          %and3A_720 = arith.andi %le3A_716, %lt3A_719 : vector<16xi1>
          %mul3A_721 = arith.constant 16 : i32
          %mul3A_722 = arith.muli %add3A_707, %mul3A_721 : i32
          %add3A_723 = arith.addi %mul3A_722, %mul3A_20 : i32
          %add3A_724 = vector.broadcast %add3A_723 : i32 to vector<16xi32>
          %add3A_725 = arith.addi %iota3A, %add3A_724 : vector<16xi32>
          %select_n3A_726 = arith.select %and3A_720, %add3A_725, %broadcast_in_dim3A_94 : vector<16xi1>, vector<16xi32>
          %masked_sort3A_727 = arith.constant dense<true> : vector<16xi1>
          %masked_sort3A_728 = arith.constant -2147483648 : i32
          %masked_sort3A_729 = vector.broadcast %masked_sort3A_728 : i32 to vector<16xi32>
          %masked_sort3A_730 = arith.xori %select_n3A_726, %masked_sort3A_729 : vector<16xi32>
          %masked_sort3A_731, %masked_sort3A_732, %masked_sort3A_733 = tpu.sort %masked_sort3A_730, %select_n3A_726 masked %masked_sort3A_727 : (vector<16xi32>, vector<16xi32>, vector<16xi1>) -> (vector<16xi1>, vector<16xi32>, vector<16xi32>)
          %masked_sort3A_734 = arith.xori %masked_sort3A_732, %masked_sort3A_729 : vector<16xi32>
          %all_reduce_population_count3A_735 = tpu.all_reduce %and3A_720 {dim = 0 : i64, kind = #tpu.reduction_kind<sum>} : vector<16xi1> -> vector<16xi32>
          %all_reduce_ffs3A_736 = tpu.all_reduce %and3A_720 {dim = 0 : i64, kind = #tpu.reduction_kind<find_first_set>} : vector<16xi1> -> vector<16xi32>
          %gt3A_737 = arith.constant 0 : i32
          %gt3A_738 = vector.broadcast %gt3A_737 : i32 to vector<16xi32>
          %gt3A_739 = arith.cmpi sgt, %all_reduce_population_count3A_735, %gt3A_738 : vector<16xi32>
          %mul3A_740 = arith.constant 16 : i32
          %mul3A_741 = arith.muli %add3A_707, %mul3A_740 : i32
          %add3A_742 = arith.addi %mul3A_741, %mul3A_20 : i32
          %add3A_743 = vector.broadcast %add3A_742 : i32 to vector<16xi32>
          %add3A_744 = arith.addi %add3A_743, %all_reduce_ffs3A_736 : vector<16xi32>
          %select_n3A_745 = arith.select %gt3A_739, %add3A_744, %broadcast_in_dim3A_94 : vector<16xi1>, vector<16xi32>
          %add3A_746 = arith.addi %add3A_702, %iota3A : vector<16xi32>
          tpu.vector_store_idx %arg6[%add3A_746], %masked_sort3A_734 : memref<48xi32, #tpu.memory_space<vmem>>[vector<16xi32>], vector<16xi32>,
          %lt3A_747 = arith.constant 32 : i32
          %lt3A_748 = vector.broadcast %lt3A_747 : i32 to vector<16xi32>
          %lt3A_749 = arith.cmpi slt, %add3A_702, %lt3A_748 : vector<16xi32>
          %jit3A_750 = arith.constant 0 : i32
          %broadcast_in_dim3A_751 = vector.broadcast %jit3A_750 : i32 to vector<16xi32>
          %select_n3A_752 = arith.select %lt3A_749, %all_reduce_population_count3A_735, %broadcast_in_dim3A_751 : vector<16xi1>, vector<16xi32>
          %add3A_753 = arith.addi %add3A_702, %select_n3A_752 : vector<16xi32>
          %min3A_754 = arith.minsi %min3A_703, %select_n3A_745 : vector<16xi32>
          %mul3A_755 = arith.constant 16 : i32
          %mul3A_756 = arith.muli %scan3A_186, %mul3A_755 : i32
          %add3A_757 = arith.constant 11 : i32
          %add3A_758 = arith.addi %mul3A_756, %add3A_757 : i32
          %mul3A_759 = arith.constant 16 : i32
          %mul3A_760 = arith.muli %add3A_758, %mul3A_759 : i32
          %get3A_761 = arith.constant 2 : i32
          %get3A_762 = arith.index_cast %get3A_761 : i32 to index
          %get3A_763 = arith.index_cast %mul3A_760 : i32 to index
          %get3A_764 = tpu.vector_load %arg5[%get3A_762, %get3A_763] {strides = array<i32>} : memref<4x4096xf32, #tpu.memory_space<vmem>>, vector<16xf32>,
          %le3A_765 = arith.constant 4.000000e-02 : f32
          %le3A_766 = vector.broadcast %le3A_765 : f32 to vector<16xf32>
          %le3A_767 = arith.cmpf ole, %get3A_764, %le3A_766 : vector<16xf32>
          %lt3A_768 = arith.constant 32 : i32
          %lt3A_769 = vector.broadcast %lt3A_768 : i32 to vector<16xi32>
          %lt3A_770 = arith.cmpi slt, %add3A_753, %lt3A_769 : vector<16xi32>
          %and3A_771 = arith.andi %le3A_767, %lt3A_770 : vector<16xi1>
          %mul3A_772 = arith.constant 16 : i32
          %mul3A_773 = arith.muli %add3A_758, %mul3A_772 : i32
          %add3A_774 = arith.addi %mul3A_773, %mul3A_20 : i32
          %add3A_775 = vector.broadcast %add3A_774 : i32 to vector<16xi32>
          %add3A_776 = arith.addi %iota3A, %add3A_775 : vector<16xi32>
          %select_n3A_777 = arith.select %and3A_771, %add3A_776, %broadcast_in_dim3A_94 : vector<16xi1>, vector<16xi32>
          %masked_sort3A_778 = arith.constant dense<true> : vector<16xi1>
          %masked_sort3A_779 = arith.constant -2147483648 : i32
          %masked_sort3A_780 = vector.broadcast %masked_sort3A_779 : i32 to vector<16xi32>
          %masked_sort3A_781 = arith.xori %select_n3A_777, %masked_sort3A_780 : vector<16xi32>
          %masked_sort3A_782, %masked_sort3A_783, %masked_sort3A_784 = tpu.sort %masked_sort3A_781, %select_n3A_777 masked %masked_sort3A_778 : (vector<16xi32>, vector<16xi32>, vector<16xi1>) -> (vector<16xi1>, vector<16xi32>, vector<16xi32>)
          %masked_sort3A_785 = arith.xori %masked_sort3A_783, %masked_sort3A_780 : vector<16xi32>
          %all_reduce_population_count3A_786 = tpu.all_reduce %and3A_771 {dim = 0 : i64, kind = #tpu.reduction_kind<sum>} : vector<16xi1> -> vector<16xi32>
          %all_reduce_ffs3A_787 = tpu.all_reduce %and3A_771 {dim = 0 : i64, kind = #tpu.reduction_kind<find_first_set>} : vector<16xi1> -> vector<16xi32>
          %gt3A_788 = arith.constant 0 : i32
          %gt3A_789 = vector.broadcast %gt3A_788 : i32 to vector<16xi32>
          %gt3A_790 = arith.cmpi sgt, %all_reduce_population_count3A_786, %gt3A_789 : vector<16xi32>
          %mul3A_791 = arith.constant 16 : i32
          %mul3A_792 = arith.muli %add3A_758, %mul3A_791 : i32
          %add3A_793 = arith.addi %mul3A_792, %mul3A_20 : i32
          %add3A_794 = vector.broadcast %add3A_793 : i32 to vector<16xi32>
          %add3A_795 = arith.addi %add3A_794, %all_reduce_ffs3A_787 : vector<16xi32>
          %select_n3A_796 = arith.select %gt3A_790, %add3A_795, %broadcast_in_dim3A_94 : vector<16xi1>, vector<16xi32>
          %add3A_797 = arith.addi %add3A_753, %iota3A : vector<16xi32>
          tpu.vector_store_idx %arg6[%add3A_797], %masked_sort3A_785 : memref<48xi32, #tpu.memory_space<vmem>>[vector<16xi32>], vector<16xi32>,
          %lt3A_798 = arith.constant 32 : i32
          %lt3A_799 = vector.broadcast %lt3A_798 : i32 to vector<16xi32>
          %lt3A_800 = arith.cmpi slt, %add3A_753, %lt3A_799 : vector<16xi32>
          %jit3A_801 = arith.constant 0 : i32
          %broadcast_in_dim3A_802 = vector.broadcast %jit3A_801 : i32 to vector<16xi32>
          %select_n3A_803 = arith.select %lt3A_800, %all_reduce_population_count3A_786, %broadcast_in_dim3A_802 : vector<16xi1>, vector<16xi32>
          %add3A_804 = arith.addi %add3A_753, %select_n3A_803 : vector<16xi32>
          %min3A_805 = arith.minsi %min3A_754, %select_n3A_796 : vector<16xi32>
          %mul3A_806 = arith.constant 16 : i32
          %mul3A_807 = arith.muli %scan3A_186, %mul3A_806 : i32
          %add3A_808 = arith.constant 12 : i32
          %add3A_809 = arith.addi %mul3A_807, %add3A_808 : i32
          %mul3A_810 = arith.constant 16 : i32
          %mul3A_811 = arith.muli %add3A_809, %mul3A_810 : i32
          %get3A_812 = arith.constant 2 : i32
          %get3A_813 = arith.index_cast %get3A_812 : i32 to index
          %get3A_814 = arith.index_cast %mul3A_811 : i32 to index
          %get3A_815 = tpu.vector_load %arg5[%get3A_813, %get3A_814] {strides = array<i32>} : memref<4x4096xf32, #tpu.memory_space<vmem>>, vector<16xf32>,
          %le3A_816 = arith.constant 4.000000e-02 : f32
          %le3A_817 = vector.broadcast %le3A_816 : f32 to vector<16xf32>
          %le3A_818 = arith.cmpf ole, %get3A_815, %le3A_817 : vector<16xf32>
          %lt3A_819 = arith.constant 32 : i32
          %lt3A_820 = vector.broadcast %lt3A_819 : i32 to vector<16xi32>
          %lt3A_821 = arith.cmpi slt, %add3A_804, %lt3A_820 : vector<16xi32>
          %and3A_822 = arith.andi %le3A_818, %lt3A_821 : vector<16xi1>
          %mul3A_823 = arith.constant 16 : i32
          %mul3A_824 = arith.muli %add3A_809, %mul3A_823 : i32
          %add3A_825 = arith.addi %mul3A_824, %mul3A_20 : i32
          %add3A_826 = vector.broadcast %add3A_825 : i32 to vector<16xi32>
          %add3A_827 = arith.addi %iota3A, %add3A_826 : vector<16xi32>
          %select_n3A_828 = arith.select %and3A_822, %add3A_827, %broadcast_in_dim3A_94 : vector<16xi1>, vector<16xi32>
          %masked_sort3A_829 = arith.constant dense<true> : vector<16xi1>
          %masked_sort3A_830 = arith.constant -2147483648 : i32
          %masked_sort3A_831 = vector.broadcast %masked_sort3A_830 : i32 to vector<16xi32>
          %masked_sort3A_832 = arith.xori %select_n3A_828, %masked_sort3A_831 : vector<16xi32>
          %masked_sort3A_833, %masked_sort3A_834, %masked_sort3A_835 = tpu.sort %masked_sort3A_832, %select_n3A_828 masked %masked_sort3A_829 : (vector<16xi32>, vector<16xi32>, vector<16xi1>) -> (vector<16xi1>, vector<16xi32>, vector<16xi32>)
          %masked_sort3A_836 = arith.xori %masked_sort3A_834, %masked_sort3A_831 : vector<16xi32>
          %all_reduce_population_count3A_837 = tpu.all_reduce %and3A_822 {dim = 0 : i64, kind = #tpu.reduction_kind<sum>} : vector<16xi1> -> vector<16xi32>
          %all_reduce_ffs3A_838 = tpu.all_reduce %and3A_822 {dim = 0 : i64, kind = #tpu.reduction_kind<find_first_set>} : vector<16xi1> -> vector<16xi32>
          %gt3A_839 = arith.constant 0 : i32
          %gt3A_840 = vector.broadcast %gt3A_839 : i32 to vector<16xi32>
          %gt3A_841 = arith.cmpi sgt, %all_reduce_population_count3A_837, %gt3A_840 : vector<16xi32>
          %mul3A_842 = arith.constant 16 : i32
          %mul3A_843 = arith.muli %add3A_809, %mul3A_842 : i32
          %add3A_844 = arith.addi %mul3A_843, %mul3A_20 : i32
          %add3A_845 = vector.broadcast %add3A_844 : i32 to vector<16xi32>
          %add3A_846 = arith.addi %add3A_845, %all_reduce_ffs3A_838 : vector<16xi32>
          %select_n3A_847 = arith.select %gt3A_841, %add3A_846, %broadcast_in_dim3A_94 : vector<16xi1>, vector<16xi32>
          %add3A_848 = arith.addi %add3A_804, %iota3A : vector<16xi32>
          tpu.vector_store_idx %arg6[%add3A_848], %masked_sort3A_836 : memref<48xi32, #tpu.memory_space<vmem>>[vector<16xi32>], vector<16xi32>,
          %lt3A_849 = arith.constant 32 : i32
          %lt3A_850 = vector.broadcast %lt3A_849 : i32 to vector<16xi32>
          %lt3A_851 = arith.cmpi slt, %add3A_804, %lt3A_850 : vector<16xi32>
          %jit3A_852 = arith.constant 0 : i32
          %broadcast_in_dim3A_853 = vector.broadcast %jit3A_852 : i32 to vector<16xi32>
          %select_n3A_854 = arith.select %lt3A_851, %all_reduce_population_count3A_837, %broadcast_in_dim3A_853 : vector<16xi1>, vector<16xi32>
          %add3A_855 = arith.addi %add3A_804, %select_n3A_854 : vector<16xi32>
          %min3A_856 = arith.minsi %min3A_805, %select_n3A_847 : vector<16xi32>
          %mul3A_857 = arith.constant 16 : i32
          %mul3A_858 = arith.muli %scan3A_186, %mul3A_857 : i32
          %add3A_859 = arith.constant 13 : i32
          %add3A_860 = arith.addi %mul3A_858, %add3A_859 : i32
          %mul3A_861 = arith.constant 16 : i32
          %mul3A_862 = arith.muli %add3A_860, %mul3A_861 : i32
          %get3A_863 = arith.constant 2 : i32
          %get3A_864 = arith.index_cast %get3A_863 : i32 to index
          %get3A_865 = arith.index_cast %mul3A_862 : i32 to index
          %get3A_866 = tpu.vector_load %arg5[%get3A_864, %get3A_865] {strides = array<i32>} : memref<4x4096xf32, #tpu.memory_space<vmem>>, vector<16xf32>,
          %le3A_867 = arith.constant 4.000000e-02 : f32
          %le3A_868 = vector.broadcast %le3A_867 : f32 to vector<16xf32>
          %le3A_869 = arith.cmpf ole, %get3A_866, %le3A_868 : vector<16xf32>
          %lt3A_870 = arith.constant 32 : i32
          %lt3A_871 = vector.broadcast %lt3A_870 : i32 to vector<16xi32>
          %lt3A_872 = arith.cmpi slt, %add3A_855, %lt3A_871 : vector<16xi32>
          %and3A_873 = arith.andi %le3A_869, %lt3A_872 : vector<16xi1>
          %mul3A_874 = arith.constant 16 : i32
          %mul3A_875 = arith.muli %add3A_860, %mul3A_874 : i32
          %add3A_876 = arith.addi %mul3A_875, %mul3A_20 : i32
          %add3A_877 = vector.broadcast %add3A_876 : i32 to vector<16xi32>
          %add3A_878 = arith.addi %iota3A, %add3A_877 : vector<16xi32>
          %select_n3A_879 = arith.select %and3A_873, %add3A_878, %broadcast_in_dim3A_94 : vector<16xi1>, vector<16xi32>
          %masked_sort3A_880 = arith.constant dense<true> : vector<16xi1>
          %masked_sort3A_881 = arith.constant -2147483648 : i32
          %masked_sort3A_882 = vector.broadcast %masked_sort3A_881 : i32 to vector<16xi32>
          %masked_sort3A_883 = arith.xori %select_n3A_879, %masked_sort3A_882 : vector<16xi32>
          %masked_sort3A_884, %masked_sort3A_885, %masked_sort3A_886 = tpu.sort %masked_sort3A_883, %select_n3A_879 masked %masked_sort3A_880 : (vector<16xi32>, vector<16xi32>, vector<16xi1>) -> (vector<16xi1>, vector<16xi32>, vector<16xi32>)
          %masked_sort3A_887 = arith.xori %masked_sort3A_885, %masked_sort3A_882 : vector<16xi32>
          %all_reduce_population_count3A_888 = tpu.all_reduce %and3A_873 {dim = 0 : i64, kind = #tpu.reduction_kind<sum>} : vector<16xi1> -> vector<16xi32>
          %all_reduce_ffs3A_889 = tpu.all_reduce %and3A_873 {dim = 0 : i64, kind = #tpu.reduction_kind<find_first_set>} : vector<16xi1> -> vector<16xi32>
          %gt3A_890 = arith.constant 0 : i32
          %gt3A_891 = vector.broadcast %gt3A_890 : i32 to vector<16xi32>
          %gt3A_892 = arith.cmpi sgt, %all_reduce_population_count3A_888, %gt3A_891 : vector<16xi32>
          %mul3A_893 = arith.constant 16 : i32
          %mul3A_894 = arith.muli %add3A_860, %mul3A_893 : i32
          %add3A_895 = arith.addi %mul3A_894, %mul3A_20 : i32
          %add3A_896 = vector.broadcast %add3A_895 : i32 to vector<16xi32>
          %add3A_897 = arith.addi %add3A_896, %all_reduce_ffs3A_889 : vector<16xi32>
          %select_n3A_898 = arith.select %gt3A_892, %add3A_897, %broadcast_in_dim3A_94 : vector<16xi1>, vector<16xi32>
          %add3A_899 = arith.addi %add3A_855, %iota3A : vector<16xi32>
          tpu.vector_store_idx %arg6[%add3A_899], %masked_sort3A_887 : memref<48xi32, #tpu.memory_space<vmem>>[vector<16xi32>], vector<16xi32>,
          %lt3A_900 = arith.constant 32 : i32
          %lt3A_901 = vector.broadcast %lt3A_900 : i32 to vector<16xi32>
          %lt3A_902 = arith.cmpi slt, %add3A_855, %lt3A_901 : vector<16xi32>
          %jit3A_903 = arith.constant 0 : i32
          %broadcast_in_dim3A_904 = vector.broadcast %jit3A_903 : i32 to vector<16xi32>
          %select_n3A_905 = arith.select %lt3A_902, %all_reduce_population_count3A_888, %broadcast_in_dim3A_904 : vector<16xi1>, vector<16xi32>
          %add3A_906 = arith.addi %add3A_855, %select_n3A_905 : vector<16xi32>
          %min3A_907 = arith.minsi %min3A_856, %select_n3A_898 : vector<16xi32>
          %mul3A_908 = arith.constant 16 : i32
          %mul3A_909 = arith.muli %scan3A_186, %mul3A_908 : i32
          %add3A_910 = arith.constant 14 : i32
          %add3A_911 = arith.addi %mul3A_909, %add3A_910 : i32
          %mul3A_912 = arith.constant 16 : i32
          %mul3A_913 = arith.muli %add3A_911, %mul3A_912 : i32
          %get3A_914 = arith.constant 2 : i32
          %get3A_915 = arith.index_cast %get3A_914 : i32 to index
          %get3A_916 = arith.index_cast %mul3A_913 : i32 to index
          %get3A_917 = tpu.vector_load %arg5[%get3A_915, %get3A_916] {strides = array<i32>} : memref<4x4096xf32, #tpu.memory_space<vmem>>, vector<16xf32>,
          %le3A_918 = arith.constant 4.000000e-02 : f32
          %le3A_919 = vector.broadcast %le3A_918 : f32 to vector<16xf32>
          %le3A_920 = arith.cmpf ole, %get3A_917, %le3A_919 : vector<16xf32>
          %lt3A_921 = arith.constant 32 : i32
          %lt3A_922 = vector.broadcast %lt3A_921 : i32 to vector<16xi32>
          %lt3A_923 = arith.cmpi slt, %add3A_906, %lt3A_922 : vector<16xi32>
          %and3A_924 = arith.andi %le3A_920, %lt3A_923 : vector<16xi1>
          %mul3A_925 = arith.constant 16 : i32
          %mul3A_926 = arith.muli %add3A_911, %mul3A_925 : i32
          %add3A_927 = arith.addi %mul3A_926, %mul3A_20 : i32
          %add3A_928 = vector.broadcast %add3A_927 : i32 to vector<16xi32>
          %add3A_929 = arith.addi %iota3A, %add3A_928 : vector<16xi32>
          %select_n3A_930 = arith.select %and3A_924, %add3A_929, %broadcast_in_dim3A_94 : vector<16xi1>, vector<16xi32>
          %masked_sort3A_931 = arith.constant dense<true> : vector<16xi1>
          %masked_sort3A_932 = arith.constant -2147483648 : i32
          %masked_sort3A_933 = vector.broadcast %masked_sort3A_932 : i32 to vector<16xi32>
          %masked_sort3A_934 = arith.xori %select_n3A_930, %masked_sort3A_933 : vector<16xi32>
          %masked_sort3A_935, %masked_sort3A_936, %masked_sort3A_937 = tpu.sort %masked_sort3A_934, %select_n3A_930 masked %masked_sort3A_931 : (vector<16xi32>, vector<16xi32>, vector<16xi1>) -> (vector<16xi1>, vector<16xi32>, vector<16xi32>)
          %masked_sort3A_938 = arith.xori %masked_sort3A_936, %masked_sort3A_933 : vector<16xi32>
          %all_reduce_population_count3A_939 = tpu.all_reduce %and3A_924 {dim = 0 : i64, kind = #tpu.reduction_kind<sum>} : vector<16xi1> -> vector<16xi32>
          %all_reduce_ffs3A_940 = tpu.all_reduce %and3A_924 {dim = 0 : i64, kind = #tpu.reduction_kind<find_first_set>} : vector<16xi1> -> vector<16xi32>
          %gt3A_941 = arith.constant 0 : i32
          %gt3A_942 = vector.broadcast %gt3A_941 : i32 to vector<16xi32>
          %gt3A_943 = arith.cmpi sgt, %all_reduce_population_count3A_939, %gt3A_942 : vector<16xi32>
          %mul3A_944 = arith.constant 16 : i32
          %mul3A_945 = arith.muli %add3A_911, %mul3A_944 : i32
          %add3A_946 = arith.addi %mul3A_945, %mul3A_20 : i32
          %add3A_947 = vector.broadcast %add3A_946 : i32 to vector<16xi32>
          %add3A_948 = arith.addi %add3A_947, %all_reduce_ffs3A_940 : vector<16xi32>
          %select_n3A_949 = arith.select %gt3A_943, %add3A_948, %broadcast_in_dim3A_94 : vector<16xi1>, vector<16xi32>
          %add3A_950 = arith.addi %add3A_906, %iota3A : vector<16xi32>
          tpu.vector_store_idx %arg6[%add3A_950], %masked_sort3A_938 : memref<48xi32, #tpu.memory_space<vmem>>[vector<16xi32>], vector<16xi32>,
          %lt3A_951 = arith.constant 32 : i32
          %lt3A_952 = vector.broadcast %lt3A_951 : i32 to vector<16xi32>
          %lt3A_953 = arith.cmpi slt, %add3A_906, %lt3A_952 : vector<16xi32>
          %jit3A_954 = arith.constant 0 : i32
          %broadcast_in_dim3A_955 = vector.broadcast %jit3A_954 : i32 to vector<16xi32>
          %select_n3A_956 = arith.select %lt3A_953, %all_reduce_population_count3A_939, %broadcast_in_dim3A_955 : vector<16xi1>, vector<16xi32>
          %add3A_957 = arith.addi %add3A_906, %select_n3A_956 : vector<16xi32>
          %min3A_958 = arith.minsi %min3A_907, %select_n3A_949 : vector<16xi32>
          %mul3A_959 = arith.constant 16 : i32
          %mul3A_960 = arith.muli %scan3A_186, %mul3A_959 : i32
          %add3A_961 = arith.constant 15 : i32
          %add3A_962 = arith.addi %mul3A_960, %add3A_961 : i32
          %mul3A_963 = arith.constant 16 : i32
          %mul3A_964 = arith.muli %add3A_962, %mul3A_963 : i32
          %get3A_965 = arith.constant 2 : i32
          %get3A_966 = arith.index_cast %get3A_965 : i32 to index
          %get3A_967 = arith.index_cast %mul3A_964 : i32 to index
          %get3A_968 = tpu.vector_load %arg5[%get3A_966, %get3A_967] {strides = array<i32>} : memref<4x4096xf32, #tpu.memory_space<vmem>>, vector<16xf32>,
          %le3A_969 = arith.constant 4.000000e-02 : f32
          %le3A_970 = vector.broadcast %le3A_969 : f32 to vector<16xf32>
          %le3A_971 = arith.cmpf ole, %get3A_968, %le3A_970 : vector<16xf32>
          %lt3A_972 = arith.constant 32 : i32
          %lt3A_973 = vector.broadcast %lt3A_972 : i32 to vector<16xi32>
          %lt3A_974 = arith.cmpi slt, %add3A_957, %lt3A_973 : vector<16xi32>
          %and3A_975 = arith.andi %le3A_971, %lt3A_974 : vector<16xi1>
          %mul3A_976 = arith.constant 16 : i32
          %mul3A_977 = arith.muli %add3A_962, %mul3A_976 : i32
          %add3A_978 = arith.addi %mul3A_977, %mul3A_20 : i32
          %add3A_979 = vector.broadcast %add3A_978 : i32 to vector<16xi32>
          %add3A_980 = arith.addi %iota3A, %add3A_979 : vector<16xi32>
          %select_n3A_981 = arith.select %and3A_975, %add3A_980, %broadcast_in_dim3A_94 : vector<16xi1>, vector<16xi32>
          %masked_sort3A_982 = arith.constant dense<true> : vector<16xi1>
          %masked_sort3A_983 = arith.constant -2147483648 : i32
          %masked_sort3A_984 = vector.broadcast %masked_sort3A_983 : i32 to vector<16xi32>
          %masked_sort3A_985 = arith.xori %select_n3A_981, %masked_sort3A_984 : vector<16xi32>
          %masked_sort3A_986, %masked_sort3A_987, %masked_sort3A_988 = tpu.sort %masked_sort3A_985, %select_n3A_981 masked %masked_sort3A_982 : (vector<16xi32>, vector<16xi32>, vector<16xi1>) -> (vector<16xi1>, vector<16xi32>, vector<16xi32>)
          %masked_sort3A_989 = arith.xori %masked_sort3A_987, %masked_sort3A_984 : vector<16xi32>
          %all_reduce_population_count3A_990 = tpu.all_reduce %and3A_975 {dim = 0 : i64, kind = #tpu.reduction_kind<sum>} : vector<16xi1> -> vector<16xi32>
          %all_reduce_ffs3A_991 = tpu.all_reduce %and3A_975 {dim = 0 : i64, kind = #tpu.reduction_kind<find_first_set>} : vector<16xi1> -> vector<16xi32>
          %gt3A_992 = arith.constant 0 : i32
          %gt3A_993 = vector.broadcast %gt3A_992 : i32 to vector<16xi32>
          %gt3A_994 = arith.cmpi sgt, %all_reduce_population_count3A_990, %gt3A_993 : vector<16xi32>
          %mul3A_995 = arith.constant 16 : i32
          %mul3A_996 = arith.muli %add3A_962, %mul3A_995 : i32
          %add3A_997 = arith.addi %mul3A_996, %mul3A_20 : i32
          %add3A_998 = vector.broadcast %add3A_997 : i32 to vector<16xi32>
          %add3A_999 = arith.addi %add3A_998, %all_reduce_ffs3A_991 : vector<16xi32>
          %select_n3A_1000 = arith.select %gt3A_994, %add3A_999, %broadcast_in_dim3A_94 : vector<16xi1>, vector<16xi32>
          %add3A_1001 = arith.addi %add3A_957, %iota3A : vector<16xi32>
          tpu.vector_store_idx %arg6[%add3A_1001], %masked_sort3A_989 : memref<48xi32, #tpu.memory_space<vmem>>[vector<16xi32>], vector<16xi32>,
          %lt3A_1002 = arith.constant 32 : i32
          %lt3A_1003 = vector.broadcast %lt3A_1002 : i32 to vector<16xi32>
          %lt3A_1004 = arith.cmpi slt, %add3A_957, %lt3A_1003 : vector<16xi32>
          %jit3A_1005 = arith.constant 0 : i32
          %broadcast_in_dim3A_1006 = vector.broadcast %jit3A_1005 : i32 to vector<16xi32>
          %select_n3A_1007 = arith.select %lt3A_1004, %all_reduce_population_count3A_990, %broadcast_in_dim3A_1006 : vector<16xi1>, vector<16xi32>
          %add3A_1008 = arith.addi %add3A_957, %select_n3A_1007 : vector<16xi32>
          %min3A_1009 = arith.minsi %min3A_958, %select_n3A_1000 : vector<16xi32>
          scf.yield %add3A_1008, %min3A_1009 : vector<16xi32>, vector<16xi32>
        } else {
          scf.yield %scan3A_187, %scan3A_188 : vector<16xi32>, vector<16xi32>
        }
        scf.yield %cond3A_199#0, %cond3A_199#1 : vector<16xi32>, vector<16xi32>
      }
      %scan3A_102 = arith.constant 16 : i32
      %get3A_103 = arith.constant 0 : index
      %get3A_104 = tpu.vector_load %arg6[%get3A_103] {strides = array<i32>} : memref<48xi32, #tpu.memory_space<vmem>>, vector<16xi32>,
      %add3A_105 = arith.constant 0 : i32
      %add3A_106 = vector.broadcast %add3A_105 : i32 to vector<16xi32>
      %add3A_107 = arith.addi %iota3A, %add3A_106 : vector<16xi32>
      %lt3A_108 = arith.cmpi slt, %add3A_107, %scan3A_101#0 : vector<16xi32>
      %select_n3A_109 = arith.select %lt3A_108, %get3A_104, %scan3A_101#1 : vector<16xi1>, vector<16xi32>
      %swap3A_110 = arith.constant 0 : index
      %swap3A_111 = tpu.vector_load %arg9[%swap3A_110] {strides = array<i32>} : memref<32xi32, #tpu.memory_space<vmem>>, vector<16xi32>,
      tpu.vector_store %arg9[%swap3A_110], %select_n3A_109 {strides = array<i32>} : memref<32xi32, #tpu.memory_space<vmem>>, vector<16xi32>,
      %get3A_112 = arith.constant 16 : index
      %get3A_113 = tpu.vector_load %arg6[%get3A_112] {strides = array<i32>} : memref<48xi32, #tpu.memory_space<vmem>>, vector<16xi32>,
      %add3A_114 = arith.constant 16 : i32
      %add3A_115 = vector.broadcast %add3A_114 : i32 to vector<16xi32>
      %add3A_116 = arith.addi %iota3A, %add3A_115 : vector<16xi32>
      %lt3A_117 = arith.cmpi slt, %add3A_116, %scan3A_101#0 : vector<16xi32>
      %select_n3A_118 = arith.select %lt3A_117, %get3A_113, %scan3A_101#1 : vector<16xi1>, vector<16xi32>
      %swap3A_119 = arith.constant 16 : index
      %swap3A_120 = tpu.vector_load %arg9[%swap3A_119] {strides = array<i32>} : memref<32xi32, #tpu.memory_space<vmem>>, vector<16xi32>,
      tpu.vector_store %arg9[%swap3A_119], %select_n3A_118 {strides = array<i32>} : memref<32xi32, #tpu.memory_space<vmem>>, vector<16xi32>,
      %dma_start3A_121 = arith.constant 64 : i32
      %dma_start3A_122 = arith.constant 0 : i32
      %dma_start3A_123 = tpu.memref_slice %arg11[%dma_start3A_121, %dma_start3A_122] : memref<128x128xf32, #tpu.memory_space<vmem>> -> memref<32x128xf32, #tpu.memory_space<vmem>>
      %dma_start3A_124 = arith.constant 0 : i32
      %dma_start3A_125 = arith.constant 0 : i32
      %dma_start3A_126 = tpu.memref_slice %arg3[%dma_start3A_124, %dma_start3A_125] : memref<32768x128xf32, #tpu.memory_space<hbm>> -> memref<32768x128xf32, #tpu.memory_space<hbm>>
      tpu.enqueue_indirect_dma source(%dma_start3A_126 : memref<32768x128xf32, #tpu.memory_space<hbm>>) target(%dma_start3A_123 : memref<32x128xf32, #tpu.memory_space<vmem>>) offsets(%arg9 : memref<32xi32, #tpu.memory_space<vmem>>) semaphore(%arg12 : memref<!tpu.dma_semaphore, #tpu.memory_space<semaphore_mem>>)
      %broadcast_in_dim3A_127 = arith.constant 1073741824 : i32
      %broadcast_in_dim3A_128 = vector.broadcast %broadcast_in_dim3A_127 : i32 to vector<16xi32>
      %broadcast_in_dim3A_129 = arith.constant 0 : i32
      %broadcast_in_dim3A_130 = vector.broadcast %broadcast_in_dim3A_129 : i32 to vector<16xi32>
      %scan3A_131 = arith.constant 0 : i32
      %scan3A_132 = arith.constant 16 : i32
      %scan3A_133 = arith.addi %scan3A_131, %scan3A_132 : i32
      %scan3A_134 = arith.constant 1 : i32
      %scan3A_135:2 = scf.for %scan3A_186 = %scan3A_131 to %scan3A_133 step %scan3A_134 iter_args(%scan3A_187 = %broadcast_in_dim3A_130, %scan3A_188 = %broadcast_in_dim3A_128) -> (vector<16xi32>, vector<16xi32>)  : i32 {
        %reduce_max3A = arith.constant true
        %reduce_max3A_189 = vector.broadcast %reduce_max3A : i1 to vector<16xi1>
        %reduce_max3A_190 = arith.constant -2147483648 : i32
        %reduce_max3A_191 = vector.broadcast %reduce_max3A_190 : i32 to vector<16xi32>
        %reduce_max3A_192 = arith.xori %scan3A_187, %reduce_max3A_191 : vector<16xi32>
        %reduce_max3A_193 = tpu.scan <max>, %reduce_max3A_192 masked %reduce_max3A_189 : vector<16xi32>, vector<16xi1> -> vector<16xi32>
        %reduce_max3A_194 = arith.xori %reduce_max3A_193, %reduce_max3A_191 : vector<16xi32>
        %reduce_max3A_195 = vector.extract %reduce_max3A_194[15] : i32 from vector<16xi32>
        %lt3A_196 = arith.constant 32 : i32
        %lt3A_197 = arith.cmpi slt, %reduce_max3A_195, %lt3A_196 : i32
        %convert_element_type3A = arith.extui %lt3A_197 : i1 to i32
        %cond3A = arith.constant 0 : i32
        %cond3A_198 = arith.cmpi ne, %convert_element_type3A, %cond3A : i32
        %cond3A_199:2 = scf.if %cond3A_198 -> (vector<16xi32>, vector<16xi32>) {
          %mul3A_200 = arith.constant 16 : i32
          %mul3A_201 = arith.muli %scan3A_186, %mul3A_200 : i32
          %add3A_202 = arith.constant 0 : i32
          %add3A_203 = arith.addi %mul3A_201, %add3A_202 : i32
          %mul3A_204 = arith.constant 16 : i32
          %mul3A_205 = arith.muli %add3A_203, %mul3A_204 : i32
          %get3A_206 = arith.constant 3 : i32
          %get3A_207 = arith.index_cast %get3A_206 : i32 to index
          %get3A_208 = arith.index_cast %mul3A_205 : i32 to index
          %get3A_209 = tpu.vector_load %arg5[%get3A_207, %get3A_208] {strides = array<i32>} : memref<4x4096xf32, #tpu.memory_space<vmem>>, vector<16xf32>,
          %le3A = arith.constant 4.000000e-02 : f32
          %le3A_210 = vector.broadcast %le3A : f32 to vector<16xf32>
          %le3A_211 = arith.cmpf ole, %get3A_209, %le3A_210 : vector<16xf32>
          %lt3A_212 = arith.constant 32 : i32
          %lt3A_213 = vector.broadcast %lt3A_212 : i32 to vector<16xi32>
          %lt3A_214 = arith.cmpi slt, %scan3A_187, %lt3A_213 : vector<16xi32>
          %and3A_215 = arith.andi %le3A_211, %lt3A_214 : vector<16xi1>
          %mul3A_216 = arith.constant 16 : i32
          %mul3A_217 = arith.muli %add3A_203, %mul3A_216 : i32
          %add3A_218 = arith.addi %mul3A_217, %mul3A_20 : i32
          %add3A_219 = vector.broadcast %add3A_218 : i32 to vector<16xi32>
          %add3A_220 = arith.addi %iota3A, %add3A_219 : vector<16xi32>
          %select_n3A_221 = arith.select %and3A_215, %add3A_220, %broadcast_in_dim3A_128 : vector<16xi1>, vector<16xi32>
          %masked_sort3A = arith.constant dense<true> : vector<16xi1>
          %masked_sort3A_222 = arith.constant -2147483648 : i32
          %masked_sort3A_223 = vector.broadcast %masked_sort3A_222 : i32 to vector<16xi32>
          %masked_sort3A_224 = arith.xori %select_n3A_221, %masked_sort3A_223 : vector<16xi32>
          %masked_sort3A_225, %masked_sort3A_226, %masked_sort3A_227 = tpu.sort %masked_sort3A_224, %select_n3A_221 masked %masked_sort3A : (vector<16xi32>, vector<16xi32>, vector<16xi1>) -> (vector<16xi1>, vector<16xi32>, vector<16xi32>)
          %masked_sort3A_228 = arith.xori %masked_sort3A_226, %masked_sort3A_223 : vector<16xi32>
          %all_reduce_population_count3A = tpu.all_reduce %and3A_215 {dim = 0 : i64, kind = #tpu.reduction_kind<sum>} : vector<16xi1> -> vector<16xi32>
          %all_reduce_ffs3A = tpu.all_reduce %and3A_215 {dim = 0 : i64, kind = #tpu.reduction_kind<find_first_set>} : vector<16xi1> -> vector<16xi32>
          %gt3A = arith.constant 0 : i32
          %gt3A_229 = vector.broadcast %gt3A : i32 to vector<16xi32>
          %gt3A_230 = arith.cmpi sgt, %all_reduce_population_count3A, %gt3A_229 : vector<16xi32>
          %mul3A_231 = arith.constant 16 : i32
          %mul3A_232 = arith.muli %add3A_203, %mul3A_231 : i32
          %add3A_233 = arith.addi %mul3A_232, %mul3A_20 : i32
          %add3A_234 = vector.broadcast %add3A_233 : i32 to vector<16xi32>
          %add3A_235 = arith.addi %add3A_234, %all_reduce_ffs3A : vector<16xi32>
          %select_n3A_236 = arith.select %gt3A_230, %add3A_235, %broadcast_in_dim3A_128 : vector<16xi1>, vector<16xi32>
          %add3A_237 = arith.addi %scan3A_187, %iota3A : vector<16xi32>
          tpu.vector_store_idx %arg6[%add3A_237], %masked_sort3A_228 : memref<48xi32, #tpu.memory_space<vmem>>[vector<16xi32>], vector<16xi32>,
          %lt3A_238 = arith.constant 32 : i32
          %lt3A_239 = vector.broadcast %lt3A_238 : i32 to vector<16xi32>
          %lt3A_240 = arith.cmpi slt, %scan3A_187, %lt3A_239 : vector<16xi32>
          %jit3A_241 = arith.constant 0 : i32
          %broadcast_in_dim3A_242 = vector.broadcast %jit3A_241 : i32 to vector<16xi32>
          %select_n3A_243 = arith.select %lt3A_240, %all_reduce_population_count3A, %broadcast_in_dim3A_242 : vector<16xi1>, vector<16xi32>
          %add3A_244 = arith.addi %scan3A_187, %select_n3A_243 : vector<16xi32>
          %min3A = arith.minsi %scan3A_188, %select_n3A_236 : vector<16xi32>
          %mul3A_245 = arith.constant 16 : i32
          %mul3A_246 = arith.muli %scan3A_186, %mul3A_245 : i32
          %add3A_247 = arith.constant 1 : i32
          %add3A_248 = arith.addi %mul3A_246, %add3A_247 : i32
          %mul3A_249 = arith.constant 16 : i32
          %mul3A_250 = arith.muli %add3A_248, %mul3A_249 : i32
          %get3A_251 = arith.constant 3 : i32
          %get3A_252 = arith.index_cast %get3A_251 : i32 to index
          %get3A_253 = arith.index_cast %mul3A_250 : i32 to index
          %get3A_254 = tpu.vector_load %arg5[%get3A_252, %get3A_253] {strides = array<i32>} : memref<4x4096xf32, #tpu.memory_space<vmem>>, vector<16xf32>,
          %le3A_255 = arith.constant 4.000000e-02 : f32
          %le3A_256 = vector.broadcast %le3A_255 : f32 to vector<16xf32>
          %le3A_257 = arith.cmpf ole, %get3A_254, %le3A_256 : vector<16xf32>
          %lt3A_258 = arith.constant 32 : i32
          %lt3A_259 = vector.broadcast %lt3A_258 : i32 to vector<16xi32>
          %lt3A_260 = arith.cmpi slt, %add3A_244, %lt3A_259 : vector<16xi32>
          %and3A_261 = arith.andi %le3A_257, %lt3A_260 : vector<16xi1>
          %mul3A_262 = arith.constant 16 : i32
          %mul3A_263 = arith.muli %add3A_248, %mul3A_262 : i32
          %add3A_264 = arith.addi %mul3A_263, %mul3A_20 : i32
          %add3A_265 = vector.broadcast %add3A_264 : i32 to vector<16xi32>
          %add3A_266 = arith.addi %iota3A, %add3A_265 : vector<16xi32>
          %select_n3A_267 = arith.select %and3A_261, %add3A_266, %broadcast_in_dim3A_128 : vector<16xi1>, vector<16xi32>
          %masked_sort3A_268 = arith.constant dense<true> : vector<16xi1>
          %masked_sort3A_269 = arith.constant -2147483648 : i32
          %masked_sort3A_270 = vector.broadcast %masked_sort3A_269 : i32 to vector<16xi32>
          %masked_sort3A_271 = arith.xori %select_n3A_267, %masked_sort3A_270 : vector<16xi32>
          %masked_sort3A_272, %masked_sort3A_273, %masked_sort3A_274 = tpu.sort %masked_sort3A_271, %select_n3A_267 masked %masked_sort3A_268 : (vector<16xi32>, vector<16xi32>, vector<16xi1>) -> (vector<16xi1>, vector<16xi32>, vector<16xi32>)
          %masked_sort3A_275 = arith.xori %masked_sort3A_273, %masked_sort3A_270 : vector<16xi32>
          %all_reduce_population_count3A_276 = tpu.all_reduce %and3A_261 {dim = 0 : i64, kind = #tpu.reduction_kind<sum>} : vector<16xi1> -> vector<16xi32>
          %all_reduce_ffs3A_277 = tpu.all_reduce %and3A_261 {dim = 0 : i64, kind = #tpu.reduction_kind<find_first_set>} : vector<16xi1> -> vector<16xi32>
          %gt3A_278 = arith.constant 0 : i32
          %gt3A_279 = vector.broadcast %gt3A_278 : i32 to vector<16xi32>
          %gt3A_280 = arith.cmpi sgt, %all_reduce_population_count3A_276, %gt3A_279 : vector<16xi32>
          %mul3A_281 = arith.constant 16 : i32
          %mul3A_282 = arith.muli %add3A_248, %mul3A_281 : i32
          %add3A_283 = arith.addi %mul3A_282, %mul3A_20 : i32
          %add3A_284 = vector.broadcast %add3A_283 : i32 to vector<16xi32>
          %add3A_285 = arith.addi %add3A_284, %all_reduce_ffs3A_277 : vector<16xi32>
          %select_n3A_286 = arith.select %gt3A_280, %add3A_285, %broadcast_in_dim3A_128 : vector<16xi1>, vector<16xi32>
          %add3A_287 = arith.addi %add3A_244, %iota3A : vector<16xi32>
          tpu.vector_store_idx %arg6[%add3A_287], %masked_sort3A_275 : memref<48xi32, #tpu.memory_space<vmem>>[vector<16xi32>], vector<16xi32>,
          %lt3A_288 = arith.constant 32 : i32
          %lt3A_289 = vector.broadcast %lt3A_288 : i32 to vector<16xi32>
          %lt3A_290 = arith.cmpi slt, %add3A_244, %lt3A_289 : vector<16xi32>
          %jit3A_291 = arith.constant 0 : i32
          %broadcast_in_dim3A_292 = vector.broadcast %jit3A_291 : i32 to vector<16xi32>
          %select_n3A_293 = arith.select %lt3A_290, %all_reduce_population_count3A_276, %broadcast_in_dim3A_292 : vector<16xi1>, vector<16xi32>
          %add3A_294 = arith.addi %add3A_244, %select_n3A_293 : vector<16xi32>
          %min3A_295 = arith.minsi %min3A, %select_n3A_286 : vector<16xi32>
          %mul3A_296 = arith.constant 16 : i32
          %mul3A_297 = arith.muli %scan3A_186, %mul3A_296 : i32
          %add3A_298 = arith.constant 2 : i32
          %add3A_299 = arith.addi %mul3A_297, %add3A_298 : i32
          %mul3A_300 = arith.constant 16 : i32
          %mul3A_301 = arith.muli %add3A_299, %mul3A_300 : i32
          %get3A_302 = arith.constant 3 : i32
          %get3A_303 = arith.index_cast %get3A_302 : i32 to index
          %get3A_304 = arith.index_cast %mul3A_301 : i32 to index
          %get3A_305 = tpu.vector_load %arg5[%get3A_303, %get3A_304] {strides = array<i32>} : memref<4x4096xf32, #tpu.memory_space<vmem>>, vector<16xf32>,
          %le3A_306 = arith.constant 4.000000e-02 : f32
          %le3A_307 = vector.broadcast %le3A_306 : f32 to vector<16xf32>
          %le3A_308 = arith.cmpf ole, %get3A_305, %le3A_307 : vector<16xf32>
          %lt3A_309 = arith.constant 32 : i32
          %lt3A_310 = vector.broadcast %lt3A_309 : i32 to vector<16xi32>
          %lt3A_311 = arith.cmpi slt, %add3A_294, %lt3A_310 : vector<16xi32>
          %and3A_312 = arith.andi %le3A_308, %lt3A_311 : vector<16xi1>
          %mul3A_313 = arith.constant 16 : i32
          %mul3A_314 = arith.muli %add3A_299, %mul3A_313 : i32
          %add3A_315 = arith.addi %mul3A_314, %mul3A_20 : i32
          %add3A_316 = vector.broadcast %add3A_315 : i32 to vector<16xi32>
          %add3A_317 = arith.addi %iota3A, %add3A_316 : vector<16xi32>
          %select_n3A_318 = arith.select %and3A_312, %add3A_317, %broadcast_in_dim3A_128 : vector<16xi1>, vector<16xi32>
          %masked_sort3A_319 = arith.constant dense<true> : vector<16xi1>
          %masked_sort3A_320 = arith.constant -2147483648 : i32
          %masked_sort3A_321 = vector.broadcast %masked_sort3A_320 : i32 to vector<16xi32>
          %masked_sort3A_322 = arith.xori %select_n3A_318, %masked_sort3A_321 : vector<16xi32>
          %masked_sort3A_323, %masked_sort3A_324, %masked_sort3A_325 = tpu.sort %masked_sort3A_322, %select_n3A_318 masked %masked_sort3A_319 : (vector<16xi32>, vector<16xi32>, vector<16xi1>) -> (vector<16xi1>, vector<16xi32>, vector<16xi32>)
          %masked_sort3A_326 = arith.xori %masked_sort3A_324, %masked_sort3A_321 : vector<16xi32>
          %all_reduce_population_count3A_327 = tpu.all_reduce %and3A_312 {dim = 0 : i64, kind = #tpu.reduction_kind<sum>} : vector<16xi1> -> vector<16xi32>
          %all_reduce_ffs3A_328 = tpu.all_reduce %and3A_312 {dim = 0 : i64, kind = #tpu.reduction_kind<find_first_set>} : vector<16xi1> -> vector<16xi32>
          %gt3A_329 = arith.constant 0 : i32
          %gt3A_330 = vector.broadcast %gt3A_329 : i32 to vector<16xi32>
          %gt3A_331 = arith.cmpi sgt, %all_reduce_population_count3A_327, %gt3A_330 : vector<16xi32>
          %mul3A_332 = arith.constant 16 : i32
          %mul3A_333 = arith.muli %add3A_299, %mul3A_332 : i32
          %add3A_334 = arith.addi %mul3A_333, %mul3A_20 : i32
          %add3A_335 = vector.broadcast %add3A_334 : i32 to vector<16xi32>
          %add3A_336 = arith.addi %add3A_335, %all_reduce_ffs3A_328 : vector<16xi32>
          %select_n3A_337 = arith.select %gt3A_331, %add3A_336, %broadcast_in_dim3A_128 : vector<16xi1>, vector<16xi32>
          %add3A_338 = arith.addi %add3A_294, %iota3A : vector<16xi32>
          tpu.vector_store_idx %arg6[%add3A_338], %masked_sort3A_326 : memref<48xi32, #tpu.memory_space<vmem>>[vector<16xi32>], vector<16xi32>,
          %lt3A_339 = arith.constant 32 : i32
          %lt3A_340 = vector.broadcast %lt3A_339 : i32 to vector<16xi32>
          %lt3A_341 = arith.cmpi slt, %add3A_294, %lt3A_340 : vector<16xi32>
          %jit3A_342 = arith.constant 0 : i32
          %broadcast_in_dim3A_343 = vector.broadcast %jit3A_342 : i32 to vector<16xi32>
          %select_n3A_344 = arith.select %lt3A_341, %all_reduce_population_count3A_327, %broadcast_in_dim3A_343 : vector<16xi1>, vector<16xi32>
          %add3A_345 = arith.addi %add3A_294, %select_n3A_344 : vector<16xi32>
          %min3A_346 = arith.minsi %min3A_295, %select_n3A_337 : vector<16xi32>
          %mul3A_347 = arith.constant 16 : i32
          %mul3A_348 = arith.muli %scan3A_186, %mul3A_347 : i32
          %add3A_349 = arith.constant 3 : i32
          %add3A_350 = arith.addi %mul3A_348, %add3A_349 : i32
          %mul3A_351 = arith.constant 16 : i32
          %mul3A_352 = arith.muli %add3A_350, %mul3A_351 : i32
          %get3A_353 = arith.constant 3 : i32
          %get3A_354 = arith.index_cast %get3A_353 : i32 to index
          %get3A_355 = arith.index_cast %mul3A_352 : i32 to index
          %get3A_356 = tpu.vector_load %arg5[%get3A_354, %get3A_355] {strides = array<i32>} : memref<4x4096xf32, #tpu.memory_space<vmem>>, vector<16xf32>,
          %le3A_357 = arith.constant 4.000000e-02 : f32
          %le3A_358 = vector.broadcast %le3A_357 : f32 to vector<16xf32>
          %le3A_359 = arith.cmpf ole, %get3A_356, %le3A_358 : vector<16xf32>
          %lt3A_360 = arith.constant 32 : i32
          %lt3A_361 = vector.broadcast %lt3A_360 : i32 to vector<16xi32>
          %lt3A_362 = arith.cmpi slt, %add3A_345, %lt3A_361 : vector<16xi32>
          %and3A_363 = arith.andi %le3A_359, %lt3A_362 : vector<16xi1>
          %mul3A_364 = arith.constant 16 : i32
          %mul3A_365 = arith.muli %add3A_350, %mul3A_364 : i32
          %add3A_366 = arith.addi %mul3A_365, %mul3A_20 : i32
          %add3A_367 = vector.broadcast %add3A_366 : i32 to vector<16xi32>
          %add3A_368 = arith.addi %iota3A, %add3A_367 : vector<16xi32>
          %select_n3A_369 = arith.select %and3A_363, %add3A_368, %broadcast_in_dim3A_128 : vector<16xi1>, vector<16xi32>
          %masked_sort3A_370 = arith.constant dense<true> : vector<16xi1>
          %masked_sort3A_371 = arith.constant -2147483648 : i32
          %masked_sort3A_372 = vector.broadcast %masked_sort3A_371 : i32 to vector<16xi32>
          %masked_sort3A_373 = arith.xori %select_n3A_369, %masked_sort3A_372 : vector<16xi32>
          %masked_sort3A_374, %masked_sort3A_375, %masked_sort3A_376 = tpu.sort %masked_sort3A_373, %select_n3A_369 masked %masked_sort3A_370 : (vector<16xi32>, vector<16xi32>, vector<16xi1>) -> (vector<16xi1>, vector<16xi32>, vector<16xi32>)
          %masked_sort3A_377 = arith.xori %masked_sort3A_375, %masked_sort3A_372 : vector<16xi32>
          %all_reduce_population_count3A_378 = tpu.all_reduce %and3A_363 {dim = 0 : i64, kind = #tpu.reduction_kind<sum>} : vector<16xi1> -> vector<16xi32>
          %all_reduce_ffs3A_379 = tpu.all_reduce %and3A_363 {dim = 0 : i64, kind = #tpu.reduction_kind<find_first_set>} : vector<16xi1> -> vector<16xi32>
          %gt3A_380 = arith.constant 0 : i32
          %gt3A_381 = vector.broadcast %gt3A_380 : i32 to vector<16xi32>
          %gt3A_382 = arith.cmpi sgt, %all_reduce_population_count3A_378, %gt3A_381 : vector<16xi32>
          %mul3A_383 = arith.constant 16 : i32
          %mul3A_384 = arith.muli %add3A_350, %mul3A_383 : i32
          %add3A_385 = arith.addi %mul3A_384, %mul3A_20 : i32
          %add3A_386 = vector.broadcast %add3A_385 : i32 to vector<16xi32>
          %add3A_387 = arith.addi %add3A_386, %all_reduce_ffs3A_379 : vector<16xi32>
          %select_n3A_388 = arith.select %gt3A_382, %add3A_387, %broadcast_in_dim3A_128 : vector<16xi1>, vector<16xi32>
          %add3A_389 = arith.addi %add3A_345, %iota3A : vector<16xi32>
          tpu.vector_store_idx %arg6[%add3A_389], %masked_sort3A_377 : memref<48xi32, #tpu.memory_space<vmem>>[vector<16xi32>], vector<16xi32>,
          %lt3A_390 = arith.constant 32 : i32
          %lt3A_391 = vector.broadcast %lt3A_390 : i32 to vector<16xi32>
          %lt3A_392 = arith.cmpi slt, %add3A_345, %lt3A_391 : vector<16xi32>
          %jit3A_393 = arith.constant 0 : i32
          %broadcast_in_dim3A_394 = vector.broadcast %jit3A_393 : i32 to vector<16xi32>
          %select_n3A_395 = arith.select %lt3A_392, %all_reduce_population_count3A_378, %broadcast_in_dim3A_394 : vector<16xi1>, vector<16xi32>
          %add3A_396 = arith.addi %add3A_345, %select_n3A_395 : vector<16xi32>
          %min3A_397 = arith.minsi %min3A_346, %select_n3A_388 : vector<16xi32>
          %mul3A_398 = arith.constant 16 : i32
          %mul3A_399 = arith.muli %scan3A_186, %mul3A_398 : i32
          %add3A_400 = arith.constant 4 : i32
          %add3A_401 = arith.addi %mul3A_399, %add3A_400 : i32
          %mul3A_402 = arith.constant 16 : i32
          %mul3A_403 = arith.muli %add3A_401, %mul3A_402 : i32
          %get3A_404 = arith.constant 3 : i32
          %get3A_405 = arith.index_cast %get3A_404 : i32 to index
          %get3A_406 = arith.index_cast %mul3A_403 : i32 to index
          %get3A_407 = tpu.vector_load %arg5[%get3A_405, %get3A_406] {strides = array<i32>} : memref<4x4096xf32, #tpu.memory_space<vmem>>, vector<16xf32>,
          %le3A_408 = arith.constant 4.000000e-02 : f32
          %le3A_409 = vector.broadcast %le3A_408 : f32 to vector<16xf32>
          %le3A_410 = arith.cmpf ole, %get3A_407, %le3A_409 : vector<16xf32>
          %lt3A_411 = arith.constant 32 : i32
          %lt3A_412 = vector.broadcast %lt3A_411 : i32 to vector<16xi32>
          %lt3A_413 = arith.cmpi slt, %add3A_396, %lt3A_412 : vector<16xi32>
          %and3A_414 = arith.andi %le3A_410, %lt3A_413 : vector<16xi1>
          %mul3A_415 = arith.constant 16 : i32
          %mul3A_416 = arith.muli %add3A_401, %mul3A_415 : i32
          %add3A_417 = arith.addi %mul3A_416, %mul3A_20 : i32
          %add3A_418 = vector.broadcast %add3A_417 : i32 to vector<16xi32>
          %add3A_419 = arith.addi %iota3A, %add3A_418 : vector<16xi32>
          %select_n3A_420 = arith.select %and3A_414, %add3A_419, %broadcast_in_dim3A_128 : vector<16xi1>, vector<16xi32>
          %masked_sort3A_421 = arith.constant dense<true> : vector<16xi1>
          %masked_sort3A_422 = arith.constant -2147483648 : i32
          %masked_sort3A_423 = vector.broadcast %masked_sort3A_422 : i32 to vector<16xi32>
          %masked_sort3A_424 = arith.xori %select_n3A_420, %masked_sort3A_423 : vector<16xi32>
          %masked_sort3A_425, %masked_sort3A_426, %masked_sort3A_427 = tpu.sort %masked_sort3A_424, %select_n3A_420 masked %masked_sort3A_421 : (vector<16xi32>, vector<16xi32>, vector<16xi1>) -> (vector<16xi1>, vector<16xi32>, vector<16xi32>)
          %masked_sort3A_428 = arith.xori %masked_sort3A_426, %masked_sort3A_423 : vector<16xi32>
          %all_reduce_population_count3A_429 = tpu.all_reduce %and3A_414 {dim = 0 : i64, kind = #tpu.reduction_kind<sum>} : vector<16xi1> -> vector<16xi32>
          %all_reduce_ffs3A_430 = tpu.all_reduce %and3A_414 {dim = 0 : i64, kind = #tpu.reduction_kind<find_first_set>} : vector<16xi1> -> vector<16xi32>
          %gt3A_431 = arith.constant 0 : i32
          %gt3A_432 = vector.broadcast %gt3A_431 : i32 to vector<16xi32>
          %gt3A_433 = arith.cmpi sgt, %all_reduce_population_count3A_429, %gt3A_432 : vector<16xi32>
          %mul3A_434 = arith.constant 16 : i32
          %mul3A_435 = arith.muli %add3A_401, %mul3A_434 : i32
          %add3A_436 = arith.addi %mul3A_435, %mul3A_20 : i32
          %add3A_437 = vector.broadcast %add3A_436 : i32 to vector<16xi32>
          %add3A_438 = arith.addi %add3A_437, %all_reduce_ffs3A_430 : vector<16xi32>
          %select_n3A_439 = arith.select %gt3A_433, %add3A_438, %broadcast_in_dim3A_128 : vector<16xi1>, vector<16xi32>
          %add3A_440 = arith.addi %add3A_396, %iota3A : vector<16xi32>
          tpu.vector_store_idx %arg6[%add3A_440], %masked_sort3A_428 : memref<48xi32, #tpu.memory_space<vmem>>[vector<16xi32>], vector<16xi32>,
          %lt3A_441 = arith.constant 32 : i32
          %lt3A_442 = vector.broadcast %lt3A_441 : i32 to vector<16xi32>
          %lt3A_443 = arith.cmpi slt, %add3A_396, %lt3A_442 : vector<16xi32>
          %jit3A_444 = arith.constant 0 : i32
          %broadcast_in_dim3A_445 = vector.broadcast %jit3A_444 : i32 to vector<16xi32>
          %select_n3A_446 = arith.select %lt3A_443, %all_reduce_population_count3A_429, %broadcast_in_dim3A_445 : vector<16xi1>, vector<16xi32>
          %add3A_447 = arith.addi %add3A_396, %select_n3A_446 : vector<16xi32>
          %min3A_448 = arith.minsi %min3A_397, %select_n3A_439 : vector<16xi32>
          %mul3A_449 = arith.constant 16 : i32
          %mul3A_450 = arith.muli %scan3A_186, %mul3A_449 : i32
          %add3A_451 = arith.constant 5 : i32
          %add3A_452 = arith.addi %mul3A_450, %add3A_451 : i32
          %mul3A_453 = arith.constant 16 : i32
          %mul3A_454 = arith.muli %add3A_452, %mul3A_453 : i32
          %get3A_455 = arith.constant 3 : i32
          %get3A_456 = arith.index_cast %get3A_455 : i32 to index
          %get3A_457 = arith.index_cast %mul3A_454 : i32 to index
          %get3A_458 = tpu.vector_load %arg5[%get3A_456, %get3A_457] {strides = array<i32>} : memref<4x4096xf32, #tpu.memory_space<vmem>>, vector<16xf32>,
          %le3A_459 = arith.constant 4.000000e-02 : f32
          %le3A_460 = vector.broadcast %le3A_459 : f32 to vector<16xf32>
          %le3A_461 = arith.cmpf ole, %get3A_458, %le3A_460 : vector<16xf32>
          %lt3A_462 = arith.constant 32 : i32
          %lt3A_463 = vector.broadcast %lt3A_462 : i32 to vector<16xi32>
          %lt3A_464 = arith.cmpi slt, %add3A_447, %lt3A_463 : vector<16xi32>
          %and3A_465 = arith.andi %le3A_461, %lt3A_464 : vector<16xi1>
          %mul3A_466 = arith.constant 16 : i32
          %mul3A_467 = arith.muli %add3A_452, %mul3A_466 : i32
          %add3A_468 = arith.addi %mul3A_467, %mul3A_20 : i32
          %add3A_469 = vector.broadcast %add3A_468 : i32 to vector<16xi32>
          %add3A_470 = arith.addi %iota3A, %add3A_469 : vector<16xi32>
          %select_n3A_471 = arith.select %and3A_465, %add3A_470, %broadcast_in_dim3A_128 : vector<16xi1>, vector<16xi32>
          %masked_sort3A_472 = arith.constant dense<true> : vector<16xi1>
          %masked_sort3A_473 = arith.constant -2147483648 : i32
          %masked_sort3A_474 = vector.broadcast %masked_sort3A_473 : i32 to vector<16xi32>
          %masked_sort3A_475 = arith.xori %select_n3A_471, %masked_sort3A_474 : vector<16xi32>
          %masked_sort3A_476, %masked_sort3A_477, %masked_sort3A_478 = tpu.sort %masked_sort3A_475, %select_n3A_471 masked %masked_sort3A_472 : (vector<16xi32>, vector<16xi32>, vector<16xi1>) -> (vector<16xi1>, vector<16xi32>, vector<16xi32>)
          %masked_sort3A_479 = arith.xori %masked_sort3A_477, %masked_sort3A_474 : vector<16xi32>
          %all_reduce_population_count3A_480 = tpu.all_reduce %and3A_465 {dim = 0 : i64, kind = #tpu.reduction_kind<sum>} : vector<16xi1> -> vector<16xi32>
          %all_reduce_ffs3A_481 = tpu.all_reduce %and3A_465 {dim = 0 : i64, kind = #tpu.reduction_kind<find_first_set>} : vector<16xi1> -> vector<16xi32>
          %gt3A_482 = arith.constant 0 : i32
          %gt3A_483 = vector.broadcast %gt3A_482 : i32 to vector<16xi32>
          %gt3A_484 = arith.cmpi sgt, %all_reduce_population_count3A_480, %gt3A_483 : vector<16xi32>
          %mul3A_485 = arith.constant 16 : i32
          %mul3A_486 = arith.muli %add3A_452, %mul3A_485 : i32
          %add3A_487 = arith.addi %mul3A_486, %mul3A_20 : i32
          %add3A_488 = vector.broadcast %add3A_487 : i32 to vector<16xi32>
          %add3A_489 = arith.addi %add3A_488, %all_reduce_ffs3A_481 : vector<16xi32>
          %select_n3A_490 = arith.select %gt3A_484, %add3A_489, %broadcast_in_dim3A_128 : vector<16xi1>, vector<16xi32>
          %add3A_491 = arith.addi %add3A_447, %iota3A : vector<16xi32>
          tpu.vector_store_idx %arg6[%add3A_491], %masked_sort3A_479 : memref<48xi32, #tpu.memory_space<vmem>>[vector<16xi32>], vector<16xi32>,
          %lt3A_492 = arith.constant 32 : i32
          %lt3A_493 = vector.broadcast %lt3A_492 : i32 to vector<16xi32>
          %lt3A_494 = arith.cmpi slt, %add3A_447, %lt3A_493 : vector<16xi32>
          %jit3A_495 = arith.constant 0 : i32
          %broadcast_in_dim3A_496 = vector.broadcast %jit3A_495 : i32 to vector<16xi32>
          %select_n3A_497 = arith.select %lt3A_494, %all_reduce_population_count3A_480, %broadcast_in_dim3A_496 : vector<16xi1>, vector<16xi32>
          %add3A_498 = arith.addi %add3A_447, %select_n3A_497 : vector<16xi32>
          %min3A_499 = arith.minsi %min3A_448, %select_n3A_490 : vector<16xi32>
          %mul3A_500 = arith.constant 16 : i32
          %mul3A_501 = arith.muli %scan3A_186, %mul3A_500 : i32
          %add3A_502 = arith.constant 6 : i32
          %add3A_503 = arith.addi %mul3A_501, %add3A_502 : i32
          %mul3A_504 = arith.constant 16 : i32
          %mul3A_505 = arith.muli %add3A_503, %mul3A_504 : i32
          %get3A_506 = arith.constant 3 : i32
          %get3A_507 = arith.index_cast %get3A_506 : i32 to index
          %get3A_508 = arith.index_cast %mul3A_505 : i32 to index
          %get3A_509 = tpu.vector_load %arg5[%get3A_507, %get3A_508] {strides = array<i32>} : memref<4x4096xf32, #tpu.memory_space<vmem>>, vector<16xf32>,
          %le3A_510 = arith.constant 4.000000e-02 : f32
          %le3A_511 = vector.broadcast %le3A_510 : f32 to vector<16xf32>
          %le3A_512 = arith.cmpf ole, %get3A_509, %le3A_511 : vector<16xf32>
          %lt3A_513 = arith.constant 32 : i32
          %lt3A_514 = vector.broadcast %lt3A_513 : i32 to vector<16xi32>
          %lt3A_515 = arith.cmpi slt, %add3A_498, %lt3A_514 : vector<16xi32>
          %and3A_516 = arith.andi %le3A_512, %lt3A_515 : vector<16xi1>
          %mul3A_517 = arith.constant 16 : i32
          %mul3A_518 = arith.muli %add3A_503, %mul3A_517 : i32
          %add3A_519 = arith.addi %mul3A_518, %mul3A_20 : i32
          %add3A_520 = vector.broadcast %add3A_519 : i32 to vector<16xi32>
          %add3A_521 = arith.addi %iota3A, %add3A_520 : vector<16xi32>
          %select_n3A_522 = arith.select %and3A_516, %add3A_521, %broadcast_in_dim3A_128 : vector<16xi1>, vector<16xi32>
          %masked_sort3A_523 = arith.constant dense<true> : vector<16xi1>
          %masked_sort3A_524 = arith.constant -2147483648 : i32
          %masked_sort3A_525 = vector.broadcast %masked_sort3A_524 : i32 to vector<16xi32>
          %masked_sort3A_526 = arith.xori %select_n3A_522, %masked_sort3A_525 : vector<16xi32>
          %masked_sort3A_527, %masked_sort3A_528, %masked_sort3A_529 = tpu.sort %masked_sort3A_526, %select_n3A_522 masked %masked_sort3A_523 : (vector<16xi32>, vector<16xi32>, vector<16xi1>) -> (vector<16xi1>, vector<16xi32>, vector<16xi32>)
          %masked_sort3A_530 = arith.xori %masked_sort3A_528, %masked_sort3A_525 : vector<16xi32>
          %all_reduce_population_count3A_531 = tpu.all_reduce %and3A_516 {dim = 0 : i64, kind = #tpu.reduction_kind<sum>} : vector<16xi1> -> vector<16xi32>
          %all_reduce_ffs3A_532 = tpu.all_reduce %and3A_516 {dim = 0 : i64, kind = #tpu.reduction_kind<find_first_set>} : vector<16xi1> -> vector<16xi32>
          %gt3A_533 = arith.constant 0 : i32
          %gt3A_534 = vector.broadcast %gt3A_533 : i32 to vector<16xi32>
          %gt3A_535 = arith.cmpi sgt, %all_reduce_population_count3A_531, %gt3A_534 : vector<16xi32>
          %mul3A_536 = arith.constant 16 : i32
          %mul3A_537 = arith.muli %add3A_503, %mul3A_536 : i32
          %add3A_538 = arith.addi %mul3A_537, %mul3A_20 : i32
          %add3A_539 = vector.broadcast %add3A_538 : i32 to vector<16xi32>
          %add3A_540 = arith.addi %add3A_539, %all_reduce_ffs3A_532 : vector<16xi32>
          %select_n3A_541 = arith.select %gt3A_535, %add3A_540, %broadcast_in_dim3A_128 : vector<16xi1>, vector<16xi32>
          %add3A_542 = arith.addi %add3A_498, %iota3A : vector<16xi32>
          tpu.vector_store_idx %arg6[%add3A_542], %masked_sort3A_530 : memref<48xi32, #tpu.memory_space<vmem>>[vector<16xi32>], vector<16xi32>,
          %lt3A_543 = arith.constant 32 : i32
          %lt3A_544 = vector.broadcast %lt3A_543 : i32 to vector<16xi32>
          %lt3A_545 = arith.cmpi slt, %add3A_498, %lt3A_544 : vector<16xi32>
          %jit3A_546 = arith.constant 0 : i32
          %broadcast_in_dim3A_547 = vector.broadcast %jit3A_546 : i32 to vector<16xi32>
          %select_n3A_548 = arith.select %lt3A_545, %all_reduce_population_count3A_531, %broadcast_in_dim3A_547 : vector<16xi1>, vector<16xi32>
          %add3A_549 = arith.addi %add3A_498, %select_n3A_548 : vector<16xi32>
          %min3A_550 = arith.minsi %min3A_499, %select_n3A_541 : vector<16xi32>
          %mul3A_551 = arith.constant 16 : i32
          %mul3A_552 = arith.muli %scan3A_186, %mul3A_551 : i32
          %add3A_553 = arith.constant 7 : i32
          %add3A_554 = arith.addi %mul3A_552, %add3A_553 : i32
          %mul3A_555 = arith.constant 16 : i32
          %mul3A_556 = arith.muli %add3A_554, %mul3A_555 : i32
          %get3A_557 = arith.constant 3 : i32
          %get3A_558 = arith.index_cast %get3A_557 : i32 to index
          %get3A_559 = arith.index_cast %mul3A_556 : i32 to index
          %get3A_560 = tpu.vector_load %arg5[%get3A_558, %get3A_559] {strides = array<i32>} : memref<4x4096xf32, #tpu.memory_space<vmem>>, vector<16xf32>,
          %le3A_561 = arith.constant 4.000000e-02 : f32
          %le3A_562 = vector.broadcast %le3A_561 : f32 to vector<16xf32>
          %le3A_563 = arith.cmpf ole, %get3A_560, %le3A_562 : vector<16xf32>
          %lt3A_564 = arith.constant 32 : i32
          %lt3A_565 = vector.broadcast %lt3A_564 : i32 to vector<16xi32>
          %lt3A_566 = arith.cmpi slt, %add3A_549, %lt3A_565 : vector<16xi32>
          %and3A_567 = arith.andi %le3A_563, %lt3A_566 : vector<16xi1>
          %mul3A_568 = arith.constant 16 : i32
          %mul3A_569 = arith.muli %add3A_554, %mul3A_568 : i32
          %add3A_570 = arith.addi %mul3A_569, %mul3A_20 : i32
          %add3A_571 = vector.broadcast %add3A_570 : i32 to vector<16xi32>
          %add3A_572 = arith.addi %iota3A, %add3A_571 : vector<16xi32>
          %select_n3A_573 = arith.select %and3A_567, %add3A_572, %broadcast_in_dim3A_128 : vector<16xi1>, vector<16xi32>
          %masked_sort3A_574 = arith.constant dense<true> : vector<16xi1>
          %masked_sort3A_575 = arith.constant -2147483648 : i32
          %masked_sort3A_576 = vector.broadcast %masked_sort3A_575 : i32 to vector<16xi32>
          %masked_sort3A_577 = arith.xori %select_n3A_573, %masked_sort3A_576 : vector<16xi32>
          %masked_sort3A_578, %masked_sort3A_579, %masked_sort3A_580 = tpu.sort %masked_sort3A_577, %select_n3A_573 masked %masked_sort3A_574 : (vector<16xi32>, vector<16xi32>, vector<16xi1>) -> (vector<16xi1>, vector<16xi32>, vector<16xi32>)
          %masked_sort3A_581 = arith.xori %masked_sort3A_579, %masked_sort3A_576 : vector<16xi32>
          %all_reduce_population_count3A_582 = tpu.all_reduce %and3A_567 {dim = 0 : i64, kind = #tpu.reduction_kind<sum>} : vector<16xi1> -> vector<16xi32>
          %all_reduce_ffs3A_583 = tpu.all_reduce %and3A_567 {dim = 0 : i64, kind = #tpu.reduction_kind<find_first_set>} : vector<16xi1> -> vector<16xi32>
          %gt3A_584 = arith.constant 0 : i32
          %gt3A_585 = vector.broadcast %gt3A_584 : i32 to vector<16xi32>
          %gt3A_586 = arith.cmpi sgt, %all_reduce_population_count3A_582, %gt3A_585 : vector<16xi32>
          %mul3A_587 = arith.constant 16 : i32
          %mul3A_588 = arith.muli %add3A_554, %mul3A_587 : i32
          %add3A_589 = arith.addi %mul3A_588, %mul3A_20 : i32
          %add3A_590 = vector.broadcast %add3A_589 : i32 to vector<16xi32>
          %add3A_591 = arith.addi %add3A_590, %all_reduce_ffs3A_583 : vector<16xi32>
          %select_n3A_592 = arith.select %gt3A_586, %add3A_591, %broadcast_in_dim3A_128 : vector<16xi1>, vector<16xi32>
          %add3A_593 = arith.addi %add3A_549, %iota3A : vector<16xi32>
          tpu.vector_store_idx %arg6[%add3A_593], %masked_sort3A_581 : memref<48xi32, #tpu.memory_space<vmem>>[vector<16xi32>], vector<16xi32>,
          %lt3A_594 = arith.constant 32 : i32
          %lt3A_595 = vector.broadcast %lt3A_594 : i32 to vector<16xi32>
          %lt3A_596 = arith.cmpi slt, %add3A_549, %lt3A_595 : vector<16xi32>
          %jit3A_597 = arith.constant 0 : i32
          %broadcast_in_dim3A_598 = vector.broadcast %jit3A_597 : i32 to vector<16xi32>
          %select_n3A_599 = arith.select %lt3A_596, %all_reduce_population_count3A_582, %broadcast_in_dim3A_598 : vector<16xi1>, vector<16xi32>
          %add3A_600 = arith.addi %add3A_549, %select_n3A_599 : vector<16xi32>
          %min3A_601 = arith.minsi %min3A_550, %select_n3A_592 : vector<16xi32>
          %mul3A_602 = arith.constant 16 : i32
          %mul3A_603 = arith.muli %scan3A_186, %mul3A_602 : i32
          %add3A_604 = arith.constant 8 : i32
          %add3A_605 = arith.addi %mul3A_603, %add3A_604 : i32
          %mul3A_606 = arith.constant 16 : i32
          %mul3A_607 = arith.muli %add3A_605, %mul3A_606 : i32
          %get3A_608 = arith.constant 3 : i32
          %get3A_609 = arith.index_cast %get3A_608 : i32 to index
          %get3A_610 = arith.index_cast %mul3A_607 : i32 to index
          %get3A_611 = tpu.vector_load %arg5[%get3A_609, %get3A_610] {strides = array<i32>} : memref<4x4096xf32, #tpu.memory_space<vmem>>, vector<16xf32>,
          %le3A_612 = arith.constant 4.000000e-02 : f32
          %le3A_613 = vector.broadcast %le3A_612 : f32 to vector<16xf32>
          %le3A_614 = arith.cmpf ole, %get3A_611, %le3A_613 : vector<16xf32>
          %lt3A_615 = arith.constant 32 : i32
          %lt3A_616 = vector.broadcast %lt3A_615 : i32 to vector<16xi32>
          %lt3A_617 = arith.cmpi slt, %add3A_600, %lt3A_616 : vector<16xi32>
          %and3A_618 = arith.andi %le3A_614, %lt3A_617 : vector<16xi1>
          %mul3A_619 = arith.constant 16 : i32
          %mul3A_620 = arith.muli %add3A_605, %mul3A_619 : i32
          %add3A_621 = arith.addi %mul3A_620, %mul3A_20 : i32
          %add3A_622 = vector.broadcast %add3A_621 : i32 to vector<16xi32>
          %add3A_623 = arith.addi %iota3A, %add3A_622 : vector<16xi32>
          %select_n3A_624 = arith.select %and3A_618, %add3A_623, %broadcast_in_dim3A_128 : vector<16xi1>, vector<16xi32>
          %masked_sort3A_625 = arith.constant dense<true> : vector<16xi1>
          %masked_sort3A_626 = arith.constant -2147483648 : i32
          %masked_sort3A_627 = vector.broadcast %masked_sort3A_626 : i32 to vector<16xi32>
          %masked_sort3A_628 = arith.xori %select_n3A_624, %masked_sort3A_627 : vector<16xi32>
          %masked_sort3A_629, %masked_sort3A_630, %masked_sort3A_631 = tpu.sort %masked_sort3A_628, %select_n3A_624 masked %masked_sort3A_625 : (vector<16xi32>, vector<16xi32>, vector<16xi1>) -> (vector<16xi1>, vector<16xi32>, vector<16xi32>)
          %masked_sort3A_632 = arith.xori %masked_sort3A_630, %masked_sort3A_627 : vector<16xi32>
          %all_reduce_population_count3A_633 = tpu.all_reduce %and3A_618 {dim = 0 : i64, kind = #tpu.reduction_kind<sum>} : vector<16xi1> -> vector<16xi32>
          %all_reduce_ffs3A_634 = tpu.all_reduce %and3A_618 {dim = 0 : i64, kind = #tpu.reduction_kind<find_first_set>} : vector<16xi1> -> vector<16xi32>
          %gt3A_635 = arith.constant 0 : i32
          %gt3A_636 = vector.broadcast %gt3A_635 : i32 to vector<16xi32>
          %gt3A_637 = arith.cmpi sgt, %all_reduce_population_count3A_633, %gt3A_636 : vector<16xi32>
          %mul3A_638 = arith.constant 16 : i32
          %mul3A_639 = arith.muli %add3A_605, %mul3A_638 : i32
          %add3A_640 = arith.addi %mul3A_639, %mul3A_20 : i32
          %add3A_641 = vector.broadcast %add3A_640 : i32 to vector<16xi32>
          %add3A_642 = arith.addi %add3A_641, %all_reduce_ffs3A_634 : vector<16xi32>
          %select_n3A_643 = arith.select %gt3A_637, %add3A_642, %broadcast_in_dim3A_128 : vector<16xi1>, vector<16xi32>
          %add3A_644 = arith.addi %add3A_600, %iota3A : vector<16xi32>
          tpu.vector_store_idx %arg6[%add3A_644], %masked_sort3A_632 : memref<48xi32, #tpu.memory_space<vmem>>[vector<16xi32>], vector<16xi32>,
          %lt3A_645 = arith.constant 32 : i32
          %lt3A_646 = vector.broadcast %lt3A_645 : i32 to vector<16xi32>
          %lt3A_647 = arith.cmpi slt, %add3A_600, %lt3A_646 : vector<16xi32>
          %jit3A_648 = arith.constant 0 : i32
          %broadcast_in_dim3A_649 = vector.broadcast %jit3A_648 : i32 to vector<16xi32>
          %select_n3A_650 = arith.select %lt3A_647, %all_reduce_population_count3A_633, %broadcast_in_dim3A_649 : vector<16xi1>, vector<16xi32>
          %add3A_651 = arith.addi %add3A_600, %select_n3A_650 : vector<16xi32>
          %min3A_652 = arith.minsi %min3A_601, %select_n3A_643 : vector<16xi32>
          %mul3A_653 = arith.constant 16 : i32
          %mul3A_654 = arith.muli %scan3A_186, %mul3A_653 : i32
          %add3A_655 = arith.constant 9 : i32
          %add3A_656 = arith.addi %mul3A_654, %add3A_655 : i32
          %mul3A_657 = arith.constant 16 : i32
          %mul3A_658 = arith.muli %add3A_656, %mul3A_657 : i32
          %get3A_659 = arith.constant 3 : i32
          %get3A_660 = arith.index_cast %get3A_659 : i32 to index
          %get3A_661 = arith.index_cast %mul3A_658 : i32 to index
          %get3A_662 = tpu.vector_load %arg5[%get3A_660, %get3A_661] {strides = array<i32>} : memref<4x4096xf32, #tpu.memory_space<vmem>>, vector<16xf32>,
          %le3A_663 = arith.constant 4.000000e-02 : f32
          %le3A_664 = vector.broadcast %le3A_663 : f32 to vector<16xf32>
          %le3A_665 = arith.cmpf ole, %get3A_662, %le3A_664 : vector<16xf32>
          %lt3A_666 = arith.constant 32 : i32
          %lt3A_667 = vector.broadcast %lt3A_666 : i32 to vector<16xi32>
          %lt3A_668 = arith.cmpi slt, %add3A_651, %lt3A_667 : vector<16xi32>
          %and3A_669 = arith.andi %le3A_665, %lt3A_668 : vector<16xi1>
          %mul3A_670 = arith.constant 16 : i32
          %mul3A_671 = arith.muli %add3A_656, %mul3A_670 : i32
          %add3A_672 = arith.addi %mul3A_671, %mul3A_20 : i32
          %add3A_673 = vector.broadcast %add3A_672 : i32 to vector<16xi32>
          %add3A_674 = arith.addi %iota3A, %add3A_673 : vector<16xi32>
          %select_n3A_675 = arith.select %and3A_669, %add3A_674, %broadcast_in_dim3A_128 : vector<16xi1>, vector<16xi32>
          %masked_sort3A_676 = arith.constant dense<true> : vector<16xi1>
          %masked_sort3A_677 = arith.constant -2147483648 : i32
          %masked_sort3A_678 = vector.broadcast %masked_sort3A_677 : i32 to vector<16xi32>
          %masked_sort3A_679 = arith.xori %select_n3A_675, %masked_sort3A_678 : vector<16xi32>
          %masked_sort3A_680, %masked_sort3A_681, %masked_sort3A_682 = tpu.sort %masked_sort3A_679, %select_n3A_675 masked %masked_sort3A_676 : (vector<16xi32>, vector<16xi32>, vector<16xi1>) -> (vector<16xi1>, vector<16xi32>, vector<16xi32>)
          %masked_sort3A_683 = arith.xori %masked_sort3A_681, %masked_sort3A_678 : vector<16xi32>
          %all_reduce_population_count3A_684 = tpu.all_reduce %and3A_669 {dim = 0 : i64, kind = #tpu.reduction_kind<sum>} : vector<16xi1> -> vector<16xi32>
          %all_reduce_ffs3A_685 = tpu.all_reduce %and3A_669 {dim = 0 : i64, kind = #tpu.reduction_kind<find_first_set>} : vector<16xi1> -> vector<16xi32>
          %gt3A_686 = arith.constant 0 : i32
          %gt3A_687 = vector.broadcast %gt3A_686 : i32 to vector<16xi32>
          %gt3A_688 = arith.cmpi sgt, %all_reduce_population_count3A_684, %gt3A_687 : vector<16xi32>
          %mul3A_689 = arith.constant 16 : i32
          %mul3A_690 = arith.muli %add3A_656, %mul3A_689 : i32
          %add3A_691 = arith.addi %mul3A_690, %mul3A_20 : i32
          %add3A_692 = vector.broadcast %add3A_691 : i32 to vector<16xi32>
          %add3A_693 = arith.addi %add3A_692, %all_reduce_ffs3A_685 : vector<16xi32>
          %select_n3A_694 = arith.select %gt3A_688, %add3A_693, %broadcast_in_dim3A_128 : vector<16xi1>, vector<16xi32>
          %add3A_695 = arith.addi %add3A_651, %iota3A : vector<16xi32>
          tpu.vector_store_idx %arg6[%add3A_695], %masked_sort3A_683 : memref<48xi32, #tpu.memory_space<vmem>>[vector<16xi32>], vector<16xi32>,
          %lt3A_696 = arith.constant 32 : i32
          %lt3A_697 = vector.broadcast %lt3A_696 : i32 to vector<16xi32>
          %lt3A_698 = arith.cmpi slt, %add3A_651, %lt3A_697 : vector<16xi32>
          %jit3A_699 = arith.constant 0 : i32
          %broadcast_in_dim3A_700 = vector.broadcast %jit3A_699 : i32 to vector<16xi32>
          %select_n3A_701 = arith.select %lt3A_698, %all_reduce_population_count3A_684, %broadcast_in_dim3A_700 : vector<16xi1>, vector<16xi32>
          %add3A_702 = arith.addi %add3A_651, %select_n3A_701 : vector<16xi32>
          %min3A_703 = arith.minsi %min3A_652, %select_n3A_694 : vector<16xi32>
          %mul3A_704 = arith.constant 16 : i32
          %mul3A_705 = arith.muli %scan3A_186, %mul3A_704 : i32
          %add3A_706 = arith.constant 10 : i32
          %add3A_707 = arith.addi %mul3A_705, %add3A_706 : i32
          %mul3A_708 = arith.constant 16 : i32
          %mul3A_709 = arith.muli %add3A_707, %mul3A_708 : i32
          %get3A_710 = arith.constant 3 : i32
          %get3A_711 = arith.index_cast %get3A_710 : i32 to index
          %get3A_712 = arith.index_cast %mul3A_709 : i32 to index
          %get3A_713 = tpu.vector_load %arg5[%get3A_711, %get3A_712] {strides = array<i32>} : memref<4x4096xf32, #tpu.memory_space<vmem>>, vector<16xf32>,
          %le3A_714 = arith.constant 4.000000e-02 : f32
          %le3A_715 = vector.broadcast %le3A_714 : f32 to vector<16xf32>
          %le3A_716 = arith.cmpf ole, %get3A_713, %le3A_715 : vector<16xf32>
          %lt3A_717 = arith.constant 32 : i32
          %lt3A_718 = vector.broadcast %lt3A_717 : i32 to vector<16xi32>
          %lt3A_719 = arith.cmpi slt, %add3A_702, %lt3A_718 : vector<16xi32>
          %and3A_720 = arith.andi %le3A_716, %lt3A_719 : vector<16xi1>
          %mul3A_721 = arith.constant 16 : i32
          %mul3A_722 = arith.muli %add3A_707, %mul3A_721 : i32
          %add3A_723 = arith.addi %mul3A_722, %mul3A_20 : i32
          %add3A_724 = vector.broadcast %add3A_723 : i32 to vector<16xi32>
          %add3A_725 = arith.addi %iota3A, %add3A_724 : vector<16xi32>
          %select_n3A_726 = arith.select %and3A_720, %add3A_725, %broadcast_in_dim3A_128 : vector<16xi1>, vector<16xi32>
          %masked_sort3A_727 = arith.constant dense<true> : vector<16xi1>
          %masked_sort3A_728 = arith.constant -2147483648 : i32
          %masked_sort3A_729 = vector.broadcast %masked_sort3A_728 : i32 to vector<16xi32>
          %masked_sort3A_730 = arith.xori %select_n3A_726, %masked_sort3A_729 : vector<16xi32>
          %masked_sort3A_731, %masked_sort3A_732, %masked_sort3A_733 = tpu.sort %masked_sort3A_730, %select_n3A_726 masked %masked_sort3A_727 : (vector<16xi32>, vector<16xi32>, vector<16xi1>) -> (vector<16xi1>, vector<16xi32>, vector<16xi32>)
          %masked_sort3A_734 = arith.xori %masked_sort3A_732, %masked_sort3A_729 : vector<16xi32>
          %all_reduce_population_count3A_735 = tpu.all_reduce %and3A_720 {dim = 0 : i64, kind = #tpu.reduction_kind<sum>} : vector<16xi1> -> vector<16xi32>
          %all_reduce_ffs3A_736 = tpu.all_reduce %and3A_720 {dim = 0 : i64, kind = #tpu.reduction_kind<find_first_set>} : vector<16xi1> -> vector<16xi32>
          %gt3A_737 = arith.constant 0 : i32
          %gt3A_738 = vector.broadcast %gt3A_737 : i32 to vector<16xi32>
          %gt3A_739 = arith.cmpi sgt, %all_reduce_population_count3A_735, %gt3A_738 : vector<16xi32>
          %mul3A_740 = arith.constant 16 : i32
          %mul3A_741 = arith.muli %add3A_707, %mul3A_740 : i32
          %add3A_742 = arith.addi %mul3A_741, %mul3A_20 : i32
          %add3A_743 = vector.broadcast %add3A_742 : i32 to vector<16xi32>
          %add3A_744 = arith.addi %add3A_743, %all_reduce_ffs3A_736 : vector<16xi32>
          %select_n3A_745 = arith.select %gt3A_739, %add3A_744, %broadcast_in_dim3A_128 : vector<16xi1>, vector<16xi32>
          %add3A_746 = arith.addi %add3A_702, %iota3A : vector<16xi32>
          tpu.vector_store_idx %arg6[%add3A_746], %masked_sort3A_734 : memref<48xi32, #tpu.memory_space<vmem>>[vector<16xi32>], vector<16xi32>,
          %lt3A_747 = arith.constant 32 : i32
          %lt3A_748 = vector.broadcast %lt3A_747 : i32 to vector<16xi32>
          %lt3A_749 = arith.cmpi slt, %add3A_702, %lt3A_748 : vector<16xi32>
          %jit3A_750 = arith.constant 0 : i32
          %broadcast_in_dim3A_751 = vector.broadcast %jit3A_750 : i32 to vector<16xi32>
          %select_n3A_752 = arith.select %lt3A_749, %all_reduce_population_count3A_735, %broadcast_in_dim3A_751 : vector<16xi1>, vector<16xi32>
          %add3A_753 = arith.addi %add3A_702, %select_n3A_752 : vector<16xi32>
          %min3A_754 = arith.minsi %min3A_703, %select_n3A_745 : vector<16xi32>
          %mul3A_755 = arith.constant 16 : i32
          %mul3A_756 = arith.muli %scan3A_186, %mul3A_755 : i32
          %add3A_757 = arith.constant 11 : i32
          %add3A_758 = arith.addi %mul3A_756, %add3A_757 : i32
          %mul3A_759 = arith.constant 16 : i32
          %mul3A_760 = arith.muli %add3A_758, %mul3A_759 : i32
          %get3A_761 = arith.constant 3 : i32
          %get3A_762 = arith.index_cast %get3A_761 : i32 to index
          %get3A_763 = arith.index_cast %mul3A_760 : i32 to index
          %get3A_764 = tpu.vector_load %arg5[%get3A_762, %get3A_763] {strides = array<i32>} : memref<4x4096xf32, #tpu.memory_space<vmem>>, vector<16xf32>,
          %le3A_765 = arith.constant 4.000000e-02 : f32
          %le3A_766 = vector.broadcast %le3A_765 : f32 to vector<16xf32>
          %le3A_767 = arith.cmpf ole, %get3A_764, %le3A_766 : vector<16xf32>
          %lt3A_768 = arith.constant 32 : i32
          %lt3A_769 = vector.broadcast %lt3A_768 : i32 to vector<16xi32>
          %lt3A_770 = arith.cmpi slt, %add3A_753, %lt3A_769 : vector<16xi32>
          %and3A_771 = arith.andi %le3A_767, %lt3A_770 : vector<16xi1>
          %mul3A_772 = arith.constant 16 : i32
          %mul3A_773 = arith.muli %add3A_758, %mul3A_772 : i32
          %add3A_774 = arith.addi %mul3A_773, %mul3A_20 : i32
          %add3A_775 = vector.broadcast %add3A_774 : i32 to vector<16xi32>
          %add3A_776 = arith.addi %iota3A, %add3A_775 : vector<16xi32>
          %select_n3A_777 = arith.select %and3A_771, %add3A_776, %broadcast_in_dim3A_128 : vector<16xi1>, vector<16xi32>
          %masked_sort3A_778 = arith.constant dense<true> : vector<16xi1>
          %masked_sort3A_779 = arith.constant -2147483648 : i32
          %masked_sort3A_780 = vector.broadcast %masked_sort3A_779 : i32 to vector<16xi32>
          %masked_sort3A_781 = arith.xori %select_n3A_777, %masked_sort3A_780 : vector<16xi32>
          %masked_sort3A_782, %masked_sort3A_783, %masked_sort3A_784 = tpu.sort %masked_sort3A_781, %select_n3A_777 masked %masked_sort3A_778 : (vector<16xi32>, vector<16xi32>, vector<16xi1>) -> (vector<16xi1>, vector<16xi32>, vector<16xi32>)
          %masked_sort3A_785 = arith.xori %masked_sort3A_783, %masked_sort3A_780 : vector<16xi32>
          %all_reduce_population_count3A_786 = tpu.all_reduce %and3A_771 {dim = 0 : i64, kind = #tpu.reduction_kind<sum>} : vector<16xi1> -> vector<16xi32>
          %all_reduce_ffs3A_787 = tpu.all_reduce %and3A_771 {dim = 0 : i64, kind = #tpu.reduction_kind<find_first_set>} : vector<16xi1> -> vector<16xi32>
          %gt3A_788 = arith.constant 0 : i32
          %gt3A_789 = vector.broadcast %gt3A_788 : i32 to vector<16xi32>
          %gt3A_790 = arith.cmpi sgt, %all_reduce_population_count3A_786, %gt3A_789 : vector<16xi32>
          %mul3A_791 = arith.constant 16 : i32
          %mul3A_792 = arith.muli %add3A_758, %mul3A_791 : i32
          %add3A_793 = arith.addi %mul3A_792, %mul3A_20 : i32
          %add3A_794 = vector.broadcast %add3A_793 : i32 to vector<16xi32>
          %add3A_795 = arith.addi %add3A_794, %all_reduce_ffs3A_787 : vector<16xi32>
          %select_n3A_796 = arith.select %gt3A_790, %add3A_795, %broadcast_in_dim3A_128 : vector<16xi1>, vector<16xi32>
          %add3A_797 = arith.addi %add3A_753, %iota3A : vector<16xi32>
          tpu.vector_store_idx %arg6[%add3A_797], %masked_sort3A_785 : memref<48xi32, #tpu.memory_space<vmem>>[vector<16xi32>], vector<16xi32>,
          %lt3A_798 = arith.constant 32 : i32
          %lt3A_799 = vector.broadcast %lt3A_798 : i32 to vector<16xi32>
          %lt3A_800 = arith.cmpi slt, %add3A_753, %lt3A_799 : vector<16xi32>
          %jit3A_801 = arith.constant 0 : i32
          %broadcast_in_dim3A_802 = vector.broadcast %jit3A_801 : i32 to vector<16xi32>
          %select_n3A_803 = arith.select %lt3A_800, %all_reduce_population_count3A_786, %broadcast_in_dim3A_802 : vector<16xi1>, vector<16xi32>
          %add3A_804 = arith.addi %add3A_753, %select_n3A_803 : vector<16xi32>
          %min3A_805 = arith.minsi %min3A_754, %select_n3A_796 : vector<16xi32>
          %mul3A_806 = arith.constant 16 : i32
          %mul3A_807 = arith.muli %scan3A_186, %mul3A_806 : i32
          %add3A_808 = arith.constant 12 : i32
          %add3A_809 = arith.addi %mul3A_807, %add3A_808 : i32
          %mul3A_810 = arith.constant 16 : i32
          %mul3A_811 = arith.muli %add3A_809, %mul3A_810 : i32
          %get3A_812 = arith.constant 3 : i32
          %get3A_813 = arith.index_cast %get3A_812 : i32 to index
          %get3A_814 = arith.index_cast %mul3A_811 : i32 to index
          %get3A_815 = tpu.vector_load %arg5[%get3A_813, %get3A_814] {strides = array<i32>} : memref<4x4096xf32, #tpu.memory_space<vmem>>, vector<16xf32>,
          %le3A_816 = arith.constant 4.000000e-02 : f32
          %le3A_817 = vector.broadcast %le3A_816 : f32 to vector<16xf32>
          %le3A_818 = arith.cmpf ole, %get3A_815, %le3A_817 : vector<16xf32>
          %lt3A_819 = arith.constant 32 : i32
          %lt3A_820 = vector.broadcast %lt3A_819 : i32 to vector<16xi32>
          %lt3A_821 = arith.cmpi slt, %add3A_804, %lt3A_820 : vector<16xi32>
          %and3A_822 = arith.andi %le3A_818, %lt3A_821 : vector<16xi1>
          %mul3A_823 = arith.constant 16 : i32
          %mul3A_824 = arith.muli %add3A_809, %mul3A_823 : i32
          %add3A_825 = arith.addi %mul3A_824, %mul3A_20 : i32
          %add3A_826 = vector.broadcast %add3A_825 : i32 to vector<16xi32>
          %add3A_827 = arith.addi %iota3A, %add3A_826 : vector<16xi32>
          %select_n3A_828 = arith.select %and3A_822, %add3A_827, %broadcast_in_dim3A_128 : vector<16xi1>, vector<16xi32>
          %masked_sort3A_829 = arith.constant dense<true> : vector<16xi1>
          %masked_sort3A_830 = arith.constant -2147483648 : i32
          %masked_sort3A_831 = vector.broadcast %masked_sort3A_830 : i32 to vector<16xi32>
          %masked_sort3A_832 = arith.xori %select_n3A_828, %masked_sort3A_831 : vector<16xi32>
          %masked_sort3A_833, %masked_sort3A_834, %masked_sort3A_835 = tpu.sort %masked_sort3A_832, %select_n3A_828 masked %masked_sort3A_829 : (vector<16xi32>, vector<16xi32>, vector<16xi1>) -> (vector<16xi1>, vector<16xi32>, vector<16xi32>)
          %masked_sort3A_836 = arith.xori %masked_sort3A_834, %masked_sort3A_831 : vector<16xi32>
          %all_reduce_population_count3A_837 = tpu.all_reduce %and3A_822 {dim = 0 : i64, kind = #tpu.reduction_kind<sum>} : vector<16xi1> -> vector<16xi32>
          %all_reduce_ffs3A_838 = tpu.all_reduce %and3A_822 {dim = 0 : i64, kind = #tpu.reduction_kind<find_first_set>} : vector<16xi1> -> vector<16xi32>
          %gt3A_839 = arith.constant 0 : i32
          %gt3A_840 = vector.broadcast %gt3A_839 : i32 to vector<16xi32>
          %gt3A_841 = arith.cmpi sgt, %all_reduce_population_count3A_837, %gt3A_840 : vector<16xi32>
          %mul3A_842 = arith.constant 16 : i32
          %mul3A_843 = arith.muli %add3A_809, %mul3A_842 : i32
          %add3A_844 = arith.addi %mul3A_843, %mul3A_20 : i32
          %add3A_845 = vector.broadcast %add3A_844 : i32 to vector<16xi32>
          %add3A_846 = arith.addi %add3A_845, %all_reduce_ffs3A_838 : vector<16xi32>
          %select_n3A_847 = arith.select %gt3A_841, %add3A_846, %broadcast_in_dim3A_128 : vector<16xi1>, vector<16xi32>
          %add3A_848 = arith.addi %add3A_804, %iota3A : vector<16xi32>
          tpu.vector_store_idx %arg6[%add3A_848], %masked_sort3A_836 : memref<48xi32, #tpu.memory_space<vmem>>[vector<16xi32>], vector<16xi32>,
          %lt3A_849 = arith.constant 32 : i32
          %lt3A_850 = vector.broadcast %lt3A_849 : i32 to vector<16xi32>
          %lt3A_851 = arith.cmpi slt, %add3A_804, %lt3A_850 : vector<16xi32>
          %jit3A_852 = arith.constant 0 : i32
          %broadcast_in_dim3A_853 = vector.broadcast %jit3A_852 : i32 to vector<16xi32>
          %select_n3A_854 = arith.select %lt3A_851, %all_reduce_population_count3A_837, %broadcast_in_dim3A_853 : vector<16xi1>, vector<16xi32>
          %add3A_855 = arith.addi %add3A_804, %select_n3A_854 : vector<16xi32>
          %min3A_856 = arith.minsi %min3A_805, %select_n3A_847 : vector<16xi32>
          %mul3A_857 = arith.constant 16 : i32
          %mul3A_858 = arith.muli %scan3A_186, %mul3A_857 : i32
          %add3A_859 = arith.constant 13 : i32
          %add3A_860 = arith.addi %mul3A_858, %add3A_859 : i32
          %mul3A_861 = arith.constant 16 : i32
          %mul3A_862 = arith.muli %add3A_860, %mul3A_861 : i32
          %get3A_863 = arith.constant 3 : i32
          %get3A_864 = arith.index_cast %get3A_863 : i32 to index
          %get3A_865 = arith.index_cast %mul3A_862 : i32 to index
          %get3A_866 = tpu.vector_load %arg5[%get3A_864, %get3A_865] {strides = array<i32>} : memref<4x4096xf32, #tpu.memory_space<vmem>>, vector<16xf32>,
          %le3A_867 = arith.constant 4.000000e-02 : f32
          %le3A_868 = vector.broadcast %le3A_867 : f32 to vector<16xf32>
          %le3A_869 = arith.cmpf ole, %get3A_866, %le3A_868 : vector<16xf32>
          %lt3A_870 = arith.constant 32 : i32
          %lt3A_871 = vector.broadcast %lt3A_870 : i32 to vector<16xi32>
          %lt3A_872 = arith.cmpi slt, %add3A_855, %lt3A_871 : vector<16xi32>
          %and3A_873 = arith.andi %le3A_869, %lt3A_872 : vector<16xi1>
          %mul3A_874 = arith.constant 16 : i32
          %mul3A_875 = arith.muli %add3A_860, %mul3A_874 : i32
          %add3A_876 = arith.addi %mul3A_875, %mul3A_20 : i32
          %add3A_877 = vector.broadcast %add3A_876 : i32 to vector<16xi32>
          %add3A_878 = arith.addi %iota3A, %add3A_877 : vector<16xi32>
          %select_n3A_879 = arith.select %and3A_873, %add3A_878, %broadcast_in_dim3A_128 : vector<16xi1>, vector<16xi32>
          %masked_sort3A_880 = arith.constant dense<true> : vector<16xi1>
          %masked_sort3A_881 = arith.constant -2147483648 : i32
          %masked_sort3A_882 = vector.broadcast %masked_sort3A_881 : i32 to vector<16xi32>
          %masked_sort3A_883 = arith.xori %select_n3A_879, %masked_sort3A_882 : vector<16xi32>
          %masked_sort3A_884, %masked_sort3A_885, %masked_sort3A_886 = tpu.sort %masked_sort3A_883, %select_n3A_879 masked %masked_sort3A_880 : (vector<16xi32>, vector<16xi32>, vector<16xi1>) -> (vector<16xi1>, vector<16xi32>, vector<16xi32>)
          %masked_sort3A_887 = arith.xori %masked_sort3A_885, %masked_sort3A_882 : vector<16xi32>
          %all_reduce_population_count3A_888 = tpu.all_reduce %and3A_873 {dim = 0 : i64, kind = #tpu.reduction_kind<sum>} : vector<16xi1> -> vector<16xi32>
          %all_reduce_ffs3A_889 = tpu.all_reduce %and3A_873 {dim = 0 : i64, kind = #tpu.reduction_kind<find_first_set>} : vector<16xi1> -> vector<16xi32>
          %gt3A_890 = arith.constant 0 : i32
          %gt3A_891 = vector.broadcast %gt3A_890 : i32 to vector<16xi32>
          %gt3A_892 = arith.cmpi sgt, %all_reduce_population_count3A_888, %gt3A_891 : vector<16xi32>
          %mul3A_893 = arith.constant 16 : i32
          %mul3A_894 = arith.muli %add3A_860, %mul3A_893 : i32
          %add3A_895 = arith.addi %mul3A_894, %mul3A_20 : i32
          %add3A_896 = vector.broadcast %add3A_895 : i32 to vector<16xi32>
          %add3A_897 = arith.addi %add3A_896, %all_reduce_ffs3A_889 : vector<16xi32>
          %select_n3A_898 = arith.select %gt3A_892, %add3A_897, %broadcast_in_dim3A_128 : vector<16xi1>, vector<16xi32>
          %add3A_899 = arith.addi %add3A_855, %iota3A : vector<16xi32>
          tpu.vector_store_idx %arg6[%add3A_899], %masked_sort3A_887 : memref<48xi32, #tpu.memory_space<vmem>>[vector<16xi32>], vector<16xi32>,
          %lt3A_900 = arith.constant 32 : i32
          %lt3A_901 = vector.broadcast %lt3A_900 : i32 to vector<16xi32>
          %lt3A_902 = arith.cmpi slt, %add3A_855, %lt3A_901 : vector<16xi32>
          %jit3A_903 = arith.constant 0 : i32
          %broadcast_in_dim3A_904 = vector.broadcast %jit3A_903 : i32 to vector<16xi32>
          %select_n3A_905 = arith.select %lt3A_902, %all_reduce_population_count3A_888, %broadcast_in_dim3A_904 : vector<16xi1>, vector<16xi32>
          %add3A_906 = arith.addi %add3A_855, %select_n3A_905 : vector<16xi32>
          %min3A_907 = arith.minsi %min3A_856, %select_n3A_898 : vector<16xi32>
          %mul3A_908 = arith.constant 16 : i32
          %mul3A_909 = arith.muli %scan3A_186, %mul3A_908 : i32
          %add3A_910 = arith.constant 14 : i32
          %add3A_911 = arith.addi %mul3A_909, %add3A_910 : i32
          %mul3A_912 = arith.constant 16 : i32
          %mul3A_913 = arith.muli %add3A_911, %mul3A_912 : i32
          %get3A_914 = arith.constant 3 : i32
          %get3A_915 = arith.index_cast %get3A_914 : i32 to index
          %get3A_916 = arith.index_cast %mul3A_913 : i32 to index
          %get3A_917 = tpu.vector_load %arg5[%get3A_915, %get3A_916] {strides = array<i32>} : memref<4x4096xf32, #tpu.memory_space<vmem>>, vector<16xf32>,
          %le3A_918 = arith.constant 4.000000e-02 : f32
          %le3A_919 = vector.broadcast %le3A_918 : f32 to vector<16xf32>
          %le3A_920 = arith.cmpf ole, %get3A_917, %le3A_919 : vector<16xf32>
          %lt3A_921 = arith.constant 32 : i32
          %lt3A_922 = vector.broadcast %lt3A_921 : i32 to vector<16xi32>
          %lt3A_923 = arith.cmpi slt, %add3A_906, %lt3A_922 : vector<16xi32>
          %and3A_924 = arith.andi %le3A_920, %lt3A_923 : vector<16xi1>
          %mul3A_925 = arith.constant 16 : i32
          %mul3A_926 = arith.muli %add3A_911, %mul3A_925 : i32
          %add3A_927 = arith.addi %mul3A_926, %mul3A_20 : i32
          %add3A_928 = vector.broadcast %add3A_927 : i32 to vector<16xi32>
          %add3A_929 = arith.addi %iota3A, %add3A_928 : vector<16xi32>
          %select_n3A_930 = arith.select %and3A_924, %add3A_929, %broadcast_in_dim3A_128 : vector<16xi1>, vector<16xi32>
          %masked_sort3A_931 = arith.constant dense<true> : vector<16xi1>
          %masked_sort3A_932 = arith.constant -2147483648 : i32
          %masked_sort3A_933 = vector.broadcast %masked_sort3A_932 : i32 to vector<16xi32>
          %masked_sort3A_934 = arith.xori %select_n3A_930, %masked_sort3A_933 : vector<16xi32>
          %masked_sort3A_935, %masked_sort3A_936, %masked_sort3A_937 = tpu.sort %masked_sort3A_934, %select_n3A_930 masked %masked_sort3A_931 : (vector<16xi32>, vector<16xi32>, vector<16xi1>) -> (vector<16xi1>, vector<16xi32>, vector<16xi32>)
          %masked_sort3A_938 = arith.xori %masked_sort3A_936, %masked_sort3A_933 : vector<16xi32>
          %all_reduce_population_count3A_939 = tpu.all_reduce %and3A_924 {dim = 0 : i64, kind = #tpu.reduction_kind<sum>} : vector<16xi1> -> vector<16xi32>
          %all_reduce_ffs3A_940 = tpu.all_reduce %and3A_924 {dim = 0 : i64, kind = #tpu.reduction_kind<find_first_set>} : vector<16xi1> -> vector<16xi32>
          %gt3A_941 = arith.constant 0 : i32
          %gt3A_942 = vector.broadcast %gt3A_941 : i32 to vector<16xi32>
          %gt3A_943 = arith.cmpi sgt, %all_reduce_population_count3A_939, %gt3A_942 : vector<16xi32>
          %mul3A_944 = arith.constant 16 : i32
          %mul3A_945 = arith.muli %add3A_911, %mul3A_944 : i32
          %add3A_946 = arith.addi %mul3A_945, %mul3A_20 : i32
          %add3A_947 = vector.broadcast %add3A_946 : i32 to vector<16xi32>
          %add3A_948 = arith.addi %add3A_947, %all_reduce_ffs3A_940 : vector<16xi32>
          %select_n3A_949 = arith.select %gt3A_943, %add3A_948, %broadcast_in_dim3A_128 : vector<16xi1>, vector<16xi32>
          %add3A_950 = arith.addi %add3A_906, %iota3A : vector<16xi32>
          tpu.vector_store_idx %arg6[%add3A_950], %masked_sort3A_938 : memref<48xi32, #tpu.memory_space<vmem>>[vector<16xi32>], vector<16xi32>,
          %lt3A_951 = arith.constant 32 : i32
          %lt3A_952 = vector.broadcast %lt3A_951 : i32 to vector<16xi32>
          %lt3A_953 = arith.cmpi slt, %add3A_906, %lt3A_952 : vector<16xi32>
          %jit3A_954 = arith.constant 0 : i32
          %broadcast_in_dim3A_955 = vector.broadcast %jit3A_954 : i32 to vector<16xi32>
          %select_n3A_956 = arith.select %lt3A_953, %all_reduce_population_count3A_939, %broadcast_in_dim3A_955 : vector<16xi1>, vector<16xi32>
          %add3A_957 = arith.addi %add3A_906, %select_n3A_956 : vector<16xi32>
          %min3A_958 = arith.minsi %min3A_907, %select_n3A_949 : vector<16xi32>
          %mul3A_959 = arith.constant 16 : i32
          %mul3A_960 = arith.muli %scan3A_186, %mul3A_959 : i32
          %add3A_961 = arith.constant 15 : i32
          %add3A_962 = arith.addi %mul3A_960, %add3A_961 : i32
          %mul3A_963 = arith.constant 16 : i32
          %mul3A_964 = arith.muli %add3A_962, %mul3A_963 : i32
          %get3A_965 = arith.constant 3 : i32
          %get3A_966 = arith.index_cast %get3A_965 : i32 to index
          %get3A_967 = arith.index_cast %mul3A_964 : i32 to index
          %get3A_968 = tpu.vector_load %arg5[%get3A_966, %get3A_967] {strides = array<i32>} : memref<4x4096xf32, #tpu.memory_space<vmem>>, vector<16xf32>,
          %le3A_969 = arith.constant 4.000000e-02 : f32
          %le3A_970 = vector.broadcast %le3A_969 : f32 to vector<16xf32>
          %le3A_971 = arith.cmpf ole, %get3A_968, %le3A_970 : vector<16xf32>
          %lt3A_972 = arith.constant 32 : i32
          %lt3A_973 = vector.broadcast %lt3A_972 : i32 to vector<16xi32>
          %lt3A_974 = arith.cmpi slt, %add3A_957, %lt3A_973 : vector<16xi32>
          %and3A_975 = arith.andi %le3A_971, %lt3A_974 : vector<16xi1>
          %mul3A_976 = arith.constant 16 : i32
          %mul3A_977 = arith.muli %add3A_962, %mul3A_976 : i32
          %add3A_978 = arith.addi %mul3A_977, %mul3A_20 : i32
          %add3A_979 = vector.broadcast %add3A_978 : i32 to vector<16xi32>
          %add3A_980 = arith.addi %iota3A, %add3A_979 : vector<16xi32>
          %select_n3A_981 = arith.select %and3A_975, %add3A_980, %broadcast_in_dim3A_128 : vector<16xi1>, vector<16xi32>
          %masked_sort3A_982 = arith.constant dense<true> : vector<16xi1>
          %masked_sort3A_983 = arith.constant -2147483648 : i32
          %masked_sort3A_984 = vector.broadcast %masked_sort3A_983 : i32 to vector<16xi32>
          %masked_sort3A_985 = arith.xori %select_n3A_981, %masked_sort3A_984 : vector<16xi32>
          %masked_sort3A_986, %masked_sort3A_987, %masked_sort3A_988 = tpu.sort %masked_sort3A_985, %select_n3A_981 masked %masked_sort3A_982 : (vector<16xi32>, vector<16xi32>, vector<16xi1>) -> (vector<16xi1>, vector<16xi32>, vector<16xi32>)
          %masked_sort3A_989 = arith.xori %masked_sort3A_987, %masked_sort3A_984 : vector<16xi32>
          %all_reduce_population_count3A_990 = tpu.all_reduce %and3A_975 {dim = 0 : i64, kind = #tpu.reduction_kind<sum>} : vector<16xi1> -> vector<16xi32>
          %all_reduce_ffs3A_991 = tpu.all_reduce %and3A_975 {dim = 0 : i64, kind = #tpu.reduction_kind<find_first_set>} : vector<16xi1> -> vector<16xi32>
          %gt3A_992 = arith.constant 0 : i32
          %gt3A_993 = vector.broadcast %gt3A_992 : i32 to vector<16xi32>
          %gt3A_994 = arith.cmpi sgt, %all_reduce_population_count3A_990, %gt3A_993 : vector<16xi32>
          %mul3A_995 = arith.constant 16 : i32
          %mul3A_996 = arith.muli %add3A_962, %mul3A_995 : i32
          %add3A_997 = arith.addi %mul3A_996, %mul3A_20 : i32
          %add3A_998 = vector.broadcast %add3A_997 : i32 to vector<16xi32>
          %add3A_999 = arith.addi %add3A_998, %all_reduce_ffs3A_991 : vector<16xi32>
          %select_n3A_1000 = arith.select %gt3A_994, %add3A_999, %broadcast_in_dim3A_128 : vector<16xi1>, vector<16xi32>
          %add3A_1001 = arith.addi %add3A_957, %iota3A : vector<16xi32>
          tpu.vector_store_idx %arg6[%add3A_1001], %masked_sort3A_989 : memref<48xi32, #tpu.memory_space<vmem>>[vector<16xi32>], vector<16xi32>,
          %lt3A_1002 = arith.constant 32 : i32
          %lt3A_1003 = vector.broadcast %lt3A_1002 : i32 to vector<16xi32>
          %lt3A_1004 = arith.cmpi slt, %add3A_957, %lt3A_1003 : vector<16xi32>
          %jit3A_1005 = arith.constant 0 : i32
          %broadcast_in_dim3A_1006 = vector.broadcast %jit3A_1005 : i32 to vector<16xi32>
          %select_n3A_1007 = arith.select %lt3A_1004, %all_reduce_population_count3A_990, %broadcast_in_dim3A_1006 : vector<16xi1>, vector<16xi32>
          %add3A_1008 = arith.addi %add3A_957, %select_n3A_1007 : vector<16xi32>
          %min3A_1009 = arith.minsi %min3A_958, %select_n3A_1000 : vector<16xi32>
          scf.yield %add3A_1008, %min3A_1009 : vector<16xi32>, vector<16xi32>
        } else {
          scf.yield %scan3A_187, %scan3A_188 : vector<16xi32>, vector<16xi32>
        }
        scf.yield %cond3A_199#0, %cond3A_199#1 : vector<16xi32>, vector<16xi32>
      }
      %scan3A_136 = arith.constant 16 : i32
      %get3A_137 = arith.constant 0 : index
      %get3A_138 = tpu.vector_load %arg6[%get3A_137] {strides = array<i32>} : memref<48xi32, #tpu.memory_space<vmem>>, vector<16xi32>,
      %add3A_139 = arith.constant 0 : i32
      %add3A_140 = vector.broadcast %add3A_139 : i32 to vector<16xi32>
      %add3A_141 = arith.addi %iota3A, %add3A_140 : vector<16xi32>
      %lt3A_142 = arith.cmpi slt, %add3A_141, %scan3A_135#0 : vector<16xi32>
      %select_n3A_143 = arith.select %lt3A_142, %get3A_138, %scan3A_135#1 : vector<16xi1>, vector<16xi32>
      %swap3A_144 = arith.constant 0 : index
      %swap3A_145 = tpu.vector_load %arg10[%swap3A_144] {strides = array<i32>} : memref<32xi32, #tpu.memory_space<vmem>>, vector<16xi32>,
      tpu.vector_store %arg10[%swap3A_144], %select_n3A_143 {strides = array<i32>} : memref<32xi32, #tpu.memory_space<vmem>>, vector<16xi32>,
      %get3A_146 = arith.constant 16 : index
      %get3A_147 = tpu.vector_load %arg6[%get3A_146] {strides = array<i32>} : memref<48xi32, #tpu.memory_space<vmem>>, vector<16xi32>,
      %add3A_148 = arith.constant 16 : i32
      %add3A_149 = vector.broadcast %add3A_148 : i32 to vector<16xi32>
      %add3A_150 = arith.addi %iota3A, %add3A_149 : vector<16xi32>
      %lt3A_151 = arith.cmpi slt, %add3A_150, %scan3A_135#0 : vector<16xi32>
      %select_n3A_152 = arith.select %lt3A_151, %get3A_147, %scan3A_135#1 : vector<16xi1>, vector<16xi32>
      %swap3A_153 = arith.constant 16 : index
      %swap3A_154 = tpu.vector_load %arg10[%swap3A_153] {strides = array<i32>} : memref<32xi32, #tpu.memory_space<vmem>>, vector<16xi32>,
      tpu.vector_store %arg10[%swap3A_153], %select_n3A_152 {strides = array<i32>} : memref<32xi32, #tpu.memory_space<vmem>>, vector<16xi32>,
      %dma_start3A_155 = arith.constant 96 : i32
      %dma_start3A_156 = arith.constant 0 : i32
      %dma_start3A_157 = tpu.memref_slice %arg11[%dma_start3A_155, %dma_start3A_156] : memref<128x128xf32, #tpu.memory_space<vmem>> -> memref<32x128xf32, #tpu.memory_space<vmem>>
      %dma_start3A_158 = arith.constant 0 : i32
      %dma_start3A_159 = arith.constant 0 : i32
      %dma_start3A_160 = tpu.memref_slice %arg3[%dma_start3A_158, %dma_start3A_159] : memref<32768x128xf32, #tpu.memory_space<hbm>> -> memref<32768x128xf32, #tpu.memory_space<hbm>>
      tpu.enqueue_indirect_dma source(%dma_start3A_160 : memref<32768x128xf32, #tpu.memory_space<hbm>>) target(%dma_start3A_157 : memref<32x128xf32, #tpu.memory_space<vmem>>) offsets(%arg10 : memref<32xi32, #tpu.memory_space<vmem>>) semaphore(%arg12 : memref<!tpu.dma_semaphore, #tpu.memory_space<semaphore_mem>>)
      %dma_wait3A = arith.constant 0 : i32
      %dma_wait3A_161 = arith.constant 0 : i32
      %dma_wait3A_162 = tpu.memref_slice %arg11[%dma_wait3A, %dma_wait3A_161] : memref<128x128xf32, #tpu.memory_space<vmem>> -> memref<32x128xf32, #tpu.memory_space<vmem>>
      %dma_wait3A_163 = arith.constant 0 : i32
      %dma_wait3A_164 = arith.constant 0 : i32
      %dma_wait3A_165 = tpu.memref_slice %arg3[%dma_wait3A_163, %dma_wait3A_164] : memref<32768x128xf32, #tpu.memory_space<hbm>> -> memref<32768x128xf32, #tpu.memory_space<hbm>>
      tpu.wait_indirect_dma semaphore(%arg12 : memref<!tpu.dma_semaphore, #tpu.memory_space<semaphore_mem>>) src(%dma_wait3A_165 : memref<32768x128xf32, #tpu.memory_space<hbm>>) dst(%dma_wait3A_162 : memref<32x128xf32, #tpu.memory_space<vmem>>)
      %dma_wait3A_166 = arith.constant 32 : i32
      %dma_wait3A_167 = arith.constant 0 : i32
      %dma_wait3A_168 = tpu.memref_slice %arg11[%dma_wait3A_166, %dma_wait3A_167] : memref<128x128xf32, #tpu.memory_space<vmem>> -> memref<32x128xf32, #tpu.memory_space<vmem>>
      %dma_wait3A_169 = arith.constant 0 : i32
      %dma_wait3A_170 = arith.constant 0 : i32
      %dma_wait3A_171 = tpu.memref_slice %arg3[%dma_wait3A_169, %dma_wait3A_170] : memref<32768x128xf32, #tpu.memory_space<hbm>> -> memref<32768x128xf32, #tpu.memory_space<hbm>>
      tpu.wait_indirect_dma semaphore(%arg12 : memref<!tpu.dma_semaphore, #tpu.memory_space<semaphore_mem>>) src(%dma_wait3A_171 : memref<32768x128xf32, #tpu.memory_space<hbm>>) dst(%dma_wait3A_168 : memref<32x128xf32, #tpu.memory_space<vmem>>)
      %dma_wait3A_172 = arith.constant 64 : i32
      %dma_wait3A_173 = arith.constant 0 : i32
      %dma_wait3A_174 = tpu.memref_slice %arg11[%dma_wait3A_172, %dma_wait3A_173] : memref<128x128xf32, #tpu.memory_space<vmem>> -> memref<32x128xf32, #tpu.memory_space<vmem>>
      %dma_wait3A_175 = arith.constant 0 : i32
      %dma_wait3A_176 = arith.constant 0 : i32
      %dma_wait3A_177 = tpu.memref_slice %arg3[%dma_wait3A_175, %dma_wait3A_176] : memref<32768x128xf32, #tpu.memory_space<hbm>> -> memref<32768x128xf32, #tpu.memory_space<hbm>>
      tpu.wait_indirect_dma semaphore(%arg12 : memref<!tpu.dma_semaphore, #tpu.memory_space<semaphore_mem>>) src(%dma_wait3A_177 : memref<32768x128xf32, #tpu.memory_space<hbm>>) dst(%dma_wait3A_174 : memref<32x128xf32, #tpu.memory_space<vmem>>)
      %dma_wait3A_178 = arith.constant 96 : i32
      %dma_wait3A_179 = arith.constant 0 : i32
      %dma_wait3A_180 = tpu.memref_slice %arg11[%dma_wait3A_178, %dma_wait3A_179] : memref<128x128xf32, #tpu.memory_space<vmem>> -> memref<32x128xf32, #tpu.memory_space<vmem>>
      %dma_wait3A_181 = arith.constant 0 : i32
      %dma_wait3A_182 = arith.constant 0 : i32
      %dma_wait3A_183 = tpu.memref_slice %arg3[%dma_wait3A_181, %dma_wait3A_182] : memref<32768x128xf32, #tpu.memory_space<hbm>> -> memref<32768x128xf32, #tpu.memory_space<hbm>>
      tpu.wait_indirect_dma semaphore(%arg12 : memref<!tpu.dma_semaphore, #tpu.memory_space<semaphore_mem>>) src(%dma_wait3A_183 : memref<32768x128xf32, #tpu.memory_space<hbm>>) dst(%dma_wait3A_180 : memref<32x128xf32, #tpu.memory_space<vmem>>)
      %mul3A_184 = arith.constant 32 : i32
      %mul3A_185 = arith.muli %add3A_29, %mul3A_184 : i32
      "tpu.region"() ({
        %run_scoped3A = tpu.sem_alloc : memref<!tpu.dma_semaphore, #tpu.memory_space<semaphore_mem>>
        %dma_start3A_186 = arith.constant 0 : i32
        %dma_start3A_187 = tpu.memref_slice %arg4[%mul3A_185, %dma_start3A_186] : memref<131072x128xf32, #tpu.memory_space<hbm>> -> memref<128x128xf32, #tpu.memory_space<hbm>>
        %dma_start3A_188 = arith.constant 0 : i32
        %dma_start3A_189 = tpu.memref_slice %arg4[%mul3A_185, %dma_start3A_188] : memref<131072x128xf32, #tpu.memory_space<hbm>> -> memref<128x128xf32, #tpu.memory_space<hbm>>
        tpu.enqueue_dma source(%arg11 : memref<128x128xf32, #tpu.memory_space<vmem>>) target(%dma_start3A_189 : memref<128x128xf32, #tpu.memory_space<hbm>>) target_semaphore(%run_scoped3A : memref<!tpu.dma_semaphore, #tpu.memory_space<semaphore_mem>>)
        %dma_wait3A_190 = arith.constant 0 : i32
        %dma_wait3A_191 = tpu.memref_slice %arg4[%mul3A_185, %dma_wait3A_190] : memref<131072x128xf32, #tpu.memory_space<hbm>> -> memref<128x128xf32, #tpu.memory_space<hbm>>
        %dma_wait3A_192 = arith.constant 0 : i32
        %dma_wait3A_193 = tpu.memref_slice %arg4[%mul3A_185, %dma_wait3A_192] : memref<131072x128xf32, #tpu.memory_space<hbm>> -> memref<128x128xf32, #tpu.memory_space<hbm>>
        tpu.wait_dma2 semaphore(%run_scoped3A : memref<!tpu.dma_semaphore, #tpu.memory_space<semaphore_mem>>) src(%arg11 : memref<128x128xf32, #tpu.memory_space<vmem>>) dst(%dma_wait3A_193 : memref<128x128xf32, #tpu.memory_space<hbm>>)
        tpu.yield
      }) : () -> ()
    }
    %scan3A_25 = arith.constant 32 : i32
    return
  }
}

module attributes {stable_mosaic.version = 14 : i64} {
  func.func @_fps_body(%arg0: i32, %arg1: memref<24x4096xf32, #tpu.memory_space<vmem>>, %arg2: memref<512x24xf32, #tpu.memory_space<vmem>>) attributes {dimension_semantics = [#tpu.dimension_semantics<arbitrary>], iteration_bounds = array<i64: 1>, scalar_prefetch = 0 : i64, scratch_operands = 0 : i64, tpu.core_type = #tpu.core_type<tc>, window_params = [{pipeline_mode = #tpu.pipeline_mode<synchronous>, transform_indices = @transform_0, window_bounds = array<i64: 24, 4096>}, {pipeline_mode = #tpu.pipeline_mode<synchronous>, transform_indices = @transform_1, window_bounds = array<i64: 512, 24>}]} {
    %get3A = arith.constant 0 : index
    %get3A_0 = arith.constant 0 : index
    %get3A_1 = vector.load %arg1[%get3A, %get3A_0] : memref<24x4096xf32, #tpu.memory_space<vmem>>, vector<24x4096xf32>
    %slice3A = vector.extract_strided_slice %get3A_1 {offsets = [0, 0], sizes = [8, 4096], strides = [1, 1]} : vector<24x4096xf32> to vector<8x4096xf32>
    %slice3A_2 = vector.extract_strided_slice %get3A_1 {offsets = [8, 0], sizes = [8, 4096], strides = [1, 1]} : vector<24x4096xf32> to vector<8x4096xf32>
    %slice3A_3 = vector.extract_strided_slice %get3A_1 {offsets = [16, 0], sizes = [8, 4096], strides = [1, 1]} : vector<24x4096xf32> to vector<8x4096xf32>
    %iota3A = tpu.iota {dimensions = array<i32: 1>} : vector<8x4096xi32>
    %iota3A_4 = tpu.iota {dimensions = array<i32: 1>} : vector<24x4096xi32>
    %broadcast_in_dim3A = arith.constant 1.000000e+10 : f32
    %broadcast_in_dim3A_5 = vector.broadcast %broadcast_in_dim3A : f32 to vector<8x4096xf32>
    %broadcast_in_dim3A_6 = arith.constant 0 : i32
    %broadcast_in_dim3A_7 = vector.broadcast %broadcast_in_dim3A_6 : i32 to vector<8x1xi32>
    %scan3A = arith.constant 0 : i32
    %scan3A_8 = arith.constant 512 : i32
    %scan3A_9 = arith.addi %scan3A, %scan3A_8 : i32
    %scan3A_10 = arith.constant 1 : i32
    %scan3A_11:2 = scf.for %scan3A_13 = %scan3A to %scan3A_9 step %scan3A_10 iter_args(%scan3A_14 = %broadcast_in_dim3A_5, %scan3A_15 = %broadcast_in_dim3A_7) -> (vector<8x4096xf32>, vector<8x1xi32>)  : i32 {
      %concatenate3A = tpu.concatenate %scan3A_15, %scan3A_15, %scan3A_15 in 0 : vector<8x1xi32>, vector<8x1xi32>, vector<8x1xi32> -> vector<24x1xi32>
      %eq3A = vector.broadcast %concatenate3A : vector<24x1xi32> to vector<24x4096xi32>
      %eq3A_16 = arith.cmpi eq, %iota3A_4, %eq3A : vector<24x4096xi32>
      %jit3A = arith.constant 0.000000e+00 : f32
      %broadcast_in_dim3A_17 = vector.broadcast %jit3A : f32 to vector<24x4096xf32>
      %select_n3A = arith.select %eq3A_16, %get3A_1, %broadcast_in_dim3A_17 : vector<24x4096xi1>, vector<24x4096xf32>
      %reduce_sum3A = arith.constant dense<0.000000e+00> : vector<24xf32>
      %reduce_sum3A_18 = vector.multi_reduction <add>, %select_n3A, %reduce_sum3A [1] : vector<24x4096xf32> to vector<24xf32>
      %broadcast_in_dim3A_19 = vector.shape_cast %reduce_sum3A_18 : vector<24xf32> to vector<24x1xf32>
      %transpose3A = tpu.transpose %broadcast_in_dim3A_19, [1, 0] : vector<24x1xf32> -> vector<1x24xf32>
      %swap3A = arith.index_cast %scan3A_13 : i32 to index
      %swap3A_20 = arith.constant 0 : index
      %swap3A_21 = vector.load %arg2[%swap3A, %swap3A_20] : memref<512x24xf32, #tpu.memory_space<vmem>>, vector<1x24xf32>
      tpu.vector_store %arg2[%swap3A, %swap3A_20], %transpose3A {strides = array<i32>} : memref<512x24xf32, #tpu.memory_space<vmem>>, vector<1x24xf32>,
      %slice3A_22 = vector.extract_strided_slice %broadcast_in_dim3A_19 {offsets = [0, 0], sizes = [8, 1], strides = [1, 1]} : vector<24x1xf32> to vector<8x1xf32>
      %slice3A_23 = vector.extract_strided_slice %broadcast_in_dim3A_19 {offsets = [8, 0], sizes = [8, 1], strides = [1, 1]} : vector<24x1xf32> to vector<8x1xf32>
      %slice3A_24 = vector.extract_strided_slice %broadcast_in_dim3A_19 {offsets = [16, 0], sizes = [8, 1], strides = [1, 1]} : vector<24x1xf32> to vector<8x1xf32>
      %sub3A = vector.broadcast %slice3A_22 : vector<8x1xf32> to vector<8x4096xf32>
      %sub3A_25 = arith.subf %slice3A, %sub3A : vector<8x4096xf32>
      %integer_pow3A = arith.mulf %sub3A_25, %sub3A_25 : vector<8x4096xf32>
      %sub3A_26 = vector.broadcast %slice3A_23 : vector<8x1xf32> to vector<8x4096xf32>
      %sub3A_27 = arith.subf %slice3A_2, %sub3A_26 : vector<8x4096xf32>
      %integer_pow3A_28 = arith.mulf %sub3A_27, %sub3A_27 : vector<8x4096xf32>
      %add3A = arith.addf %integer_pow3A, %integer_pow3A_28 : vector<8x4096xf32>
      %sub3A_29 = vector.broadcast %slice3A_24 : vector<8x1xf32> to vector<8x4096xf32>
      %sub3A_30 = arith.subf %slice3A_3, %sub3A_29 : vector<8x4096xf32>
      %integer_pow3A_31 = arith.mulf %sub3A_30, %sub3A_30 : vector<8x4096xf32>
      %add3A_32 = arith.addf %add3A, %integer_pow3A_31 : vector<8x4096xf32>
      %min3A = arith.minimumf %scan3A_14, %add3A_32 : vector<8x4096xf32>
      %reduce_max3A = arith.constant dense<0xFF800000> : vector<8xf32>
      %reduce_max3A_33 = vector.multi_reduction <maximumf>, %min3A, %reduce_max3A [1] : vector<8x4096xf32> to vector<8xf32>
      %broadcast_in_dim3A_34 = vector.shape_cast %reduce_max3A_33 : vector<8xf32> to vector<8x1xf32>
      %eq3A_35 = vector.broadcast %broadcast_in_dim3A_34 : vector<8x1xf32> to vector<8x4096xf32>
      %eq3A_36 = arith.cmpf oeq, %min3A, %eq3A_35 : vector<8x4096xf32>
      %jit3A_37 = arith.constant 4096 : i32
      %broadcast_in_dim3A_38 = vector.broadcast %jit3A_37 : i32 to vector<8x4096xi32>
      %select_n3A_39 = arith.select %eq3A_36, %iota3A, %broadcast_in_dim3A_38 : vector<8x4096xi1>, vector<8x4096xi32>
      %reduce_min3A = arith.constant dense<2147483647> : vector<8xi32>
      %reduce_min3A_40 = vector.multi_reduction <minsi>, %select_n3A_39, %reduce_min3A [1] : vector<8x4096xi32> to vector<8xi32>
      %broadcast_in_dim3A_41 = vector.shape_cast %reduce_min3A_40 : vector<8xi32> to vector<8x1xi32>
      scf.yield %min3A, %broadcast_in_dim3A_41 : vector<8x4096xf32>, vector<8x1xi32>
    }
    %scan3A_12 = arith.constant 512 : i32
    return
  }
  func.func @transform_0(%arg0: i32) -> (i32, i32) {
    %c0_i32 = arith.constant 0 : i32
    %c0_i32_0 = arith.constant 0 : i32
    %c0_i32_1 = arith.constant 0 : i32
    return %c0_i32, %c0_i32_0 : i32, i32
  }
  func.func @transform_1(%arg0: i32) -> (i32, i32) {
    %c0_i32 = arith.constant 0 : i32
    %c0_i32_0 = arith.constant 0 : i32
    %c0_i32_1 = arith.constant 0 : i32
    return %c0_i32, %c0_i32_0 : i32, i32
  }
}

module attributes {stable_mosaic.version = 14 : i64} {
  func.func @_dist_body(%arg0: i32, %arg1: memref<1x512x3xf32, #tpu.memory_space<vmem>>, %arg2: memref<1x4096x3xf32, #tpu.memory_space<vmem>>, %arg3: memref<1x3x4096xf32, #tpu.memory_space<vmem>>, %arg4: memref<128x3xf32, #tpu.memory_space<vmem>>, %arg5: memref<1x512x4096xf32, #tpu.memory_space<vmem>>, %arg6: memref<1x512x128xf32, #tpu.memory_space<vmem>>) attributes {dimension_semantics = [#tpu.dimension_semantics<arbitrary>], iteration_bounds = array<i64: 8>, scalar_prefetch = 0 : i64, scratch_operands = 0 : i64, tpu.core_type = #tpu.core_type<tc>, window_params = [{transform_indices = @transform_0, window_bounds = array<i64: 1, 512, 3>}, {transform_indices = @transform_1, window_bounds = array<i64: 1, 4096, 3>}, {transform_indices = @transform_2, window_bounds = array<i64: 1, 3, 4096>}, {pipeline_mode = #tpu.pipeline_mode<synchronous>, transform_indices = @transform_3, window_bounds = array<i64: 128, 3>}, {transform_indices = @transform_4, window_bounds = array<i64: 1, 512, 4096>}, {transform_indices = @transform_5, window_bounds = array<i64: 1, 512, 128>}]} {
    %get3A = arith.constant 0 : index
    %get3A_0 = arith.constant 0 : index
    %get3A_1 = arith.constant 0 : index
    %get3A_2 = vector.load %arg1[%get3A, %get3A_0, %get3A_1] : memref<1x512x3xf32, #tpu.memory_space<vmem>>, vector<1x512x3xf32>
    %get3A_3 = vector.shape_cast %get3A_2 : vector<1x512x3xf32> to vector<512x3xf32>
    %get3A_4 = arith.constant 0 : index
    %get3A_5 = arith.constant 0 : index
    %get3A_6 = arith.constant 0 : index
    %get3A_7 = vector.load %arg2[%get3A_4, %get3A_5, %get3A_6] : memref<1x4096x3xf32, #tpu.memory_space<vmem>>, vector<1x4096x3xf32>
    %get3A_8 = vector.shape_cast %get3A_7 : vector<1x4096x3xf32> to vector<4096x3xf32>
    %convert_element_type3A = arith.truncf %get3A_3 : vector<512x3xf32> to vector<512x3xbf16>
    %convert_element_type3A_9 = arith.truncf %get3A_8 : vector<4096x3xf32> to vector<4096x3xbf16>
    %dot_general3A = arith.constant dense<0.000000e+00> : vector<512x4096xf32>
    %dot_general3A_10 = tpu.matmul %convert_element_type3A, %convert_element_type3A_9, %dot_general3A {dimension_numbers = #tpu.dot_dimension_numbers<[1], [1], [0], [0], [0, 0, 1, 0], [], []>, transpose_lhs_hint = false} : vector<512x3xbf16>, vector<4096x3xbf16>, vector<512x4096xf32> -> vector<512x4096xf32>
    %slice3A = vector.extract_strided_slice %get3A_3 {offsets = [0, 0], sizes = [512, 1], strides = [1, 1]} : vector<512x3xf32> to vector<512x1xf32>
    %slice3A_11 = vector.extract_strided_slice %get3A_3 {offsets = [0, 0], sizes = [512, 1], strides = [1, 1]} : vector<512x3xf32> to vector<512x1xf32>
    %mul3A = arith.mulf %slice3A, %slice3A_11 : vector<512x1xf32>
    %slice3A_12 = vector.extract_strided_slice %get3A_3 {offsets = [0, 1], sizes = [512, 1], strides = [1, 1]} : vector<512x3xf32> to vector<512x1xf32>
    %slice3A_13 = vector.extract_strided_slice %get3A_3 {offsets = [0, 1], sizes = [512, 1], strides = [1, 1]} : vector<512x3xf32> to vector<512x1xf32>
    %mul3A_14 = arith.mulf %slice3A_12, %slice3A_13 : vector<512x1xf32>
    %add3A = arith.addf %mul3A, %mul3A_14 : vector<512x1xf32>
    %slice3A_15 = vector.extract_strided_slice %get3A_3 {offsets = [0, 2], sizes = [512, 1], strides = [1, 1]} : vector<512x3xf32> to vector<512x1xf32>
    %slice3A_16 = vector.extract_strided_slice %get3A_3 {offsets = [0, 2], sizes = [512, 1], strides = [1, 1]} : vector<512x3xf32> to vector<512x1xf32>
    %mul3A_17 = arith.mulf %slice3A_15, %slice3A_16 : vector<512x1xf32>
    %add3A_18 = arith.addf %add3A, %mul3A_17 : vector<512x1xf32>
    %get3A_19 = arith.constant 0 : index
    %get3A_20 = arith.constant 0 : index
    %get3A_21 = arith.constant 0 : index
    %get3A_22 = vector.load %arg3[%get3A_19, %get3A_20, %get3A_21] : memref<1x3x4096xf32, #tpu.memory_space<vmem>>, vector<1x1x4096xf32>
    %get3A_23 = vector.shape_cast %get3A_22 : vector<1x1x4096xf32> to vector<1x4096xf32>
    %get3A_24 = arith.constant 0 : index
    %get3A_25 = arith.constant 1 : index
    %get3A_26 = arith.constant 0 : index
    %get3A_27 = vector.load %arg3[%get3A_24, %get3A_25, %get3A_26] : memref<1x3x4096xf32, #tpu.memory_space<vmem>>, vector<1x1x4096xf32>
    %get3A_28 = vector.shape_cast %get3A_27 : vector<1x1x4096xf32> to vector<1x4096xf32>
    %get3A_29 = arith.constant 0 : index
    %get3A_30 = arith.constant 2 : index
    %get3A_31 = arith.constant 0 : index
    %get3A_32 = vector.load %arg3[%get3A_29, %get3A_30, %get3A_31] : memref<1x3x4096xf32, #tpu.memory_space<vmem>>, vector<1x1x4096xf32>
    %get3A_33 = vector.shape_cast %get3A_32 : vector<1x1x4096xf32> to vector<1x4096xf32>
    %mul3A_34 = arith.mulf %get3A_23, %get3A_23 : vector<1x4096xf32>
    %mul3A_35 = arith.mulf %get3A_28, %get3A_28 : vector<1x4096xf32>
    %add3A_36 = arith.addf %mul3A_34, %mul3A_35 : vector<1x4096xf32>
    %mul3A_37 = arith.mulf %get3A_33, %get3A_33 : vector<1x4096xf32>
    %add3A_38 = arith.addf %add3A_36, %mul3A_37 : vector<1x4096xf32>
    %mul3A_39 = arith.constant -2.000000e+00 : f32
    %mul3A_40 = vector.broadcast %mul3A_39 : f32 to vector<512x4096xf32>
    %mul3A_41 = arith.mulf %mul3A_40, %dot_general3A_10 : vector<512x4096xf32>
    %add3A_42 = vector.broadcast %add3A_18 : vector<512x1xf32> to vector<512x4096xf32>
    %add3A_43 = arith.addf %mul3A_41, %add3A_42 : vector<512x4096xf32>
    %add3A_44 = vector.broadcast %add3A_38 : vector<1x4096xf32> to vector<512x4096xf32>
    %add3A_45 = arith.addf %add3A_43, %add3A_44 : vector<512x4096xf32>
    %swap3A = arith.constant 0 : index
    %swap3A_46 = arith.constant 0 : index
    %swap3A_47 = arith.constant 0 : index
    %swap3A_48 = vector.load %arg5[%swap3A, %swap3A_46, %swap3A_47] : memref<1x512x4096xf32, #tpu.memory_space<vmem>>, vector<1x512x4096xf32>
    %swap3A_49 = vector.shape_cast %swap3A_48 : vector<1x512x4096xf32> to vector<512x4096xf32>
    %swap3A_50 = vector.shape_cast %add3A_45 : vector<512x4096xf32> to vector<1x512x4096xf32>
    tpu.vector_store %arg5[%swap3A, %swap3A_46, %swap3A_47], %swap3A_50 {strides = array<i32>} : memref<1x512x4096xf32, #tpu.memory_space<vmem>>, vector<1x512x4096xf32>,
    %get3A_51 = arith.constant 0 : index
    %get3A_52 = arith.constant 0 : index
    %get3A_53 = vector.load %arg4[%get3A_51, %get3A_52] : memref<128x3xf32, #tpu.memory_space<vmem>>, vector<128x3xf32>
    %dot_general3A_54 = arith.constant dense<0.000000e+00> : vector<512x128xf32>
    %dot_general3A_55 = tpu.matmul %get3A_3, %get3A_53, %dot_general3A_54 {dimension_numbers = #tpu.dot_dimension_numbers<[1], [1], [0], [0], [0, 0, 1, 0], [], []>, transpose_lhs_hint = false} : vector<512x3xf32>, vector<128x3xf32>, vector<512x128xf32> -> vector<512x128xf32>
    %swap3A_56 = arith.constant 0 : index
    %swap3A_57 = arith.constant 0 : index
    %swap3A_58 = arith.constant 0 : index
    %swap3A_59 = vector.load %arg6[%swap3A_56, %swap3A_57, %swap3A_58] : memref<1x512x128xf32, #tpu.memory_space<vmem>>, vector<1x512x128xf32>
    %swap3A_60 = vector.shape_cast %swap3A_59 : vector<1x512x128xf32> to vector<512x128xf32>
    %swap3A_61 = vector.shape_cast %dot_general3A_55 : vector<512x128xf32> to vector<1x512x128xf32>
    tpu.vector_store %arg6[%swap3A_56, %swap3A_57, %swap3A_58], %swap3A_61 {strides = array<i32>} : memref<1x512x128xf32, #tpu.memory_space<vmem>>, vector<1x512x128xf32>,
    return
  }
  func.func @transform_0(%arg0: i32) -> (i32, i32, i32) {
    %c0_i32 = arith.constant 0 : i32
    %c0_i32_0 = arith.constant 0 : i32
    %c0_i32_1 = arith.constant 0 : i32
    return %arg0, %c0_i32, %c0_i32_0 : i32, i32, i32
  }
  func.func @transform_1(%arg0: i32) -> (i32, i32, i32) {
    %c0_i32 = arith.constant 0 : i32
    %c0_i32_0 = arith.constant 0 : i32
    %c0_i32_1 = arith.constant 0 : i32
    return %arg0, %c0_i32, %c0_i32_0 : i32, i32, i32
  }
  func.func @transform_2(%arg0: i32) -> (i32, i32, i32) {
    %c0_i32 = arith.constant 0 : i32
    %c0_i32_0 = arith.constant 0 : i32
    %c0_i32_1 = arith.constant 0 : i32
    return %arg0, %c0_i32, %c0_i32_0 : i32, i32, i32
  }
  func.func @transform_3(%arg0: i32) -> (i32, i32) {
    %c0_i32 = arith.constant 0 : i32
    %c0_i32_0 = arith.constant 0 : i32
    %c0_i32_1 = arith.constant 0 : i32
    return %c0_i32, %c0_i32_0 : i32, i32
  }
  func.func @transform_4(%arg0: i32) -> (i32, i32, i32) {
    %c0_i32 = arith.constant 0 : i32
    %c0_i32_0 = arith.constant 0 : i32
    %c0_i32_1 = arith.constant 0 : i32
    return %arg0, %c0_i32, %c0_i32_0 : i32, i32, i32
  }
  func.func @transform_5(%arg0: i32) -> (i32, i32, i32) {
    %c0_i32 = arith.constant 0 : i32
    %c0_i32_0 = arith.constant 0 : i32
    %c0_i32_1 = arith.constant 0 : i32
    return %arg0, %c0_i32, %c0_i32_0 : i32, i32, i32
  }
}

module attributes {stable_mosaic.version = 14 : i64} {
  func.func @_z_body(%arg0: i32, %arg1: i32, %arg2: memref<1x512x3xf32, #tpu.memory_space<vmem>>, %arg3: memref<1x512x128xf32, #tpu.memory_space<vmem>>, %arg4: memref<128x3xf32, #tpu.memory_space<vmem>>, %arg5: memref<128x128xf32, #tpu.memory_space<vmem>>, %arg6: memref<1x128xf32, #tpu.memory_space<vmem>>, %arg7: memref<1x512x128xf32, #tpu.memory_space<vmem>>) attributes {dimension_semantics = [#tpu.dimension_semantics<arbitrary>, #tpu.dimension_semantics<arbitrary>], iteration_bounds = array<i64: 8, 8>, scalar_prefetch = 0 : i64, scratch_operands = 0 : i64, tpu.core_type = #tpu.core_type<tc>, window_params = [{transform_indices = @transform_0, window_bounds = array<i64: 1, 512, 3>}, {transform_indices = @transform_1, window_bounds = array<i64: 1, 512, 128>}, {pipeline_mode = #tpu.pipeline_mode<synchronous>, transform_indices = @transform_2, window_bounds = array<i64: 128, 3>}, {pipeline_mode = #tpu.pipeline_mode<synchronous>, transform_indices = @transform_3, window_bounds = array<i64: 128, 128>}, {pipeline_mode = #tpu.pipeline_mode<synchronous>, transform_indices = @transform_4, window_bounds = array<i64: 1, 128>}, {transform_indices = @transform_5, window_bounds = array<i64: 1, 512, 128>}]} {
    %get3A = arith.constant 0 : index
    %get3A_0 = arith.constant 0 : index
    %get3A_1 = arith.constant 0 : index
    %get3A_2 = vector.load %arg2[%get3A, %get3A_0, %get3A_1] : memref<1x512x3xf32, #tpu.memory_space<vmem>>, vector<1x512x3xf32>
    %get3A_3 = vector.shape_cast %get3A_2 : vector<1x512x3xf32> to vector<512x3xf32>
    %get3A_4 = arith.constant 0 : index
    %get3A_5 = arith.constant 0 : index
    %get3A_6 = arith.constant 0 : index
    %get3A_7 = vector.load %arg3[%get3A_4, %get3A_5, %get3A_6] : memref<1x512x128xf32, #tpu.memory_space<vmem>>, vector<1x512x128xf32>
    %get3A_8 = vector.shape_cast %get3A_7 : vector<1x512x128xf32> to vector<512x128xf32>
    %get3A_9 = arith.constant 0 : index
    %get3A_10 = arith.constant 0 : index
    %get3A_11 = vector.load %arg5[%get3A_9, %get3A_10] : memref<128x128xf32, #tpu.memory_space<vmem>>, vector<128x128xf32>
    %dot_general3A = arith.constant dense<0.000000e+00> : vector<512x128xf32>
    %dot_general3A_12 = tpu.matmul %get3A_8, %get3A_11, %dot_general3A {dimension_numbers = #tpu.dot_dimension_numbers<[1], [1], [0], [0], [0, 0, 1, 0], [], []>, transpose_lhs_hint = false} : vector<512x128xf32>, vector<128x128xf32>, vector<512x128xf32> -> vector<512x128xf32>
    %get3A_13 = arith.constant 0 : index
    %get3A_14 = arith.constant 0 : index
    %get3A_15 = vector.load %arg4[%get3A_13, %get3A_14] : memref<128x3xf32, #tpu.memory_space<vmem>>, vector<128x3xf32>
    %dot_general3A_16 = arith.constant dense<0.000000e+00> : vector<512x128xf32>
    %dot_general3A_17 = tpu.matmul %get3A_3, %get3A_15, %dot_general3A_16 {dimension_numbers = #tpu.dot_dimension_numbers<[1], [1], [0], [0], [0, 0, 1, 0], [], []>, transpose_lhs_hint = false} : vector<512x3xf32>, vector<128x3xf32>, vector<512x128xf32> -> vector<512x128xf32>
    %add3A = arith.addf %dot_general3A_12, %dot_general3A_17 : vector<512x128xf32>
    %get3A_18 = arith.constant 0 : index
    %get3A_19 = arith.constant 0 : index
    %get3A_20 = vector.load %arg6[%get3A_18, %get3A_19] : memref<1x128xf32, #tpu.memory_space<vmem>>, vector<1x128xf32>
    %add3A_21 = vector.broadcast %get3A_20 : vector<1x128xf32> to vector<512x128xf32>
    %add3A_22 = arith.addf %add3A, %add3A_21 : vector<512x128xf32>
    %swap3A = arith.constant 0 : index
    %swap3A_23 = arith.constant 0 : index
    %swap3A_24 = arith.constant 0 : index
    %swap3A_25 = vector.load %arg7[%swap3A, %swap3A_23, %swap3A_24] : memref<1x512x128xf32, #tpu.memory_space<vmem>>, vector<1x512x128xf32>
    %swap3A_26 = vector.shape_cast %swap3A_25 : vector<1x512x128xf32> to vector<512x128xf32>
    %swap3A_27 = vector.shape_cast %add3A_22 : vector<512x128xf32> to vector<1x512x128xf32>
    tpu.vector_store %arg7[%swap3A, %swap3A_23, %swap3A_24], %swap3A_27 {strides = array<i32>} : memref<1x512x128xf32, #tpu.memory_space<vmem>>, vector<1x512x128xf32>,
    return
  }
  func.func @transform_0(%arg0: i32, %arg1: i32) -> (i32, i32, i32) {
    %c0_i32 = arith.constant 0 : i32
    %c0_i32_0 = arith.constant 0 : i32
    return %arg0, %arg1, %c0_i32 : i32, i32, i32
  }
  func.func @transform_1(%arg0: i32, %arg1: i32) -> (i32, i32, i32) {
    %c0_i32 = arith.constant 0 : i32
    %c0_i32_0 = arith.constant 0 : i32
    return %arg0, %arg1, %c0_i32 : i32, i32, i32
  }
  func.func @transform_2(%arg0: i32, %arg1: i32) -> (i32, i32) {
    %c0_i32 = arith.constant 0 : i32
    %c0_i32_0 = arith.constant 0 : i32
    %c0_i32_1 = arith.constant 0 : i32
    return %c0_i32, %c0_i32_0 : i32, i32
  }
  func.func @transform_3(%arg0: i32, %arg1: i32) -> (i32, i32) {
    %c0_i32 = arith.constant 0 : i32
    %c0_i32_0 = arith.constant 0 : i32
    %c0_i32_1 = arith.constant 0 : i32
    return %c0_i32, %c0_i32_0 : i32, i32
  }
  func.func @transform_4(%arg0: i32, %arg1: i32) -> (i32, i32) {
    %c0_i32 = arith.constant 0 : i32
    %c0_i32_0 = arith.constant 0 : i32
    %c0_i32_1 = arith.constant 0 : i32
    return %c0_i32, %c0_i32_0 : i32, i32
  }
  func.func @transform_5(%arg0: i32, %arg1: i32) -> (i32, i32, i32) {
    %c0_i32 = arith.constant 0 : i32
    %c0_i32_0 = arith.constant 0 : i32
    return %arg0, %arg1, %c0_i32 : i32, i32, i32
  }
}

module attributes {stable_mosaic.version = 14 : i64} {
  func.func @_p1_body(%arg0: i32, %arg1: memref<512x128xf32, #tpu.memory_space<vmem>>, %arg2: memref<16x128xf32, #tpu.memory_space<vmem>>, %arg3: memref<8x128xf32, #tpu.memory_space<vmem>>) attributes {dimension_semantics = [#tpu.dimension_semantics<arbitrary>], iteration_bounds = array<i64: 256>, scalar_prefetch = 0 : i64, scratch_operands = 0 : i64, tpu.core_type = #tpu.core_type<tc>, window_params = [{transform_indices = @transform_0, window_bounds = array<i64: 512, 128>}, {transform_indices = @transform_1, window_bounds = array<i64: 16, 128>}, {pipeline_mode = #tpu.pipeline_mode<synchronous>, transform_indices = @transform_2, window_bounds = array<i64: 8, 128>}]} {
    %get3A = arith.constant 0 : index
    %get3A_0 = arith.constant 0 : index
    %get3A_1 = vector.load %arg1[%get3A, %get3A_0] : memref<512x128xf32, #tpu.memory_space<vmem>>, vector<512x128xf32>
    %reshape3A = vector.shape_cast %get3A_1 : vector<512x128xf32> to vector<16x32x128xf32>
    %get3A_2 = arith.constant 0 : index
    %get3A_3 = arith.constant 0 : index
    %get3A_4 = vector.load %arg2[%get3A_2, %get3A_3] : memref<16x128xf32, #tpu.memory_space<vmem>>, vector<16x128xf32>
    %reshape3A_5 = vector.shape_cast %get3A_4 : vector<16x128xf32> to vector<16x1x128xf32>
    %sub3A = vector.broadcast %reshape3A_5 : vector<16x1x128xf32> to vector<16x32x128xf32>
    %sub3A_6 = arith.subf %reshape3A, %sub3A : vector<16x32x128xf32>
    %reshape3A_7 = vector.shape_cast %sub3A_6 : vector<16x32x128xf32> to vector<512x128xf32>
    %reduce_sum3A = arith.constant dense<0.000000e+00> : vector<128xf32>
    %reduce_sum3A_8 = vector.multi_reduction <add>, %reshape3A_7, %reduce_sum3A [0] : vector<512x128xf32> to vector<128xf32>
    %broadcast_in_dim3A = vector.shape_cast %reduce_sum3A_8 : vector<128xf32> to vector<1x128xf32>
    %mul3A = arith.mulf %reshape3A_7, %reshape3A_7 : vector<512x128xf32>
    %reduce_sum3A_9 = arith.constant dense<0.000000e+00> : vector<128xf32>
    %reduce_sum3A_10 = vector.multi_reduction <add>, %mul3A, %reduce_sum3A_9 [0] : vector<512x128xf32> to vector<128xf32>
    %broadcast_in_dim3A_11 = vector.shape_cast %reduce_sum3A_10 : vector<128xf32> to vector<1x128xf32>
    %eq3A = arith.constant 0 : i32
    %eq3A_12 = arith.cmpi eq, %arg0, %eq3A : i32
    %convert_element_type3A = arith.extui %eq3A_12 : i1 to i32
    %cond3A = arith.constant 0 : i32
    %cond3A_13 = arith.cmpi ne, %convert_element_type3A, %cond3A : i32
    scf.if %cond3A_13 {
      %broadcast_in_dim3A_26 = arith.constant 0.000000e+00 : f32
      %broadcast_in_dim3A_27 = vector.broadcast %broadcast_in_dim3A_26 : f32 to vector<8x128xf32>
      %swap3A_28 = arith.constant 0 : index
      %swap3A_29 = arith.constant 0 : index
      %swap3A_30 = vector.load %arg3[%swap3A_28, %swap3A_29] : memref<8x128xf32, #tpu.memory_space<vmem>>, vector<8x128xf32>
      tpu.vector_store %arg3[%swap3A_28, %swap3A_29], %broadcast_in_dim3A_27 {strides = array<i32>} : memref<8x128xf32, #tpu.memory_space<vmem>>, vector<8x128xf32>,
    } else {
    }
    %get3A_14 = arith.constant 0 : index
    %get3A_15 = arith.constant 0 : index
    %get3A_16 = vector.load %arg3[%get3A_14, %get3A_15] : memref<8x128xf32, #tpu.memory_space<vmem>>, vector<1x128xf32>
    %add3A = arith.addf %get3A_16, %broadcast_in_dim3A : vector<1x128xf32>
    %swap3A = arith.constant 0 : index
    %swap3A_17 = arith.constant 0 : index
    %swap3A_18 = vector.load %arg3[%swap3A, %swap3A_17] : memref<8x128xf32, #tpu.memory_space<vmem>>, vector<1x128xf32>
    tpu.vector_store %arg3[%swap3A, %swap3A_17], %add3A {strides = array<i32>} : memref<8x128xf32, #tpu.memory_space<vmem>>, vector<1x128xf32>,
    %get3A_19 = arith.constant 1 : index
    %get3A_20 = arith.constant 0 : index
    %get3A_21 = vector.load %arg3[%get3A_19, %get3A_20] : memref<8x128xf32, #tpu.memory_space<vmem>>, vector<1x128xf32>
    %add3A_22 = arith.addf %get3A_21, %broadcast_in_dim3A_11 : vector<1x128xf32>
    %swap3A_23 = arith.constant 1 : index
    %swap3A_24 = arith.constant 0 : index
    %swap3A_25 = vector.load %arg3[%swap3A_23, %swap3A_24] : memref<8x128xf32, #tpu.memory_space<vmem>>, vector<1x128xf32>
    tpu.vector_store %arg3[%swap3A_23, %swap3A_24], %add3A_22 {strides = array<i32>} : memref<8x128xf32, #tpu.memory_space<vmem>>, vector<1x128xf32>,
    return
  }
  func.func @transform_0(%arg0: i32) -> (i32, i32) {
    %c0_i32 = arith.constant 0 : i32
    %c0_i32_0 = arith.constant 0 : i32
    return %arg0, %c0_i32 : i32, i32
  }
  func.func @transform_1(%arg0: i32) -> (i32, i32) {
    %c0_i32 = arith.constant 0 : i32
    %c0_i32_0 = arith.constant 0 : i32
    return %arg0, %c0_i32 : i32, i32
  }
  func.func @transform_2(%arg0: i32) -> (i32, i32) {
    %c0_i32 = arith.constant 0 : i32
    %c0_i32_0 = arith.constant 0 : i32
    %c0_i32_1 = arith.constant 0 : i32
    return %c0_i32, %c0_i32_0 : i32, i32
  }
}

module attributes {stable_mosaic.version = 14 : i64} {
  func.func @_p2_body(%arg0: i32, %arg1: memref<512x128xf32, #tpu.memory_space<vmem>>, %arg2: memref<16x128xf32, #tpu.memory_space<vmem>>, %arg3: memref<8x128xf32, #tpu.memory_space<vmem>>, %arg4: memref<1x128xf32, #tpu.memory_space<vmem>>, %arg5: memref<1x128xf32, #tpu.memory_space<vmem>>, %arg6: memref<128x128xf32, #tpu.memory_space<vmem>>, %arg7: memref<1x128xf32, #tpu.memory_space<vmem>>, %arg8: memref<512x128xbf16, #tpu.memory_space<vmem>>, %arg9: memref<8x128xf32, #tpu.memory_space<vmem>>) attributes {dimension_semantics = [#tpu.dimension_semantics<arbitrary>], iteration_bounds = array<i64: 256>, scalar_prefetch = 0 : i64, scratch_operands = 0 : i64, tpu.core_type = #tpu.core_type<tc>, window_params = [{transform_indices = @transform_0, window_bounds = array<i64: 512, 128>}, {transform_indices = @transform_1, window_bounds = array<i64: 16, 128>}, {pipeline_mode = #tpu.pipeline_mode<synchronous>, transform_indices = @transform_2, window_bounds = array<i64: 8, 128>}, {pipeline_mode = #tpu.pipeline_mode<synchronous>, transform_indices = @transform_3, window_bounds = array<i64: 1, 128>}, {pipeline_mode = #tpu.pipeline_mode<synchronous>, transform_indices = @transform_4, window_bounds = array<i64: 1, 128>}, {pipeline_mode = #tpu.pipeline_mode<synchronous>, transform_indices = @transform_5, window_bounds = array<i64: 128, 128>}, {pipeline_mode = #tpu.pipeline_mode<synchronous>, transform_indices = @transform_6, window_bounds = array<i64: 1, 128>}, {transform_indices = @transform_7, window_bounds = array<i64: 512, 128>}, {pipeline_mode = #tpu.pipeline_mode<synchronous>, transform_indices = @transform_8, window_bounds = array<i64: 8, 128>}]} {
    %get3A = arith.constant 0 : index
    %get3A_0 = arith.constant 0 : index
    %get3A_1 = vector.load %arg3[%get3A, %get3A_0] : memref<8x128xf32, #tpu.memory_space<vmem>>, vector<1x128xf32>
    %mul3A = arith.constant 7.62939453E-6 : f32
    %mul3A_2 = vector.broadcast %mul3A : f32 to vector<1x128xf32>
    %mul3A_3 = arith.mulf %get3A_1, %mul3A_2 : vector<1x128xf32>
    %get3A_4 = arith.constant 1 : index
    %get3A_5 = arith.constant 0 : index
    %get3A_6 = vector.load %arg3[%get3A_4, %get3A_5] : memref<8x128xf32, #tpu.memory_space<vmem>>, vector<1x128xf32>
    %mul3A_7 = arith.constant 7.62939453E-6 : f32
    %mul3A_8 = vector.broadcast %mul3A_7 : f32 to vector<1x128xf32>
    %mul3A_9 = arith.mulf %get3A_6, %mul3A_8 : vector<1x128xf32>
    %mul3A_10 = arith.mulf %mul3A_3, %mul3A_3 : vector<1x128xf32>
    %sub3A = arith.subf %mul3A_9, %mul3A_10 : vector<1x128xf32>
    %add3A = arith.constant 9.99999974E-6 : f32
    %add3A_11 = vector.broadcast %add3A : f32 to vector<1x128xf32>
    %add3A_12 = arith.addf %sub3A, %add3A_11 : vector<1x128xf32>
    %rsqrt3A = math.rsqrt %add3A_12 : vector<1x128xf32>
    %get3A_13 = arith.constant 0 : index
    %get3A_14 = arith.constant 0 : index
    %get3A_15 = vector.load %arg4[%get3A_13, %get3A_14] : memref<1x128xf32, #tpu.memory_space<vmem>>, vector<1x128xf32>
    %mul3A_16 = arith.mulf %get3A_15, %rsqrt3A : vector<1x128xf32>
    %get3A_17 = arith.constant 0 : index
    %get3A_18 = arith.constant 0 : index
    %get3A_19 = vector.load %arg5[%get3A_17, %get3A_18] : memref<1x128xf32, #tpu.memory_space<vmem>>, vector<1x128xf32>
    %mul3A_20 = arith.mulf %mul3A_3, %mul3A_16 : vector<1x128xf32>
    %sub3A_21 = arith.subf %get3A_19, %mul3A_20 : vector<1x128xf32>
    %get3A_22 = arith.constant 0 : index
    %get3A_23 = arith.constant 0 : index
    %get3A_24 = vector.load %arg1[%get3A_22, %get3A_23] : memref<512x128xf32, #tpu.memory_space<vmem>>, vector<512x128xf32>
    %reshape3A = vector.shape_cast %get3A_24 : vector<512x128xf32> to vector<16x32x128xf32>
    %get3A_25 = arith.constant 0 : index
    %get3A_26 = arith.constant 0 : index
    %get3A_27 = vector.load %arg2[%get3A_25, %get3A_26] : memref<16x128xf32, #tpu.memory_space<vmem>>, vector<16x128xf32>
    %reshape3A_28 = vector.shape_cast %get3A_27 : vector<16x128xf32> to vector<16x1x128xf32>
    %sub3A_29 = vector.broadcast %reshape3A_28 : vector<16x1x128xf32> to vector<16x32x128xf32>
    %sub3A_30 = arith.subf %reshape3A, %sub3A_29 : vector<16x32x128xf32>
    %reshape3A_31 = vector.shape_cast %sub3A_30 : vector<16x32x128xf32> to vector<512x128xf32>
    %mul3A_32 = vector.broadcast %mul3A_16 : vector<1x128xf32> to vector<512x128xf32>
    %mul3A_33 = arith.mulf %reshape3A_31, %mul3A_32 : vector<512x128xf32>
    %add3A_34 = vector.broadcast %sub3A_21 : vector<1x128xf32> to vector<512x128xf32>
    %add3A_35 = arith.addf %mul3A_33, %add3A_34 : vector<512x128xf32>
    %max3A = arith.constant 0.000000e+00 : f32
    %max3A_36 = vector.broadcast %max3A : f32 to vector<512x128xf32>
    %max3A_37 = arith.maximumf %add3A_35, %max3A_36 : vector<512x128xf32>
    %convert_element_type3A = arith.truncf %max3A_37 : vector<512x128xf32> to vector<512x128xbf16>
    %get3A_38 = arith.constant 0 : index
    %get3A_39 = arith.constant 0 : index
    %get3A_40 = vector.load %arg6[%get3A_38, %get3A_39] : memref<128x128xf32, #tpu.memory_space<vmem>>, vector<128x128xf32>
    %convert_element_type3A_41 = arith.truncf %get3A_40 : vector<128x128xf32> to vector<128x128xbf16>
    %dot_general3A = arith.constant dense<0.000000e+00> : vector<512x128xf32>
    %dot_general3A_42 = tpu.matmul %convert_element_type3A, %convert_element_type3A_41, %dot_general3A {dimension_numbers = #tpu.dot_dimension_numbers<[1], [1], [0], [0], [0, 0, 1, 0], [], []>, transpose_lhs_hint = false} : vector<512x128xbf16>, vector<128x128xbf16>, vector<512x128xf32> -> vector<512x128xf32>
    %get3A_43 = arith.constant 0 : index
    %get3A_44 = arith.constant 0 : index
    %get3A_45 = vector.load %arg7[%get3A_43, %get3A_44] : memref<1x128xf32, #tpu.memory_space<vmem>>, vector<1x128xf32>
    %add3A_46 = vector.broadcast %get3A_45 : vector<1x128xf32> to vector<512x128xf32>
    %add3A_47 = arith.addf %dot_general3A_42, %add3A_46 : vector<512x128xf32>
    %convert_element_type3A_48 = arith.truncf %add3A_47 : vector<512x128xf32> to vector<512x128xbf16>
    %swap3A = arith.constant 0 : index
    %swap3A_49 = arith.constant 0 : index
    %swap3A_50 = vector.load %arg8[%swap3A, %swap3A_49] : memref<512x128xbf16, #tpu.memory_space<vmem>>, vector<512x128xbf16>
    tpu.vector_store %arg8[%swap3A, %swap3A_49], %convert_element_type3A_48 {strides = array<i32>} : memref<512x128xbf16, #tpu.memory_space<vmem>>, vector<512x128xbf16>,
    %reduce_sum3A = arith.constant dense<0.000000e+00> : vector<128xf32>
    %reduce_sum3A_51 = vector.multi_reduction <add>, %add3A_47, %reduce_sum3A [0] : vector<512x128xf32> to vector<128xf32>
    %broadcast_in_dim3A = vector.shape_cast %reduce_sum3A_51 : vector<128xf32> to vector<1x128xf32>
    %mul3A_52 = arith.mulf %add3A_47, %add3A_47 : vector<512x128xf32>
    %reduce_sum3A_53 = arith.constant dense<0.000000e+00> : vector<128xf32>
    %reduce_sum3A_54 = vector.multi_reduction <add>, %mul3A_52, %reduce_sum3A_53 [0] : vector<512x128xf32> to vector<128xf32>
    %broadcast_in_dim3A_55 = vector.shape_cast %reduce_sum3A_54 : vector<128xf32> to vector<1x128xf32>
    %eq3A = arith.constant 0 : i32
    %eq3A_56 = arith.cmpi eq, %arg0, %eq3A : i32
    %convert_element_type3A_57 = arith.extui %eq3A_56 : i1 to i32
    %cond3A = arith.constant 0 : i32
    %cond3A_58 = arith.cmpi ne, %convert_element_type3A_57, %cond3A : i32
    scf.if %cond3A_58 {
      %broadcast_in_dim3A_73 = arith.constant 0.000000e+00 : f32
      %broadcast_in_dim3A_74 = vector.broadcast %broadcast_in_dim3A_73 : f32 to vector<8x128xf32>
      %swap3A_75 = arith.constant 0 : index
      %swap3A_76 = arith.constant 0 : index
      %swap3A_77 = vector.load %arg9[%swap3A_75, %swap3A_76] : memref<8x128xf32, #tpu.memory_space<vmem>>, vector<8x128xf32>
      tpu.vector_store %arg9[%swap3A_75, %swap3A_76], %broadcast_in_dim3A_74 {strides = array<i32>} : memref<8x128xf32, #tpu.memory_space<vmem>>, vector<8x128xf32>,
    } else {
    }
    %get3A_59 = arith.constant 0 : index
    %get3A_60 = arith.constant 0 : index
    %get3A_61 = vector.load %arg9[%get3A_59, %get3A_60] : memref<8x128xf32, #tpu.memory_space<vmem>>, vector<1x128xf32>
    %add3A_62 = arith.addf %get3A_61, %broadcast_in_dim3A : vector<1x128xf32>
    %swap3A_63 = arith.constant 0 : index
    %swap3A_64 = arith.constant 0 : index
    %swap3A_65 = vector.load %arg9[%swap3A_63, %swap3A_64] : memref<8x128xf32, #tpu.memory_space<vmem>>, vector<1x128xf32>
    tpu.vector_store %arg9[%swap3A_63, %swap3A_64], %add3A_62 {strides = array<i32>} : memref<8x128xf32, #tpu.memory_space<vmem>>, vector<1x128xf32>,
    %get3A_66 = arith.constant 1 : index
    %get3A_67 = arith.constant 0 : index
    %get3A_68 = vector.load %arg9[%get3A_66, %get3A_67] : memref<8x128xf32, #tpu.memory_space<vmem>>, vector<1x128xf32>
    %add3A_69 = arith.addf %get3A_68, %broadcast_in_dim3A_55 : vector<1x128xf32>
    %swap3A_70 = arith.constant 1 : index
    %swap3A_71 = arith.constant 0 : index
    %swap3A_72 = vector.load %arg9[%swap3A_70, %swap3A_71] : memref<8x128xf32, #tpu.memory_space<vmem>>, vector<1x128xf32>
    tpu.vector_store %arg9[%swap3A_70, %swap3A_71], %add3A_69 {strides = array<i32>} : memref<8x128xf32, #tpu.memory_space<vmem>>, vector<1x128xf32>,
    return
  }
  func.func @transform_0(%arg0: i32) -> (i32, i32) {
    %c0_i32 = arith.constant 0 : i32
    %c0_i32_0 = arith.constant 0 : i32
    return %arg0, %c0_i32 : i32, i32
  }
  func.func @transform_1(%arg0: i32) -> (i32, i32) {
    %c0_i32 = arith.constant 0 : i32
    %c0_i32_0 = arith.constant 0 : i32
    return %arg0, %c0_i32 : i32, i32
  }
  func.func @transform_2(%arg0: i32) -> (i32, i32) {
    %c0_i32 = arith.constant 0 : i32
    %c0_i32_0 = arith.constant 0 : i32
    %c0_i32_1 = arith.constant 0 : i32
    return %c0_i32, %c0_i32_0 : i32, i32
  }
  func.func @transform_3(%arg0: i32) -> (i32, i32) {
    %c0_i32 = arith.constant 0 : i32
    %c0_i32_0 = arith.constant 0 : i32
    %c0_i32_1 = arith.constant 0 : i32
    return %c0_i32, %c0_i32_0 : i32, i32
  }
  func.func @transform_4(%arg0: i32) -> (i32, i32) {
    %c0_i32 = arith.constant 0 : i32
    %c0_i32_0 = arith.constant 0 : i32
    %c0_i32_1 = arith.constant 0 : i32
    return %c0_i32, %c0_i32_0 : i32, i32
  }
  func.func @transform_5(%arg0: i32) -> (i32, i32) {
    %c0_i32 = arith.constant 0 : i32
    %c0_i32_0 = arith.constant 0 : i32
    %c0_i32_1 = arith.constant 0 : i32
    return %c0_i32, %c0_i32_0 : i32, i32
  }
  func.func @transform_6(%arg0: i32) -> (i32, i32) {
    %c0_i32 = arith.constant 0 : i32
    %c0_i32_0 = arith.constant 0 : i32
    %c0_i32_1 = arith.constant 0 : i32
    return %c0_i32, %c0_i32_0 : i32, i32
  }
  func.func @transform_7(%arg0: i32) -> (i32, i32) {
    %c0_i32 = arith.constant 0 : i32
    %c0_i32_0 = arith.constant 0 : i32
    return %arg0, %c0_i32 : i32, i32
  }
  func.func @transform_8(%arg0: i32) -> (i32, i32) {
    %c0_i32 = arith.constant 0 : i32
    %c0_i32_0 = arith.constant 0 : i32
    %c0_i32_1 = arith.constant 0 : i32
    return %c0_i32, %c0_i32_0 : i32, i32
  }
}

module attributes {stable_mosaic.version = 14 : i64} {
  func.func @_p3_body(%arg0: i32, %arg1: memref<512x128xbf16, #tpu.memory_space<vmem>>, %arg2: memref<8x128xf32, #tpu.memory_space<vmem>>, %arg3: memref<1x128xf32, #tpu.memory_space<vmem>>, %arg4: memref<1x128xf32, #tpu.memory_space<vmem>>, %arg5: memref<256x128xf32, #tpu.memory_space<vmem>>, %arg6: memref<1x256xf32, #tpu.memory_space<vmem>>, %arg7: memref<512x256xbf16, #tpu.memory_space<vmem>>, %arg8: memref<8x256xf32, #tpu.memory_space<vmem>>) attributes {dimension_semantics = [#tpu.dimension_semantics<arbitrary>], iteration_bounds = array<i64: 256>, scalar_prefetch = 0 : i64, scratch_operands = 0 : i64, tpu.core_type = #tpu.core_type<tc>, window_params = [{transform_indices = @transform_0, window_bounds = array<i64: 512, 128>}, {pipeline_mode = #tpu.pipeline_mode<synchronous>, transform_indices = @transform_1, window_bounds = array<i64: 8, 128>}, {pipeline_mode = #tpu.pipeline_mode<synchronous>, transform_indices = @transform_2, window_bounds = array<i64: 1, 128>}, {pipeline_mode = #tpu.pipeline_mode<synchronous>, transform_indices = @transform_3, window_bounds = array<i64: 1, 128>}, {pipeline_mode = #tpu.pipeline_mode<synchronous>, transform_indices = @transform_4, window_bounds = array<i64: 256, 128>}, {pipeline_mode = #tpu.pipeline_mode<synchronous>, transform_indices = @transform_5, window_bounds = array<i64: 1, 256>}, {transform_indices = @transform_6, window_bounds = array<i64: 512, 256>}, {pipeline_mode = #tpu.pipeline_mode<synchronous>, transform_indices = @transform_7, window_bounds = array<i64: 8, 256>}]} {
    %get3A = arith.constant 0 : index
    %get3A_0 = arith.constant 0 : index
    %get3A_1 = vector.load %arg2[%get3A, %get3A_0] : memref<8x128xf32, #tpu.memory_space<vmem>>, vector<1x128xf32>
    %mul3A = arith.constant 7.62939453E-6 : f32
    %mul3A_2 = vector.broadcast %mul3A : f32 to vector<1x128xf32>
    %mul3A_3 = arith.mulf %get3A_1, %mul3A_2 : vector<1x128xf32>
    %get3A_4 = arith.constant 1 : index
    %get3A_5 = arith.constant 0 : index
    %get3A_6 = vector.load %arg2[%get3A_4, %get3A_5] : memref<8x128xf32, #tpu.memory_space<vmem>>, vector<1x128xf32>
    %mul3A_7 = arith.constant 7.62939453E-6 : f32
    %mul3A_8 = vector.broadcast %mul3A_7 : f32 to vector<1x128xf32>
    %mul3A_9 = arith.mulf %get3A_6, %mul3A_8 : vector<1x128xf32>
    %mul3A_10 = arith.mulf %mul3A_3, %mul3A_3 : vector<1x128xf32>
    %sub3A = arith.subf %mul3A_9, %mul3A_10 : vector<1x128xf32>
    %add3A = arith.constant 9.99999974E-6 : f32
    %add3A_11 = vector.broadcast %add3A : f32 to vector<1x128xf32>
    %add3A_12 = arith.addf %sub3A, %add3A_11 : vector<1x128xf32>
    %rsqrt3A = math.rsqrt %add3A_12 : vector<1x128xf32>
    %get3A_13 = arith.constant 0 : index
    %get3A_14 = arith.constant 0 : index
    %get3A_15 = vector.load %arg3[%get3A_13, %get3A_14] : memref<1x128xf32, #tpu.memory_space<vmem>>, vector<1x128xf32>
    %mul3A_16 = arith.mulf %get3A_15, %rsqrt3A : vector<1x128xf32>
    %get3A_17 = arith.constant 0 : index
    %get3A_18 = arith.constant 0 : index
    %get3A_19 = vector.load %arg4[%get3A_17, %get3A_18] : memref<1x128xf32, #tpu.memory_space<vmem>>, vector<1x128xf32>
    %mul3A_20 = arith.mulf %mul3A_3, %mul3A_16 : vector<1x128xf32>
    %sub3A_21 = arith.subf %get3A_19, %mul3A_20 : vector<1x128xf32>
    %get3A_22 = arith.constant 0 : index
    %get3A_23 = arith.constant 0 : index
    %get3A_24 = vector.load %arg1[%get3A_22, %get3A_23] : memref<512x128xbf16, #tpu.memory_space<vmem>>, vector<512x128xbf16>
    %convert_element_type3A = arith.extf %get3A_24 : vector<512x128xbf16> to vector<512x128xf32>
    %mul3A_25 = vector.broadcast %mul3A_16 : vector<1x128xf32> to vector<512x128xf32>
    %mul3A_26 = arith.mulf %convert_element_type3A, %mul3A_25 : vector<512x128xf32>
    %add3A_27 = vector.broadcast %sub3A_21 : vector<1x128xf32> to vector<512x128xf32>
    %add3A_28 = arith.addf %mul3A_26, %add3A_27 : vector<512x128xf32>
    %max3A = arith.constant 0.000000e+00 : f32
    %max3A_29 = vector.broadcast %max3A : f32 to vector<512x128xf32>
    %max3A_30 = arith.maximumf %add3A_28, %max3A_29 : vector<512x128xf32>
    %convert_element_type3A_31 = arith.truncf %max3A_30 : vector<512x128xf32> to vector<512x128xbf16>
    %get3A_32 = arith.constant 0 : index
    %get3A_33 = arith.constant 0 : index
    %get3A_34 = vector.load %arg5[%get3A_32, %get3A_33] : memref<256x128xf32, #tpu.memory_space<vmem>>, vector<256x128xf32>
    %convert_element_type3A_35 = arith.truncf %get3A_34 : vector<256x128xf32> to vector<256x128xbf16>
    %dot_general3A = arith.constant dense<0.000000e+00> : vector<512x256xf32>
    %dot_general3A_36 = tpu.matmul %convert_element_type3A_31, %convert_element_type3A_35, %dot_general3A {dimension_numbers = #tpu.dot_dimension_numbers<[1], [1], [0], [0], [0, 0, 1, 0], [], []>, transpose_lhs_hint = false} : vector<512x128xbf16>, vector<256x128xbf16>, vector<512x256xf32> -> vector<512x256xf32>
    %get3A_37 = arith.constant 0 : index
    %get3A_38 = arith.constant 0 : index
    %get3A_39 = vector.load %arg6[%get3A_37, %get3A_38] : memref<1x256xf32, #tpu.memory_space<vmem>>, vector<1x256xf32>
    %add3A_40 = vector.broadcast %get3A_39 : vector<1x256xf32> to vector<512x256xf32>
    %add3A_41 = arith.addf %dot_general3A_36, %add3A_40 : vector<512x256xf32>
    %convert_element_type3A_42 = arith.truncf %add3A_41 : vector<512x256xf32> to vector<512x256xbf16>
    %swap3A = arith.constant 0 : index
    %swap3A_43 = arith.constant 0 : index
    %swap3A_44 = vector.load %arg7[%swap3A, %swap3A_43] : memref<512x256xbf16, #tpu.memory_space<vmem>>, vector<512x256xbf16>
    tpu.vector_store %arg7[%swap3A, %swap3A_43], %convert_element_type3A_42 {strides = array<i32>} : memref<512x256xbf16, #tpu.memory_space<vmem>>, vector<512x256xbf16>,
    %reduce_sum3A = arith.constant dense<0.000000e+00> : vector<256xf32>
    %reduce_sum3A_45 = vector.multi_reduction <add>, %add3A_41, %reduce_sum3A [0] : vector<512x256xf32> to vector<256xf32>
    %broadcast_in_dim3A = vector.shape_cast %reduce_sum3A_45 : vector<256xf32> to vector<1x256xf32>
    %mul3A_46 = arith.mulf %add3A_41, %add3A_41 : vector<512x256xf32>
    %reduce_sum3A_47 = arith.constant dense<0.000000e+00> : vector<256xf32>
    %reduce_sum3A_48 = vector.multi_reduction <add>, %mul3A_46, %reduce_sum3A_47 [0] : vector<512x256xf32> to vector<256xf32>
    %broadcast_in_dim3A_49 = vector.shape_cast %reduce_sum3A_48 : vector<256xf32> to vector<1x256xf32>
    %eq3A = arith.constant 0 : i32
    %eq3A_50 = arith.cmpi eq, %arg0, %eq3A : i32
    %convert_element_type3A_51 = arith.extui %eq3A_50 : i1 to i32
    %cond3A = arith.constant 0 : i32
    %cond3A_52 = arith.cmpi ne, %convert_element_type3A_51, %cond3A : i32
    scf.if %cond3A_52 {
      %broadcast_in_dim3A_67 = arith.constant 0.000000e+00 : f32
      %broadcast_in_dim3A_68 = vector.broadcast %broadcast_in_dim3A_67 : f32 to vector<8x256xf32>
      %swap3A_69 = arith.constant 0 : index
      %swap3A_70 = arith.constant 0 : index
      %swap3A_71 = vector.load %arg8[%swap3A_69, %swap3A_70] : memref<8x256xf32, #tpu.memory_space<vmem>>, vector<8x256xf32>
      tpu.vector_store %arg8[%swap3A_69, %swap3A_70], %broadcast_in_dim3A_68 {strides = array<i32>} : memref<8x256xf32, #tpu.memory_space<vmem>>, vector<8x256xf32>,
    } else {
    }
    %get3A_53 = arith.constant 0 : index
    %get3A_54 = arith.constant 0 : index
    %get3A_55 = vector.load %arg8[%get3A_53, %get3A_54] : memref<8x256xf32, #tpu.memory_space<vmem>>, vector<1x256xf32>
    %add3A_56 = arith.addf %get3A_55, %broadcast_in_dim3A : vector<1x256xf32>
    %swap3A_57 = arith.constant 0 : index
    %swap3A_58 = arith.constant 0 : index
    %swap3A_59 = vector.load %arg8[%swap3A_57, %swap3A_58] : memref<8x256xf32, #tpu.memory_space<vmem>>, vector<1x256xf32>
    tpu.vector_store %arg8[%swap3A_57, %swap3A_58], %add3A_56 {strides = array<i32>} : memref<8x256xf32, #tpu.memory_space<vmem>>, vector<1x256xf32>,
    %get3A_60 = arith.constant 1 : index
    %get3A_61 = arith.constant 0 : index
    %get3A_62 = vector.load %arg8[%get3A_60, %get3A_61] : memref<8x256xf32, #tpu.memory_space<vmem>>, vector<1x256xf32>
    %add3A_63 = arith.addf %get3A_62, %broadcast_in_dim3A_49 : vector<1x256xf32>
    %swap3A_64 = arith.constant 1 : index
    %swap3A_65 = arith.constant 0 : index
    %swap3A_66 = vector.load %arg8[%swap3A_64, %swap3A_65] : memref<8x256xf32, #tpu.memory_space<vmem>>, vector<1x256xf32>
    tpu.vector_store %arg8[%swap3A_64, %swap3A_65], %add3A_63 {strides = array<i32>} : memref<8x256xf32, #tpu.memory_space<vmem>>, vector<1x256xf32>,
    return
  }
  func.func @transform_0(%arg0: i32) -> (i32, i32) {
    %c0_i32 = arith.constant 0 : i32
    %c0_i32_0 = arith.constant 0 : i32
    return %arg0, %c0_i32 : i32, i32
  }
  func.func @transform_1(%arg0: i32) -> (i32, i32) {
    %c0_i32 = arith.constant 0 : i32
    %c0_i32_0 = arith.constant 0 : i32
    %c0_i32_1 = arith.constant 0 : i32
    return %c0_i32, %c0_i32_0 : i32, i32
  }
  func.func @transform_2(%arg0: i32) -> (i32, i32) {
    %c0_i32 = arith.constant 0 : i32
    %c0_i32_0 = arith.constant 0 : i32
    %c0_i32_1 = arith.constant 0 : i32
    return %c0_i32, %c0_i32_0 : i32, i32
  }
  func.func @transform_3(%arg0: i32) -> (i32, i32) {
    %c0_i32 = arith.constant 0 : i32
    %c0_i32_0 = arith.constant 0 : i32
    %c0_i32_1 = arith.constant 0 : i32
    return %c0_i32, %c0_i32_0 : i32, i32
  }
  func.func @transform_4(%arg0: i32) -> (i32, i32) {
    %c0_i32 = arith.constant 0 : i32
    %c0_i32_0 = arith.constant 0 : i32
    %c0_i32_1 = arith.constant 0 : i32
    return %c0_i32, %c0_i32_0 : i32, i32
  }
  func.func @transform_5(%arg0: i32) -> (i32, i32) {
    %c0_i32 = arith.constant 0 : i32
    %c0_i32_0 = arith.constant 0 : i32
    %c0_i32_1 = arith.constant 0 : i32
    return %c0_i32, %c0_i32_0 : i32, i32
  }
  func.func @transform_6(%arg0: i32) -> (i32, i32) {
    %c0_i32 = arith.constant 0 : i32
    %c0_i32_0 = arith.constant 0 : i32
    return %arg0, %c0_i32 : i32, i32
  }
  func.func @transform_7(%arg0: i32) -> (i32, i32) {
    %c0_i32 = arith.constant 0 : i32
    %c0_i32_0 = arith.constant 0 : i32
    %c0_i32_1 = arith.constant 0 : i32
    return %c0_i32, %c0_i32_0 : i32, i32
  }
}

module attributes {stable_mosaic.version = 14 : i64} {
  func.func @_p4_body(%arg0: i32, %arg1: memref<512x256xbf16, #tpu.memory_space<vmem>>, %arg2: memref<8x256xf32, #tpu.memory_space<vmem>>, %arg3: memref<1x256xf32, #tpu.memory_space<vmem>>, %arg4: memref<1x256xf32, #tpu.memory_space<vmem>>, %arg5: memref<16x256xf32, #tpu.memory_space<vmem>>) attributes {dimension_semantics = [#tpu.dimension_semantics<arbitrary>], iteration_bounds = array<i64: 256>, scalar_prefetch = 0 : i64, scratch_operands = 0 : i64, tpu.core_type = #tpu.core_type<tc>, window_params = [{transform_indices = @transform_0, window_bounds = array<i64: 512, 256>}, {pipeline_mode = #tpu.pipeline_mode<synchronous>, transform_indices = @transform_1, window_bounds = array<i64: 8, 256>}, {pipeline_mode = #tpu.pipeline_mode<synchronous>, transform_indices = @transform_2, window_bounds = array<i64: 1, 256>}, {pipeline_mode = #tpu.pipeline_mode<synchronous>, transform_indices = @transform_3, window_bounds = array<i64: 1, 256>}, {transform_indices = @transform_4, window_bounds = array<i64: 16, 256>}]} {
    %get3A = arith.constant 0 : index
    %get3A_0 = arith.constant 0 : index
    %get3A_1 = vector.load %arg2[%get3A, %get3A_0] : memref<8x256xf32, #tpu.memory_space<vmem>>, vector<1x256xf32>
    %mul3A = arith.constant 7.62939453E-6 : f32
    %mul3A_2 = vector.broadcast %mul3A : f32 to vector<1x256xf32>
    %mul3A_3 = arith.mulf %get3A_1, %mul3A_2 : vector<1x256xf32>
    %get3A_4 = arith.constant 1 : index
    %get3A_5 = arith.constant 0 : index
    %get3A_6 = vector.load %arg2[%get3A_4, %get3A_5] : memref<8x256xf32, #tpu.memory_space<vmem>>, vector<1x256xf32>
    %mul3A_7 = arith.constant 7.62939453E-6 : f32
    %mul3A_8 = vector.broadcast %mul3A_7 : f32 to vector<1x256xf32>
    %mul3A_9 = arith.mulf %get3A_6, %mul3A_8 : vector<1x256xf32>
    %mul3A_10 = arith.mulf %mul3A_3, %mul3A_3 : vector<1x256xf32>
    %sub3A = arith.subf %mul3A_9, %mul3A_10 : vector<1x256xf32>
    %add3A = arith.constant 9.99999974E-6 : f32
    %add3A_11 = vector.broadcast %add3A : f32 to vector<1x256xf32>
    %add3A_12 = arith.addf %sub3A, %add3A_11 : vector<1x256xf32>
    %rsqrt3A = math.rsqrt %add3A_12 : vector<1x256xf32>
    %get3A_13 = arith.constant 0 : index
    %get3A_14 = arith.constant 0 : index
    %get3A_15 = vector.load %arg3[%get3A_13, %get3A_14] : memref<1x256xf32, #tpu.memory_space<vmem>>, vector<1x256xf32>
    %mul3A_16 = arith.mulf %get3A_15, %rsqrt3A : vector<1x256xf32>
    %get3A_17 = arith.constant 0 : index
    %get3A_18 = arith.constant 0 : index
    %get3A_19 = vector.load %arg4[%get3A_17, %get3A_18] : memref<1x256xf32, #tpu.memory_space<vmem>>, vector<1x256xf32>
    %mul3A_20 = arith.mulf %mul3A_3, %mul3A_16 : vector<1x256xf32>
    %sub3A_21 = arith.subf %get3A_19, %mul3A_20 : vector<1x256xf32>
    %get3A_22 = arith.constant 0 : index
    %get3A_23 = arith.constant 0 : index
    %get3A_24 = vector.load %arg1[%get3A_22, %get3A_23] : memref<512x256xbf16, #tpu.memory_space<vmem>>, vector<512x256xbf16>
    %convert_element_type3A = arith.extf %get3A_24 : vector<512x256xbf16> to vector<512x256xf32>
    %mul3A_25 = vector.broadcast %mul3A_16 : vector<1x256xf32> to vector<512x256xf32>
    %mul3A_26 = arith.mulf %convert_element_type3A, %mul3A_25 : vector<512x256xf32>
    %add3A_27 = vector.broadcast %sub3A_21 : vector<1x256xf32> to vector<512x256xf32>
    %add3A_28 = arith.addf %mul3A_26, %add3A_27 : vector<512x256xf32>
    %max3A = arith.constant 0.000000e+00 : f32
    %max3A_29 = vector.broadcast %max3A : f32 to vector<512x256xf32>
    %max3A_30 = arith.maximumf %add3A_28, %max3A_29 : vector<512x256xf32>
    %reshape3A = vector.shape_cast %max3A_30 : vector<512x256xf32> to vector<16x32x256xf32>
    %reduce_max3A = arith.constant dense<0xFF800000> : vector<16x256xf32>
    %reduce_max3A_31 = vector.multi_reduction <maximumf>, %reshape3A, %reduce_max3A [1] : vector<16x32x256xf32> to vector<16x256xf32>
    %swap3A = arith.constant 0 : index
    %swap3A_32 = arith.constant 0 : index
    %swap3A_33 = vector.load %arg5[%swap3A, %swap3A_32] : memref<16x256xf32, #tpu.memory_space<vmem>>, vector<16x256xf32>
    tpu.vector_store %arg5[%swap3A, %swap3A_32], %reduce_max3A_31 {strides = array<i32>} : memref<16x256xf32, #tpu.memory_space<vmem>>, vector<16x256xf32>,
    return
  }
  func.func @transform_0(%arg0: i32) -> (i32, i32) {
    %c0_i32 = arith.constant 0 : i32
    %c0_i32_0 = arith.constant 0 : i32
    return %arg0, %c0_i32 : i32, i32
  }
  func.func @transform_1(%arg0: i32) -> (i32, i32) {
    %c0_i32 = arith.constant 0 : i32
    %c0_i32_0 = arith.constant 0 : i32
    %c0_i32_1 = arith.constant 0 : i32
    return %c0_i32, %c0_i32_0 : i32, i32
  }
  func.func @transform_2(%arg0: i32) -> (i32, i32) {
    %c0_i32 = arith.constant 0 : i32
    %c0_i32_0 = arith.constant 0 : i32
    %c0_i32_1 = arith.constant 0 : i32
    return %c0_i32, %c0_i32_0 : i32, i32
  }
  func.func @transform_3(%arg0: i32) -> (i32, i32) {
    %c0_i32 = arith.constant 0 : i32
    %c0_i32_0 = arith.constant 0 : i32
    %c0_i32_1 = arith.constant 0 : i32
    return %c0_i32, %c0_i32_0 : i32, i32
  }
  func.func @transform_4(%arg0: i32) -> (i32, i32) {
    %c0_i32 = arith.constant 0 : i32
    %c0_i32_0 = arith.constant 0 : i32
    return %arg0, %c0_i32 : i32, i32
  }
}

</mosaic_0001>

<sc_bundles>
// kernel: kernel.10.cloned.1.call-start
scs
__scs_entry_jumppad:
0x0: {  	(pc) =	sbr.rel $0x88, $3  }
0x1: {  	(tag) =	ssettag $0x0;
	lr =	simm.s32 $0x1  }
0x2: {  	[smem:$0x3F93] =	sst lr;
	_ =	strace $0xD0000000  }
0x3: {  	_ = 	snop  }
0x4: {  	_ = 	snop  }
0x5: {  	_ = 	snop  }
0x6: {  	_ = 	snop  }
0x7: {  	_ = 	snop  }
__scs_overlays_trampoline_lowered:
0x8: {  	[smem:$0x3FA2] =	sst s0  }
0x9: {  	[smem:$0x3FA3] =	sst s1  }
0xa: {  	[smem:$0x3FA4] =	sst s2  }
0xb: {  	[smem:$0x3FA5] =	sst s3  }
0xc: {  	[smem:$0x3FA6] =	sst s4  }
0xd: {  	[smem:$0x3FA7] =	sst s5  }
0xe: {  	[smem:$0x3FA8] =	sst s6  }
0xf: {  	[smem:$0x3FA9] =	sst s7  }
0x10: {  	[smem:$0x3FAA] =	sst s8  }
0x11: {  	[smem:$0x3FAB] =	sst s9;
	s0 =	simm.s32 @!p0 $0x0  }
0x12: {  	s1 =	sld [smem:$0x3F91];
	s0 =	simm.s32 @p0 $0x1  }
0x13: {  	[smem:$0x3FAC] =	sst s0;
	s0 =	simm.s32 @!p1 $0x0  }
0x14: {  	s2 =	sld [smem:$0x3F90];
	s0 =	simm.s32 @p1 $0x1  }
0x15: {  	[smem:$0x3FAD] =	sst s0;
	s0 =	simm.s32 @!p2 $0x0  }
0x16: {  	s3 =	sld [smem:$0x3FDB];
	s0 =	simm.s32 @p2 $0x1  }
0x17: {  	s4 =	simm.s32 $0x1BF5;
	[smem:$0x3FAF] =	sst s0  }
0x18: {  	s0 =	sld [smem:$0x3F92];
	_ =	swait.ge [sflag:s4], $0x0  }
0x19: {  	s7 =	sld [smem:$0x3F93]  }
0x1a: {  	s8 =	sadd.s32 $0xFFFFE003, lr  }
0x1b: {  	s9 =	sadd.s32 $0xFFFFFEF7, lr;
	s5 =	simm.s32 $0xFFFFFFFF;
	p2 =	slt.u32 s8, $0xFFFFF086  }
0x1c: {  	p1 =	slt.u32 s9, $0xF7A;
	s5 =	simm.s32 @!p2 $0x0  }
0x1d: {  	s5 =	simm.s32 @p1 $0x1;
	p0 =	seq.s32 s7, s2  }
0x1e: {  	s7 =	smul.u32 @!p0 $0xF7A, s2;
	p2 =	seq.s32 @!p0 s5, $0x0  }
0x1f: {  	s9 =	smul.u32 $0xF7A, s1;
	s8 =	simm.s32 @!p0 $0x1BF5;
	p2 =	por !p2, p0  }
0x20: {  	[sflag:s8] =	ssyncset.s32 @!p0 $0xFFFFF086;
	s6 =	sadd.s32 @!p0 s3, s7;
	s7 =	simm.s32 @!p0 $0x108  }
0x21: {  	s3 =	sadd.s32 s3, s9;
	s6 =	sadd.s32 @!p0 $0x88, s6;
	s7 =	simm.s32 @p2 $0x1082  }
0x22: {  	[simem:s7], [sflag:s8] =	dma.local @!p0 [hbm:s6], $0xF7A  }
0x23: {  	s9 =	sor.u32 $0xD0000000, s2;
	s6 =	simm.s32 $0x108;
	_ =	swait.ge @!p0 [sflag:s8], $0x0  }
0x24: {  	s3 =	sadd.s32 $0x88, s3;
	s6 =	simm.s32 @!p1 $0x1082;
	[sflag:s4] =	ssyncset.s32 $0xFFFFF086  }
0x25: {  	[simem:s6], [sflag:s4] =	dma.local [hbm:s3], $0xF7A  }
0x26: {  	[smem:$0x3F93] =	sst s1;
	(tag) =	ssettag s2;
	_ =	strace s9  }
0x27: {  	s1 =	sld [smem:$0x3FA3]  }
0x28: {  	s2 =	sld [smem:$0x3FA4]  }
0x29: {  	s4 =	sld [smem:$0x3FA6]  }
0x2a: {  	p0 =	seq.s32 s5, $0x0;
	s5 =	sld [smem:$0x3FA7]  }
0x2b: {  	s6 =	sld [smem:$0x3FA8]  }
0x2c: {  	s7 =	sld [smem:$0x3FA9]  }
0x2d: {  	s3 =	simm.s32 $0x108;
	s8 =	sld [smem:$0x3FAA]  }
0x2e: {  	s3 =	simm.s32 @!p0 $0x1082;
	s9 =	sld [smem:$0x3FAB]  }
0x2f: {  	lr =	sadd.s32 s0, s3;
	s0 =	sld [smem:$0x3FA2]  }
0x30: {  	s3 =	sld [smem:$0x3FA5]  }
0x31: {  	[smem:$0x3FAE] =	sst s10  }
0x32: {  	s10 =	sld [smem:$0x3FAC];
	_ =	sdelay $0x3  }
0x33: {  	p0 =	seq.s32 s10, $0x1;
	s10 =	sld [smem:$0x3FAE];
	_ =	sdelay $0x3  }
0x34: {  	[smem:$0x3FAE] =	sst s10  }
0x35: {  	s10 =	sld [smem:$0x3FAD];
	_ =	sdelay $0x3  }
0x36: {  	p1 =	seq.s32 s10, $0x1;
	s10 =	sld [smem:$0x3FAE];
	_ =	sdelay $0x3  }
0x37: {  	[smem:$0x3FAE] =	sst s10  }
0x38: {  	s10 =	sld [smem:$0x3FAF]  }
0x39: {  	_ = 	snop;
	(pc) =	sbr.ind lr, $3  }
0x3a: {  	_ = 	snop  }
0x3b: {  	_ = 	snop  }
0x3c: {  	p2 =	seq.s32 s10, $0x1;
	s10 =	sld [smem:$0x3FAE]  }
0x3d: {  	_ =	shalt  }
0x3e: {  	_ =	shalt  }
0x3f: {  	_ =	shalt  }
0x40: {  	_ =	shalt  }
0x41: {  	_ =	shalt  }
0x42: {  	_ =	shalt  }
0x43: {  	_ =	shalt  }
0x44: {  	_ =	shalt  }
0x45: {  	_ =	shalt  }
0x46: {  	_ =	shalt  }
0x47: {  	_ =	shalt  }
0x48: {  	_ =	shalt  }
0x49: {  	_ =	shalt  }
0x4a: {  	_ =	shalt  }
0x4b: {  	_ =	shalt  }
0x4c: {  	_ =	shalt  }
0x4d: {  	_ =	shalt  }
0x4e: {  	_ =	shalt  }
0x4f: {  	_ =	shalt  }
0x50: {  	_ =	shalt  }
0x51: {  	_ =	shalt  }
0x52: {  	_ =	shalt  }
0x53: {  	_ =	shalt  }
0x54: {  	_ =	shalt  }
0x55: {  	_ =	shalt  }
0x56: {  	_ =	shalt  }
0x57: {  	_ =	shalt  }
0x58: {  	_ =	shalt  }
0x59: {  	_ =	shalt  }
0x5a: {  	_ =	shalt  }
0x5b: {  	_ =	shalt  }
0x5c: {  	_ =	shalt  }
0x5d: {  	_ =	shalt  }
0x5e: {  	_ =	shalt  }
0x5f: {  	_ =	shalt  }
0x60: {  	_ =	shalt  }
0x61: {  	_ =	shalt  }
0x62: {  	_ =	shalt  }
0x63: {  	_ =	shalt  }
0x64: {  	_ =	shalt  }
0x65: {  	_ =	shalt  }
0x66: {  	_ =	shalt  }
0x67: {  	_ =	shalt  }
0x68: {  	_ =	shalt  }
0x69: {  	_ =	shalt  }
0x6a: {  	_ =	shalt  }
0x6b: {  	_ =	shalt  }
0x6c: {  	_ =	shalt  }
0x6d: {  	_ =	shalt  }
0x6e: {  	_ =	shalt  }
0x6f: {  	_ =	shalt  }
0x70: {  	_ =	shalt  }
0x71: {  	_ =	shalt  }
0x72: {  	_ =	shalt  }
0x73: {  	_ =	shalt  }
0x74: {  	_ =	shalt  }
0x75: {  	_ =	shalt  }
0x76: {  	_ =	shalt  }
0x77: {  	_ =	shalt  }
0x78: {  	_ =	shalt  }
0x79: {  	_ =	shalt  }
0x7a: {  	_ =	shalt  }
0x7b: {  	_ =	shalt  }
0x7c: {  	_ =	shalt  }
0x7d: {  	_ =	shalt  }
0x7e: {  	_ =	shalt  }
0x7f: {  	_ =	shalt  }
0x80: {  	_ =	shalt  }
0x81: {  	_ =	shalt  }
0x82: {  	_ =	shalt  }
0x83: {  	_ =	shalt  }
0x84: {  	_ =	shalt  }
0x85: {  	_ =	shalt  }
0x86: {  	_ =	shalt  }
0x87: {  	_ =	shalt  }
.Lfunc_end0:
.L_simem_size_0:
called_computation_lowered:
.L_overlay_start_0:
0x88: {  	s2 =	sld [smem:$0x3FD9]  }
0x89: {  	s3 =	sld [smem:$0x3FFE];
	_ =	sdelay $0x1  }
0x8a: {  	s1 =	srdreg.scid  }
0x8b: {  	s0 =	sand.u32 $0x1, s1  }
0x8c: {  	s16 =	sshll.u32 s0, $0xA;
	s2 =	sadd.s32 s3, s2  }
0x8d: {  	s2 =	sadd.s32 s2, s16  }
0x8e: {  	[smem:$0x3FBA] =	sst s2  }
0x8f: {  	_ = 	snop  }
0x90: {  	(tm) =	ssettm $0x1  }
0x91: {  	s17 =	sld [smem:$0x3FFB];
	_ =	sdelay $0x3  }
0x92: {  	_ =	strace s17  }
0x93: {  	s2 =	sld [smem:$0x3FFC];
	_ =	sdelay $0x3  }
0x94: {  	_ =	strace s2  }
0x95: {  	s2 =	sld [smem:$0x3FFD];
	_ =	sdelay $0x3  }
0x96: {  	_ =	strace s2  }
0x97: {  	_ =	strace $0x8FFFFFFF  }
0x98: {  	s18 =	sld [smem:$0x3FDB];
	_ =	sdelay $0x1  }
0x99: {  	s19 =	simm.s32 $_scs_section_size  }
0x9a: {  	s4 =	simm.s32 $_size__tile_overlayer_lowered;
	s5 =	simm.s32 $_tile_overlayer_lowered  }
0x9b: {  	s22 =	simm.s32 $0x1BFF;
	s21 =	sshll.u32 s5, $0x1;
	s2 =	sadd.s32 s19, s18  }
0x9c: {  	s6 =	simm.s32 $0x0;
	s20 =	sshll.u32 s4, $0x1;
	s4 =	sadd.s32 s21, s2  }
0x9d: {  	[timem:s6], [sflag:s22] =	dma.local [hbm:s4], s20  }
0x9e: {  	_ =	swait.ge [sflag:s22], s20  }
0x9f: {  	s3 =	ssub.s32 $0x0, s20;
	[sflag:s22] =	ssyncset.done $0x0  }
0xa0: {  	[sflag:s22] =	ssyncadd.s32 s3;
	_ =	sdelay $0x1  }
0xa1: {  	s23 =	simm.s32 $0x1B8B  }
0xa2: {  	_ =	swait.ge [sflag:s23], $0x1  }
0xa3: {  	[sflag:s23] =	ssyncset.done $0x0  }
0xa4: {  	s25 =	simm.s32 $0x1B8E;
	s24 =	sld [smem:$0x3FFE];
	[sflag:s23] =	ssyncadd.s32 $0xFFFFFFFF  }
0xa5: {  	s26 =	simm.s32 $execute0_lowered;
	[smem:$0x3FD2] =	sst s25  }
0xa6: {  	s4 =	sshll.u32 s26, $0x1;
	_ =	strace $0x80000046;
	[dreg:$0x1] =	wrdreg $0xFFFFFFFF  }
0xa7: {  	s28 =	simm.s32 $_size_execute0_lowered;
	s2 =	sadd.s32 s2, s4;
	[dreg:$0x0] =	wrdreg $0x0  }
0xa8: {  	s4 =	sshll.u32 s28, $0x1;
	[dreg:$0x2] =	wrdreg s2  }
0xa9: {  	[dreg:$0x3] =	wrdreg s4  }
0xaa: {  	[dreg:$0x4] =	wrdreg $0xC0  }
0xab: {  	_ =	task [dreg:s6], $0x5FFFF  }
0xac: {  	[dreg:$0x1] =	wrdreg $0xFFFFFFFF  }
0xad: {  	[dreg:$0x0] =	wrdreg $0x60  }
0xae: {  	[dreg:$0x2] =	wrdreg s24  }
0xaf: {  	[dreg:$0x3] =	wrdreg $0x9  }
0xb0: {  	_ =	task.clear_ibuf [dreg:s6], $0x4FFFF;
	_ =	strace $0x90000046  }
0xb1: {  	s29 =	simm.s32 $0x9;
	_ =	strace $0x80000048  }
0xb2: {  	_ =	swait.ge [sflag:s29], $0x1  }
0xb3: {  	[sflag:s29] =	ssyncadd.s32 $0xFFFFFFFF  }
0xb4: {  	_ =	strace $0x90000048  }
0xb5: {  	_ =	sfence  }
0xb6: {  	s30 =	sld [smem:$0x0];
	_ =	sdelay $0x2  }
0xb7: {  	s31 =	sshll.u32 s1, $0xD;
	s1 =	sshrl.u32 s1, $0x2  }
0xb8: {  	s3 =	sand.u32 $0x4000, s31;
	s1 =	sadd.s32 s1, s30  }
0xb9: {  	s0 =	sor.u32 s3, s0;
	s1 =	sshll.u32 s1, $0x11  }
0xba: {  	s0 =	sor.u32 s1, s0  }
0xbb: {  	s0 =	sadd.s32 $0x8F2B, s0  }
0xbc: {  	[sflag:s0] =	ssyncadd.remote.s32 $0x1  }
0xbd: {  	_ =	sfence.sel $0xFFFF  }
0xbe: {  	[dreg:$0x0] =	wrdreg $0xFFFFFFFF;
	(pc) =	sbr.abs _section_cstart, $3  }
0xbf: {  	[dreg:$0x1] =	wrdreg $0xFFFFFFFF  }
0xc0: {  	_ =	task.clear_ibuf [dreg:s6], $0x2FFFF;
	_ =	strace $0x9FFFFFFF  }
0xc1: {  	(tm) =	ssettm $0x7FFFFFFF  }
tec
execute0_lowered:
.L_overlay_start_1:
0x0: {  	(tag) =	ssettag $0x1  }
0x1: {  	s0 =	rddreg [dreg:$0x0]  }
0x2: {  	s1 =	simm.s32 $0x0;
	s30 =	srdreg.scid;
	s6 =	stileid.u32  }
0x3: {  	s10 =	simm.s32 $0x2;
	s11 =	simm.s32 $0x4000;
	s12 =	simm.s32 $0x20  }
0x4: {  	s14 =	simm.s32 $0x4280;
	s20 =	simm.s32 $0x7280;
	s21 =	simm.s32 $0x1  }
0x5: {  	[smem:$0x7FF] =	sst s1;
	s1 =	sand.u32 $0x1, s30;
	s3 =	sadd.s32 $0x83000, s0  }
.Ltmp0:
0x6: {  	s4 =	sadd.s32 $0x3000, s0;
	s2 =	ssub.s32 $0x2, s1;
	(pc) =	sbr.rel .LBB2_1-.Ltmp0, $4  }
0x7: {  	s5 =	sadd.s32 $0x283000, s0;
	s7 =	sshll.u32 s6, $0x11;
	s31 =	sshrl.u32 s2, $0x1  }
0x8: {  	s6 =	sshll.u32 s6, $0xB;
	_ =	strace $0x80000047;
	s0 =	ssub.s32 s2, s31  }
0x9: {  	s1 =	sshll.u32 s1, $0x10;
	s6 =	sand.u32 $0x7000, s6;
	s0 =	smax.u32 s0, $0x1  }
0xa: {  	v0 =	vlaneseq.u32;
	s7 =	sor.u32 s7, s1;
	s1 =	simm.s32 $0x0;
	[dreg:$0x2] =	wrdreg s0  }
.LBB2_19:
0xb: {  	s1 =	rddreg [dreg:$0x3]  }
0xc: {  	s0 =	rddreg [dreg:$0x2];
	s1 =	sadd.s32 $0x1, s1  }
0xd: {  	p0 =	sne.s32 s1, s0  }
.Ltmp1:
0xe: {  	_ = 	snop;
	(pc) =	sbr.rel @!p0 .LBB2_20-.Ltmp1, $1  }
0xf: {  	_ =	sdelay $0x3  }
.LBB2_1:
.Ltmp2:
0x10: {  	(pc) =	sbr.rel .LBB2_2-.Ltmp2, $2  }
0x11: {  	_ =	sdelay $0x2  }
0x12: {  	[dreg:$0x3] =	wrdreg s1;
	s23 =	simm.s32 $0x0  }
.LBB2_18:
0x13: {  	v3 =	vld [tilespmem:$0x4000]  }
0x14: {  	v5 =	vld [tilespmem:$0x4010];
	_ =	sdelay $0x2  }
0x15: {  	vm0 =	vgt.s32 v4, v0  }
0x16: {  	vm15 =	vgt.s32 v4, v1;
	v3 =	vsel vm0, v3, v2  }
0x17: {  	v1 =	vsel vm15, v5, v2;
	[tilespmem:$0x4200] =	vst v3  }
0x18: {  	s0 =	simm.s32 $0x4200;
	[tilespmem:$0x4210] =	vst v1  }
0x19: {  	[tilespmem:s20], [sflag:$0x1] =	stream.indirect.gather [hbm4b:s4+s12], $0x80, s0, s12, $0xb8;
	[tilespmem:$0x8280] =	vst v63  }
0x1a: {  	_ =	swait.ge [sflag:s21], $0x1000  }
0x1b: {  	[sflag:s21] =	ssyncset.done $0x0  }
0x1c: {  	[sflag:s21] =	ssyncadd.s32 $0xFFFFF000  }
0x1d: {  	_ =	swait.ge [sflag:s21], $0x1000  }
0x1e: {  	[sflag:s21] =	ssyncset.done $0x0  }
0x1f: {  	[sflag:s21] =	ssyncadd.s32 $0xFFFFF000  }
0x20: {  	_ =	swait.ge [sflag:s21], $0x1000  }
0x21: {  	[sflag:s21] =	ssyncset.done $0x0  }
0x22: {  	[sflag:s21] =	ssyncadd.s32 $0xFFFFF000  }
0x23: {  	s23 =	sadd.s32 $0x1, s23;
	_ =	swait.ge [sflag:s21], $0x1000  }
0x24: {  	s31 =	sadd.s32 s5, s24;
	p0 =	sne.s32 s23, $0x20;
	[sflag:s21] =	ssyncset.done $0x0  }
.Ltmp3:
0x25: {  	s1 =	simm.s32 $0x0;
	[sflag:s21] =	ssyncadd.s32 $0xFFFFF000;
	(pc) =	sbr.rel @!p0 .LBB2_19-.Ltmp3, $4  }
0x26: {  	[hbm4b:s31+s1] =	stream.linear.scatter [tilespmem:s14], [sflag:$0x2], $0x4000, $0x38;
	[tilespmem:$0x8280] =	vst v63  }
0x27: {  	_ =	swait.ge [sflag:s10], $0x4000  }
0x28: {  	[sflag:s10] =	ssyncset.done $0x0  }
0x29: {  	[sflag:s10] =	ssyncadd.s32 $0xFFFFC000  }
.LBB2_2:
0x2a: {  	s0 =	sshll.u32 s23, $0xB;
	s1 =	sshll.u32 s23, $0x6  }
0x2b: {  	s25 =	simm.s32 $0x200;
	s24 =	sadd.s32 s7, s0;
	s29 =	sand.u32 $0x40, s1  }
0x2c: {  	s26 =	simm.s32 $0x0;
	s30 =	sand.u32 $0x1FF000, s24;
	s0 =	sadd.s32 s3, s29  }
.Ltmp4:
0x2d: {  	s31 =	simm.s32 $0x400;
	s0 =	sadd.s32 s30, s0;
	(pc) =	sbr.rel .LBB2_3-.Ltmp4, $4  }
0x2e: {  	[tilespmem:s26], [sflag:$0x2] =	stream.strided.gather [hbm4b:s0+s25], $0x4000, s31, s25, $0x38;
	[tilespmem:$0x8280] =	vst v63  }
0x2f: {  	_ =	swait.ge [sflag:s10], $0x4000  }
0x30: {  	[sflag:s10] =	ssyncset.done $0x0  }
0x31: {  	v3 =	vimm.s32 $0x0;
	v2 =	vimm.s32 $0x40000000;
	[sflag:s10] =	ssyncadd.s32 $0xFFFFC000  }
.LBB2_5:
0x32: {  	s26 =	sadd.s32 $0x100, s26  }
0x33: {  	p0 =	sne.s32 s26, $0x1000  }
.Ltmp5:
0x34: {  	_ = 	snop;
	(pc) =	sbr.rel @!p0 .LBB2_6-.Ltmp5, $2  }
0x35: {  	_ =	sdelay $0x2  }
0x36: {  	s25 =	sadd.s32 $0x400, s25  }
.LBB2_3:
0x37: {  	v1 =	vxor.u32 $0x80000000, v3  }
0x38: {  	(xrf0) =	vmax.scan.msk.u32 $0xffff, v1;
	_ =	sdelay $0x5  }
0x39: {  	v1, _, _ =	vpop (xrf0)  }
0x3a: {  	(v2sf) =	vpush v1, $0xF;
	_ =	sdelay $0xe  }
0x3b: {  	s0 =	spop (v2sf)  }
0x3c: {  	p0 =	sgt.u32 s0, $0x8000001F  }
.Ltmp6:
0x3d: {  	_ = 	snop;
	(pc) =	sbr.rel @p0 .LBB2_5-.Ltmp6, $1  }
0x3e: {  	_ =	sdelay $0x3  }
0x3f: {  	v1 =	vld [tilespmem:s25+$0xFFFFFE00];
	_ =	sdelay $0x4  }
0x40: {  	vm1 =	vlt.s32 v3, $0x20;
	s28 =	sadd.s32 s26, s6;
	vm0 =	vle.f32 v1, $3.999999910e-02  }
0x41: {  	v1 =	vor.u32 s28, v0;
	vm0 =	vmand vm1, vm0  }
0x42: {  	v1 =	vnsel vm0, $0x40000000, v1  }
0x43: {  	v4 =	vor.u32 $0x80000000, v1  }
0x44: {  	(xrf1) =	vsort.ascd.msk.u32 $0xffff, v4, v1;
	_ =	sdelay $0xa  }
0x45: {  	v1 =	vadd.s32 v0, v3;
	_ =	sdelay $0x2  }
0x46: {  	v4, _, _ =	vpop (xrf1)  }
0x47: {  	v4 =	vxor.u32 $0x80000000, v4  }
0x48: {  	[tilespmem:v1+s11+$0x0] =	vst.idx.msk $0xffff, v4  }
0x49: {  	v4 =	vld [tilespmem:s25+$0xFFFFFE10]  }
0x4a: {  	v1 =	vmpcnt.ones.xlane vm0;
	_ =	sdelay $0x1  }
0x4b: {  	v5 =	vnsel vm1, $0x0, v1  }
0x4c: {  	v5 =	vadd.s32 v3, v5  }
0x4d: {  	s29 =	sadd.s32 $0x10, s28;
	vm2 =	vlt.s32 v5, $0x20;
	vm9 =	vle.f32 v4, $3.999999910e-02  }
0x4e: {  	v3 =	vor.u32 s29, v0;
	vm1 =	vmand vm2, vm9  }
0x4f: {  	v3 =	vnsel vm1, $0x40000000, v3  }
0x50: {  	v4 =	vxor.u32 $0x80000000, v3  }
0x51: {  	(xrf1) =	vsort.ascd.msk.u32 $0xffff, v4, v3;
	_ =	sdelay $0xa  }
0x52: {  	v3 =	vadd.s32 v0, v5;
	_ =	sdelay $0x2  }
0x53: {  	v4, _, _ =	vpop (xrf1)  }
0x54: {  	v4 =	vxor.u32 $0x80000000, v4  }
0x55: {  	[tilespmem:v3+s11+$0x0] =	vst.idx.msk $0xffff, v4  }
0x56: {  	v4 =	vld [tilespmem:s25+$0xFFFFFE20]  }
0x57: {  	v3 =	vmpcnt.ones.xlane vm1;
	_ =	sdelay $0x1  }
0x58: {  	v6 =	vnsel vm2, $0x0, v3  }
0x59: {  	v5 =	vadd.s32 v5, v6  }
0x5a: {  	s30 =	sadd.s32 $0x20, s28;
	vm3 =	vlt.s32 v5, $0x20;
	vm10 =	vle.f32 v4, $3.999999910e-02  }
0x5b: {  	v4 =	vor.u32 s30, v0;
	vm2 =	vmand vm3, vm10  }
0x5c: {  	v4 =	vnsel vm2, $0x40000000, v4  }
0x5d: {  	v51 =	vxor.u32 $0x80000000, v4  }
0x5e: {  	(xrf1) =	vsort.ascd.msk.u32 $0xffff, v51, v4;
	_ =	sdelay $0xa  }
0x5f: {  	v4 =	vadd.s32 v0, v5;
	_ =	sdelay $0x2  }
0x60: {  	v6, _, _ =	vpop (xrf1)  }
0x61: {  	v6 =	vxor.u32 $0x80000000, v6  }
0x62: {  	[tilespmem:v4+s11+$0x0] =	vst.idx.msk $0xffff, v6  }
0x63: {  	v6 =	vld [tilespmem:s25+$0xFFFFFE30]  }
0x64: {  	v4 =	vmpcnt.ones.xlane vm2;
	_ =	sdelay $0x1  }
0x65: {  	v7 =	vnsel vm3, $0x0, v4  }
0x66: {  	v7 =	vadd.s32 v5, v7  }
0x67: {  	s0 =	sadd.s32 $0x30, s28;
	vm4 =	vlt.s32 v7, $0x20;
	vm11 =	vle.f32 v6, $3.999999910e-02  }
0x68: {  	v5 =	vor.u32 s0, v0;
	vm3 =	vmand vm4, vm11  }
0x69: {  	v5 =	vnsel vm3, $0x40000000, v5  }
0x6a: {  	v52 =	vxor.u32 $0x80000000, v5  }
0x6b: {  	(xrf1) =	vsort.ascd.msk.u32 $0xffff, v52, v5;
	_ =	sdelay $0xa  }
0x6c: {  	v5 =	vadd.s32 v0, v7;
	_ =	sdelay $0x2  }
0x6d: {  	v6, _, _ =	vpop (xrf1)  }
0x6e: {  	v6 =	vxor.u32 $0x80000000, v6  }
0x6f: {  	[tilespmem:v5+s11+$0x0] =	vst.idx.msk $0xffff, v6  }
0x70: {  	v6 =	vld [tilespmem:s25+$0xFFFFFE40]  }
0x71: {  	v5 =	vmpcnt.ones.xlane vm3;
	_ =	sdelay $0x1  }
0x72: {  	v8 =	vnsel vm4, $0x0, v5  }
0x73: {  	v7 =	vadd.s32 v7, v8  }
0x74: {  	s2 =	sadd.s32 $0x40, s28;
	vm5 =	vlt.s32 v7, $0x20;
	vm12 =	vle.f32 v6, $3.999999910e-02  }
0x75: {  	v53 =	vor.u32 s2, v0;
	vm4 =	vmand vm5, vm12  }
0x76: {  	v6 =	vnsel vm4, $0x40000000, v53  }
0x77: {  	v54 =	vxor.u32 $0x80000000, v6  }
0x78: {  	(xrf1) =	vsort.ascd.msk.u32 $0xffff, v54, v6;
	_ =	sdelay $0xa  }
0x79: {  	v55 =	vadd.s32 v0, v7;
	_ =	sdelay $0x2  }
0x7a: {  	v8, _, _ =	vpop (xrf1)  }
0x7b: {  	v8 =	vxor.u32 $0x80000000, v8  }
0x7c: {  	[tilespmem:v55+s11+$0x0] =	vst.idx.msk $0xffff, v8  }
0x7d: {  	v8 =	vld [tilespmem:s25+$0xFFFFFE50]  }
0x7e: {  	v6 =	vmpcnt.ones.xlane vm4;
	_ =	sdelay $0x1  }
0x7f: {  	v9 =	vnsel vm5, $0x0, v6  }
0x80: {  	v9 =	vadd.s32 v7, v9  }
0x81: {  	s8 =	sadd.s32 $0x50, s28;
	vm6 =	vlt.s32 v9, $0x20;
	vm13 =	vle.f32 v8, $3.999999910e-02  }
0x82: {  	v56 =	vor.u32 s8, v0;
	vm5 =	vmand vm6, vm13  }
0x83: {  	v7 =	vnsel vm5, $0x40000000, v56  }
0x84: {  	v57 =	vxor.u32 $0x80000000, v7  }
0x85: {  	(xrf1) =	vsort.ascd.msk.u32 $0xffff, v57, v7;
	_ =	sdelay $0xa  }
0x86: {  	v58 =	vadd.s32 v0, v9;
	_ =	sdelay $0x2  }
0x87: {  	v8, _, _ =	vpop (xrf1)  }
0x88: {  	v8 =	vxor.u32 $0x80000000, v8  }
0x89: {  	[tilespmem:v58+s11+$0x0] =	vst.idx.msk $0xffff, v8  }
0x8a: {  	v8 =	vld [tilespmem:s25+$0xFFFFFE60]  }
0x8b: {  	v59 =	vmpcnt.ones.xlane vm5;
	_ =	sdelay $0x1  }
0x8c: {  	v10 =	vnsel vm6, $0x0, v59  }
0x8d: {  	v9 =	vadd.s32 v9, v10  }
0x8e: {  	s1 =	sadd.s32 $0x60, s28;
	vm7 =	vlt.s32 v9, $0x20;
	vm14 =	vle.f32 v8, $3.999999910e-02  }
0x8f: {  	v60 =	vor.u32 s1, v0;
	vm6 =	vmand vm7, vm14  }
0x90: {  	v8 =	vnsel vm6, $0x40000000, v60  }
0x91: {  	v61 =	vxor.u32 $0x80000000, v8  }
0x92: {  	(xrf1) =	vsort.ascd.msk.u32 $0xffff, v61, v8;
	_ =	sdelay $0xa  }
0x93: {  	v62 =	vadd.s32 v0, v9;
	_ =	sdelay $0x2  }
0x94: {  	v10, _, _ =	vpop (xrf1)  }
0x95: {  	v10 =	vxor.u32 $0x80000000, v10  }
0x96: {  	[tilespmem:v62+s11+$0x0] =	vst.idx.msk $0xffff, v10  }
0x97: {  	v10 =	vld [tilespmem:s25+$0xFFFFFE70]  }
0x98: {  	v63 =	vmpcnt.ones.xlane vm6;
	_ =	sdelay $0x1  }
0x99: {  	v11 =	vnsel vm7, $0x0, v63  }
0x9a: {  	v11 =	vadd.s32 v9, v11  }
0x9b: {  	s13 =	sadd.s32 $0x70, s28;
	vm9 =	vlt.s32 v11, $0x20;
	vm15 =	vle.f32 v10, $3.999999910e-02  }
0x9c: {  	v20 =	vor.u32 s13, v0;
	vm8 =	vmand vm9, vm15  }
0x9d: {  	v9 =	vnsel vm8, $0x40000000, v20  }
0x9e: {  	v21 =	vxor.u32 $0x80000000, v9  }
0x9f: {  	(xrf1) =	vsort.ascd.msk.u32 $0xffff, v21, v9;
	_ =	sdelay $0xa  }
0xa0: {  	v22 =	vadd.s32 v0, v11;
	_ =	sdelay $0x2  }
0xa1: {  	v10, _, _ =	vpop (xrf1)  }
0xa2: {  	v10 =	vxor.u32 $0x80000000, v10  }
0xa3: {  	[tilespmem:v22+s11+$0x0] =	vst.idx.msk $0xffff, v10  }
0xa4: {  	v10 =	vld [tilespmem:s25+$0x0]  }
0xa5: {  	v23 =	vmpcnt.ones.xlane vm8;
	_ =	sdelay $0x1  }
0xa6: {  	v12 =	vnsel vm9, $0x0, v23  }
0xa7: {  	v11 =	vadd.s32 v11, v12  }
0xa8: {  	s22 =	sadd.s32 $0x80, s28;
	vm10 =	vlt.s32 v11, $0x20;
	vm12 =	vle.f32 v10, $3.999999910e-02  }
0xa9: {  	v24 =	vor.u32 s22, v0;
	vm9 =	vmand vm10, vm12  }
0xaa: {  	v10 =	vnsel vm9, $0x40000000, v24  }
0xab: {  	v25 =	vxor.u32 $0x80000000, v10  }
0xac: {  	(xrf1) =	vsort.ascd.msk.u32 $0xffff, v25, v10;
	_ =	sdelay $0xa  }
0xad: {  	v26 =	vadd.s32 v0, v11;
	_ =	sdelay $0x2  }
0xae: {  	v12, _, _ =	vpop (xrf1)  }
0xaf: {  	v12 =	vxor.u32 $0x80000000, v12  }
0xb0: {  	[tilespmem:v26+s11+$0x0] =	vst.idx.msk $0xffff, v12  }
0xb1: {  	v12 =	vld [tilespmem:s25+$0x10]  }
0xb2: {  	v27 =	vmpcnt.ones.xlane vm9;
	_ =	sdelay $0x1  }
0xb3: {  	v13 =	vnsel vm10, $0x0, v27  }
0xb4: {  	v13 =	vadd.s32 v11, v13  }
0xb5: {  	s9 =	sadd.s32 $0x90, s28;
	vm14 =	vlt.s32 v13, $0x20;
	vm13 =	vle.f32 v12, $3.999999910e-02  }
0xb6: {  	v28 =	vor.u32 s9, v0;
	vm7 =	vmand vm14, vm13  }
0xb7: {  	v11 =	vnsel vm7, $0x40000000, v28  }
0xb8: {  	v29 =	vxor.u32 $0x80000000, v11  }
0xb9: {  	(xrf1) =	vsort.ascd.msk.u32 $0xffff, v29, v11;
	_ =	sdelay $0xa  }
0xba: {  	v30 =	vadd.s32 v0, v13;
	_ =	sdelay $0x2  }
0xbb: {  	v12, _, _ =	vpop (xrf1)  }
0xbc: {  	v12 =	vxor.u32 $0x80000000, v12  }
0xbd: {  	[tilespmem:v30+s11+$0x0] =	vst.idx.msk $0xffff, v12  }
0xbe: {  	v12 =	vld [tilespmem:s25+$0x20]  }
0xbf: {  	v31 =	vmpcnt.ones.xlane vm7;
	_ =	sdelay $0x1  }
0xc0: {  	v14 =	vnsel vm14, $0x0, v31  }
0xc1: {  	v13 =	vadd.s32 v13, v14  }
0xc2: {  	s15 =	sadd.s32 $0xA0, s28;
	vm11 =	vlt.s32 v13, $0x20;
	vm15 =	vle.f32 v12, $3.999999910e-02  }
0xc3: {  	v32 =	vor.u32 s15, v0;
	vm10 =	vmand vm11, vm15  }
0xc4: {  	v12 =	vnsel vm10, $0x40000000, v32  }
0xc5: {  	v33 =	vxor.u32 $0x80000000, v12  }
0xc6: {  	(xrf1) =	vsort.ascd.msk.u32 $0xffff, v33, v12;
	_ =	sdelay $0xa  }
0xc7: {  	v34 =	vadd.s32 v0, v13;
	_ =	sdelay $0x2  }
0xc8: {  	v14, _, _ =	vpop (xrf1)  }
0xc9: {  	v14 =	vxor.u32 $0x80000000, v14  }
0xca: {  	[tilespmem:v34+s11+$0x0] =	vst.idx.msk $0xffff, v14  }
0xcb: {  	v14 =	vld [tilespmem:s25+$0x30]  }
0xcc: {  	v35 =	vmpcnt.ones.xlane vm10;
	_ =	sdelay $0x1  }
0xcd: {  	v15 =	vnsel vm11, $0x0, v35  }
0xce: {  	v13 =	vadd.s32 v13, v15  }
0xcf: {  	s16 =	sadd.s32 $0xB0, s28;
	vm12 =	vlt.s32 v13, $0x20;
	vm11 =	vle.f32 v14, $3.999999910e-02  }
0xd0: {  	v36 =	vor.u32 s16, v0;
	vm11 =	vmand vm12, vm11  }
0xd1: {  	v14 =	vnsel vm11, $0x40000000, v36  }
0xd2: {  	v37 =	vxor.u32 $0x80000000, v14  }
0xd3: {  	(xrf1) =	vsort.ascd.msk.u32 $0xffff, v37, v14;
	_ =	sdelay $0xa  }
0xd4: {  	v38 =	vadd.s32 v0, v13;
	_ =	sdelay $0x2  }
0xd5: {  	v15, _, _ =	vpop (xrf1)  }
0xd6: {  	v15 =	vxor.u32 $0x80000000, v15  }
0xd7: {  	[tilespmem:v38+s11+$0x0] =	vst.idx.msk $0xffff, v15  }
0xd8: {  	v14 =	vld [tilespmem:s25+$0x40]  }
0xd9: {  	v39 =	vmpcnt.ones.xlane vm11;
	_ =	sdelay $0x1  }
0xda: {  	v16 =	vnsel vm12, $0x0, v39  }
0xdb: {  	v13 =	vadd.s32 v13, v16  }
0xdc: {  	s17 =	sadd.s32 $0xC0, s28;
	vm13 =	vlt.s32 v13, $0x20;
	vm12 =	vle.f32 v14, $3.999999910e-02  }
0xdd: {  	v40 =	vor.u32 s17, v0;
	vm12 =	vmand vm13, vm12  }
0xde: {  	v14 =	vnsel vm12, $0x40000000, v40  }
0xdf: {  	v41 =	vxor.u32 $0x80000000, v14  }
0xe0: {  	(xrf1) =	vsort.ascd.msk.u32 $0xffff, v41, v14;
	_ =	sdelay $0xa  }
0xe1: {  	v42 =	vadd.s32 v0, v13;
	_ =	sdelay $0x2  }
0xe2: {  	v16, _, _ =	vpop (xrf1)  }
0xe3: {  	v16 =	vxor.u32 $0x80000000, v16  }
0xe4: {  	[tilespmem:v42+s11+$0x0] =	vst.idx.msk $0xffff, v16  }
0xe5: {  	v14 =	vld [tilespmem:s25+$0x50]  }
0xe6: {  	v43 =	vmpcnt.ones.xlane vm12;
	_ =	sdelay $0x1  }
0xe7: {  	v17 =	vnsel vm13, $0x0, v43  }
0xe8: {  	v13 =	vadd.s32 v13, v17  }
0xe9: {  	s18 =	sadd.s32 $0xD0, s28;
	vm14 =	vlt.s32 v13, $0x20;
	vm13 =	vle.f32 v14, $3.999999910e-02  }
0xea: {  	v44 =	vor.u32 s18, v0;
	vm13 =	vmand vm14, vm13  }
0xeb: {  	v14 =	vnsel vm13, $0x40000000, v44  }
0xec: {  	v45 =	vxor.u32 $0x80000000, v14  }
0xed: {  	(xrf1) =	vsort.ascd.msk.u32 $0xffff, v45, v14;
	_ =	sdelay $0xa  }
0xee: {  	v46 =	vadd.s32 v0, v13;
	_ =	sdelay $0x2  }
0xef: {  	v17, _, _ =	vpop (xrf1)  }
0xf0: {  	v17 =	vxor.u32 $0x80000000, v17  }
0xf1: {  	[tilespmem:v46+s11+$0x0] =	vst.idx.msk $0xffff, v17  }
0xf2: {  	v14 =	vld [tilespmem:s25+$0x60]  }
0xf3: {  	v47 =	vmpcnt.ones.xlane vm13;
	_ =	sdelay $0x1  }
0xf4: {  	v18 =	vnsel vm14, $0x0, v47  }
0xf5: {  	v13 =	vadd.s32 v13, v18  }
0xf6: {  	s19 =	sadd.s32 $0xE0, s28;
	vm15 =	vlt.s32 v13, $0x20;
	vm14 =	vle.f32 v14, $3.999999910e-02  }
0xf7: {  	v48 =	vor.u32 s19, v0;
	vm14 =	vmand vm15, vm14  }
0xf8: {  	v14 =	vnsel vm14, $0x40000000, v48  }
0xf9: {  	v49 =	vxor.u32 $0x80000000, v14  }
0xfa: {  	(xrf1) =	vsort.ascd.msk.u32 $0xffff, v49, v14  }
0xfb: {  	v50 =	vmctz.xlane vm0;
	_ =	sdelay $0x1  }
0xfc: {  	vm0 =	vgt.s32 v1, $0x0;
	v1 =	vadd.s32 s28, v50  }
0xfd: {  	v1 =	vnsel vm0, $0x40000000, v1;
	v19 =	vmctz.xlane vm3  }
0xfe: {  	vm0 =	vgt.s32 v3, $0x0;
	v51 =	vmctz.xlane vm1;
	v3 =	vmctz.xlane vm4  }
0xff: {  	v52 =	vmctz.xlane vm2;
	v53 =	vadd.s32 s0, v19;
	vm4 =	vlt.s32 v2, v1  }
0x100: {  	v3 =	vadd.s32 s2, v3;
	v1 =	vsel vm4, v2, v1;
	v18 =	vadd.s32 s29, v51  }
0x101: {  	vm4 =	vgt.s32 v4, $0x0;
	v54 =	vmctz.xlane vm6;
	v2 =	vnsel vm0, $0x40000000, v18  }
0x102: {  	v56 =	vmctz.xlane vm8;
	vm0 =	vlt.s32 v1, v2;
	v14 =	vadd.s32 s30, v52  }
0x103: {  	v55 =	vadd.s32 v0, v13;
	v1 =	vsel vm0, v1, v2;
	v4 =	vnsel vm4, $0x40000000, v14  }
0x104: {  	v2 =	vmctz.xlane vm5;
	vm5 =	vgt.s32 v5, $0x0;
	vm6 =	vlt.s32 v1, v4  }
0x105: {  	v58 =	vadd.s32 s13, v56;
	v1 =	vsel vm6, v1, v4;
	v4 =	vnsel vm5, $0x40000000, v53  }
0x106: {  	v5 =	vadd.s32 s1, v54;
	vm4 =	vgt.s32 v6, $0x0;
	vm0 =	vlt.s32 v1, v4  }
0x107: {  	v2 =	vadd.s32 s8, v2;
	v3 =	vnsel vm4, $0x40000000, v3;
	v1 =	vsel vm0, v1, v4;
	v57, _, _ =	vpop (xrf1)  }
0x108: {  	vm5 =	vgt.s32 v59, $0x0;
	vm0 =	vlt.s32 v1, v3;
	v4 =	vxor.u32 $0x80000000, v57  }
0x109: {  	vm6 =	vgt.s32 v63, $0x0;
	v2 =	vnsel vm5, $0x40000000, v2;
	v1 =	vsel vm0, v1, v3;
	[tilespmem:v55+s11+$0x0] =	vst.idx.msk $0xffff, v4  }
0x10a: {  	v59 =	vmpcnt.ones.xlane vm14;
	v3 =	vmctz.xlane vm9;
	vm0 =	vlt.s32 v1, v2;
	v4 =	vld [tilespmem:s25+$0x70]  }
0x10b: {  	vm8 =	vgt.s32 v23, $0x0;
	v1 =	vsel vm0, v1, v2;
	v2 =	vnsel vm6, $0x40000000, v5  }
0x10c: {  	v3 =	vadd.s32 s22, v3;
	v5 =	vnsel vm15, $0x0, v59;
	vm0 =	vlt.s32 v1, v2  }
0x10d: {  	vm6 =	vgt.s32 v27, $0x0;
	v1 =	vsel vm0, v1, v2;
	v2 =	vnsel vm8, $0x40000000, v58  }
0x10e: {  	v5 =	vadd.s32 v13, v5;
	v3 =	vnsel vm6, $0x40000000, v3;
	vm1 =	vlt.s32 v1, v2  }
0x10f: {  	s31 =	sadd.s32 $0xF0, s28;
	vm0 =	vlt.s32 v5, $0x20;
	v1 =	vsel vm1, v1, v2;
	vm9 =	vle.f32 v4, $3.999999910e-02  }
0x110: {  	v2 =	vor.u32 s31, v0;
	v4 =	vmctz.xlane vm7;
	vm15 =	vmand vm0, vm9  }
0x111: {  	v60 =	vmctz.xlane vm10;
	vm8 =	vlt.s32 v1, v3;
	v2 =	vnsel vm15, $0x40000000, v2  }
0x112: {  	vm7 =	vgt.s32 v31, $0x0;
	v4 =	vadd.s32 s9, v4;
	v61 =	vxor.u32 $0x80000000, v2  }
0x113: {  	v1 =	vsel vm8, v1, v3;
	vm9 =	vgt.s32 v35, $0x0;
	v3 =	vnsel vm7, $0x40000000, v4;
	(xrf1) =	vsort.ascd.msk.u32 $0xffff, v61, v2  }
0x114: {  	v4 =	vmctz.xlane vm11;
	v2 =	vadd.s32 s15, v60;
	vm3 =	vlt.s32 v1, v3  }
0x115: {  	vm10 =	vgt.s32 v39, $0x0;
	v1 =	vsel vm3, v1, v3;
	v2 =	vnsel vm9, $0x40000000, v2  }
0x116: {  	v3 =	vmctz.xlane vm12;
	v4 =	vadd.s32 s16, v4;
	vm3 =	vlt.s32 v1, v2  }
0x117: {  	vm11 =	vgt.s32 v43, $0x0;
	v1 =	vsel vm3, v1, v2;
	v2 =	vnsel vm10, $0x40000000, v4  }
0x118: {  	v3 =	vadd.s32 s17, v3;
	v4 =	vmctz.xlane vm13;
	vm3 =	vlt.s32 v1, v2  }
0x119: {  	v1 =	vsel vm3, v1, v2;
	v2 =	vnsel vm11, $0x40000000, v3  }
0x11a: {  	vm12 =	vgt.s32 v47, $0x0;
	v3 =	vadd.s32 s18, v4;
	vm2 =	vlt.s32 v1, v2  }
0x11b: {  	v1 =	vsel vm2, v1, v2;
	v2 =	vnsel vm12, $0x40000000, v3;
	v3 =	vmctz.xlane vm14  }
0x11c: {  	v63 =	vadd.s32 v0, v5;
	v62 =	vmctz.xlane vm15;
	vm13 =	vgt.s32 v59, $0x0  }
0x11d: {  	v4 =	vmpcnt.ones.xlane vm15;
	vm2 =	vlt.s32 v1, v2;
	v3 =	vadd.s32 s19, v3  }
0x11e: {  	v1 =	vsel vm2, v1, v2;
	v2 =	vnsel vm13, $0x40000000, v3;
	v3 =	vadd.s32 s31, v62  }
.Ltmp7:
0x11f: {  	_ = 	snop;
	(pc) =	sbr.rel .LBB2_5-.Ltmp7, $4  }
0x120: {  	vm14 =	vgt.s32 v4, $0x0;
	vm1 =	vlt.s32 v1, v2  }
0x121: {  	v1 =	vsel vm1, v1, v2;
	v2 =	vnsel vm14, $0x40000000, v3;
	v3, _, _ =	vpop (xrf1)  }
0x122: {  	v4 =	vnsel vm0, $0x0, v4;
	vm15 =	vlt.s32 v1, v2;
	v3 =	vxor.u32 $0x80000000, v3  }
0x123: {  	v2 =	vsel vm15, v1, v2;
	[tilespmem:v63+s11+$0x0] =	vst.idx.msk $0xffff, v3;
	v3 =	vadd.s32 v5, v4  }
.LBB2_6:
0x124: {  	v4 =	vld [tilespmem:$0x4000]  }
0x125: {  	v5 =	vld [tilespmem:$0x4010];
	_ =	sdelay $0x2  }
.Ltmp8:
0x126: {  	vm0 =	vgt.s32 v3, v0;
	v1 =	vor.u32 $0x10, v0;
	(pc) =	sbr.rel .LBB2_7-.Ltmp8, $4  }
0x127: {  	vm15 =	vgt.s32 v3, v1;
	v4 =	vsel vm0, v4, v2  }
0x128: {  	s0 =	simm.s32 $0x4080;
	v2 =	vsel vm15, v5, v2;
	[tilespmem:$0x4080] =	vst v4  }
0x129: {  	s25 =	simm.s32 $0x0;
	s26 =	simm.s32 $0x3C0;
	s28 =	simm.s32 $0x280;
	[tilespmem:$0x4090] =	vst v2  }
0x12a: {  	v4 =	vimm.s32 $0x0;
	v2 =	vimm.s32 $0x40000000;
	[tilespmem:s14], [sflag:$0x1] =	stream.indirect.gather [hbm4b:s4+s12], $0x80, s0, s12, $0xb8;
	[tilespmem:$0x8280] =	vst v63  }
.LBB2_9:
0x12b: {  	s25 =	sadd.s32 $0x100, s25  }
0x12c: {  	p0 =	sne.s32 s25, $0x1000  }
.Ltmp9:
0x12d: {  	_ = 	snop;
	(pc) =	sbr.rel @!p0 .LBB2_10-.Ltmp9, $2  }
0x12e: {  	_ =	sdelay $0x2  }
0x12f: {  	s26 =	sadd.s32 $0x400, s26;
	s28 =	sadd.s32 $0x400, s28  }
.LBB2_7:
0x130: {  	v3 =	vxor.u32 $0x80000000, v4  }
0x131: {  	(xrf0) =	vmax.scan.msk.u32 $0xffff, v3;
	_ =	sdelay $0x5  }
0x132: {  	v3, _, _ =	vpop (xrf0)  }
0x133: {  	(v2sf) =	vpush v3, $0xF;
	_ =	sdelay $0xe  }
0x134: {  	s0 =	spop (v2sf)  }
0x135: {  	p0 =	sgt.u32 s0, $0x8000001F  }
.Ltmp10:
0x136: {  	_ = 	snop;
	(pc) =	sbr.rel @p0 .LBB2_9-.Ltmp10, $1  }
0x137: {  	_ =	sdelay $0x3  }
0x138: {  	v3 =	vld [tilespmem:s28+$0xFFFFFE00];
	_ =	sdelay $0x4  }
0x139: {  	vm1 =	vlt.s32 v4, $0x20;
	s29 =	sadd.s32 s25, s6;
	vm0 =	vle.f32 v3, $3.999999910e-02  }
0x13a: {  	v3 =	vor.u32 s29, v0;
	vm0 =	vmand vm1, vm0  }
0x13b: {  	v3 =	vnsel vm0, $0x40000000, v3  }
0x13c: {  	v5 =	vor.u32 $0x80000000, v3  }
0x13d: {  	(xrf1) =	vsort.ascd.msk.u32 $0xffff, v5, v3;
	_ =	sdelay $0xa  }
0x13e: {  	v3 =	vadd.s32 v0, v4;
	_ =	sdelay $0x2  }
0x13f: {  	v5, _, _ =	vpop (xrf1)  }
0x140: {  	v5 =	vxor.u32 $0x80000000, v5  }
0x141: {  	[tilespmem:v3+s11+$0x0] =	vst.idx.msk $0xffff, v5  }
0x142: {  	v5 =	vld [tilespmem:s28+$0xFFFFFE10]  }
0x143: {  	v3 =	vmpcnt.ones.xlane vm0;
	_ =	sdelay $0x1  }
0x144: {  	v6 =	vnsel vm1, $0x0, v3  }
0x145: {  	v6 =	vadd.s32 v4, v6  }
0x146: {  	s30 =	sadd.s32 $0x10, s29;
	vm2 =	vlt.s32 v6, $0x20;
	vm9 =	vle.f32 v5, $3.999999910e-02  }
0x147: {  	v4 =	vor.u32 s30, v0;
	vm1 =	vmand vm2, vm9  }
0x148: {  	v4 =	vnsel vm1, $0x40000000, v4  }
0x149: {  	v5 =	vxor.u32 $0x80000000, v4  }
0x14a: {  	(xrf1) =	vsort.ascd.msk.u32 $0xffff, v5, v4;
	_ =	sdelay $0xa  }
0x14b: {  	v4 =	vadd.s32 v0, v6;
	_ =	sdelay $0x2  }
0x14c: {  	v5, _, _ =	vpop (xrf1)  }
0x14d: {  	v5 =	vxor.u32 $0x80000000, v5  }
0x14e: {  	[tilespmem:v4+s11+$0x0] =	vst.idx.msk $0xffff, v5  }
0x14f: {  	v5 =	vld [tilespmem:s28+$0xFFFFFE20]  }
0x150: {  	v4 =	vmpcnt.ones.xlane vm1;
	_ =	sdelay $0x1  }
0x151: {  	v7 =	vnsel vm2, $0x0, v4  }
0x152: {  	v6 =	vadd.s32 v6, v7  }
0x153: {  	s31 =	sadd.s32 $0x20, s29;
	vm3 =	vlt.s32 v6, $0x20;
	vm10 =	vle.f32 v5, $3.999999910e-02  }
0x154: {  	v5 =	vor.u32 s31, v0;
	vm2 =	vmand vm3, vm10  }
0x155: {  	v5 =	vnsel vm2, $0x40000000, v5  }
0x156: {  	v7 =	vxor.u32 $0x80000000, v5  }
0x157: {  	(xrf1) =	vsort.ascd.msk.u32 $0xffff, v7, v5;
	_ =	sdelay $0xa  }
0x158: {  	v5 =	vadd.s32 v0, v6;
	_ =	sdelay $0x2  }
0x159: {  	v7, _, _ =	vpop (xrf1)  }
0x15a: {  	v7 =	vxor.u32 $0x80000000, v7  }
0x15b: {  	[tilespmem:v5+s11+$0x0] =	vst.idx.msk $0xffff, v7  }
0x15c: {  	v7 =	vld [tilespmem:s28+$0xFFFFFE30]  }
0x15d: {  	v5 =	vmpcnt.ones.xlane vm2;
	_ =	sdelay $0x1  }
0x15e: {  	v8 =	vnsel vm3, $0x0, v5  }
0x15f: {  	v8 =	vadd.s32 v6, v8  }
0x160: {  	s0 =	sadd.s32 $0x30, s29;
	vm4 =	vlt.s32 v8, $0x20;
	vm11 =	vle.f32 v7, $3.999999910e-02  }
0x161: {  	v6 =	vor.u32 s0, v0;
	vm3 =	vmand vm4, vm11  }
0x162: {  	v6 =	vnsel vm3, $0x40000000, v6  }
0x163: {  	v7 =	vxor.u32 $0x80000000, v6  }
0x164: {  	(xrf1) =	vsort.ascd.msk.u32 $0xffff, v7, v6;
	_ =	sdelay $0xa  }
0x165: {  	v6 =	vadd.s32 v0, v8;
	_ =	sdelay $0x2  }
0x166: {  	v7, _, _ =	vpop (xrf1)  }
0x167: {  	v7 =	vxor.u32 $0x80000000, v7  }
0x168: {  	[tilespmem:v6+s11+$0x0] =	vst.idx.msk $0xffff, v7  }
0x169: {  	v7 =	vld [tilespmem:s28+$0xFFFFFE40]  }
0x16a: {  	v6 =	vmpcnt.ones.xlane vm3;
	_ =	sdelay $0x1  }
0x16b: {  	v9 =	vnsel vm4, $0x0, v6  }
0x16c: {  	v8 =	vadd.s32 v8, v9  }
0x16d: {  	s2 =	sadd.s32 $0x40, s29;
	vm5 =	vlt.s32 v8, $0x20;
	vm12 =	vle.f32 v7, $3.999999910e-02  }
0x16e: {  	v7 =	vor.u32 s2, v0;
	vm4 =	vmand vm5, vm12  }
0x16f: {  	v7 =	vnsel vm4, $0x40000000, v7  }
0x170: {  	v56 =	vxor.u32 $0x80000000, v7  }
0x171: {  	(xrf1) =	vsort.ascd.msk.u32 $0xffff, v56, v7;
	_ =	sdelay $0xa  }
0x172: {  	v7 =	vadd.s32 v0, v8;
	_ =	sdelay $0x2  }
0x173: {  	v9, _, _ =	vpop (xrf1)  }
0x174: {  	v9 =	vxor.u32 $0x80000000, v9  }
0x175: {  	[tilespmem:v7+s11+$0x0] =	vst.idx.msk $0xffff, v9  }
0x176: {  	v9 =	vld [tilespmem:s28+$0xFFFFFE50]  }
0x177: {  	v7 =	vmpcnt.ones.xlane vm4;
	_ =	sdelay $0x1  }
0x178: {  	v10 =	vnsel vm5, $0x0, v7  }
0x179: {  	v10 =	vadd.s32 v8, v10  }
0x17a: {  	s8 =	sadd.s32 $0x50, s29;
	vm6 =	vlt.s32 v10, $0x20;
	vm13 =	vle.f32 v9, $3.999999910e-02  }
0x17b: {  	v57 =	vor.u32 s8, v0;
	vm5 =	vmand vm6, vm13  }
0x17c: {  	v8 =	vnsel vm5, $0x40000000, v57  }
0x17d: {  	v58 =	vxor.u32 $0x80000000, v8  }
0x17e: {  	(xrf1) =	vsort.ascd.msk.u32 $0xffff, v58, v8;
	_ =	sdelay $0xa  }
0x17f: {  	v59 =	vadd.s32 v0, v10;
	_ =	sdelay $0x2  }
0x180: {  	v9, _, _ =	vpop (xrf1)  }
0x181: {  	v9 =	vxor.u32 $0x80000000, v9  }
0x182: {  	[tilespmem:v59+s11+$0x0] =	vst.idx.msk $0xffff, v9  }
0x183: {  	v9 =	vld [tilespmem:s28+$0xFFFFFE60]  }
0x184: {  	v8 =	vmpcnt.ones.xlane vm5;
	_ =	sdelay $0x1  }
0x185: {  	v11 =	vnsel vm6, $0x0, v8  }
0x186: {  	v10 =	vadd.s32 v10, v11  }
0x187: {  	s1 =	sadd.s32 $0x60, s29;
	vm7 =	vlt.s32 v10, $0x20;
	vm14 =	vle.f32 v9, $3.999999910e-02  }
0x188: {  	v60 =	vor.u32 s1, v0;
	vm6 =	vmand vm7, vm14  }
0x189: {  	v9 =	vnsel vm6, $0x40000000, v60  }
0x18a: {  	v61 =	vxor.u32 $0x80000000, v9  }
0x18b: {  	(xrf1) =	vsort.ascd.msk.u32 $0xffff, v61, v9;
	_ =	sdelay $0xa  }
0x18c: {  	v62 =	vadd.s32 v0, v10;
	_ =	sdelay $0x2  }
0x18d: {  	v11, _, _ =	vpop (xrf1)  }
0x18e: {  	v11 =	vxor.u32 $0x80000000, v11  }
0x18f: {  	[tilespmem:v62+s11+$0x0] =	vst.idx.msk $0xffff, v11  }
0x190: {  	v11 =	vld [tilespmem:s28+$0xFFFFFE70]  }
0x191: {  	v63 =	vmpcnt.ones.xlane vm6;
	_ =	sdelay $0x1  }
0x192: {  	v12 =	vnsel vm7, $0x0, v63  }
0x193: {  	v12 =	vadd.s32 v10, v12  }
0x194: {  	s9 =	sadd.s32 $0x70, s29;
	vm9 =	vlt.s32 v12, $0x20;
	vm15 =	vle.f32 v11, $3.999999910e-02  }
0x195: {  	v24 =	vor.u32 s9, v0;
	vm8 =	vmand vm9, vm15  }
0x196: {  	v10 =	vnsel vm8, $0x40000000, v24  }
0x197: {  	v25 =	vxor.u32 $0x80000000, v10  }
0x198: {  	(xrf1) =	vsort.ascd.msk.u32 $0xffff, v25, v10;
	_ =	sdelay $0xa  }
0x199: {  	v26 =	vadd.s32 v0, v12;
	_ =	sdelay $0x2  }
0x19a: {  	v11, _, _ =	vpop (xrf1)  }
0x19b: {  	v11 =	vxor.u32 $0x80000000, v11  }
0x19c: {  	[tilespmem:v26+s11+$0x0] =	vst.idx.msk $0xffff, v11  }
0x19d: {  	v11 =	vld [tilespmem:s28+$0x0]  }
0x19e: {  	v27 =	vmpcnt.ones.xlane vm8;
	_ =	sdelay $0x1  }
0x19f: {  	v13 =	vnsel vm9, $0x0, v27  }
0x1a0: {  	v12 =	vadd.s32 v12, v13  }
0x1a1: {  	s13 =	sadd.s32 $0x80, s29;
	vm10 =	vlt.s32 v12, $0x20;
	vm12 =	vle.f32 v11, $3.999999910e-02  }
0x1a2: {  	v28 =	vor.u32 s13, v0;
	vm9 =	vmand vm10, vm12  }
0x1a3: {  	v11 =	vnsel vm9, $0x40000000, v28  }
0x1a4: {  	v29 =	vxor.u32 $0x80000000, v11  }
0x1a5: {  	(xrf1) =	vsort.ascd.msk.u32 $0xffff, v29, v11;
	_ =	sdelay $0xa  }
0x1a6: {  	v30 =	vadd.s32 v0, v12;
	_ =	sdelay $0x2  }
0x1a7: {  	v13, _, _ =	vpop (xrf1)  }
0x1a8: {  	v13 =	vxor.u32 $0x80000000, v13  }
0x1a9: {  	[tilespmem:v30+s11+$0x0] =	vst.idx.msk $0xffff, v13  }
0x1aa: {  	v13 =	vld [tilespmem:s28+$0x10]  }
0x1ab: {  	v31 =	vmpcnt.ones.xlane vm9;
	_ =	sdelay $0x1  }
0x1ac: {  	v14 =	vnsel vm10, $0x0, v31  }
0x1ad: {  	v14 =	vadd.s32 v12, v14  }
0x1ae: {  	s22 =	sadd.s32 $0x90, s29;
	vm14 =	vlt.s32 v14, $0x20;
	vm13 =	vle.f32 v13, $3.999999910e-02  }
0x1af: {  	v32 =	vor.u32 s22, v0;
	vm7 =	vmand vm14, vm13  }
0x1b0: {  	v12 =	vnsel vm7, $0x40000000, v32  }
0x1b1: {  	v33 =	vxor.u32 $0x80000000, v12  }
0x1b2: {  	(xrf1) =	vsort.ascd.msk.u32 $0xffff, v33, v12;
	_ =	sdelay $0xa  }
0x1b3: {  	v34 =	vadd.s32 v0, v14;
	_ =	sdelay $0x2  }
0x1b4: {  	v13, _, _ =	vpop (xrf1)  }
0x1b5: {  	v13 =	vxor.u32 $0x80000000, v13  }
0x1b6: {  	[tilespmem:v34+s11+$0x0] =	vst.idx.msk $0xffff, v13  }
0x1b7: {  	v13 =	vld [tilespmem:s28+$0x20]  }
0x1b8: {  	v35 =	vmpcnt.ones.xlane vm7;
	_ =	sdelay $0x1  }
0x1b9: {  	v15 =	vnsel vm14, $0x0, v35  }
0x1ba: {  	v14 =	vadd.s32 v14, v15  }
0x1bb: {  	s15 =	sadd.s32 $0xA0, s29;
	vm11 =	vlt.s32 v14, $0x20;
	vm15 =	vle.f32 v13, $3.999999910e-02  }
0x1bc: {  	v36 =	vor.u32 s15, v0;
	vm10 =	vmand vm11, vm15  }
0x1bd: {  	v13 =	vnsel vm10, $0x40000000, v36  }
0x1be: {  	v37 =	vxor.u32 $0x80000000, v13  }
0x1bf: {  	(xrf1) =	vsort.ascd.msk.u32 $0xffff, v37, v13;
	_ =	sdelay $0xa  }
0x1c0: {  	v38 =	vadd.s32 v0, v14;
	_ =	sdelay $0x2  }
0x1c1: {  	v15, _, _ =	vpop (xrf1)  }
0x1c2: {  	v15 =	vxor.u32 $0x80000000, v15  }
0x1c3: {  	[tilespmem:v38+s11+$0x0] =	vst.idx.msk $0xffff, v15  }
0x1c4: {  	v15 =	vld [tilespmem:s28+$0x30]  }
0x1c5: {  	v39 =	vmpcnt.ones.xlane vm10;
	_ =	sdelay $0x1  }
0x1c6: {  	v16 =	vnsel vm11, $0x0, v39  }
0x1c7: {  	v16 =	vadd.s32 v14, v16  }
0x1c8: {  	s16 =	sadd.s32 $0xB0, s29;
	vm12 =	vlt.s32 v16, $0x20;
	vm11 =	vle.f32 v15, $3.999999910e-02  }
0x1c9: {  	v40 =	vor.u32 s16, v0;
	vm11 =	vmand vm12, vm11  }
0x1ca: {  	v14 =	vnsel vm11, $0x40000000, v40  }
0x1cb: {  	v41 =	vxor.u32 $0x80000000, v14  }
0x1cc: {  	(xrf1) =	vsort.ascd.msk.u32 $0xffff, v41, v14;
	_ =	sdelay $0xa  }
0x1cd: {  	v42 =	vadd.s32 v0, v16;
	_ =	sdelay $0x2  }
0x1ce: {  	v15, _, _ =	vpop (xrf1)  }
0x1cf: {  	v15 =	vxor.u32 $0x80000000, v15  }
0x1d0: {  	[tilespmem:v42+s11+$0x0] =	vst.idx.msk $0xffff, v15  }
0x1d1: {  	v15 =	vld [tilespmem:s28+$0x40]  }
0x1d2: {  	v43 =	vmpcnt.ones.xlane vm11;
	_ =	sdelay $0x1  }
0x1d3: {  	v17 =	vnsel vm12, $0x0, v43  }
0x1d4: {  	v16 =	vadd.s32 v16, v17  }
0x1d5: {  	s17 =	sadd.s32 $0xC0, s29;
	vm13 =	vlt.s32 v16, $0x20;
	vm12 =	vle.f32 v15, $3.999999910e-02  }
0x1d6: {  	v44 =	vor.u32 s17, v0;
	vm12 =	vmand vm13, vm12  }
0x1d7: {  	v15 =	vnsel vm12, $0x40000000, v44  }
0x1d8: {  	v45 =	vxor.u32 $0x80000000, v15  }
0x1d9: {  	(xrf1) =	vsort.ascd.msk.u32 $0xffff, v45, v15;
	_ =	sdelay $0xa  }
0x1da: {  	v46 =	vadd.s32 v0, v16;
	_ =	sdelay $0x2  }
0x1db: {  	v17, _, _ =	vpop (xrf1)  }
0x1dc: {  	v17 =	vxor.u32 $0x80000000, v17  }
0x1dd: {  	[tilespmem:v46+s11+$0x0] =	vst.idx.msk $0xffff, v17  }
0x1de: {  	v15 =	vld [tilespmem:s28+$0x50]  }
0x1df: {  	v47 =	vmpcnt.ones.xlane vm12;
	_ =	sdelay $0x1  }
0x1e0: {  	v18 =	vnsel vm13, $0x0, v47  }
0x1e1: {  	v16 =	vadd.s32 v16, v18  }
0x1e2: {  	s18 =	sadd.s32 $0xD0, s29;
	vm14 =	vlt.s32 v16, $0x20;
	vm13 =	vle.f32 v15, $3.999999910e-02  }
0x1e3: {  	v48 =	vor.u32 s18, v0;
	vm13 =	vmand vm14, vm13  }
0x1e4: {  	v15 =	vnsel vm13, $0x40000000, v48  }
0x1e5: {  	v49 =	vxor.u32 $0x80000000, v15  }
0x1e6: {  	(xrf1) =	vsort.ascd.msk.u32 $0xffff, v49, v15;
	_ =	sdelay $0xa  }
0x1e7: {  	v50 =	vadd.s32 v0, v16;
	_ =	sdelay $0x2  }
0x1e8: {  	v18, _, _ =	vpop (xrf1)  }
0x1e9: {  	s19 =	sadd.s32 $0xFFFFFFC0, s26;
	v18 =	vxor.u32 $0x80000000, v18  }
0x1ea: {  	s19 =	sand.u32 $0x3E80, s19;
	[tilespmem:v50+s11+$0x0] =	vst.idx.msk $0xffff, v18  }
0x1eb: {  	v15 =	vld [tilespmem:s19+$0x60]  }
0x1ec: {  	v51 =	vmpcnt.ones.xlane vm13;
	_ =	sdelay $0x1  }
0x1ed: {  	v19 =	vnsel vm14, $0x0, v51  }
0x1ee: {  	v16 =	vadd.s32 v16, v19  }
0x1ef: {  	vm15 =	vlt.s32 v16, $0x20;
	s19 =	sadd.s32 $0xE0, s29;
	vm14 =	vle.f32 v15, $3.999999910e-02  }
0x1f0: {  	v52 =	vor.u32 s19, v0;
	vm14 =	vmand vm15, vm14  }
0x1f1: {  	v15 =	vnsel vm14, $0x40000000, v52  }
0x1f2: {  	v53 =	vxor.u32 $0x80000000, v15  }
0x1f3: {  	(xrf1) =	vsort.ascd.msk.u32 $0xffff, v53, v15  }
0x1f4: {  	v54 =	vmctz.xlane vm0;
	_ =	sdelay $0x1  }
0x1f5: {  	vm0 =	vgt.s32 v3, $0x0;
	v3 =	vadd.s32 s29, v54  }
0x1f6: {  	v3 =	vnsel vm0, $0x40000000, v3;
	vm0 =	vgt.s32 v4, $0x0;
	v4 =	vmctz.xlane vm4  }
0x1f7: {  	v55 =	vmctz.xlane vm1;
	v20 =	vmctz.xlane vm3  }
0x1f8: {  	v56 =	vmctz.xlane vm2;
	v4 =	vadd.s32 s2, v4;
	vm4 =	vlt.s32 v2, v3  }
0x1f9: {  	v2 =	vsel vm4, v2, v3;
	vm4 =	vgt.s32 v5, $0x0;
	v19 =	vadd.s32 s30, v55  }
0x1fa: {  	v57 =	vadd.s32 s0, v20;
	v58 =	vmctz.xlane vm6;
	v3 =	vnsel vm0, $0x40000000, v19  }
0x1fb: {  	v60 =	vmctz.xlane vm8;
	vm0 =	vlt.s32 v2, v3;
	v15 =	vadd.s32 s31, v56  }
0x1fc: {  	v59 =	vadd.s32 v0, v16;
	v2 =	vsel vm0, v2, v3;
	v5 =	vnsel vm4, $0x40000000, v15  }
0x1fd: {  	v3 =	vmctz.xlane vm5;
	vm5 =	vgt.s32 v6, $0x0;
	vm6 =	vlt.s32 v2, v5  }
0x1fe: {  	vm8 =	vgt.s32 v27, $0x0;
	v2 =	vsel vm6, v2, v5;
	v5 =	vnsel vm5, $0x40000000, v57  }
0x1ff: {  	v6 =	vadd.s32 s1, v58;
	vm4 =	vgt.s32 v7, $0x0;
	vm0 =	vlt.s32 v2, v5  }
0x200: {  	v3 =	vadd.s32 s8, v3;
	v4 =	vnsel vm4, $0x40000000, v4;
	v2 =	vsel vm0, v2, v5;
	v7, _, _ =	vpop (xrf1)  }
0x201: {  	vm5 =	vgt.s32 v8, $0x0;
	vm0 =	vlt.s32 v2, v4;
	v5 =	vxor.u32 $0x80000000, v7  }
0x202: {  	s30 =	sand.u32 $0x3E80, s26;
	v3 =	vnsel vm5, $0x40000000, v3;
	v2 =	vsel vm0, v2, v4;
	v4 =	vmctz.xlane vm9;
	[tilespmem:v59+s11+$0x0] =	vst.idx.msk $0xffff, v5  }
0x203: {  	v61 =	vmpcnt.ones.xlane vm14;
	vm6 =	vgt.s32 v63, $0x0;
	vm0 =	vlt.s32 v2, v3;
	v7 =	vld [tilespmem:s30+$0x70]  }
0x204: {  	v4 =	vadd.s32 s13, v4;
	v2 =	vsel vm0, v2, v3;
	v3 =	vnsel vm6, $0x40000000, v6  }
0x205: {  	v6 =	vnsel vm15, $0x0, v61;
	vm6 =	vgt.s32 v31, $0x0;
	vm0 =	vlt.s32 v2, v3  }
0x206: {  	v4 =	vnsel vm6, $0x40000000, v4;
	v2 =	vsel vm0, v2, v3;
	v5 =	vadd.s32 s9, v60  }
0x207: {  	v3 =	vnsel vm8, $0x40000000, v5;
	v5 =	vadd.s32 v16, v6;
	v6 =	vmctz.xlane vm7  }
0x208: {  	s31 =	sadd.s32 $0xF0, s29;
	vm1 =	vlt.s32 v2, v3;
	vm0 =	vlt.s32 v5, $0x20;
	vm9 =	vle.f32 v7, $3.999999910e-02  }
0x209: {  	v2 =	vsel vm1, v2, v3;
	v3 =	vor.u32 s31, v0;
	vm15 =	vmand vm0, vm9  }
0x20a: {  	vm7 =	vgt.s32 v35, $0x0;
	v6 =	vadd.s32 s22, v6;
	v3 =	vnsel vm15, $0x40000000, v3  }
0x20b: {  	vm8 =	vlt.s32 v2, v4;
	v7 =	vmctz.xlane vm10;
	v62 =	vxor.u32 $0x80000000, v3  }
0x20c: {  	v2 =	vsel vm8, v2, v4;
	v4 =	vnsel vm7, $0x40000000, v6;
	v6 =	vmctz.xlane vm11;
	(xrf1) =	vsort.ascd.msk.u32 $0xffff, v62, v3  }
0x20d: {  	vm3 =	vlt.s32 v2, v4;
	vm9 =	vgt.s32 v39, $0x0;
	v3 =	vadd.s32 s15, v7  }
0x20e: {  	vm10 =	vgt.s32 v43, $0x0;
	v2 =	vsel vm3, v2, v4;
	v3 =	vnsel vm9, $0x40000000, v3  }
0x20f: {  	v4 =	vmctz.xlane vm12;
	v6 =	vadd.s32 s16, v6;
	vm3 =	vlt.s32 v2, v3  }
0x210: {  	vm11 =	vgt.s32 v47, $0x0;
	v2 =	vsel vm3, v2, v3;
	v3 =	vnsel vm10, $0x40000000, v6  }
0x211: {  	v4 =	vadd.s32 s17, v4;
	v6 =	vmctz.xlane vm13;
	vm3 =	vlt.s32 v2, v3  }
0x212: {  	v2 =	vsel vm3, v2, v3;
	v3 =	vnsel vm11, $0x40000000, v4  }
0x213: {  	vm12 =	vgt.s32 v51, $0x0;
	v4 =	vadd.s32 s18, v6;
	vm2 =	vlt.s32 v2, v3  }
0x214: {  	v2 =	vsel vm2, v2, v3;
	v3 =	vnsel vm12, $0x40000000, v4;
	v4 =	vmctz.xlane vm14  }
0x215: {  	v63 =	vadd.s32 v0, v5;
	v7 =	vmctz.xlane vm15;
	vm13 =	vgt.s32 v61, $0x0  }
0x216: {  	v6 =	vmpcnt.ones.xlane vm15;
	vm2 =	vlt.s32 v2, v3;
	v4 =	vadd.s32 s19, v4  }
0x217: {  	v2 =	vsel vm2, v2, v3;
	v3 =	vnsel vm13, $0x40000000, v4;
	v4 =	vadd.s32 s31, v7  }
.Ltmp11:
0x218: {  	_ = 	snop;
	(pc) =	sbr.rel .LBB2_9-.Ltmp11, $4  }
0x219: {  	vm14 =	vgt.s32 v6, $0x0;
	vm1 =	vlt.s32 v2, v3  }
0x21a: {  	v2 =	vsel vm1, v2, v3;
	v3 =	vnsel vm14, $0x40000000, v4;
	v4, _, _ =	vpop (xrf1)  }
0x21b: {  	v6 =	vnsel vm0, $0x0, v6;
	vm15 =	vlt.s32 v2, v3;
	v4 =	vxor.u32 $0x80000000, v4  }
0x21c: {  	v2 =	vsel vm15, v2, v3;
	[tilespmem:v63+s11+$0x0] =	vst.idx.msk $0xffff, v4;
	v4 =	vadd.s32 v5, v6  }
.LBB2_10:
0x21d: {  	v3 =	vld [tilespmem:$0x4000]  }
0x21e: {  	v5 =	vld [tilespmem:$0x4010];
	_ =	sdelay $0x2  }
.Ltmp12:
0x21f: {  	vm0 =	vgt.s32 v4, v0;
	(pc) =	sbr.rel .LBB2_11-.Ltmp12, $4  }
0x220: {  	vm15 =	vgt.s32 v4, v1;
	v3 =	vsel vm0, v3, v2  }
0x221: {  	s0 =	simm.s32 $0x4100;
	s1 =	simm.s32 $0x5280;
	v2 =	vsel vm15, v5, v2;
	[tilespmem:$0x4100] =	vst v3  }
0x222: {  	s25 =	simm.s32 $0x0;
	s26 =	simm.s32 $0x340;
	s28 =	simm.s32 $0x300;
	[tilespmem:$0x4110] =	vst v2  }
0x223: {  	v4 =	vimm.s32 $0x0;
	v2 =	vimm.s32 $0x40000000;
	[tilespmem:s1], [sflag:$0x1] =	stream.indirect.gather [hbm4b:s4+s12], $0x80, s0, s12, $0xb8;
	[tilespmem:$0x8280] =	vst v63  }
.LBB2_13:
0x224: {  	s25 =	sadd.s32 $0x100, s25  }
0x225: {  	p0 =	sne.s32 s25, $0x1000  }
.Ltmp13:
0x226: {  	_ = 	snop;
	(pc) =	sbr.rel @!p0 .LBB2_14-.Ltmp13, $2  }
0x227: {  	_ =	sdelay $0x2  }
0x228: {  	s26 =	sadd.s32 $0x400, s26;
	s28 =	sadd.s32 $0x400, s28  }
.LBB2_11:
0x229: {  	v3 =	vxor.u32 $0x80000000, v4  }
0x22a: {  	(xrf0) =	vmax.scan.msk.u32 $0xffff, v3;
	_ =	sdelay $0x5  }
0x22b: {  	v3, _, _ =	vpop (xrf0)  }
0x22c: {  	(v2sf) =	vpush v3, $0xF;
	_ =	sdelay $0xe  }
0x22d: {  	s0 =	spop (v2sf)  }
0x22e: {  	p0 =	sgt.u32 s0, $0x8000001F  }
.Ltmp14:
0x22f: {  	_ = 	snop;
	(pc) =	sbr.rel @p0 .LBB2_13-.Ltmp14, $1  }
0x230: {  	_ =	sdelay $0x3  }
0x231: {  	v3 =	vld [tilespmem:s28+$0xFFFFFE00];
	_ =	sdelay $0x4  }
0x232: {  	vm1 =	vlt.s32 v4, $0x20;
	s29 =	sadd.s32 s25, s6;
	vm0 =	vle.f32 v3, $3.999999910e-02  }
0x233: {  	v3 =	vor.u32 s29, v0;
	vm0 =	vmand vm1, vm0  }
0x234: {  	v3 =	vnsel vm0, $0x40000000, v3  }
0x235: {  	v5 =	vor.u32 $0x80000000, v3  }
0x236: {  	(xrf1) =	vsort.ascd.msk.u32 $0xffff, v5, v3;
	_ =	sdelay $0xa  }
0x237: {  	v3 =	vadd.s32 v0, v4;
	_ =	sdelay $0x2  }
0x238: {  	v5, _, _ =	vpop (xrf1)  }
0x239: {  	v5 =	vxor.u32 $0x80000000, v5  }
0x23a: {  	[tilespmem:v3+s11+$0x0] =	vst.idx.msk $0xffff, v5  }
0x23b: {  	v5 =	vld [tilespmem:s28+$0xFFFFFE10]  }
0x23c: {  	v3 =	vmpcnt.ones.xlane vm0;
	_ =	sdelay $0x1  }
0x23d: {  	v6 =	vnsel vm1, $0x0, v3  }
0x23e: {  	v6 =	vadd.s32 v4, v6  }
0x23f: {  	s30 =	sadd.s32 $0x10, s29;
	vm2 =	vlt.s32 v6, $0x20;
	vm9 =	vle.f32 v5, $3.999999910e-02  }
0x240: {  	v4 =	vor.u32 s30, v0;
	vm1 =	vmand vm2, vm9  }
0x241: {  	v4 =	vnsel vm1, $0x40000000, v4  }
0x242: {  	v5 =	vxor.u32 $0x80000000, v4  }
0x243: {  	(xrf1) =	vsort.ascd.msk.u32 $0xffff, v5, v4;
	_ =	sdelay $0xa  }
0x244: {  	v4 =	vadd.s32 v0, v6;
	_ =	sdelay $0x2  }
0x245: {  	v5, _, _ =	vpop (xrf1)  }
0x246: {  	v5 =	vxor.u32 $0x80000000, v5  }
0x247: {  	[tilespmem:v4+s11+$0x0] =	vst.idx.msk $0xffff, v5  }
0x248: {  	v5 =	vld [tilespmem:s28+$0xFFFFFE20]  }
0x249: {  	v4 =	vmpcnt.ones.xlane vm1;
	_ =	sdelay $0x1  }
0x24a: {  	v7 =	vnsel vm2, $0x0, v4  }
0x24b: {  	v6 =	vadd.s32 v6, v7  }
0x24c: {  	s31 =	sadd.s32 $0x20, s29;
	vm3 =	vlt.s32 v6, $0x20;
	vm10 =	vle.f32 v5, $3.999999910e-02  }
0x24d: {  	v5 =	vor.u32 s31, v0;
	vm2 =	vmand vm3, vm10  }
0x24e: {  	v5 =	vnsel vm2, $0x40000000, v5  }
0x24f: {  	v7 =	vxor.u32 $0x80000000, v5  }
0x250: {  	(xrf1) =	vsort.ascd.msk.u32 $0xffff, v7, v5;
	_ =	sdelay $0xa  }
0x251: {  	v5 =	vadd.s32 v0, v6;
	_ =	sdelay $0x2  }
0x252: {  	v7, _, _ =	vpop (xrf1)  }
0x253: {  	v7 =	vxor.u32 $0x80000000, v7  }
0x254: {  	[tilespmem:v5+s11+$0x0] =	vst.idx.msk $0xffff, v7  }
0x255: {  	v7 =	vld [tilespmem:s28+$0xFFFFFE30]  }
0x256: {  	v5 =	vmpcnt.ones.xlane vm2;
	_ =	sdelay $0x1  }
0x257: {  	v8 =	vnsel vm3, $0x0, v5  }
0x258: {  	v8 =	vadd.s32 v6, v8  }
0x259: {  	s0 =	sadd.s32 $0x30, s29;
	vm4 =	vlt.s32 v8, $0x20;
	vm11 =	vle.f32 v7, $3.999999910e-02  }
0x25a: {  	v6 =	vor.u32 s0, v0;
	vm3 =	vmand vm4, vm11  }
0x25b: {  	v6 =	vnsel vm3, $0x40000000, v6  }
0x25c: {  	v7 =	vxor.u32 $0x80000000, v6  }
0x25d: {  	(xrf1) =	vsort.ascd.msk.u32 $0xffff, v7, v6;
	_ =	sdelay $0xa  }
0x25e: {  	v6 =	vadd.s32 v0, v8;
	_ =	sdelay $0x2  }
0x25f: {  	v7, _, _ =	vpop (xrf1)  }
0x260: {  	v7 =	vxor.u32 $0x80000000, v7  }
0x261: {  	[tilespmem:v6+s11+$0x0] =	vst.idx.msk $0xffff, v7  }
0x262: {  	v7 =	vld [tilespmem:s28+$0xFFFFFE40]  }
0x263: {  	v6 =	vmpcnt.ones.xlane vm3;
	_ =	sdelay $0x1  }
0x264: {  	v9 =	vnsel vm4, $0x0, v6  }
0x265: {  	v8 =	vadd.s32 v8, v9  }
0x266: {  	s2 =	sadd.s32 $0x40, s29;
	vm5 =	vlt.s32 v8, $0x20;
	vm12 =	vle.f32 v7, $3.999999910e-02  }
0x267: {  	v7 =	vor.u32 s2, v0;
	vm4 =	vmand vm5, vm12  }
0x268: {  	v7 =	vnsel vm4, $0x40000000, v7  }
0x269: {  	v56 =	vxor.u32 $0x80000000, v7  }
0x26a: {  	(xrf1) =	vsort.ascd.msk.u32 $0xffff, v56, v7;
	_ =	sdelay $0xa  }
0x26b: {  	v7 =	vadd.s32 v0, v8;
	_ =	sdelay $0x2  }
0x26c: {  	v9, _, _ =	vpop (xrf1)  }
0x26d: {  	v9 =	vxor.u32 $0x80000000, v9  }
0x26e: {  	[tilespmem:v7+s11+$0x0] =	vst.idx.msk $0xffff, v9  }
0x26f: {  	v9 =	vld [tilespmem:s28+$0xFFFFFE50]  }
0x270: {  	v7 =	vmpcnt.ones.xlane vm4;
	_ =	sdelay $0x1  }
0x271: {  	v10 =	vnsel vm5, $0x0, v7  }
0x272: {  	v10 =	vadd.s32 v8, v10  }
0x273: {  	s8 =	sadd.s32 $0x50, s29;
	vm6 =	vlt.s32 v10, $0x20;
	vm13 =	vle.f32 v9, $3.999999910e-02  }
0x274: {  	v57 =	vor.u32 s8, v0;
	vm5 =	vmand vm6, vm13  }
0x275: {  	v8 =	vnsel vm5, $0x40000000, v57  }
0x276: {  	v58 =	vxor.u32 $0x80000000, v8  }
0x277: {  	(xrf1) =	vsort.ascd.msk.u32 $0xffff, v58, v8;
	_ =	sdelay $0xa  }
0x278: {  	v59 =	vadd.s32 v0, v10;
	_ =	sdelay $0x2  }
0x279: {  	v9, _, _ =	vpop (xrf1)  }
0x27a: {  	v9 =	vxor.u32 $0x80000000, v9  }
0x27b: {  	[tilespmem:v59+s11+$0x0] =	vst.idx.msk $0xffff, v9  }
0x27c: {  	v9 =	vld [tilespmem:s28+$0xFFFFFE60]  }
0x27d: {  	v8 =	vmpcnt.ones.xlane vm5;
	_ =	sdelay $0x1  }
0x27e: {  	v11 =	vnsel vm6, $0x0, v8  }
0x27f: {  	v10 =	vadd.s32 v10, v11  }
0x280: {  	s1 =	sadd.s32 $0x60, s29;
	vm7 =	vlt.s32 v10, $0x20;
	vm14 =	vle.f32 v9, $3.999999910e-02  }
0x281: {  	v60 =	vor.u32 s1, v0;
	vm6 =	vmand vm7, vm14  }
0x282: {  	v9 =	vnsel vm6, $0x40000000, v60  }
0x283: {  	v61 =	vxor.u32 $0x80000000, v9  }
0x284: {  	(xrf1) =	vsort.ascd.msk.u32 $0xffff, v61, v9;
	_ =	sdelay $0xa  }
0x285: {  	v62 =	vadd.s32 v0, v10;
	_ =	sdelay $0x2  }
0x286: {  	v11, _, _ =	vpop (xrf1)  }
0x287: {  	v11 =	vxor.u32 $0x80000000, v11  }
0x288: {  	[tilespmem:v62+s11+$0x0] =	vst.idx.msk $0xffff, v11  }
0x289: {  	v11 =	vld [tilespmem:s28+$0xFFFFFE70]  }
0x28a: {  	v63 =	vmpcnt.ones.xlane vm6;
	_ =	sdelay $0x1  }
0x28b: {  	v12 =	vnsel vm7, $0x0, v63  }
0x28c: {  	v12 =	vadd.s32 v10, v12  }
0x28d: {  	s13 =	sadd.s32 $0x70, s29;
	vm9 =	vlt.s32 v12, $0x20;
	vm15 =	vle.f32 v11, $3.999999910e-02  }
0x28e: {  	v24 =	vor.u32 s13, v0;
	vm8 =	vmand vm9, vm15  }
0x28f: {  	v10 =	vnsel vm8, $0x40000000, v24  }
0x290: {  	v25 =	vxor.u32 $0x80000000, v10  }
0x291: {  	(xrf1) =	vsort.ascd.msk.u32 $0xffff, v25, v10;
	_ =	sdelay $0xa  }
0x292: {  	v26 =	vadd.s32 v0, v12;
	_ =	sdelay $0x2  }
0x293: {  	v11, _, _ =	vpop (xrf1)  }
0x294: {  	v11 =	vxor.u32 $0x80000000, v11  }
0x295: {  	[tilespmem:v26+s11+$0x0] =	vst.idx.msk $0xffff, v11  }
0x296: {  	v11 =	vld [tilespmem:s28+$0x0]  }
0x297: {  	v27 =	vmpcnt.ones.xlane vm8;
	_ =	sdelay $0x1  }
0x298: {  	v13 =	vnsel vm9, $0x0, v27  }
0x299: {  	v12 =	vadd.s32 v12, v13  }
0x29a: {  	s22 =	sadd.s32 $0x80, s29;
	vm10 =	vlt.s32 v12, $0x20;
	vm12 =	vle.f32 v11, $3.999999910e-02  }
0x29b: {  	v28 =	vor.u32 s22, v0;
	vm9 =	vmand vm10, vm12  }
0x29c: {  	v11 =	vnsel vm9, $0x40000000, v28  }
0x29d: {  	v29 =	vxor.u32 $0x80000000, v11  }
0x29e: {  	(xrf1) =	vsort.ascd.msk.u32 $0xffff, v29, v11;
	_ =	sdelay $0xa  }
0x29f: {  	v30 =	vadd.s32 v0, v12;
	_ =	sdelay $0x2  }
0x2a0: {  	v13, _, _ =	vpop (xrf1)  }
0x2a1: {  	v13 =	vxor.u32 $0x80000000, v13  }
0x2a2: {  	[tilespmem:v30+s11+$0x0] =	vst.idx.msk $0xffff, v13  }
0x2a3: {  	v13 =	vld [tilespmem:s28+$0x10]  }
0x2a4: {  	v31 =	vmpcnt.ones.xlane vm9;
	_ =	sdelay $0x1  }
0x2a5: {  	v14 =	vnsel vm10, $0x0, v31  }
0x2a6: {  	v14 =	vadd.s32 v12, v14  }
0x2a7: {  	s9 =	sadd.s32 $0x90, s29;
	vm14 =	vlt.s32 v14, $0x20;
	vm13 =	vle.f32 v13, $3.999999910e-02  }
0x2a8: {  	v32 =	vor.u32 s9, v0;
	vm7 =	vmand vm14, vm13  }
0x2a9: {  	v12 =	vnsel vm7, $0x40000000, v32  }
0x2aa: {  	v33 =	vxor.u32 $0x80000000, v12  }
0x2ab: {  	(xrf1) =	vsort.ascd.msk.u32 $0xffff, v33, v12;
	_ =	sdelay $0xa  }
0x2ac: {  	v34 =	vadd.s32 v0, v14;
	_ =	sdelay $0x2  }
0x2ad: {  	v13, _, _ =	vpop (xrf1)  }
0x2ae: {  	v13 =	vxor.u32 $0x80000000, v13  }
0x2af: {  	[tilespmem:v34+s11+$0x0] =	vst.idx.msk $0xffff, v13  }
0x2b0: {  	v13 =	vld [tilespmem:s28+$0x20]  }
0x2b1: {  	v35 =	vmpcnt.ones.xlane vm7;
	_ =	sdelay $0x1  }
0x2b2: {  	v15 =	vnsel vm14, $0x0, v35  }
0x2b3: {  	v14 =	vadd.s32 v14, v15  }
0x2b4: {  	s15 =	sadd.s32 $0xA0, s29;
	vm11 =	vlt.s32 v14, $0x20;
	vm15 =	vle.f32 v13, $3.999999910e-02  }
0x2b5: {  	v36 =	vor.u32 s15, v0;
	vm10 =	vmand vm11, vm15  }
0x2b6: {  	v13 =	vnsel vm10, $0x40000000, v36  }
0x2b7: {  	v37 =	vxor.u32 $0x80000000, v13  }
0x2b8: {  	(xrf1) =	vsort.ascd.msk.u32 $0xffff, v37, v13;
	_ =	sdelay $0xa  }
0x2b9: {  	v38 =	vadd.s32 v0, v14;
	_ =	sdelay $0x2  }
0x2ba: {  	v15, _, _ =	vpop (xrf1)  }
0x2bb: {  	v15 =	vxor.u32 $0x80000000, v15  }
0x2bc: {  	[tilespmem:v38+s11+$0x0] =	vst.idx.msk $0xffff, v15  }
0x2bd: {  	v15 =	vld [tilespmem:s28+$0x30]  }
0x2be: {  	v39 =	vmpcnt.ones.xlane vm10;
	_ =	sdelay $0x1  }
0x2bf: {  	v16 =	vnsel vm11, $0x0, v39  }
0x2c0: {  	v14 =	vadd.s32 v14, v16  }
0x2c1: {  	s16 =	sadd.s32 $0xB0, s29;
	vm12 =	vlt.s32 v14, $0x20;
	vm11 =	vle.f32 v15, $3.999999910e-02  }
0x2c2: {  	v40 =	vor.u32 s16, v0;
	vm11 =	vmand vm12, vm11  }
0x2c3: {  	v15 =	vnsel vm11, $0x40000000, v40  }
0x2c4: {  	v41 =	vxor.u32 $0x80000000, v15  }
0x2c5: {  	(xrf1) =	vsort.ascd.msk.u32 $0xffff, v41, v15;
	_ =	sdelay $0xa  }
0x2c6: {  	v42 =	vadd.s32 v0, v14;
	_ =	sdelay $0x2  }
0x2c7: {  	v16, _, _ =	vpop (xrf1)  }
0x2c8: {  	v16 =	vxor.u32 $0x80000000, v16  }
0x2c9: {  	[tilespmem:v42+s11+$0x0] =	vst.idx.msk $0xffff, v16  }
0x2ca: {  	v15 =	vld [tilespmem:s28+$0x40]  }
0x2cb: {  	v43 =	vmpcnt.ones.xlane vm11;
	_ =	sdelay $0x1  }
0x2cc: {  	v17 =	vnsel vm12, $0x0, v43  }
0x2cd: {  	v14 =	vadd.s32 v14, v17  }
0x2ce: {  	s17 =	sadd.s32 $0xC0, s29;
	vm13 =	vlt.s32 v14, $0x20;
	vm12 =	vle.f32 v15, $3.999999910e-02  }
0x2cf: {  	v44 =	vor.u32 s17, v0;
	vm12 =	vmand vm13, vm12  }
0x2d0: {  	v15 =	vnsel vm12, $0x40000000, v44  }
0x2d1: {  	v45 =	vxor.u32 $0x80000000, v15  }
0x2d2: {  	(xrf1) =	vsort.ascd.msk.u32 $0xffff, v45, v15;
	_ =	sdelay $0xa  }
0x2d3: {  	v46 =	vadd.s32 v0, v14;
	_ =	sdelay $0x2  }
0x2d4: {  	v17, _, _ =	vpop (xrf1)  }
0x2d5: {  	v17 =	vxor.u32 $0x80000000, v17  }
0x2d6: {  	s18 =	sor.u32 $0x50, s26;
	[tilespmem:v46+s11+$0x0] =	vst.idx.msk $0xffff, v17  }
0x2d7: {  	v15 =	vld [tilespmem:s18+$0x0]  }
0x2d8: {  	v47 =	vmpcnt.ones.xlane vm12;
	_ =	sdelay $0x1  }
0x2d9: {  	v18 =	vnsel vm13, $0x0, v47  }
0x2da: {  	v14 =	vadd.s32 v14, v18  }
0x2db: {  	vm14 =	vlt.s32 v14, $0x20;
	s18 =	sadd.s32 $0xD0, s29;
	vm13 =	vle.f32 v15, $3.999999910e-02  }
0x2dc: {  	v48 =	vor.u32 s18, v0;
	vm13 =	vmand vm14, vm13  }
0x2dd: {  	v15 =	vnsel vm13, $0x40000000, v48  }
0x2de: {  	v49 =	vxor.u32 $0x80000000, v15  }
0x2df: {  	(xrf1) =	vsort.ascd.msk.u32 $0xffff, v49, v15;
	_ =	sdelay $0xa  }
0x2e0: {  	v50 =	vadd.s32 v0, v14;
	_ =	sdelay $0x2  }
0x2e1: {  	v18, _, _ =	vpop (xrf1)  }
0x2e2: {  	v18 =	vxor.u32 $0x80000000, v18  }
0x2e3: {  	[tilespmem:v50+s11+$0x0] =	vst.idx.msk $0xffff, v18  }
0x2e4: {  	v15 =	vld [tilespmem:s28+$0x60]  }
0x2e5: {  	v51 =	vmpcnt.ones.xlane vm13;
	_ =	sdelay $0x1  }
0x2e6: {  	v19 =	vnsel vm14, $0x0, v51  }
0x2e7: {  	v14 =	vadd.s32 v14, v19  }
0x2e8: {  	s19 =	sadd.s32 $0xE0, s29;
	vm15 =	vlt.s32 v14, $0x20;
	vm14 =	vle.f32 v15, $3.999999910e-02  }
0x2e9: {  	v52 =	vor.u32 s19, v0;
	vm14 =	vmand vm15, vm14  }
0x2ea: {  	v15 =	vnsel vm14, $0x40000000, v52  }
0x2eb: {  	v53 =	vxor.u32 $0x80000000, v15  }
0x2ec: {  	(xrf1) =	vsort.ascd.msk.u32 $0xffff, v53, v15  }
0x2ed: {  	v54 =	vmctz.xlane vm0;
	_ =	sdelay $0x1  }
0x2ee: {  	vm0 =	vgt.s32 v3, $0x0;
	v3 =	vadd.s32 s29, v54  }
0x2ef: {  	v3 =	vnsel vm0, $0x40000000, v3;
	vm0 =	vgt.s32 v4, $0x0;
	v4 =	vmctz.xlane vm4  }
0x2f0: {  	v55 =	vmctz.xlane vm1;
	v20 =	vmctz.xlane vm3  }
0x2f1: {  	v56 =	vmctz.xlane vm2;
	v4 =	vadd.s32 s2, v4;
	vm4 =	vlt.s32 v2, v3  }
0x2f2: {  	v2 =	vsel vm4, v2, v3;
	vm4 =	vgt.s32 v5, $0x0;
	v19 =	vadd.s32 s30, v55  }
0x2f3: {  	v57 =	vadd.s32 s0, v20;
	v58 =	vmctz.xlane vm6;
	v3 =	vnsel vm0, $0x40000000, v19  }
0x2f4: {  	v60 =	vmctz.xlane vm8;
	vm0 =	vlt.s32 v2, v3;
	v15 =	vadd.s32 s31, v56  }
0x2f5: {  	v59 =	vadd.s32 v0, v14;
	v2 =	vsel vm0, v2, v3;
	v5 =	vnsel vm4, $0x40000000, v15  }
0x2f6: {  	v3 =	vmctz.xlane vm5;
	vm5 =	vgt.s32 v6, $0x0;
	vm6 =	vlt.s32 v2, v5  }
0x2f7: {  	vm8 =	vgt.s32 v27, $0x0;
	v2 =	vsel vm6, v2, v5;
	v5 =	vnsel vm5, $0x40000000, v57  }
0x2f8: {  	v6 =	vadd.s32 s1, v58;
	vm4 =	vgt.s32 v7, $0x0;
	vm0 =	vlt.s32 v2, v5  }
0x2f9: {  	v3 =	vadd.s32 s8, v3;
	v4 =	vnsel vm4, $0x40000000, v4;
	v2 =	vsel vm0, v2, v5;
	v7, _, _ =	vpop (xrf1)  }
0x2fa: {  	vm5 =	vgt.s32 v8, $0x0;
	vm0 =	vlt.s32 v2, v4;
	v5 =	vxor.u32 $0x80000000, v7  }
0x2fb: {  	v3 =	vnsel vm5, $0x40000000, v3;
	v2 =	vsel vm0, v2, v4;
	v4 =	vmctz.xlane vm9;
	[tilespmem:v59+s11+$0x0] =	vst.idx.msk $0xffff, v5  }
0x2fc: {  	v61 =	vmpcnt.ones.xlane vm14;
	vm6 =	vgt.s32 v63, $0x0;
	vm0 =	vlt.s32 v2, v3;
	v5 =	vld [tilespmem:s28+$0x70]  }
0x2fd: {  	v4 =	vadd.s32 s22, v4;
	v2 =	vsel vm0, v2, v3;
	v3 =	vnsel vm6, $0x40000000, v6  }
0x2fe: {  	v6 =	vnsel vm15, $0x0, v61;
	vm0 =	vlt.s32 v2, v3;
	v7 =	vadd.s32 s13, v60  }
0x2ff: {  	vm6 =	vgt.s32 v31, $0x0;
	v2 =	vsel vm0, v2, v3;
	v3 =	vnsel vm8, $0x40000000, v7  }
0x300: {  	v6 =	vadd.s32 v14, v6;
	v4 =	vnsel vm6, $0x40000000, v4;
	vm1 =	vlt.s32 v2, v3  }
0x301: {  	s31 =	sadd.s32 $0xF0, s29;
	vm0 =	vlt.s32 v6, $0x20;
	v2 =	vsel vm1, v2, v3;
	vm9 =	vle.f32 v5, $3.999999910e-02  }
0x302: {  	v3 =	vor.u32 s31, v0;
	v5 =	vmctz.xlane vm7;
	vm15 =	vmand vm0, vm9  }
0x303: {  	v7 =	vmctz.xlane vm10;
	vm8 =	vlt.s32 v2, v4;
	v3 =	vnsel vm15, $0x40000000, v3  }
0x304: {  	vm7 =	vgt.s32 v35, $0x0;
	v5 =	vadd.s32 s9, v5;
	v62 =	vxor.u32 $0x80000000, v3  }
0x305: {  	v2 =	vsel vm8, v2, v4;
	vm9 =	vgt.s32 v39, $0x0;
	v4 =	vnsel vm7, $0x40000000, v5;
	(xrf1) =	vsort.ascd.msk.u32 $0xffff, v62, v3  }
0x306: {  	v5 =	vmctz.xlane vm11;
	v3 =	vadd.s32 s15, v7;
	vm3 =	vlt.s32 v2, v4  }
0x307: {  	vm10 =	vgt.s32 v43, $0x0;
	v2 =	vsel vm3, v2, v4;
	v3 =	vnsel vm9, $0x40000000, v3  }
0x308: {  	v4 =	vmctz.xlane vm12;
	v5 =	vadd.s32 s16, v5;
	vm3 =	vlt.s32 v2, v3  }
0x309: {  	vm11 =	vgt.s32 v47, $0x0;
	v2 =	vsel vm3, v2, v3;
	v3 =	vnsel vm10, $0x40000000, v5  }
0x30a: {  	v4 =	vadd.s32 s17, v4;
	v5 =	vmctz.xlane vm13;
	vm3 =	vlt.s32 v2, v3  }
0x30b: {  	v2 =	vsel vm3, v2, v3;
	v3 =	vnsel vm11, $0x40000000, v4  }
0x30c: {  	vm12 =	vgt.s32 v51, $0x0;
	v4 =	vadd.s32 s18, v5;
	vm2 =	vlt.s32 v2, v3  }
0x30d: {  	v2 =	vsel vm2, v2, v3;
	v3 =	vnsel vm12, $0x40000000, v4;
	v4 =	vmctz.xlane vm14  }
0x30e: {  	v63 =	vadd.s32 v0, v6;
	v7 =	vmctz.xlane vm15;
	vm13 =	vgt.s32 v61, $0x0  }
0x30f: {  	v5 =	vmpcnt.ones.xlane vm15;
	vm2 =	vlt.s32 v2, v3;
	v4 =	vadd.s32 s19, v4  }
0x310: {  	v2 =	vsel vm2, v2, v3;
	v3 =	vnsel vm13, $0x40000000, v4;
	v4 =	vadd.s32 s31, v7  }
.Ltmp15:
0x311: {  	_ = 	snop;
	(pc) =	sbr.rel .LBB2_13-.Ltmp15, $4  }
0x312: {  	vm14 =	vgt.s32 v5, $0x0;
	vm1 =	vlt.s32 v2, v3  }
0x313: {  	v2 =	vsel vm1, v2, v3;
	v3 =	vnsel vm14, $0x40000000, v4;
	v4, _, _ =	vpop (xrf1)  }
0x314: {  	v5 =	vnsel vm0, $0x0, v5;
	vm15 =	vlt.s32 v2, v3;
	v4 =	vxor.u32 $0x80000000, v4  }
0x315: {  	v2 =	vsel vm15, v2, v3;
	[tilespmem:v63+s11+$0x0] =	vst.idx.msk $0xffff, v4;
	v4 =	vadd.s32 v6, v5  }
.LBB2_14:
0x316: {  	v3 =	vld [tilespmem:$0x4000]  }
0x317: {  	v5 =	vld [tilespmem:$0x4010];
	_ =	sdelay $0x2  }
.Ltmp16:
0x318: {  	vm0 =	vgt.s32 v4, v0;
	(pc) =	sbr.rel .LBB2_15-.Ltmp16, $4  }
0x319: {  	vm15 =	vgt.s32 v4, v1;
	v3 =	vsel vm0, v3, v2  }
0x31a: {  	s0 =	simm.s32 $0x4180;
	s1 =	simm.s32 $0x6280;
	v2 =	vsel vm15, v5, v2;
	[tilespmem:$0x4180] =	vst v3  }
0x31b: {  	s25 =	simm.s32 $0x0;
	s26 =	simm.s32 $0x1F0;
	s28 =	simm.s32 $0x3C0;
	[tilespmem:$0x4190] =	vst v2  }
0x31c: {  	v4 =	vimm.s32 $0x0;
	v2 =	vimm.s32 $0x40000000;
	[tilespmem:s1], [sflag:$0x1] =	stream.indirect.gather [hbm4b:s4+s12], $0x80, s0, s12, $0xb8;
	[tilespmem:$0x8280] =	vst v63  }
.LBB2_17:
0x31d: {  	s25 =	sadd.s32 $0x100, s25  }
0x31e: {  	p0 =	sne.s32 s25, $0x1000  }
.Ltmp17:
0x31f: {  	_ = 	snop;
	(pc) =	sbr.rel @!p0 .LBB2_18-.Ltmp17, $2  }
0x320: {  	_ =	sdelay $0x2  }
0x321: {  	s26 =	sadd.s32 $0x400, s26;
	s28 =	sadd.s32 $0x400, s28  }
.LBB2_15:
0x322: {  	v3 =	vxor.u32 $0x80000000, v4  }
0x323: {  	(xrf0) =	vmax.scan.msk.u32 $0xffff, v3;
	_ =	sdelay $0x5  }
0x324: {  	v3, _, _ =	vpop (xrf0)  }
0x325: {  	(v2sf) =	vpush v3, $0xF;
	_ =	sdelay $0xe  }
0x326: {  	s0 =	spop (v2sf)  }
0x327: {  	p0 =	sgt.u32 s0, $0x8000001F  }
.Ltmp18:
0x328: {  	_ = 	snop;
	(pc) =	sbr.rel @p0 .LBB2_17-.Ltmp18, $1  }
0x329: {  	_ =	sdelay $0x3  }
0x32a: {  	v3 =	vld [tilespmem:s26+$0xFFFFFF90];
	_ =	sdelay $0x4  }
0x32b: {  	vm1 =	vlt.s32 v4, $0x20;
	s29 =	sadd.s32 s25, s6;
	vm0 =	vle.f32 v3, $3.999999910e-02  }
0x32c: {  	v3 =	vor.u32 s29, v0;
	vm0 =	vmand vm1, vm0  }
0x32d: {  	v3 =	vnsel vm0, $0x40000000, v3  }
0x32e: {  	v5 =	vor.u32 $0x80000000, v3  }
0x32f: {  	(xrf1) =	vsort.ascd.msk.u32 $0xffff, v5, v3;
	_ =	sdelay $0xa  }
0x330: {  	v3 =	vadd.s32 v0, v4;
	_ =	sdelay $0x2  }
0x331: {  	v5, _, _ =	vpop (xrf1)  }
0x332: {  	v5 =	vxor.u32 $0x80000000, v5  }
0x333: {  	[tilespmem:v3+s11+$0x0] =	vst.idx.msk $0xffff, v5  }
0x334: {  	v5 =	vld [tilespmem:s26+$0xFFFFFFA0]  }
0x335: {  	v3 =	vmpcnt.ones.xlane vm0;
	_ =	sdelay $0x1  }
0x336: {  	v6 =	vnsel vm1, $0x0, v3  }
0x337: {  	v6 =	vadd.s32 v4, v6  }
0x338: {  	s30 =	sadd.s32 $0x10, s29;
	vm2 =	vlt.s32 v6, $0x20;
	vm9 =	vle.f32 v5, $3.999999910e-02  }
0x339: {  	v4 =	vor.u32 s30, v0;
	vm1 =	vmand vm2, vm9  }
0x33a: {  	v4 =	vnsel vm1, $0x40000000, v4  }
0x33b: {  	v5 =	vxor.u32 $0x80000000, v4  }
0x33c: {  	(xrf1) =	vsort.ascd.msk.u32 $0xffff, v5, v4;
	_ =	sdelay $0xa  }
0x33d: {  	v4 =	vadd.s32 v0, v6;
	_ =	sdelay $0x2  }
0x33e: {  	v5, _, _ =	vpop (xrf1)  }
0x33f: {  	v5 =	vxor.u32 $0x80000000, v5  }
0x340: {  	[tilespmem:v4+s11+$0x0] =	vst.idx.msk $0xffff, v5  }
0x341: {  	v5 =	vld [tilespmem:s26+$0xFFFFFFB0]  }
0x342: {  	v4 =	vmpcnt.ones.xlane vm1;
	_ =	sdelay $0x1  }
0x343: {  	v7 =	vnsel vm2, $0x0, v4  }
0x344: {  	v6 =	vadd.s32 v6, v7  }
0x345: {  	s31 =	sadd.s32 $0x20, s29;
	vm3 =	vlt.s32 v6, $0x20;
	vm10 =	vle.f32 v5, $3.999999910e-02  }
0x346: {  	v5 =	vor.u32 s31, v0;
	vm2 =	vmand vm3, vm10  }
0x347: {  	v5 =	vnsel vm2, $0x40000000, v5  }
0x348: {  	v7 =	vxor.u32 $0x80000000, v5  }
0x349: {  	(xrf1) =	vsort.ascd.msk.u32 $0xffff, v7, v5;
	_ =	sdelay $0xa  }
0x34a: {  	v5 =	vadd.s32 v0, v6;
	_ =	sdelay $0x2  }
0x34b: {  	v7, _, _ =	vpop (xrf1)  }
0x34c: {  	v7 =	vxor.u32 $0x80000000, v7  }
0x34d: {  	[tilespmem:v5+s11+$0x0] =	vst.idx.msk $0xffff, v7  }
0x34e: {  	v7 =	vld [tilespmem:s26+$0xFFFFFFC0]  }
0x34f: {  	v5 =	vmpcnt.ones.xlane vm2;
	_ =	sdelay $0x1  }
0x350: {  	v8 =	vnsel vm3, $0x0, v5  }
0x351: {  	v8 =	vadd.s32 v6, v8  }
0x352: {  	s0 =	sadd.s32 $0x30, s29;
	vm4 =	vlt.s32 v8, $0x20;
	vm11 =	vle.f32 v7, $3.999999910e-02  }
0x353: {  	v6 =	vor.u32 s0, v0;
	vm3 =	vmand vm4, vm11  }
0x354: {  	v6 =	vnsel vm3, $0x40000000, v6  }
0x355: {  	v7 =	vxor.u32 $0x80000000, v6  }
0x356: {  	(xrf1) =	vsort.ascd.msk.u32 $0xffff, v7, v6;
	_ =	sdelay $0xa  }
0x357: {  	v6 =	vadd.s32 v0, v8;
	_ =	sdelay $0x2  }
0x358: {  	v7, _, _ =	vpop (xrf1)  }
0x359: {  	v7 =	vxor.u32 $0x80000000, v7  }
0x35a: {  	[tilespmem:v6+s11+$0x0] =	vst.idx.msk $0xffff, v7  }
0x35b: {  	v7 =	vld [tilespmem:s26+$0xFFFFFFD0]  }
0x35c: {  	v6 =	vmpcnt.ones.xlane vm3;
	_ =	sdelay $0x1  }
0x35d: {  	v9 =	vnsel vm4, $0x0, v6  }
0x35e: {  	v8 =	vadd.s32 v8, v9  }
0x35f: {  	s2 =	sadd.s32 $0x40, s29;
	vm5 =	vlt.s32 v8, $0x20;
	vm12 =	vle.f32 v7, $3.999999910e-02  }
0x360: {  	v7 =	vor.u32 s2, v0;
	vm4 =	vmand vm5, vm12  }
0x361: {  	v7 =	vnsel vm4, $0x40000000, v7  }
0x362: {  	v56 =	vxor.u32 $0x80000000, v7  }
0x363: {  	(xrf1) =	vsort.ascd.msk.u32 $0xffff, v56, v7;
	_ =	sdelay $0xa  }
0x364: {  	v7 =	vadd.s32 v0, v8;
	_ =	sdelay $0x2  }
0x365: {  	v9, _, _ =	vpop (xrf1)  }
0x366: {  	v9 =	vxor.u32 $0x80000000, v9  }
0x367: {  	[tilespmem:v7+s11+$0x0] =	vst.idx.msk $0xffff, v9  }
0x368: {  	v9 =	vld [tilespmem:s26+$0xFFFFFFE0]  }
0x369: {  	v7 =	vmpcnt.ones.xlane vm4;
	_ =	sdelay $0x1  }
0x36a: {  	v10 =	vnsel vm5, $0x0, v7  }
0x36b: {  	v10 =	vadd.s32 v8, v10  }
0x36c: {  	s8 =	sadd.s32 $0x50, s29;
	vm6 =	vlt.s32 v10, $0x20;
	vm13 =	vle.f32 v9, $3.999999910e-02  }
0x36d: {  	v57 =	vor.u32 s8, v0;
	vm5 =	vmand vm6, vm13  }
0x36e: {  	v8 =	vnsel vm5, $0x40000000, v57  }
0x36f: {  	v58 =	vxor.u32 $0x80000000, v8  }
0x370: {  	(xrf1) =	vsort.ascd.msk.u32 $0xffff, v58, v8;
	_ =	sdelay $0xa  }
0x371: {  	v59 =	vadd.s32 v0, v10;
	_ =	sdelay $0x2  }
0x372: {  	v9, _, _ =	vpop (xrf1)  }
0x373: {  	v9 =	vxor.u32 $0x80000000, v9  }
0x374: {  	[tilespmem:v59+s11+$0x0] =	vst.idx.msk $0xffff, v9  }
0x375: {  	v9 =	vld [tilespmem:s26+$0xFFFFFFF0]  }
0x376: {  	v8 =	vmpcnt.ones.xlane vm5;
	_ =	sdelay $0x1  }
0x377: {  	v11 =	vnsel vm6, $0x0, v8  }
0x378: {  	v10 =	vadd.s32 v10, v11  }
0x379: {  	s22 =	sadd.s32 $0x60, s29;
	vm7 =	vlt.s32 v10, $0x20;
	vm14 =	vle.f32 v9, $3.999999910e-02  }
0x37a: {  	v60 =	vor.u32 s22, v0;
	vm6 =	vmand vm7, vm14  }
0x37b: {  	v9 =	vnsel vm6, $0x40000000, v60  }
0x37c: {  	v61 =	vxor.u32 $0x80000000, v9  }
0x37d: {  	(xrf1) =	vsort.ascd.msk.u32 $0xffff, v61, v9;
	_ =	sdelay $0xa  }
0x37e: {  	v62 =	vadd.s32 v0, v10;
	_ =	sdelay $0x2  }
0x37f: {  	v11, _, _ =	vpop (xrf1)  }
0x380: {  	v11 =	vxor.u32 $0x80000000, v11  }
0x381: {  	[tilespmem:v62+s11+$0x0] =	vst.idx.msk $0xffff, v11  }
0x382: {  	v11 =	vld [tilespmem:s26+$0x0]  }
0x383: {  	v63 =	vmpcnt.ones.xlane vm6;
	_ =	sdelay $0x1  }
0x384: {  	v12 =	vnsel vm7, $0x0, v63  }
0x385: {  	v12 =	vadd.s32 v10, v12  }
0x386: {  	s1 =	sadd.s32 $0x70, s29;
	vm9 =	vlt.s32 v12, $0x20;
	vm15 =	vle.f32 v11, $3.999999910e-02  }
0x387: {  	v24 =	vor.u32 s1, v0;
	vm8 =	vmand vm9, vm15  }
0x388: {  	v10 =	vnsel vm8, $0x40000000, v24  }
0x389: {  	v25 =	vxor.u32 $0x80000000, v10  }
0x38a: {  	(xrf1) =	vsort.ascd.msk.u32 $0xffff, v25, v10;
	_ =	sdelay $0xa  }
0x38b: {  	v26 =	vadd.s32 v0, v12;
	_ =	sdelay $0x2  }
0x38c: {  	v11, _, _ =	vpop (xrf1)  }
0x38d: {  	v11 =	vxor.u32 $0x80000000, v11  }
0x38e: {  	[tilespmem:v26+s11+$0x0] =	vst.idx.msk $0xffff, v11  }
0x38f: {  	v11 =	vld [tilespmem:s26+$0x190]  }
0x390: {  	v27 =	vmpcnt.ones.xlane vm8;
	_ =	sdelay $0x1  }
0x391: {  	v13 =	vnsel vm9, $0x0, v27  }
0x392: {  	v12 =	vadd.s32 v12, v13  }
0x393: {  	s13 =	sadd.s32 $0x80, s29;
	vm10 =	vlt.s32 v12, $0x20;
	vm12 =	vle.f32 v11, $3.999999910e-02  }
0x394: {  	v28 =	vor.u32 s13, v0;
	vm9 =	vmand vm10, vm12  }
0x395: {  	v11 =	vnsel vm9, $0x40000000, v28  }
0x396: {  	v29 =	vxor.u32 $0x80000000, v11  }
0x397: {  	(xrf1) =	vsort.ascd.msk.u32 $0xffff, v29, v11;
	_ =	sdelay $0xa  }
0x398: {  	v30 =	vadd.s32 v0, v12;
	_ =	sdelay $0x2  }
0x399: {  	v13, _, _ =	vpop (xrf1)  }
0x39a: {  	v13 =	vxor.u32 $0x80000000, v13  }
0x39b: {  	[tilespmem:v30+s11+$0x0] =	vst.idx.msk $0xffff, v13  }
0x39c: {  	v13 =	vld [tilespmem:s26+$0x1A0]  }
0x39d: {  	v31 =	vmpcnt.ones.xlane vm9;
	_ =	sdelay $0x1  }
0x39e: {  	v14 =	vnsel vm10, $0x0, v31  }
0x39f: {  	v14 =	vadd.s32 v12, v14  }
0x3a0: {  	s9 =	sadd.s32 $0x90, s29;
	vm14 =	vlt.s32 v14, $0x20;
	vm13 =	vle.f32 v13, $3.999999910e-02  }
0x3a1: {  	v32 =	vor.u32 s9, v0;
	vm7 =	vmand vm14, vm13  }
0x3a2: {  	v12 =	vnsel vm7, $0x40000000, v32  }
0x3a3: {  	v33 =	vxor.u32 $0x80000000, v12  }
0x3a4: {  	(xrf1) =	vsort.ascd.msk.u32 $0xffff, v33, v12;
	_ =	sdelay $0xa  }
0x3a5: {  	v34 =	vadd.s32 v0, v14;
	_ =	sdelay $0x2  }
0x3a6: {  	v13, _, _ =	vpop (xrf1)  }
0x3a7: {  	s15 =	sadd.s32 $0xFFFFFEC0, s28;
	v13 =	vxor.u32 $0x80000000, v13  }
0x3a8: {  	s15 =	sor.u32 $0x1A0, s15;
	[tilespmem:v34+s11+$0x0] =	vst.idx.msk $0xffff, v13  }
0x3a9: {  	v13 =	vld [tilespmem:s15+$0x0]  }
0x3aa: {  	v35 =	vmpcnt.ones.xlane vm7;
	_ =	sdelay $0x1  }
0x3ab: {  	v15 =	vnsel vm14, $0x0, v35  }
0x3ac: {  	v14 =	vadd.s32 v14, v15  }
0x3ad: {  	vm11 =	vlt.s32 v14, $0x20;
	s15 =	sadd.s32 $0xA0, s29;
	vm15 =	vle.f32 v13, $3.999999910e-02  }
0x3ae: {  	v36 =	vor.u32 s15, v0;
	vm10 =	vmand vm11, vm15  }
0x3af: {  	v13 =	vnsel vm10, $0x40000000, v36  }
0x3b0: {  	v37 =	vxor.u32 $0x80000000, v13  }
0x3b1: {  	(xrf1) =	vsort.ascd.msk.u32 $0xffff, v37, v13;
	_ =	sdelay $0xa  }
0x3b2: {  	v38 =	vadd.s32 v0, v14;
	_ =	sdelay $0x2  }
0x3b3: {  	v15, _, _ =	vpop (xrf1)  }
0x3b4: {  	v15 =	vxor.u32 $0x80000000, v15  }
0x3b5: {  	[tilespmem:v38+s11+$0x0] =	vst.idx.msk $0xffff, v15  }
0x3b6: {  	v15 =	vld [tilespmem:s26+$0x1C0]  }
0x3b7: {  	v39 =	vmpcnt.ones.xlane vm10;
	_ =	sdelay $0x1  }
0x3b8: {  	v16 =	vnsel vm11, $0x0, v39  }
0x3b9: {  	v16 =	vadd.s32 v14, v16  }
0x3ba: {  	s16 =	sadd.s32 $0xB0, s29;
	vm12 =	vlt.s32 v16, $0x20;
	vm11 =	vle.f32 v15, $3.999999910e-02  }
0x3bb: {  	v40 =	vor.u32 s16, v0;
	vm11 =	vmand vm12, vm11  }
0x3bc: {  	v14 =	vnsel vm11, $0x40000000, v40  }
0x3bd: {  	v41 =	vxor.u32 $0x80000000, v14  }
0x3be: {  	(xrf1) =	vsort.ascd.msk.u32 $0xffff, v41, v14;
	_ =	sdelay $0xa  }
0x3bf: {  	v42 =	vadd.s32 v0, v16;
	_ =	sdelay $0x2  }
0x3c0: {  	v15, _, _ =	vpop (xrf1)  }
0x3c1: {  	s17 =	sadd.s32 $0xFFFFFF40, s28;
	v15 =	vxor.u32 $0x80000000, v15  }
0x3c2: {  	s17 =	sor.u32 $0x1C0, s17;
	[tilespmem:v42+s11+$0x0] =	vst.idx.msk $0xffff, v15  }
0x3c3: {  	v15 =	vld [tilespmem:s17+$0x0]  }
0x3c4: {  	v43 =	vmpcnt.ones.xlane vm11;
	_ =	sdelay $0x1  }
0x3c5: {  	v17 =	vnsel vm12, $0x0, v43  }
0x3c6: {  	v16 =	vadd.s32 v16, v17  }
0x3c7: {  	vm13 =	vlt.s32 v16, $0x20;
	s17 =	sadd.s32 $0xC0, s29;
	vm12 =	vle.f32 v15, $3.999999910e-02  }
0x3c8: {  	v44 =	vor.u32 s17, v0;
	vm12 =	vmand vm13, vm12  }
0x3c9: {  	v15 =	vnsel vm12, $0x40000000, v44  }
0x3ca: {  	v45 =	vxor.u32 $0x80000000, v15  }
0x3cb: {  	(xrf1) =	vsort.ascd.msk.u32 $0xffff, v45, v15;
	_ =	sdelay $0xa  }
0x3cc: {  	v46 =	vadd.s32 v0, v16;
	_ =	sdelay $0x2  }
0x3cd: {  	v17, _, _ =	vpop (xrf1)  }
0x3ce: {  	s18 =	sadd.s32 $0xFFFFFF80, s28;
	v17 =	vxor.u32 $0x80000000, v17  }
0x3cf: {  	s18 =	sor.u32 $0x1D0, s18;
	[tilespmem:v46+s11+$0x0] =	vst.idx.msk $0xffff, v17  }
0x3d0: {  	v15 =	vld [tilespmem:s18+$0x0]  }
0x3d1: {  	v47 =	vmpcnt.ones.xlane vm12;
	_ =	sdelay $0x1  }
0x3d2: {  	v18 =	vnsel vm13, $0x0, v47  }
0x3d3: {  	v16 =	vadd.s32 v16, v18  }
0x3d4: {  	vm14 =	vlt.s32 v16, $0x20;
	s18 =	sadd.s32 $0xD0, s29;
	vm13 =	vle.f32 v15, $3.999999910e-02  }
0x3d5: {  	v48 =	vor.u32 s18, v0;
	vm13 =	vmand vm14, vm13  }
0x3d6: {  	v15 =	vnsel vm13, $0x40000000, v48  }
0x3d7: {  	v49 =	vxor.u32 $0x80000000, v15  }
0x3d8: {  	(xrf1) =	vsort.ascd.msk.u32 $0xffff, v49, v15;
	_ =	sdelay $0xa  }
0x3d9: {  	v50 =	vadd.s32 v0, v16;
	_ =	sdelay $0x2  }
0x3da: {  	v18, _, _ =	vpop (xrf1)  }
0x3db: {  	v18 =	vxor.u32 $0x80000000, v18  }
0x3dc: {  	[tilespmem:v50+s11+$0x0] =	vst.idx.msk $0xffff, v18  }
0x3dd: {  	v15 =	vld [tilespmem:s26+$0x1F0]  }
0x3de: {  	v51 =	vmpcnt.ones.xlane vm13;
	_ =	sdelay $0x1  }
0x3df: {  	v19 =	vnsel vm14, $0x0, v51  }
0x3e0: {  	v16 =	vadd.s32 v16, v19  }
0x3e1: {  	s19 =	sadd.s32 $0xE0, s29;
	vm15 =	vlt.s32 v16, $0x20;
	vm14 =	vle.f32 v15, $3.999999910e-02  }
0x3e2: {  	v52 =	vor.u32 s19, v0;
	vm14 =	vmand vm15, vm14  }
0x3e3: {  	v15 =	vnsel vm14, $0x40000000, v52  }
0x3e4: {  	v53 =	vxor.u32 $0x80000000, v15  }
0x3e5: {  	(xrf1) =	vsort.ascd.msk.u32 $0xffff, v53, v15  }
0x3e6: {  	v54 =	vmctz.xlane vm0;
	_ =	sdelay $0x1  }
0x3e7: {  	vm0 =	vgt.s32 v3, $0x0;
	v3 =	vadd.s32 s29, v54  }
0x3e8: {  	v3 =	vnsel vm0, $0x40000000, v3;
	vm0 =	vgt.s32 v4, $0x0;
	v4 =	vmctz.xlane vm4  }
0x3e9: {  	v55 =	vmctz.xlane vm1;
	v20 =	vmctz.xlane vm3  }
0x3ea: {  	v56 =	vmctz.xlane vm2;
	v4 =	vadd.s32 s2, v4;
	vm4 =	vlt.s32 v2, v3  }
0x3eb: {  	v2 =	vsel vm4, v2, v3;
	vm4 =	vgt.s32 v5, $0x0;
	v19 =	vadd.s32 s30, v55  }
0x3ec: {  	v57 =	vadd.s32 s0, v20;
	v58 =	vmctz.xlane vm6;
	v3 =	vnsel vm0, $0x40000000, v19  }
0x3ed: {  	v60 =	vmctz.xlane vm8;
	vm0 =	vlt.s32 v2, v3;
	v15 =	vadd.s32 s31, v56  }
0x3ee: {  	v59 =	vadd.s32 v0, v16;
	v2 =	vsel vm0, v2, v3;
	v5 =	vnsel vm4, $0x40000000, v15  }
0x3ef: {  	v3 =	vmctz.xlane vm5;
	vm5 =	vgt.s32 v6, $0x0;
	vm6 =	vlt.s32 v2, v5  }
0x3f0: {  	vm8 =	vgt.s32 v27, $0x0;
	v2 =	vsel vm6, v2, v5;
	v5 =	vnsel vm5, $0x40000000, v57  }
0x3f1: {  	v6 =	vadd.s32 s22, v58;
	vm4 =	vgt.s32 v7, $0x0;
	vm0 =	vlt.s32 v2, v5  }
0x3f2: {  	v3 =	vadd.s32 s8, v3;
	v4 =	vnsel vm4, $0x40000000, v4;
	v2 =	vsel vm0, v2, v5;
	v7, _, _ =	vpop (xrf1)  }
0x3f3: {  	vm5 =	vgt.s32 v8, $0x0;
	vm0 =	vlt.s32 v2, v4;
	v5 =	vxor.u32 $0x80000000, v7  }
0x3f4: {  	s30 =	sor.u32 $0x70, s28;
	v3 =	vnsel vm5, $0x40000000, v3;
	v2 =	vsel vm0, v2, v4;
	v4 =	vmctz.xlane vm9;
	[tilespmem:v59+s11+$0x0] =	vst.idx.msk $0xffff, v5  }
0x3f5: {  	v61 =	vmpcnt.ones.xlane vm14;
	vm6 =	vgt.s32 v63, $0x0;
	vm0 =	vlt.s32 v2, v3;
	v7 =	vld [tilespmem:s30+$0x0]  }
0x3f6: {  	v4 =	vadd.s32 s13, v4;
	v2 =	vsel vm0, v2, v3;
	v3 =	vnsel vm6, $0x40000000, v6  }
0x3f7: {  	v6 =	vnsel vm15, $0x0, v61;
	vm6 =	vgt.s32 v31, $0x0;
	vm0 =	vlt.s32 v2, v3  }
0x3f8: {  	v4 =	vnsel vm6, $0x40000000, v4;
	v2 =	vsel vm0, v2, v3;
	v5 =	vadd.s32 s1, v60  }
0x3f9: {  	v3 =	vnsel vm8, $0x40000000, v5;
	v5 =	vadd.s32 v16, v6;
	v6 =	vmctz.xlane vm7  }
0x3fa: {  	s31 =	sadd.s32 $0xF0, s29;
	vm1 =	vlt.s32 v2, v3;
	vm0 =	vlt.s32 v5, $0x20;
	vm9 =	vle.f32 v7, $3.999999910e-02  }
0x3fb: {  	v2 =	vsel vm1, v2, v3;
	v3 =	vor.u32 s31, v0;
	vm15 =	vmand vm0, vm9  }
0x3fc: {  	vm7 =	vgt.s32 v35, $0x0;
	v6 =	vadd.s32 s9, v6;
	v3 =	vnsel vm15, $0x40000000, v3  }
0x3fd: {  	vm8 =	vlt.s32 v2, v4;
	v7 =	vmctz.xlane vm10;
	v62 =	vxor.u32 $0x80000000, v3  }
0x3fe: {  	v2 =	vsel vm8, v2, v4;
	v4 =	vnsel vm7, $0x40000000, v6;
	v6 =	vmctz.xlane vm11;
	(xrf1) =	vsort.ascd.msk.u32 $0xffff, v62, v3  }
0x3ff: {  	vm3 =	vlt.s32 v2, v4;
	vm9 =	vgt.s32 v39, $0x0;
	v3 =	vadd.s32 s15, v7  }
0x400: {  	vm10 =	vgt.s32 v43, $0x0;
	v2 =	vsel vm3, v2, v4;
	v3 =	vnsel vm9, $0x40000000, v3  }
0x401: {  	v4 =	vmctz.xlane vm12;
	v6 =	vadd.s32 s16, v6;
	vm3 =	vlt.s32 v2, v3  }
0x402: {  	vm11 =	vgt.s32 v47, $0x0;
	v2 =	vsel vm3, v2, v3;
	v3 =	vnsel vm10, $0x40000000, v6  }
0x403: {  	v4 =	vadd.s32 s17, v4;
	v6 =	vmctz.xlane vm13;
	vm3 =	vlt.s32 v2, v3  }
0x404: {  	v2 =	vsel vm3, v2, v3;
	v3 =	vnsel vm11, $0x40000000, v4  }
0x405: {  	vm12 =	vgt.s32 v51, $0x0;
	v4 =	vadd.s32 s18, v6;
	vm2 =	vlt.s32 v2, v3  }
0x406: {  	v2 =	vsel vm2, v2, v3;
	v3 =	vnsel vm12, $0x40000000, v4;
	v4 =	vmctz.xlane vm14  }
0x407: {  	v63 =	vadd.s32 v0, v5;
	v7 =	vmctz.xlane vm15;
	vm13 =	vgt.s32 v61, $0x0  }
0x408: {  	v6 =	vmpcnt.ones.xlane vm15;
	vm2 =	vlt.s32 v2, v3;
	v4 =	vadd.s32 s19, v4  }
0x409: {  	v2 =	vsel vm2, v2, v3;
	v3 =	vnsel vm13, $0x40000000, v4;
	v4 =	vadd.s32 s31, v7  }
.Ltmp19:
0x40a: {  	_ = 	snop;
	(pc) =	sbr.rel .LBB2_17-.Ltmp19, $4  }
0x40b: {  	vm14 =	vgt.s32 v6, $0x0;
	vm1 =	vlt.s32 v2, v3  }
0x40c: {  	v2 =	vsel vm1, v2, v3;
	v3 =	vnsel vm14, $0x40000000, v4;
	v4, _, _ =	vpop (xrf1)  }
0x40d: {  	v6 =	vnsel vm0, $0x0, v6;
	vm15 =	vlt.s32 v2, v3;
	v4 =	vxor.u32 $0x80000000, v4  }
0x40e: {  	v2 =	vsel vm15, v2, v3;
	[tilespmem:v63+s11+$0x0] =	vst.idx.msk $0xffff, v4;
	v4 =	vadd.s32 v5, v6  }
.LBB2_20:
0x40f: {  	_ =	sfence.sel $0x180000  }
0x410: {  	[bflag:$0x0] =	sbarrier.arrive $0xFFFF  }
0x411: {  	_ =	strace $0x90000047  }
0x412: {  	s0 =	stileid.u32;
	[bflag:$0x2] =	sbarrier.arrive $0xFFFF  }
0x413: {  	p0 =	sne.s32 s0, $0x0;
	s0 =	rddreg [dreg:$0x1]  }
0x414: {  	s0 =	sadd.s32 @!p0 $0x100000, s0  }
0x415: {  	[sflag:s0] =	ssyncadd.tile.s32 @!p0 $0x1;
	_ =	shalt  }
.Lfunc_end2:
_tile_overlayer_lowered:
.L_overlay_start_2:
0x416: {  	(tag) =	ssettag $0x2  }
0x417: {  	s0 =	rddreg [dreg:$0x0];
	s2 =	stileid.u32  }
0x418: {  	s1 =	rddreg [dreg:$0x1];
	p0 =	sne.s32 s2, $0x0  }
0x419: {  	s3 =	rddreg [dreg:$0x2];
	[bflag:$0x3] =	sbarrier.arrive $0xFFFF;
	s2 =	simm.s32 @!p0 $0x1C02  }
0x41a: {  	[timem:s3], [sflag:s2] =	dma.local @!p0 [hbm:s0], s1  }
0x41b: {  	s0 =	simm.s32 @!p0 $0x2  }
0x41c: {  	_ =	swait.ge @!p0 [sflag:s0], s1  }
0x41d: {  	s1 =	ssub.s32 @!p0 $0x0, s1;
	[sflag:s0] =	ssyncset.done @!p0 $0x0  }
0x41e: {  	[sflag:s0] =	ssyncadd.s32 @!p0 s1  }
0x41f: {  	[bflag:$0x3] =	sbarrier.arrive $0xFFFF  }
0x420: {  	_ =	shalt  }

</sc_bundles>
